<compile_context>
chip_gen: v7x
topology: tpu7x:2x2x1
jax: 0.10.2.dev20260603
libtpu: 0.0.44.dev20260713+nightly
codegen_flags: <defaults>
</compile_context>

<pallas_src>
import jax
import jax.numpy as jnp
from jax.experimental import pallas as pl
from jax.experimental.pallas import tpu as pltpu
from jax.experimental.pallas import tpu_sc as plsc

_IMG = 16
_REAL = 8649
_PADA = 8704
_W = 9216
_CH = 1024
_TOPN = 1000
_SEL = 1024
_BLK = 128
_NBLK = _SEL // _BLK
_OUT = 256
_THR = 0.8
_EPS = 1e-8


def _better(sa, ia, sb, ib):
    return (sa > sb) | ((sa == sb) & (ia < ib))


def _sort_kernel(p_ref, os_ref, oi_ref):
    lane = jax.lax.broadcasted_iota(jnp.int32, (_IMG, _W), 1)
    ch8 = lane >= 8 * _CH

    def sort_pass(_, state):
        k, j, s, idx = state
        bit_j = (lane & j) != 0
        nj = _W - j

        def partner(x):
            return jnp.where(bit_j, pltpu.roll(x, j, 1), pltpu.roll(x, nj, 1))

        ps = partner(s)
        pidx = partner(idx)
        pb = _better(ps, pidx, s, idx)
        dir_up = ((lane & k) == 0) ^ ch8
        take = ~jnp.logical_xor(pb, jnp.logical_xor(dir_up, bit_j))
        s = jnp.where(take, ps, s)
        idx = jnp.where(take, pidx, idx)
        done = j == 1
        return (jnp.where(done, k * 2, k), jnp.where(done, k, j // 2), s, idx)

    _, _, s, idx = jax.lax.fori_loop(
        0, 55, sort_pass,
        (jnp.int32(2), jnp.int32(1), p_ref[...], lane), unroll=False)

    def cleanup(s, idx, up, width):
        ln = jax.lax.broadcasted_iota(jnp.int32, (_IMG, width), 1)
        j = 512
        while j >= 1:
            bit_j = (ln & j) != 0
            ps = jnp.where(bit_j, pltpu.roll(s, j, 1),
                           pltpu.roll(s, width - j, 1))
            pidx = jnp.where(bit_j, pltpu.roll(idx, j, 1),
                             pltpu.roll(idx, width - j, 1))
            pb = _better(ps, pidx, s, idx)
            take = ~jnp.logical_xor(pb, jnp.logical_xor(up, bit_j))
            s = jnp.where(take, ps, s)
            idx = jnp.where(take, pidx, idx)
            j //= 2
        return s, idx

    def merge(s, idx, nmerge, mode):
        width = s.shape[1]
        ln = jax.lax.broadcasted_iota(jnp.int32, (_IMG, width), 1)
        rs = pltpu.roll(s, width - _CH, 1)
        ridx = pltpu.roll(idx, width - _CH, 1)
        sb = _better(s, idx, rs, ridx)
        live = ln < 2 * nmerge * _CH
        ws = jnp.where(live & ~sb, rs, s)
        widx = jnp.where(live & ~sb, ridx, idx)
        keep_ch = list(range(0, 2 * nmerge, 2)) + \
            list(range(2 * nmerge, width // _CH))
        ns = jnp.concatenate(
            [ws[:, c * _CH:(c + 1) * _CH] for c in keep_ch], axis=1)
        nidx = jnp.concatenate(
            [widx[:, c * _CH:(c + 1) * _CH] for c in keep_ch], axis=1)
        nw = ns.shape[1]
        ln2 = jax.lax.broadcasted_iota(jnp.int32, (_IMG, nw), 1)
        if mode == "alt":
            up = ((ln2 & _CH) == 0) & (ln2 < 4 * _CH)
        elif mode == "first":
            up = ln2 < _CH
        else:
            up = jnp.full((_IMG, nw), True)
        return cleanup(ns, nidx, up, nw)

    s, idx = merge(s, idx, 4, "alt")
    s, idx = merge(s, idx, 2, "first")
    s, idx = merge(s, idx, 1, "first")
    s, idx = merge(s, idx, 1, "all")
    os_ref[...] = s
    img = jax.lax.broadcasted_iota(jnp.int32, (_IMG, _SEL), 0)
    oi_ref[...] = idx + img * _PADA


def _iou_block(y1a, x1a, y2a, x2a, aa, y1b, x1b, y2b, x2b, ab):
    yy1 = jnp.maximum(y1a, y1b)
    xx1 = jnp.maximum(x1a, x1b)
    yy2 = jnp.minimum(y2a, y2b)
    xx2 = jnp.minimum(x2a, x2b)
    inter = jnp.maximum(yy2 - yy1, 0.0) * jnp.maximum(xx2 - xx1, 0.0)
    return inter / (aa + ab - inter + _EPS)


def _nms_kernel(gt_ref, s_ref, gi_ref, out_ref, scr, mscr):
    f32 = jnp.float32
    lane_s = jax.lax.broadcasted_iota(jnp.int32, (_IMG, _SEL), 1)

    off = gi_ref[...] & 15
    masks = [off == o for o in range(16)]
    rec = []
    for c in range(8):
        acc = jnp.zeros((_IMG, _SEL), f32)
        for o in range(16):
            acc = acc + jnp.where(masks[o], gt_ref[o * 8 + c], 0.0)
        rec.append(acc)

    ah = rec[6] - rec[4]
    aw = rec[7] - rec[5]
    acy = rec[4] + 0.5 * ah
    acx = rec[5] + 0.5 * aw
    bh = jnp.exp(rec[2] * 0.2) * ah
    bw = jnp.exp(rec[3] * 0.2) * aw
    bcy = rec[0] * 0.1 * ah + acy
    bcx = rec[1] * 0.1 * aw + acx
    y1 = bcy - 0.5 * bh
    x1 = bcx - 0.5 * bw
    y2 = y1 + bh
    x2 = x1 + bw
    area = jnp.maximum(y2 - y1, 0.0) * jnp.maximum(x2 - x1, 0.0)
    keep0 = (lane_s < _TOPN).astype(f32)
    for t in range(_NBLK):
        sl = slice(t * _BLK, (t + 1) * _BLK)
        scr[0, t] = y1[:, sl]
        scr[1, t] = x1[:, sl]
        scr[2, t] = y2[:, sl]
        scr[3, t] = x2[:, sl]
        scr[4, t] = s_ref[:, sl]
        scr[5, t] = keep0[:, sl]
        scr[6, t] = area[:, sl]

    lane_b = jax.lax.broadcasted_iota(jnp.int32, (_IMG, _BLK), 1)

    def nms_block(t, _):
        by1 = scr[0, t]
        bx1 = scr[1, t]
        by2 = scr[2, t]
        bx2 = scr[3, t]
        ba = scr[6, t]
        kb = scr[5, t]

        ty1 = jnp.transpose(by1)[:, :, None]
        tx1 = jnp.transpose(bx1)[:, :, None]
        ty2 = jnp.transpose(by2)[:, :, None]
        tx2 = jnp.transpose(bx2)[:, :, None]
        ta = jnp.transpose(ba)[:, :, None]
        iou = _iou_block(ty1, tx1, ty2, tx2, ta,
                         by1[None], bx1[None], by2[None], bx2[None], ba[None])
        ii = jax.lax.broadcasted_iota(jnp.int32, (_BLK, _IMG, _BLK), 0)
        jj = jax.lax.broadcasted_iota(jnp.int32, (_BLK, _IMG, _BLK), 2)
        mscr[...] = ((iou > _THR) & (jj > ii)).astype(f32)

        def cross(u, kb):
            uy1 = scr[0, u][:, :, None]
            ux1 = scr[1, u][:, :, None]
            uy2 = scr[2, u][:, :, None]
            ux2 = scr[3, u][:, :, None]
            ua = scr[6, u][:, :, None]
            ku = scr[5, u][:, :, None]
            iou = _iou_block(uy1, ux1, uy2, ux2, ua,
                             by1[:, None, :], bx1[:, None, :],
                             by2[:, None, :], bx2[:, None, :], ba[:, None, :])
            sup = jnp.max(((iou > _THR).astype(f32)) * ku, axis=1)
            return kb * (1.0 - sup)

        kb = jax.lax.fori_loop(0, t, cross, kb, unroll=False)

        kb0 = kb

        def fix_cond(st):
            return st[1]

        def fix_body(st):
            k = st[0]
            ki = jnp.transpose(k)[:, :, None]
            sup = jnp.max(mscr[...] * ki, axis=0)
            kn = kb0 * (1.0 - sup)
            return (kn, jnp.any(kn != k), st[2] + 1)

        kb, _, _ = jax.lax.while_loop(
            fix_cond, fix_body, (kb0, jnp.bool_(True), jnp.int32(0)))
        scr[5, t] = kb
        return 0

    jax.lax.fori_loop(0, _NBLK, nms_block, 0, unroll=False)

    keep = jnp.concatenate([scr[5, t] for t in range(_NBLK)], axis=1)
    csum = keep
    for sh in (1, 2, 4, 8, 16, 32, 64, 128, 256, 512):
        csum = csum + jnp.where(lane_s >= sh, pltpu.roll(csum, sh, 1), 0.0)
    posm = jnp.where(keep > 0.5, csum - 1.0, -1.0)
    nk = jnp.sum(keep, axis=1, keepdims=True)

    io_out = jax.lax.broadcasted_iota(jnp.int32, (_IMG, _BLK, _OUT), 2)
    io_out = io_out.astype(f32)
    acc = jnp.zeros((_IMG, 8, _OUT), f32)
    zrow = jnp.zeros((_IMG, 3, _BLK), f32)
    for t in range(_NBLK):
        sl = slice(t * _BLK, (t + 1) * _BLK)
        oh = (posm[:, sl, None] == io_out).astype(f32)
        v = jnp.concatenate(
            [scr[c, t][:, None, :] for c in range(5)] + [zrow], axis=1)
        acc = acc + jax.lax.dot_general(
            v, oh, dimension_numbers=(((2,), (1,)), ((0,), (0,))),
            preferred_element_type=f32)

    row = jax.lax.broadcasted_iota(jnp.int32, (_IMG, 8, _OUT), 1)
    clipped = jnp.clip(acc, 0.0, 1.0)
    outv = jnp.where(row < 4, clipped, acc)
    valid = (jax.lax.broadcasted_iota(jnp.int32, (_IMG, _OUT), 1).astype(f32)
             < nk)[:, None, :]
    out_ref[...] = jnp.where(valid, outv, 0.0)


def _run_sort(p):
    return pl.pallas_call(
        _sort_kernel,
        out_shape=(jax.ShapeDtypeStruct((_IMG, _SEL), jnp.float32),
                   jax.ShapeDtypeStruct((_IMG, _SEL), jnp.int32)),
        in_specs=[pl.BlockSpec(memory_space=pltpu.VMEM)],
        out_specs=(pl.BlockSpec(memory_space=pltpu.VMEM),
                   pl.BlockSpec(memory_space=pltpu.VMEM)),
        compiler_params=pltpu.CompilerParams(
            vmem_limit_bytes=48 * 1024 * 1024,
        ),
    )(p)


def _run_gather(table, row_idx):
    sc_info = pltpu.get_tpu_info().sparse_core
    vector_mesh = plsc.VectorSubcoreMesh(
        core_axis_name="core", subcore_axis_name="subcore",
        num_cores=sc_info.num_cores)
    n_idx = row_idx.shape[1]

    @pl.kernel(out_type=jax.ShapeDtypeStruct((n_idx, 128), jnp.float32),
               mesh=vector_mesh)
    def _gather(t_hbm, i_hbm, o_hbm):
        def body(i_vmem, o_vmem):
            pltpu.sync_copy(t_hbm.at[i_vmem.at[0]], o_vmem)

        pltpu.emit_pipeline(
            body,
            grid=(n_idx // _BLK,),
            in_specs=[pl.BlockSpec((1, _BLK), index_map=lambda i: (0, i))],
            out_specs=[pl.BlockSpec((_BLK, 128), index_map=lambda i: (i, 0))],
            core_axis_name="subcore",
            dimension_semantics=(pltpu.PARALLEL,),
        )(i_hbm, o_hbm)

    return _gather(table, row_idx)


def _run_nms(gt, ssc, gidx):
    return pl.pallas_call(
        _nms_kernel,
        out_shape=jax.ShapeDtypeStruct((_IMG, 8, _OUT), jnp.float32),
        in_specs=[pl.BlockSpec(memory_space=pltpu.VMEM),
                  pl.BlockSpec(memory_space=pltpu.VMEM),
                  pl.BlockSpec(memory_space=pltpu.VMEM)],
        out_specs=pl.BlockSpec(memory_space=pltpu.VMEM),
        scratch_shapes=[
            pltpu.VMEM((7, _NBLK, _IMG, _BLK), jnp.float32),
            pltpu.VMEM((_BLK, _IMG, _BLK), jnp.float32),
        ],
        compiler_params=pltpu.CompilerParams(
            vmem_limit_bytes=48 * 1024 * 1024,
        ),
    )(gt, ssc, gidx)


@jax.jit
def kernel(rpn_bbox_deltas, rpn_probs, gt_labels, anchors):
    del gt_labels
    b = rpn_bbox_deltas.shape[0]
    f32 = jnp.float32
    p = rpn_probs.reshape(b, _REAL).astype(f32)
    p = jnp.pad(p, ((0, 0), (0, _W - _REAL)), constant_values=-1.0)
    ssc, gidx = _run_sort(p)

    d = rpn_bbox_deltas.reshape(b, _REAL, 4).astype(f32)
    d = jnp.pad(d, ((0, 0), (0, _PADA - _REAL), (0, 0)))
    av = jnp.broadcast_to(
        jnp.pad(anchors.astype(f32), ((0, _PADA - _REAL), (0, 0))),
        (b, _PADA, 4))
    table = jnp.concatenate([d, av], axis=2).reshape(b * _PADA // 16, 128)
    g = _run_gather(table, (gidx >> 4).reshape(1, b * _SEL))
    gt = jnp.transpose(g).reshape(128, b, _SEL)

    out = _run_nms(gt, ssc, gidx)
    roi_bboxes = jnp.transpose(out[:, :4, :], (0, 2, 1))
    roi_scores = out[:, 4, :]
    return roi_bboxes, roi_scores

# --- scband reference (transcript-rebuilt; emitter-appended) ---
"""Pipeline reference for scband-ro-ibbox-25048249270464 (READ-ONLY COPY).

The authoritative reference and input builder live on the scoring server;
editing this copy changes nothing except your own understanding.
"""

import jax, jax.numpy as jnp
import numpy as np

HYPER = {'img_size': 500, 'feature_map_shape': 31, 'anchor_ratios': [1.0, 2.0, 0.5], 'anchor_scales': [128, 256, 512], 'pre_nms_topn': 1000, 'train_nms_topn': 256, 'nms_iou_threshold': 0.8, 'variances': [0.1, 0.1, 0.2, 0.2]}


def generate_anchors(hp):
    fm = hp['feature_map_shape']
    img = float(hp['img_size'])
    stride = 1.0 / fm
    grid = (np.arange(fm, dtype=np.float32) + 0.5) * stride
    gy, gx = np.meshgrid(grid, grid, indexing='ij')
    centers = np.stack([gy.ravel(), gx.ravel(), gy.ravel(), gx.ravel()], axis=-1)  # [fm*fm, 4] (cy,cx,cy,cx)
    base = []
    for scale in hp['anchor_scales']:
        for ratio in hp['anchor_ratios']:
            w = (scale * np.sqrt(ratio)) / img
            h = (scale / np.sqrt(ratio)) / img
            base.append([-h / 2.0, -w / 2.0, h / 2.0, w / 2.0])
    base = np.array(base, dtype=np.float32)  # [9, 4]
    anchors = (centers[:, None, :] + base[None, :, :]).reshape(-1, 4)
    return np.clip(anchors, 0.0, 1.0).astype(np.float32)


def delta_to_bbox(anchors, deltas):
    all_anc_h = anchors[..., 2] - anchors[..., 0]
    all_anc_w = anchors[..., 3] - anchors[..., 1]
    all_anc_cy = anchors[..., 0] + 0.5 * all_anc_h
    all_anc_cx = anchors[..., 1] + 0.5 * all_anc_w
    bh = jnp.exp(deltas[..., 2]) * all_anc_h
    bw = jnp.exp(deltas[..., 3]) * all_anc_w
    bcy = deltas[..., 0] * all_anc_h + all_anc_cy
    bcx = deltas[..., 1] * all_anc_w + all_anc_cx
    y1 = bcy - 0.5 * bh
    x1 = bcx - 0.5 * bw
    return jnp.stack([y1, x1, y1 + bh, x1 + bw], axis=-1)


def _iou_one_many(box, boxes):
    yy1 = jnp.maximum(box[0], boxes[:, 0])
    xx1 = jnp.maximum(box[1], boxes[:, 1])
    yy2 = jnp.minimum(box[2], boxes[:, 2])
    xx2 = jnp.minimum(box[3], boxes[:, 3])
    inter = jnp.maximum(yy2 - yy1, 0.0) * jnp.maximum(xx2 - xx1, 0.0)
    a1 = jnp.maximum(box[2] - box[0], 0.0) * jnp.maximum(box[3] - box[1], 0.0)
    a2 = jnp.maximum(boxes[:, 2] - boxes[:, 0], 0.0) * jnp.maximum(boxes[:, 3] - boxes[:, 1], 0.0)
    return inter / (a1 + a2 - inter + 1e-8)


def nms_single(boxes, scores, iou_threshold, max_out):
    order = jnp.argsort(-scores)
    b = boxes[order]
    s = scores[order]
    n = b.shape[0]
    b_sg = jax.lax.stop_gradient(b)

    def body(i, keep):
        iou = _iou_one_many(b_sg[i], b_sg)
        suppress = (iou > iou_threshold) & (jnp.arange(n) > i) & keep[i]
        return keep & (~suppress)

    keep = jax.lax.fori_loop(0, n, body, jnp.ones((n,), dtype=bool))
    ssel = jnp.where(keep, s, -1e9)
    top_s, top_i = jax.lax.top_k(ssel, max_out)
    out_b = b[top_i]
    valid = top_s > -1e8
    out_s = jnp.where(valid, top_s, 0.0)
    out_b = jnp.where(valid[:, None], jnp.clip(out_b, 0.0, 1.0), 0.0)
    return out_b, out_s


def setup_inputs(seed: int = 0) -> dict:
    key = jax.random.key(seed)
    k1, k2, k3 = jax.random.split(key, 3)
    return {
        'rpn_bbox_deltas': jax.random.normal(k1, (16, 31, 31, 36), dtype=jnp.float32),
        'rpn_probs': jax.random.uniform(k2, (16, 31, 31, 9), dtype=jnp.float32),
        'gt_labels': jax.random.randint(k3, (16, 15), 0, 21).astype(jnp.int32),
        'anchors': jnp.asarray(generate_anchors(HYPER)),
    }


def reference(rpn_bbox_deltas, rpn_probs, gt_labels, anchors):
    hp = HYPER
    total_anchors = anchors.shape[0]
    batch_size = rpn_bbox_deltas.shape[0]
    deltas = rpn_bbox_deltas.reshape(batch_size, total_anchors, 4)
    probs = rpn_probs.reshape(batch_size, total_anchors)
    deltas = deltas * jnp.array(hp['variances'], dtype=jnp.float32)
    rpn_bboxes = delta_to_bbox(anchors, deltas)
    pre_scores, pre_idx = jax.lax.top_k(probs, hp['pre_nms_topn'])
    pre_boxes = jnp.take_along_axis(rpn_bboxes, pre_idx[..., None], axis=1)
    roi_bboxes, roi_scores = jax.vmap(
        lambda b, s: nms_single(b, s, hp['nms_iou_threshold'], hp['train_nms_topn'])
    )(pre_boxes, pre_scores)
    return roi_bboxes, roi_scores

if __name__ == "__main__":
    import jax
    _d = setup_inputs()
    print(jax.jit(kernel)(*tuple(_d.values())))

</pallas_src>

<mosaic_0001>
#map = affine_map<(d0, d1) -> (0, 0)>
module attributes {stable_mosaic.version = 14 : i64} {
  func.func @_gather(%arg0: i32, %arg1: i32, %arg2: memref<8704x128xf32, #tpu.memory_space<hbm>>, %arg3: memref<1x16384xi32, #tpu.memory_space<hbm>>, %arg4: memref<16384x128xf32, #tpu.memory_space<hbm>>) attributes {dimension_semantics = [#tpu.dimension_semantics<core_parallel>, #tpu.dimension_semantics<subcore_parallel>], iteration_bounds = array<i64: 2, 16>, scalar_prefetch = 0 : i64, scratch_operands = 0 : i64, tpu.core_type = #tpu.core_type<sc_vector_subcore>, window_params = [{transform_indices = #map}, {transform_indices = #map}, {transform_indices = #map}]} {
    %mul3A = arith.constant 8 : i32
    %mul3A_0 = arith.muli %arg1, %mul3A : i32
    "tpu.region"() ({
      %run_scoped3A = memref.alloca() : memref<2x1x128xi32, #tpu.memory_space<vmem>>
      %run_scoped3A_1 = tpu.sem_alloc : memref<2x!tpu.dma_semaphore, #tpu.memory_space<semaphore_mem>>
      %run_scoped3A_2 = memref.alloca() : memref<2x128x128xf32, #tpu.memory_space<vmem>>
      %run_scoped3A_3 = tpu.sem_alloc : memref<2x!tpu.dma_semaphore, #tpu.memory_space<semaphore_mem>>
      %add3A = arith.constant 0 : i32
      %add3A_4 = arith.addi %add3A, %mul3A_0 : i32
      %select_n3A = arith.constant true
      %select_n3A_5 = arith.constant 0 : i32
      %select_n3A_6 = arith.constant -1 : i32
      %select_n3A_7 = arith.select %select_n3A, %select_n3A_6, %select_n3A_5 : i32
      %eq3A = arith.constant -1 : i32
      %eq3A_8 = arith.cmpi eq, %select_n3A_7, %eq3A : i32
      %select_n3A_9 = arith.constant 7 : i32
      %select_n3A_10 = arith.select %eq3A_8, %select_n3A_9, %select_n3A_7 : i32
      %add3A_11 = arith.addi %select_n3A_10, %mul3A_0 : i32
      %select_n3A_12 = arith.constant true
      %select_n3A_13 = arith.constant 0 : i32
      %select_n3A_14 = arith.constant 1 : i32
      %select_n3A_15 = arith.select %select_n3A_12, %select_n3A_14, %select_n3A_13 : i32
      %eq3A_16 = arith.constant 8 : i32
      %eq3A_17 = arith.cmpi eq, %select_n3A_15, %eq3A_16 : i32
      %select_n3A_18 = arith.constant 0 : i32
      %select_n3A_19 = arith.select %eq3A_17, %select_n3A_18, %select_n3A_15 : i32
      %add3A_20 = arith.addi %select_n3A_19, %mul3A_0 : i32
      %add3A_21 = arith.constant 1 : i32
      %add3A_22 = arith.addi %select_n3A_19, %add3A_21 : i32
      %select_n3A_23 = arith.constant true
      %select_n3A_24 = arith.select %select_n3A_23, %add3A_22, %select_n3A_19 : i32
      %eq3A_25 = arith.constant 8 : i32
      %eq3A_26 = arith.cmpi eq, %select_n3A_24, %eq3A_25 : i32
      %select_n3A_27 = arith.constant 0 : i32
      %select_n3A_28 = arith.select %eq3A_26, %select_n3A_27, %select_n3A_24 : i32
      %add3A_29 = arith.addi %select_n3A_28, %mul3A_0 : i32
      "tpu.trace_start"() <{level = 10 : i32, message = "ep_initialize_0"}> : () -> ()
      %rem3A = arith.constant 0 : i32
      %rem3A_30 = arith.constant 2 : i32
      %rem3A_31 = arith.remui %rem3A, %rem3A_30 : i32
      %mul3A_32 = arith.constant 128 : i32
      %mul3A_33 = arith.muli %mul3A_32, %add3A_4 : i32
      %dma_start3A = arith.constant 0 : i32
      %dma_start3A_34 = arith.constant 0 : i32
      %dma_start3A_35 = tpu.memref_slice %run_scoped3A[%rem3A_31, %dma_start3A, %dma_start3A_34] : memref<2x1x128xi32, #tpu.memory_space<vmem>> -> memref<1x1x128xi32, #tpu.memory_space<vmem>>
      %dma_start3A_36 = tpu.memref_squeeze %dma_start3A_35 : memref<1x1x128xi32, #tpu.memory_space<vmem>> -> memref<1x128xi32, #tpu.memory_space<vmem>>
      %dma_start3A_37 = arith.constant 0 : i32
      %dma_start3A_38 = tpu.memref_slice %arg3[%dma_start3A_37, %mul3A_33] : memref<1x16384xi32, #tpu.memory_space<hbm>> -> memref<1x128xi32, #tpu.memory_space<hbm>>
      %dma_start3A_39 = tpu.memref_slice %run_scoped3A_1[%rem3A_31] : memref<2x!tpu.dma_semaphore, #tpu.memory_space<semaphore_mem>> -> memref<1x!tpu.dma_semaphore, #tpu.memory_space<semaphore_mem>>
      %dma_start3A_40 = tpu.memref_squeeze %dma_start3A_39 : memref<1x!tpu.dma_semaphore, #tpu.memory_space<semaphore_mem>> -> memref<!tpu.dma_semaphore, #tpu.memory_space<semaphore_mem>>
      %dma_start3A_41 = arith.constant 0 : i32
      %dma_start3A_42 = arith.constant 0 : i32
      %dma_start3A_43 = tpu.memref_slice %run_scoped3A[%rem3A_31, %dma_start3A_41, %dma_start3A_42] : memref<2x1x128xi32, #tpu.memory_space<vmem>> -> memref<1x1x128xi32, #tpu.memory_space<vmem>>
      %dma_start3A_44 = tpu.memref_squeeze %dma_start3A_43 : memref<1x1x128xi32, #tpu.memory_space<vmem>> -> memref<1x128xi32, #tpu.memory_space<vmem>>
      %dma_start3A_45 = arith.constant 0 : i32
      %dma_start3A_46 = tpu.memref_slice %arg3[%dma_start3A_45, %mul3A_33] : memref<1x16384xi32, #tpu.memory_space<hbm>> -> memref<1x128xi32, #tpu.memory_space<hbm>>
      tpu.enqueue_dma source(%dma_start3A_46 : memref<1x128xi32, #tpu.memory_space<hbm>>) target(%dma_start3A_44 : memref<1x128xi32, #tpu.memory_space<vmem>>) target_semaphore(%dma_start3A_40 : memref<!tpu.dma_semaphore, #tpu.memory_space<semaphore_mem>>)
      %add3A_47 = arith.constant 0 : i32
      %add3A_48 = arith.constant 1 : i32
      %add3A_49 = arith.addi %add3A_47, %add3A_48 : i32
      %select_n3A_50 = arith.constant true
      %select_n3A_51 = arith.constant 0 : i32
      %select_n3A_52 = arith.select %select_n3A_50, %add3A_49, %select_n3A_51 : i32
      "tpu.trace_stop"() : () -> ()
      %scan3A = arith.constant 0 : i32
      %scan3A_53 = arith.constant 0 : i32
      %scan3A_54 = arith.constant 0 : i32
      %scan3A_55 = arith.constant 0 : i32
      %scan3A_56 = arith.constant 0 : i32
      %scan3A_57 = arith.constant 8 : i32
      %scan3A_58 = arith.addi %scan3A_56, %scan3A_57 : i32
      %scan3A_59 = arith.constant 1 : i32
      %scan3A_60:5 = scf.for %scan3A_114 = %scan3A_56 to %scan3A_58 step %scan3A_59 iter_args(%scan3A_115 = %select_n3A_52, %scan3A_116 = %scan3A, %scan3A_117 = %scan3A_53, %scan3A_118 = %scan3A_54, %scan3A_119 = %scan3A_55) -> (i32, i32, i32, i32, i32)  : i32 {
        %eq3A_120 = arith.constant 0 : i32
        %eq3A_121 = arith.cmpi eq, %scan3A_114, %eq3A_120 : i32
        %eq3A_122 = arith.constant 7 : i32
        %eq3A_123 = arith.cmpi eq, %scan3A_114, %eq3A_122 : i32
        %add3A_124 = arith.addi %scan3A_119, %mul3A_0 : i32
        %sub3A_125 = arith.constant 1 : i32
        %sub3A_126 = arith.subi %scan3A_119, %sub3A_125 : i32
        %select_n3A_127 = arith.constant true
        %select_n3A_128 = arith.select %select_n3A_127, %sub3A_126, %scan3A_119 : i32
        %eq3A_129 = arith.constant -1 : i32
        %eq3A_130 = arith.cmpi eq, %select_n3A_128, %eq3A_129 : i32
        %select_n3A_131 = arith.constant 7 : i32
        %select_n3A_132 = arith.select %eq3A_130, %select_n3A_131, %select_n3A_128 : i32
        %add3A_133 = arith.addi %select_n3A_132, %mul3A_0 : i32
        %add3A_134 = arith.constant 1 : i32
        %add3A_135 = arith.addi %scan3A_119, %add3A_134 : i32
        %select_n3A_136 = arith.constant true
        %select_n3A_137 = arith.select %select_n3A_136, %add3A_135, %scan3A_119 : i32
        %eq3A_138 = arith.constant 8 : i32
        %eq3A_139 = arith.cmpi eq, %select_n3A_137, %eq3A_138 : i32
        %select_n3A_140 = arith.constant 0 : i32
        %select_n3A_141 = arith.select %eq3A_139, %select_n3A_140, %select_n3A_137 : i32
        %add3A_142 = arith.addi %select_n3A_141, %mul3A_0 : i32
        %add3A_143 = arith.constant 1 : i32
        %add3A_144 = arith.addi %select_n3A_141, %add3A_143 : i32
        %select_n3A_145 = arith.constant true
        %select_n3A_146 = arith.select %select_n3A_145, %add3A_144, %select_n3A_141 : i32
        %eq3A_147 = arith.constant 8 : i32
        %eq3A_148 = arith.cmpi eq, %select_n3A_146, %eq3A_147 : i32
        %select_n3A_149 = arith.constant 0 : i32
        %select_n3A_150 = arith.select %eq3A_148, %select_n3A_149, %select_n3A_146 : i32
        %add3A_151 = arith.addi %select_n3A_150, %mul3A_0 : i32
        %ne3A = arith.cmpi ne, %add3A_124, %add3A_142 : i32
        %or3A = arith.constant false
        %or3A_152 = arith.ori %or3A, %ne3A : i1
        %ge3A = arith.constant 7 : i32
        %ge3A_153 = arith.cmpi sge, %scan3A_114, %ge3A : i32
        %not3A = arith.constant true
        %not3A_154 = arith.xori %ge3A_153, %not3A : i1
        %and3A = arith.andi %or3A_152, %not3A_154 : i1
        %convert_element_type3A = arith.extui %and3A : i1 to i32
        %cond3A = arith.constant 0 : i32
        %cond3A_155 = arith.cmpi ne, %convert_element_type3A, %cond3A : i32
        scf.if %cond3A_155 {
          "tpu.trace_start"() <{level = 10 : i32, message = "ep_copy_in"}> : () -> ()
          %rem3A_257 = arith.constant 2 : i32
          %rem3A_258 = arith.remui %scan3A_115, %rem3A_257 : i32
          %mul3A_259 = arith.constant 128 : i32
          %mul3A_260 = arith.muli %mul3A_259, %add3A_142 : i32
          %dma_start3A_261 = arith.constant 0 : i32
          %dma_start3A_262 = arith.constant 0 : i32
          %dma_start3A_263 = tpu.memref_slice %run_scoped3A[%rem3A_258, %dma_start3A_261, %dma_start3A_262] : memref<2x1x128xi32, #tpu.memory_space<vmem>> -> memref<1x1x128xi32, #tpu.memory_space<vmem>>
          %dma_start3A_264 = tpu.memref_squeeze %dma_start3A_263 : memref<1x1x128xi32, #tpu.memory_space<vmem>> -> memref<1x128xi32, #tpu.memory_space<vmem>>
          %dma_start3A_265 = arith.constant 0 : i32
          %dma_start3A_266 = tpu.memref_slice %arg3[%dma_start3A_265, %mul3A_260] : memref<1x16384xi32, #tpu.memory_space<hbm>> -> memref<1x128xi32, #tpu.memory_space<hbm>>
          %dma_start3A_267 = tpu.memref_slice %run_scoped3A_1[%rem3A_258] : memref<2x!tpu.dma_semaphore, #tpu.memory_space<semaphore_mem>> -> memref<1x!tpu.dma_semaphore, #tpu.memory_space<semaphore_mem>>
          %dma_start3A_268 = tpu.memref_squeeze %dma_start3A_267 : memref<1x!tpu.dma_semaphore, #tpu.memory_space<semaphore_mem>> -> memref<!tpu.dma_semaphore, #tpu.memory_space<semaphore_mem>>
          %dma_start3A_269 = arith.constant 0 : i32
          %dma_start3A_270 = arith.constant 0 : i32
          %dma_start3A_271 = tpu.memref_slice %run_scoped3A[%rem3A_258, %dma_start3A_269, %dma_start3A_270] : memref<2x1x128xi32, #tpu.memory_space<vmem>> -> memref<1x1x128xi32, #tpu.memory_space<vmem>>
          %dma_start3A_272 = tpu.memref_squeeze %dma_start3A_271 : memref<1x1x128xi32, #tpu.memory_space<vmem>> -> memref<1x128xi32, #tpu.memory_space<vmem>>
          %dma_start3A_273 = arith.constant 0 : i32
          %dma_start3A_274 = tpu.memref_slice %arg3[%dma_start3A_273, %mul3A_260] : memref<1x16384xi32, #tpu.memory_space<hbm>> -> memref<1x128xi32, #tpu.memory_space<hbm>>
          tpu.enqueue_dma source(%dma_start3A_274 : memref<1x128xi32, #tpu.memory_space<hbm>>) target(%dma_start3A_272 : memref<1x128xi32, #tpu.memory_space<vmem>>) target_semaphore(%dma_start3A_268 : memref<!tpu.dma_semaphore, #tpu.memory_space<semaphore_mem>>)
          "tpu.trace_stop"() : () -> ()
        } else {
        }
        %and3A_156 = arith.constant true
        %and3A_157 = arith.andi %and3A, %and3A_156 : i1
        %add3A_158 = arith.constant 1 : i32
        %add3A_159 = arith.addi %scan3A_115, %add3A_158 : i32
        %select_n3A_160 = arith.select %and3A_157, %add3A_159, %scan3A_115 : i32
        %ne3A_161 = arith.cmpi ne, %add3A_124, %add3A_142 : i32
        %or3A_162 = arith.constant false
        %or3A_163 = arith.ori %or3A_162, %ne3A_161 : i1
        %or3A_164 = arith.constant false
        %or3A_165 = arith.ori %or3A_163, %or3A_164 : i1
        %ge3A_166 = arith.constant 7 : i32
        %ge3A_167 = arith.cmpi sge, %scan3A_114, %ge3A_166 : i32
        %not3A_168 = arith.constant true
        %not3A_169 = arith.xori %ge3A_167, %not3A_168 : i1
        %and3A_170 = arith.andi %or3A_165, %not3A_169 : i1
        %ne3A_171 = arith.cmpi ne, %add3A_124, %add3A_133 : i32
        %or3A_172 = arith.constant false
        %or3A_173 = arith.ori %or3A_172, %ne3A_171 : i1
        %or3A_174 = arith.ori %or3A_173, %eq3A_121 : i1
        %convert_element_type3A_175 = arith.extui %or3A_174 : i1 to i32
        %cond3A_176 = arith.constant 0 : i32
        %cond3A_177 = arith.cmpi ne, %convert_element_type3A_175, %cond3A_176 : i32
        scf.if %cond3A_177 {
          "tpu.trace_start"() <{level = 10 : i32, message = "ep_wait_in"}> : () -> ()
          %mul3A_257 = arith.constant 128 : i32
          %mul3A_258 = arith.muli %mul3A_257, %add3A_124 : i32
          %rem3A_259 = arith.constant 2 : i32
          %rem3A_260 = arith.remui %scan3A_116, %rem3A_259 : i32
          %dma_wait3A_261 = arith.constant 0 : i32
          %dma_wait3A_262 = arith.constant 0 : i32
          %dma_wait3A_263 = tpu.memref_slice %run_scoped3A[%rem3A_260, %dma_wait3A_261, %dma_wait3A_262] : memref<2x1x128xi32, #tpu.memory_space<vmem>> -> memref<1x1x128xi32, #tpu.memory_space<vmem>>
          %dma_wait3A_264 = tpu.memref_squeeze %dma_wait3A_263 : memref<1x1x128xi32, #tpu.memory_space<vmem>> -> memref<1x128xi32, #tpu.memory_space<vmem>>
          %dma_wait3A_265 = arith.constant 0 : i32
          %dma_wait3A_266 = tpu.memref_slice %arg3[%dma_wait3A_265, %mul3A_258] : memref<1x16384xi32, #tpu.memory_space<hbm>> -> memref<1x128xi32, #tpu.memory_space<hbm>>
          %dma_wait3A_267 = tpu.memref_slice %run_scoped3A_1[%rem3A_260] : memref<2x!tpu.dma_semaphore, #tpu.memory_space<semaphore_mem>> -> memref<1x!tpu.dma_semaphore, #tpu.memory_space<semaphore_mem>>
          %dma_wait3A_268 = tpu.memref_squeeze %dma_wait3A_267 : memref<1x!tpu.dma_semaphore, #tpu.memory_space<semaphore_mem>> -> memref<!tpu.dma_semaphore, #tpu.memory_space<semaphore_mem>>
          %dma_wait3A_269 = arith.constant 0 : i32
          %dma_wait3A_270 = arith.constant 0 : i32
          %dma_wait3A_271 = tpu.memref_slice %run_scoped3A[%rem3A_260, %dma_wait3A_269, %dma_wait3A_270] : memref<2x1x128xi32, #tpu.memory_space<vmem>> -> memref<1x1x128xi32, #tpu.memory_space<vmem>>
          %dma_wait3A_272 = tpu.memref_squeeze %dma_wait3A_271 : memref<1x1x128xi32, #tpu.memory_space<vmem>> -> memref<1x128xi32, #tpu.memory_space<vmem>>
          %dma_wait3A_273 = arith.constant 0 : i32
          %dma_wait3A_274 = tpu.memref_slice %arg3[%dma_wait3A_273, %mul3A_258] : memref<1x16384xi32, #tpu.memory_space<hbm>> -> memref<1x128xi32, #tpu.memory_space<hbm>>
          tpu.wait_dma2 semaphore(%dma_wait3A_268 : memref<!tpu.dma_semaphore, #tpu.memory_space<semaphore_mem>>) src(%dma_wait3A_274 : memref<1x128xi32, #tpu.memory_space<hbm>>) dst(%dma_wait3A_272 : memref<1x128xi32, #tpu.memory_space<vmem>>)
          "tpu.trace_stop"() : () -> ()
        } else {
        }
        %ne3A_178 = arith.cmpi ne, %add3A_124, %add3A_133 : i32
        %or3A_179 = arith.constant false
        %or3A_180 = arith.ori %or3A_179, %ne3A_178 : i1
        %or3A_181 = arith.constant false
        %or3A_182 = arith.ori %or3A_180, %or3A_181 : i1
        %or3A_183 = arith.ori %or3A_182, %eq3A_121 : i1
        %convert_element_type3A_184 = arith.extui %or3A_183 : i1 to i32
        %cond3A_185 = arith.constant 0 : i32
        %cond3A_186 = arith.cmpi ne, %convert_element_type3A_184, %cond3A_185 : i32
        scf.if %cond3A_186 {
        } else {
        }
        %rem3A_187 = arith.constant 2 : i32
        %rem3A_188 = arith.remui %scan3A_116, %rem3A_187 : i32
        %rem3A_189 = arith.constant 2 : i32
        %rem3A_190 = arith.remui %scan3A_117, %rem3A_189 : i32
        %run_scoped3A_191 = arith.constant 0 : i32
        "tpu.trace_start"() <{level = 10 : i32, message = "ep_run_kernel"}> : () -> ()
        "tpu.region"() ({
          %run_scoped3A_257 = tpu.sem_alloc : memref<!tpu.dma_semaphore, #tpu.memory_space<semaphore_mem>>
          %dma_start3A_258 = arith.constant 0 : i32
          %dma_start3A_259 = arith.constant 0 : i32
          %dma_start3A_260 = tpu.memref_slice %run_scoped3A_2[%rem3A_190, %dma_start3A_258, %dma_start3A_259] : memref<2x128x128xf32, #tpu.memory_space<vmem>> -> memref<1x128x128xf32, #tpu.memory_space<vmem>>
          %dma_start3A_261 = tpu.memref_squeeze %dma_start3A_260 : memref<1x128x128xf32, #tpu.memory_space<vmem>> -> memref<128x128xf32, #tpu.memory_space<vmem>>
          %dma_start3A_262 = arith.constant 0 : i32
          %dma_start3A_263 = arith.constant 0 : i32
          %dma_start3A_264 = tpu.memref_slice %run_scoped3A[%rem3A_188, %dma_start3A_262, %dma_start3A_263] : memref<2x1x128xi32, #tpu.memory_space<vmem>> -> memref<1x1x128xi32, #tpu.memory_space<vmem>>
          %dma_start3A_265 = tpu.memref_squeeze %dma_start3A_264 : memref<1x1x128xi32, #tpu.memory_space<vmem>> -> memref<1x128xi32, #tpu.memory_space<vmem>>
          %dma_start3A_266 = arith.constant 0 : i32
          %dma_start3A_267 = tpu.memref_slice %dma_start3A_265[%run_scoped3A_191, %dma_start3A_266] : memref<1x128xi32, #tpu.memory_space<vmem>> -> memref<1x128xi32, #tpu.memory_space<vmem>>
          %dma_start3A_268 = tpu.memref_squeeze %dma_start3A_267 : memref<1x128xi32, #tpu.memory_space<vmem>> -> memref<128xi32, #tpu.memory_space<vmem>>
          %dma_start3A_269 = arith.constant 0 : i32
          %dma_start3A_270 = arith.constant 0 : i32
          %dma_start3A_271 = tpu.memref_slice %arg2[%dma_start3A_269, %dma_start3A_270] : memref<8704x128xf32, #tpu.memory_space<hbm>> -> memref<8704x128xf32, #tpu.memory_space<hbm>>
          tpu.enqueue_indirect_dma source(%dma_start3A_271 : memref<8704x128xf32, #tpu.memory_space<hbm>>) target(%dma_start3A_261 : memref<128x128xf32, #tpu.memory_space<vmem>>) offsets(%dma_start3A_268 : memref<128xi32, #tpu.memory_space<vmem>>) semaphore(%run_scoped3A_257 : memref<!tpu.dma_semaphore, #tpu.memory_space<semaphore_mem>>)
          %dma_wait3A_272 = arith.constant 0 : i32
          %dma_wait3A_273 = arith.constant 0 : i32
          %dma_wait3A_274 = tpu.memref_slice %run_scoped3A_2[%rem3A_190, %dma_wait3A_272, %dma_wait3A_273] : memref<2x128x128xf32, #tpu.memory_space<vmem>> -> memref<1x128x128xf32, #tpu.memory_space<vmem>>
          %dma_wait3A_275 = tpu.memref_squeeze %dma_wait3A_274 : memref<1x128x128xf32, #tpu.memory_space<vmem>> -> memref<128x128xf32, #tpu.memory_space<vmem>>
          %dma_wait3A_276 = arith.constant 0 : i32
          %dma_wait3A_277 = arith.constant 0 : i32
          %dma_wait3A_278 = tpu.memref_slice %run_scoped3A[%rem3A_188, %dma_wait3A_276, %dma_wait3A_277] : memref<2x1x128xi32, #tpu.memory_space<vmem>> -> memref<1x1x128xi32, #tpu.memory_space<vmem>>
          %dma_wait3A_279 = tpu.memref_squeeze %dma_wait3A_278 : memref<1x1x128xi32, #tpu.memory_space<vmem>> -> memref<1x128xi32, #tpu.memory_space<vmem>>
          %dma_wait3A_280 = arith.constant 0 : i32
          %dma_wait3A_281 = tpu.memref_slice %dma_wait3A_279[%run_scoped3A_191, %dma_wait3A_280] : memref<1x128xi32, #tpu.memory_space<vmem>> -> memref<1x128xi32, #tpu.memory_space<vmem>>
          %dma_wait3A_282 = tpu.memref_squeeze %dma_wait3A_281 : memref<1x128xi32, #tpu.memory_space<vmem>> -> memref<128xi32, #tpu.memory_space<vmem>>
          %dma_wait3A_283 = arith.constant 0 : i32
          %dma_wait3A_284 = arith.constant 0 : i32
          %dma_wait3A_285 = tpu.memref_slice %arg2[%dma_wait3A_283, %dma_wait3A_284] : memref<8704x128xf32, #tpu.memory_space<hbm>> -> memref<8704x128xf32, #tpu.memory_space<hbm>>
          tpu.wait_indirect_dma semaphore(%run_scoped3A_257 : memref<!tpu.dma_semaphore, #tpu.memory_space<semaphore_mem>>) src(%dma_wait3A_285 : memref<8704x128xf32, #tpu.memory_space<hbm>>) dst(%dma_wait3A_275 : memref<128x128xf32, #tpu.memory_space<vmem>>)
          tpu.yield
        }) : () -> ()
        "tpu.trace_stop"() : () -> ()
        %ne3A_192 = arith.cmpi ne, %add3A_124, %add3A_142 : i32
        %or3A_193 = arith.constant false
        %or3A_194 = arith.ori %or3A_193, %ne3A_192 : i1
        %or3A_195 = arith.ori %or3A_194, %eq3A_123 : i1
        %convert_element_type3A_196 = arith.extui %or3A_195 : i1 to i32
        %cond3A_197 = arith.constant 0 : i32
        %cond3A_198 = arith.cmpi ne, %convert_element_type3A_196, %cond3A_197 : i32
        scf.if %cond3A_198 {
        } else {
        }
        %and3A_199 = arith.constant false
        %and3A_200 = arith.andi %or3A_195, %and3A_199 : i1
        %ne3A_201 = arith.cmpi ne, %add3A_124, %add3A_142 : i32
        %or3A_202 = arith.constant false
        %or3A_203 = arith.ori %or3A_202, %ne3A_201 : i1
        %or3A_204 = arith.constant false
        %or3A_205 = arith.ori %or3A_203, %or3A_204 : i1
        %or3A_206 = arith.ori %or3A_205, %eq3A_123 : i1
        %convert_element_type3A_207 = arith.extui %or3A_206 : i1 to i32
        %cond3A_208 = arith.constant 0 : i32
        %cond3A_209 = arith.cmpi ne, %convert_element_type3A_207, %cond3A_208 : i32
        scf.if %cond3A_209 {
          "tpu.trace_start"() <{level = 10 : i32, message = "ep_copy_out"}> : () -> ()
          %rem3A_257 = arith.constant 2 : i32
          %rem3A_258 = arith.remui %scan3A_117, %rem3A_257 : i32
          %mul3A_259 = arith.constant 128 : i32
          %mul3A_260 = arith.muli %mul3A_259, %add3A_124 : i32
          %dma_start3A_261 = arith.constant 0 : i32
          %dma_start3A_262 = arith.constant 0 : i32
          %dma_start3A_263 = tpu.memref_slice %run_scoped3A_2[%rem3A_258, %dma_start3A_261, %dma_start3A_262] : memref<2x128x128xf32, #tpu.memory_space<vmem>> -> memref<1x128x128xf32, #tpu.memory_space<vmem>>
          %dma_start3A_264 = tpu.memref_squeeze %dma_start3A_263 : memref<1x128x128xf32, #tpu.memory_space<vmem>> -> memref<128x128xf32, #tpu.memory_space<vmem>>
          %dma_start3A_265 = arith.constant 0 : i32
          %dma_start3A_266 = tpu.memref_slice %arg4[%mul3A_260, %dma_start3A_265] : memref<16384x128xf32, #tpu.memory_space<hbm>> -> memref<128x128xf32, #tpu.memory_space<hbm>>
          %dma_start3A_267 = tpu.memref_slice %run_scoped3A_3[%rem3A_258] : memref<2x!tpu.dma_semaphore, #tpu.memory_space<semaphore_mem>> -> memref<1x!tpu.dma_semaphore, #tpu.memory_space<semaphore_mem>>
          %dma_start3A_268 = tpu.memref_squeeze %dma_start3A_267 : memref<1x!tpu.dma_semaphore, #tpu.memory_space<semaphore_mem>> -> memref<!tpu.dma_semaphore, #tpu.memory_space<semaphore_mem>>
          %dma_start3A_269 = arith.constant 0 : i32
          %dma_start3A_270 = tpu.memref_slice %arg4[%mul3A_260, %dma_start3A_269] : memref<16384x128xf32, #tpu.memory_space<hbm>> -> memref<128x128xf32, #tpu.memory_space<hbm>>
          %dma_start3A_271 = arith.constant 0 : i32
          %dma_start3A_272 = arith.constant 0 : i32
          %dma_start3A_273 = tpu.memref_slice %run_scoped3A_2[%rem3A_258, %dma_start3A_271, %dma_start3A_272] : memref<2x128x128xf32, #tpu.memory_space<vmem>> -> memref<1x128x128xf32, #tpu.memory_space<vmem>>
          %dma_start3A_274 = tpu.memref_squeeze %dma_start3A_273 : memref<1x128x128xf32, #tpu.memory_space<vmem>> -> memref<128x128xf32, #tpu.memory_space<vmem>>
          tpu.enqueue_dma source(%dma_start3A_274 : memref<128x128xf32, #tpu.memory_space<vmem>>) target(%dma_start3A_270 : memref<128x128xf32, #tpu.memory_space<hbm>>) target_semaphore(%dma_start3A_268 : memref<!tpu.dma_semaphore, #tpu.memory_space<semaphore_mem>>)
          "tpu.trace_stop"() : () -> ()
        } else {
        }
        %and3A_210 = arith.constant true
        %and3A_211 = arith.andi %or3A_206, %and3A_210 : i1
        %add3A_212 = arith.constant 1 : i32
        %add3A_213 = arith.addi %scan3A_117, %add3A_212 : i32
        %select_n3A_214 = arith.select %and3A_211, %add3A_213, %scan3A_117 : i32
        %ne3A_215 = arith.cmpi ne, %add3A_124, %add3A_133 : i32
        %or3A_216 = arith.constant false
        %or3A_217 = arith.ori %or3A_216, %ne3A_215 : i1
        %not3A_218 = arith.constant true
        %not3A_219 = arith.xori %eq3A_121, %not3A_218 : i1
        %and3A_220 = arith.andi %or3A_217, %not3A_219 : i1
        %convert_element_type3A_221 = arith.extui %and3A_220 : i1 to i32
        %cond3A_222 = arith.constant 0 : i32
        %cond3A_223 = arith.cmpi ne, %convert_element_type3A_221, %cond3A_222 : i32
        scf.if %cond3A_223 {
        } else {
        }
        %and3A_224 = arith.constant false
        %and3A_225 = arith.andi %and3A_220, %and3A_224 : i1
        %ne3A_226 = arith.cmpi ne, %add3A_124, %add3A_133 : i32
        %or3A_227 = arith.constant false
        %or3A_228 = arith.ori %or3A_227, %ne3A_226 : i1
        %or3A_229 = arith.constant false
        %or3A_230 = arith.ori %or3A_228, %or3A_229 : i1
        %not3A_231 = arith.constant true
        %not3A_232 = arith.xori %eq3A_121, %not3A_231 : i1
        %and3A_233 = arith.andi %or3A_230, %not3A_232 : i1
        %convert_element_type3A_234 = arith.extui %and3A_233 : i1 to i32
        %cond3A_235 = arith.constant 0 : i32
        %cond3A_236 = arith.cmpi ne, %convert_element_type3A_234, %cond3A_235 : i32
        scf.if %cond3A_236 {
          "tpu.trace_start"() <{level = 10 : i32, message = "ep_wait_out"}> : () -> ()
          %rem3A_257 = arith.constant 2 : i32
          %rem3A_258 = arith.remui %scan3A_118, %rem3A_257 : i32
          %mul3A_259 = arith.constant 128 : i32
          %mul3A_260 = arith.muli %mul3A_259, %add3A_133 : i32
          %dma_wait3A_261 = arith.constant 0 : i32
          %dma_wait3A_262 = arith.constant 0 : i32
          %dma_wait3A_263 = tpu.memref_slice %run_scoped3A_2[%rem3A_258, %dma_wait3A_261, %dma_wait3A_262] : memref<2x128x128xf32, #tpu.memory_space<vmem>> -> memref<1x128x128xf32, #tpu.memory_space<vmem>>
          %dma_wait3A_264 = tpu.memref_squeeze %dma_wait3A_263 : memref<1x128x128xf32, #tpu.memory_space<vmem>> -> memref<128x128xf32, #tpu.memory_space<vmem>>
          %dma_wait3A_265 = arith.constant 0 : i32
          %dma_wait3A_266 = tpu.memref_slice %arg4[%mul3A_260, %dma_wait3A_265] : memref<16384x128xf32, #tpu.memory_space<hbm>> -> memref<128x128xf32, #tpu.memory_space<hbm>>
          %dma_wait3A_267 = tpu.memref_slice %run_scoped3A_3[%rem3A_258] : memref<2x!tpu.dma_semaphore, #tpu.memory_space<semaphore_mem>> -> memref<1x!tpu.dma_semaphore, #tpu.memory_space<semaphore_mem>>
          %dma_wait3A_268 = tpu.memref_squeeze %dma_wait3A_267 : memref<1x!tpu.dma_semaphore, #tpu.memory_space<semaphore_mem>> -> memref<!tpu.dma_semaphore, #tpu.memory_space<semaphore_mem>>
          %dma_wait3A_269 = arith.constant 0 : i32
          %dma_wait3A_270 = tpu.memref_slice %arg4[%mul3A_260, %dma_wait3A_269] : memref<16384x128xf32, #tpu.memory_space<hbm>> -> memref<128x128xf32, #tpu.memory_space<hbm>>
          %dma_wait3A_271 = arith.constant 0 : i32
          %dma_wait3A_272 = arith.constant 0 : i32
          %dma_wait3A_273 = tpu.memref_slice %run_scoped3A_2[%rem3A_258, %dma_wait3A_271, %dma_wait3A_272] : memref<2x128x128xf32, #tpu.memory_space<vmem>> -> memref<1x128x128xf32, #tpu.memory_space<vmem>>
          %dma_wait3A_274 = tpu.memref_squeeze %dma_wait3A_273 : memref<1x128x128xf32, #tpu.memory_space<vmem>> -> memref<128x128xf32, #tpu.memory_space<vmem>>
          tpu.wait_dma2 semaphore(%dma_wait3A_268 : memref<!tpu.dma_semaphore, #tpu.memory_space<semaphore_mem>>) src(%dma_wait3A_274 : memref<128x128xf32, #tpu.memory_space<vmem>>) dst(%dma_wait3A_270 : memref<128x128xf32, #tpu.memory_space<hbm>>)
          "tpu.trace_stop"() : () -> ()
        } else {
        }
        %and3A_237 = arith.constant true
        %and3A_238 = arith.andi %and3A_233, %and3A_237 : i1
        %add3A_239 = arith.constant 1 : i32
        %add3A_240 = arith.addi %scan3A_118, %add3A_239 : i32
        %select_n3A_241 = arith.select %and3A_238, %add3A_240, %scan3A_118 : i32
        %ne3A_242 = arith.cmpi ne, %add3A_124, %add3A_142 : i32
        %or3A_243 = arith.constant false
        %or3A_244 = arith.ori %or3A_243, %ne3A_242 : i1
        %or3A_245 = arith.ori %or3A_244, %eq3A_123 : i1
        %add3A_246 = arith.constant 1 : i32
        %add3A_247 = arith.addi %scan3A_116, %add3A_246 : i32
        %select_n3A_248 = arith.select %or3A_245, %add3A_247, %scan3A_116 : i32
        %add3A_249 = arith.constant 1 : i32
        %add3A_250 = arith.addi %scan3A_119, %add3A_249 : i32
        %select_n3A_251 = arith.constant true
        %select_n3A_252 = arith.select %select_n3A_251, %add3A_250, %scan3A_119 : i32
        %eq3A_253 = arith.constant 8 : i32
        %eq3A_254 = arith.cmpi eq, %select_n3A_252, %eq3A_253 : i32
        %select_n3A_255 = arith.constant 0 : i32
        %select_n3A_256 = arith.select %eq3A_254, %select_n3A_255, %select_n3A_252 : i32
        scf.yield %select_n3A_160, %select_n3A_248, %select_n3A_214, %select_n3A_241, %select_n3A_256 : i32, i32, i32, i32, i32
      }
      %scan3A_61 = arith.constant 8 : i32
      %sub3A = arith.constant 1 : i32
      %sub3A_62 = arith.subi %scan3A_60#4, %sub3A : i32
      %select_n3A_63 = arith.constant true
      %select_n3A_64 = arith.select %select_n3A_63, %sub3A_62, %scan3A_60#4 : i32
      %eq3A_65 = arith.constant -1 : i32
      %eq3A_66 = arith.cmpi eq, %select_n3A_64, %eq3A_65 : i32
      %select_n3A_67 = arith.constant 7 : i32
      %select_n3A_68 = arith.select %eq3A_66, %select_n3A_67, %select_n3A_64 : i32
      %add3A_69 = arith.addi %select_n3A_68, %mul3A_0 : i32
      %sub3A_70 = arith.constant 1 : i32
      %sub3A_71 = arith.subi %select_n3A_68, %sub3A_70 : i32
      %select_n3A_72 = arith.constant true
      %select_n3A_73 = arith.select %select_n3A_72, %sub3A_71, %select_n3A_68 : i32
      %eq3A_74 = arith.constant -1 : i32
      %eq3A_75 = arith.cmpi eq, %select_n3A_73, %eq3A_74 : i32
      %select_n3A_76 = arith.constant 7 : i32
      %select_n3A_77 = arith.select %eq3A_75, %select_n3A_76, %select_n3A_73 : i32
      %add3A_78 = arith.addi %select_n3A_77, %mul3A_0 : i32
      %add3A_79 = arith.constant 1 : i32
      %add3A_80 = arith.addi %select_n3A_68, %add3A_79 : i32
      %select_n3A_81 = arith.constant true
      %select_n3A_82 = arith.select %select_n3A_81, %add3A_80, %select_n3A_68 : i32
      %eq3A_83 = arith.constant 8 : i32
      %eq3A_84 = arith.cmpi eq, %select_n3A_82, %eq3A_83 : i32
      %select_n3A_85 = arith.constant 0 : i32
      %select_n3A_86 = arith.select %eq3A_84, %select_n3A_85, %select_n3A_82 : i32
      %add3A_87 = arith.addi %select_n3A_86, %mul3A_0 : i32
      %add3A_88 = arith.constant 1 : i32
      %add3A_89 = arith.addi %select_n3A_86, %add3A_88 : i32
      %select_n3A_90 = arith.constant true
      %select_n3A_91 = arith.select %select_n3A_90, %add3A_89, %select_n3A_86 : i32
      %eq3A_92 = arith.constant 8 : i32
      %eq3A_93 = arith.cmpi eq, %select_n3A_91, %eq3A_92 : i32
      %select_n3A_94 = arith.constant 0 : i32
      %select_n3A_95 = arith.select %eq3A_93, %select_n3A_94, %select_n3A_91 : i32
      %add3A_96 = arith.addi %select_n3A_95, %mul3A_0 : i32
      "tpu.trace_start"() <{level = 10 : i32, message = "ep_finalize"}> : () -> ()
      %rem3A_97 = arith.constant 2 : i32
      %rem3A_98 = arith.remui %scan3A_60#3, %rem3A_97 : i32
      %mul3A_99 = arith.constant 128 : i32
      %mul3A_100 = arith.muli %mul3A_99, %add3A_69 : i32
      %dma_wait3A = arith.constant 0 : i32
      %dma_wait3A_101 = arith.constant 0 : i32
      %dma_wait3A_102 = tpu.memref_slice %run_scoped3A_2[%rem3A_98, %dma_wait3A, %dma_wait3A_101] : memref<2x128x128xf32, #tpu.memory_space<vmem>> -> memref<1x128x128xf32, #tpu.memory_space<vmem>>
      %dma_wait3A_103 = tpu.memref_squeeze %dma_wait3A_102 : memref<1x128x128xf32, #tpu.memory_space<vmem>> -> memref<128x128xf32, #tpu.memory_space<vmem>>
      %dma_wait3A_104 = arith.constant 0 : i32
      %dma_wait3A_105 = tpu.memref_slice %arg4[%mul3A_100, %dma_wait3A_104] : memref<16384x128xf32, #tpu.memory_space<hbm>> -> memref<128x128xf32, #tpu.memory_space<hbm>>
      %dma_wait3A_106 = tpu.memref_slice %run_scoped3A_3[%rem3A_98] : memref<2x!tpu.dma_semaphore, #tpu.memory_space<semaphore_mem>> -> memref<1x!tpu.dma_semaphore, #tpu.memory_space<semaphore_mem>>
      %dma_wait3A_107 = tpu.memref_squeeze %dma_wait3A_106 : memref<1x!tpu.dma_semaphore, #tpu.memory_space<semaphore_mem>> -> memref<!tpu.dma_semaphore, #tpu.memory_space<semaphore_mem>>
      %dma_wait3A_108 = arith.constant 0 : i32
      %dma_wait3A_109 = tpu.memref_slice %arg4[%mul3A_100, %dma_wait3A_108] : memref<16384x128xf32, #tpu.memory_space<hbm>> -> memref<128x128xf32, #tpu.memory_space<hbm>>
      %dma_wait3A_110 = arith.constant 0 : i32
      %dma_wait3A_111 = arith.constant 0 : i32
      %dma_wait3A_112 = tpu.memref_slice %run_scoped3A_2[%rem3A_98, %dma_wait3A_110, %dma_wait3A_111] : memref<2x128x128xf32, #tpu.memory_space<vmem>> -> memref<1x128x128xf32, #tpu.memory_space<vmem>>
      %dma_wait3A_113 = tpu.memref_squeeze %dma_wait3A_112 : memref<1x128x128xf32, #tpu.memory_space<vmem>> -> memref<128x128xf32, #tpu.memory_space<vmem>>
      tpu.wait_dma2 semaphore(%dma_wait3A_107 : memref<!tpu.dma_semaphore, #tpu.memory_space<semaphore_mem>>) src(%dma_wait3A_113 : memref<128x128xf32, #tpu.memory_space<vmem>>) dst(%dma_wait3A_109 : memref<128x128xf32, #tpu.memory_space<hbm>>)
      "tpu.trace_stop"() : () -> ()
      tpu.yield
    }) : () -> ()
    return
  }
}

module attributes {stable_mosaic.version = 14 : i64} {
  func.func @_sort_kernel(%arg0: memref<16x9216xf32, #tpu.memory_space<vmem>>, %arg1: memref<16x1024xf32, #tpu.memory_space<vmem>>, %arg2: memref<16x1024xi32, #tpu.memory_space<vmem>>) attributes {dimension_semantics = [], scalar_prefetch = 0 : i64, scratch_operands = 0 : i64, tpu.core_type = #tpu.core_type<tc>} {
    %iota3A = tpu.iota {dimensions = array<i32: 1>} : vector<16x9216xi32>
    %ge3A = arith.constant 8192 : i32
    %ge3A_0 = vector.broadcast %ge3A : i32 to vector<16x9216xi32>
    %ge3A_1 = arith.cmpi sge, %iota3A, %ge3A_0 : vector<16x9216xi32>
    %get3A = arith.constant 0 : index
    %get3A_2 = arith.constant 0 : index
    %get3A_3 = vector.load %arg0[%get3A, %get3A_2] : memref<16x9216xf32, #tpu.memory_space<vmem>>, vector<16x9216xf32>
    %scan3A = arith.constant 2 : i32
    %scan3A_4 = arith.constant 1 : i32
    %scan3A_5 = arith.constant 0 : i32
    %scan3A_6 = arith.constant 55 : i32
    %scan3A_7 = arith.addi %scan3A_5, %scan3A_6 : i32
    %scan3A_8 = arith.constant 1 : i32
    %scan3A_9:4 = scf.for %scan3A_1222 = %scan3A_5 to %scan3A_7 step %scan3A_8 iter_args(%scan3A_1223 = %scan3A, %scan3A_1224 = %scan3A_4, %scan3A_1225 = %get3A_3, %scan3A_1226 = %iota3A) -> (i32, i32, vector<16x9216xf32>, vector<16x9216xi32>)  : i32 {
      %and3A_1227 = vector.broadcast %scan3A_1224 : i32 to vector<16x9216xi32>
      %and3A_1228 = arith.andi %iota3A, %and3A_1227 : vector<16x9216xi32>
      %ne3A_1229 = arith.constant 0 : i32
      %ne3A_1230 = vector.broadcast %ne3A_1229 : i32 to vector<16x9216xi32>
      %ne3A_1231 = arith.cmpi ne, %and3A_1228, %ne3A_1230 : vector<16x9216xi32>
      %sub3A = arith.constant 9216 : i32
      %sub3A_1232 = arith.subi %sub3A, %scan3A_1224 : i32
      %roll3A_1233 = tpu.dynamic_rotate %scan3A_1225 by %scan3A_1224 dim 1 : vector<16x9216xf32>, i32 -> vector<16x9216xf32>
      %roll3A_1234 = tpu.dynamic_rotate %scan3A_1225 by %sub3A_1232 dim 1 : vector<16x9216xf32>, i32 -> vector<16x9216xf32>
      %select_n3A_1235 = arith.select %ne3A_1231, %roll3A_1233, %roll3A_1234 : vector<16x9216xi1>, vector<16x9216xf32>
      %roll3A_1236 = tpu.dynamic_rotate %scan3A_1226 by %scan3A_1224 dim 1 : vector<16x9216xi32>, i32 -> vector<16x9216xi32>
      %roll3A_1237 = tpu.dynamic_rotate %scan3A_1226 by %sub3A_1232 dim 1 : vector<16x9216xi32>, i32 -> vector<16x9216xi32>
      %select_n3A_1238 = arith.select %ne3A_1231, %roll3A_1236, %roll3A_1237 : vector<16x9216xi1>, vector<16x9216xi32>
      %gt3A_1239 = arith.cmpf ogt, %select_n3A_1235, %scan3A_1225 : vector<16x9216xf32>
      %eq3A_1240 = arith.cmpf oeq, %select_n3A_1235, %scan3A_1225 : vector<16x9216xf32>
      %lt3A_1241 = arith.cmpi slt, %select_n3A_1238, %scan3A_1226 : vector<16x9216xi32>
      %and3A_1242 = arith.andi %eq3A_1240, %lt3A_1241 : vector<16x9216xi1>
      %or3A_1243 = arith.ori %gt3A_1239, %and3A_1242 : vector<16x9216xi1>
      %and3A_1244 = vector.broadcast %scan3A_1223 : i32 to vector<16x9216xi32>
      %and3A_1245 = arith.andi %iota3A, %and3A_1244 : vector<16x9216xi32>
      %eq3A_1246 = arith.constant 0 : i32
      %eq3A_1247 = vector.broadcast %eq3A_1246 : i32 to vector<16x9216xi32>
      %eq3A_1248 = arith.cmpi eq, %and3A_1245, %eq3A_1247 : vector<16x9216xi32>
      %xor3A_1249 = arith.xori %eq3A_1248, %ge3A_1 : vector<16x9216xi1>
      %xor3A_1250 = arith.xori %xor3A_1249, %ne3A_1231 : vector<16x9216xi1>
      %xor3A_1251 = arith.xori %or3A_1243, %xor3A_1250 : vector<16x9216xi1>
      %not3A_1252 = arith.constant dense<true> : vector<16x9216xi1>
      %not3A_1253 = arith.xori %xor3A_1251, %not3A_1252 : vector<16x9216xi1>
      %select_n3A_1254 = arith.select %not3A_1253, %select_n3A_1235, %scan3A_1225 : vector<16x9216xi1>, vector<16x9216xf32>
      %select_n3A_1255 = arith.select %not3A_1253, %select_n3A_1238, %scan3A_1226 : vector<16x9216xi1>, vector<16x9216xi32>
      %eq3A_1256 = arith.constant 1 : i32
      %eq3A_1257 = arith.cmpi eq, %scan3A_1224, %eq3A_1256 : i32
      %mul3A_1258 = arith.constant 2 : i32
      %mul3A_1259 = arith.muli %scan3A_1223, %mul3A_1258 : i32
      %select_n3A_1260 = arith.select %eq3A_1257, %mul3A_1259, %scan3A_1223 : i32
      %jit3A = arith.constant 2 : i32
      %div3A = arith.divsi %scan3A_1224, %jit3A : i32
      %sign3A = arith.constant 0 : i32
      %sign3A_1261 = arith.cmpi sgt, %scan3A_1224, %sign3A : i32
      %sign3A_1262 = arith.extui %sign3A_1261 : i1 to i32
      %sign3A_1263 = arith.constant 0 : i32
      %sign3A_1264 = arith.cmpi slt, %scan3A_1224, %sign3A_1263 : i32
      %sign3A_1265 = arith.extui %sign3A_1264 : i1 to i32
      %sign3A_1266 = arith.subi %sign3A_1262, %sign3A_1265 : i32
      %sign3A_1267 = arith.constant 0 : i32
      %sign3A_1268 = arith.cmpi sgt, %jit3A, %sign3A_1267 : i32
      %sign3A_1269 = arith.extui %sign3A_1268 : i1 to i32
      %sign3A_1270 = arith.constant 0 : i32
      %sign3A_1271 = arith.cmpi slt, %jit3A, %sign3A_1270 : i32
      %sign3A_1272 = arith.extui %sign3A_1271 : i1 to i32
      %sign3A_1273 = arith.subi %sign3A_1269, %sign3A_1272 : i32
      %ne3A_1274 = arith.cmpi ne, %sign3A_1266, %sign3A_1273 : i32
      %rem3A = arith.remsi %scan3A_1224, %jit3A : i32
      %ne3A_1275 = arith.constant 0 : i32
      %ne3A_1276 = arith.cmpi ne, %rem3A, %ne3A_1275 : i32
      %and3A_1277 = arith.andi %ne3A_1274, %ne3A_1276 : i1
      %sub3A_1278 = arith.constant 1 : i32
      %sub3A_1279 = arith.subi %div3A, %sub3A_1278 : i32
      %select_n3A_1280 = arith.select %and3A_1277, %sub3A_1279, %div3A : i32
      %select_n3A_1281 = arith.select %eq3A_1257, %scan3A_1223, %select_n3A_1280 : i32
      scf.yield %select_n3A_1260, %select_n3A_1281, %select_n3A_1254, %select_n3A_1255 : i32, i32, vector<16x9216xf32>, vector<16x9216xi32>
    }
    %iota3A_10 = tpu.iota {dimensions = array<i32: 1>} : vector<16x9216xi32>
    %roll3A = arith.constant 8192 : i32
    %roll3A_11 = tpu.dynamic_rotate %scan3A_9#2 by %roll3A dim 1 : vector<16x9216xf32>, i32 -> vector<16x9216xf32>
    %roll3A_12 = arith.constant 8192 : i32
    %roll3A_13 = tpu.dynamic_rotate %scan3A_9#3 by %roll3A_12 dim 1 : vector<16x9216xi32>, i32 -> vector<16x9216xi32>
    %gt3A = arith.cmpf ogt, %scan3A_9#2, %roll3A_11 : vector<16x9216xf32>
    %eq3A = arith.cmpf oeq, %scan3A_9#2, %roll3A_11 : vector<16x9216xf32>
    %lt3A = arith.cmpi slt, %scan3A_9#3, %roll3A_13 : vector<16x9216xi32>
    %and3A = arith.andi %eq3A, %lt3A : vector<16x9216xi1>
    %or3A = arith.ori %gt3A, %and3A : vector<16x9216xi1>
    %lt3A_14 = arith.constant 8192 : i32
    %lt3A_15 = vector.broadcast %lt3A_14 : i32 to vector<16x9216xi32>
    %lt3A_16 = arith.cmpi slt, %iota3A_10, %lt3A_15 : vector<16x9216xi32>
    %not3A = arith.constant dense<true> : vector<16x9216xi1>
    %not3A_17 = arith.xori %or3A, %not3A : vector<16x9216xi1>
    %and3A_18 = arith.andi %lt3A_16, %not3A_17 : vector<16x9216xi1>
    %select_n3A = arith.select %and3A_18, %roll3A_11, %scan3A_9#2 : vector<16x9216xi1>, vector<16x9216xf32>
    %not3A_19 = arith.constant dense<true> : vector<16x9216xi1>
    %not3A_20 = arith.xori %or3A, %not3A_19 : vector<16x9216xi1>
    %and3A_21 = arith.andi %lt3A_16, %not3A_20 : vector<16x9216xi1>
    %select_n3A_22 = arith.select %and3A_21, %roll3A_13, %scan3A_9#3 : vector<16x9216xi1>, vector<16x9216xi32>
    %slice3A = vector.extract_strided_slice %select_n3A {offsets = [0, 0], sizes = [16, 1024], strides = [1, 1]} : vector<16x9216xf32> to vector<16x1024xf32>
    %slice3A_23 = vector.extract_strided_slice %select_n3A {offsets = [0, 2048], sizes = [16, 1024], strides = [1, 1]} : vector<16x9216xf32> to vector<16x1024xf32>
    %slice3A_24 = vector.extract_strided_slice %select_n3A {offsets = [0, 4096], sizes = [16, 1024], strides = [1, 1]} : vector<16x9216xf32> to vector<16x1024xf32>
    %slice3A_25 = vector.extract_strided_slice %select_n3A {offsets = [0, 6144], sizes = [16, 1024], strides = [1, 1]} : vector<16x9216xf32> to vector<16x1024xf32>
    %slice3A_26 = vector.extract_strided_slice %select_n3A {offsets = [0, 8192], sizes = [16, 1024], strides = [1, 1]} : vector<16x9216xf32> to vector<16x1024xf32>
    %concatenate3A = tpu.concatenate %slice3A, %slice3A_23, %slice3A_24, %slice3A_25, %slice3A_26 in 1 : vector<16x1024xf32>, vector<16x1024xf32>, vector<16x1024xf32>, vector<16x1024xf32>, vector<16x1024xf32> -> vector<16x5120xf32>
    %slice3A_27 = vector.extract_strided_slice %select_n3A_22 {offsets = [0, 0], sizes = [16, 1024], strides = [1, 1]} : vector<16x9216xi32> to vector<16x1024xi32>
    %slice3A_28 = vector.extract_strided_slice %select_n3A_22 {offsets = [0, 2048], sizes = [16, 1024], strides = [1, 1]} : vector<16x9216xi32> to vector<16x1024xi32>
    %slice3A_29 = vector.extract_strided_slice %select_n3A_22 {offsets = [0, 4096], sizes = [16, 1024], strides = [1, 1]} : vector<16x9216xi32> to vector<16x1024xi32>
    %slice3A_30 = vector.extract_strided_slice %select_n3A_22 {offsets = [0, 6144], sizes = [16, 1024], strides = [1, 1]} : vector<16x9216xi32> to vector<16x1024xi32>
    %slice3A_31 = vector.extract_strided_slice %select_n3A_22 {offsets = [0, 8192], sizes = [16, 1024], strides = [1, 1]} : vector<16x9216xi32> to vector<16x1024xi32>
    %concatenate3A_32 = tpu.concatenate %slice3A_27, %slice3A_28, %slice3A_29, %slice3A_30, %slice3A_31 in 1 : vector<16x1024xi32>, vector<16x1024xi32>, vector<16x1024xi32>, vector<16x1024xi32>, vector<16x1024xi32> -> vector<16x5120xi32>
    %iota3A_33 = tpu.iota {dimensions = array<i32: 1>} : vector<16x5120xi32>
    %and3A_34 = arith.constant 1024 : i32
    %and3A_35 = vector.broadcast %and3A_34 : i32 to vector<16x5120xi32>
    %and3A_36 = arith.andi %iota3A_33, %and3A_35 : vector<16x5120xi32>
    %eq3A_37 = arith.constant 0 : i32
    %eq3A_38 = vector.broadcast %eq3A_37 : i32 to vector<16x5120xi32>
    %eq3A_39 = arith.cmpi eq, %and3A_36, %eq3A_38 : vector<16x5120xi32>
    %lt3A_40 = arith.constant 4096 : i32
    %lt3A_41 = vector.broadcast %lt3A_40 : i32 to vector<16x5120xi32>
    %lt3A_42 = arith.cmpi slt, %iota3A_33, %lt3A_41 : vector<16x5120xi32>
    %and3A_43 = arith.andi %eq3A_39, %lt3A_42 : vector<16x5120xi1>
    %iota3A_44 = tpu.iota {dimensions = array<i32: 1>} : vector<16x5120xi32>
    %and3A_45 = arith.constant 512 : i32
    %and3A_46 = vector.broadcast %and3A_45 : i32 to vector<16x5120xi32>
    %and3A_47 = arith.andi %iota3A_44, %and3A_46 : vector<16x5120xi32>
    %ne3A = arith.constant 0 : i32
    %ne3A_48 = vector.broadcast %ne3A : i32 to vector<16x5120xi32>
    %ne3A_49 = arith.cmpi ne, %and3A_47, %ne3A_48 : vector<16x5120xi32>
    %roll3A_50 = arith.constant 512 : i32
    %roll3A_51 = tpu.dynamic_rotate %concatenate3A by %roll3A_50 dim 1 : vector<16x5120xf32>, i32 -> vector<16x5120xf32>
    %roll3A_52 = arith.constant 4608 : i32
    %roll3A_53 = tpu.dynamic_rotate %concatenate3A by %roll3A_52 dim 1 : vector<16x5120xf32>, i32 -> vector<16x5120xf32>
    %select_n3A_54 = arith.select %ne3A_49, %roll3A_51, %roll3A_53 : vector<16x5120xi1>, vector<16x5120xf32>
    %roll3A_55 = arith.constant 512 : i32
    %roll3A_56 = tpu.dynamic_rotate %concatenate3A_32 by %roll3A_55 dim 1 : vector<16x5120xi32>, i32 -> vector<16x5120xi32>
    %roll3A_57 = arith.constant 4608 : i32
    %roll3A_58 = tpu.dynamic_rotate %concatenate3A_32 by %roll3A_57 dim 1 : vector<16x5120xi32>, i32 -> vector<16x5120xi32>
    %select_n3A_59 = arith.select %ne3A_49, %roll3A_56, %roll3A_58 : vector<16x5120xi1>, vector<16x5120xi32>
    %gt3A_60 = arith.cmpf ogt, %select_n3A_54, %concatenate3A : vector<16x5120xf32>
    %eq3A_61 = arith.cmpf oeq, %select_n3A_54, %concatenate3A : vector<16x5120xf32>
    %lt3A_62 = arith.cmpi slt, %select_n3A_59, %concatenate3A_32 : vector<16x5120xi32>
    %and3A_63 = arith.andi %eq3A_61, %lt3A_62 : vector<16x5120xi1>
    %or3A_64 = arith.ori %gt3A_60, %and3A_63 : vector<16x5120xi1>
    %xor3A = arith.xori %and3A_43, %ne3A_49 : vector<16x5120xi1>
    %xor3A_65 = arith.xori %or3A_64, %xor3A : vector<16x5120xi1>
    %not3A_66 = arith.constant dense<true> : vector<16x5120xi1>
    %not3A_67 = arith.xori %xor3A_65, %not3A_66 : vector<16x5120xi1>
    %select_n3A_68 = arith.select %not3A_67, %select_n3A_54, %concatenate3A : vector<16x5120xi1>, vector<16x5120xf32>
    %select_n3A_69 = arith.select %not3A_67, %select_n3A_59, %concatenate3A_32 : vector<16x5120xi1>, vector<16x5120xi32>
    %and3A_70 = arith.constant 256 : i32
    %and3A_71 = vector.broadcast %and3A_70 : i32 to vector<16x5120xi32>
    %and3A_72 = arith.andi %iota3A_44, %and3A_71 : vector<16x5120xi32>
    %ne3A_73 = arith.constant 0 : i32
    %ne3A_74 = vector.broadcast %ne3A_73 : i32 to vector<16x5120xi32>
    %ne3A_75 = arith.cmpi ne, %and3A_72, %ne3A_74 : vector<16x5120xi32>
    %roll3A_76 = arith.constant 256 : i32
    %roll3A_77 = tpu.dynamic_rotate %select_n3A_68 by %roll3A_76 dim 1 : vector<16x5120xf32>, i32 -> vector<16x5120xf32>
    %roll3A_78 = arith.constant 4864 : i32
    %roll3A_79 = tpu.dynamic_rotate %select_n3A_68 by %roll3A_78 dim 1 : vector<16x5120xf32>, i32 -> vector<16x5120xf32>
    %select_n3A_80 = arith.select %ne3A_75, %roll3A_77, %roll3A_79 : vector<16x5120xi1>, vector<16x5120xf32>
    %roll3A_81 = arith.constant 256 : i32
    %roll3A_82 = tpu.dynamic_rotate %select_n3A_69 by %roll3A_81 dim 1 : vector<16x5120xi32>, i32 -> vector<16x5120xi32>
    %roll3A_83 = arith.constant 4864 : i32
    %roll3A_84 = tpu.dynamic_rotate %select_n3A_69 by %roll3A_83 dim 1 : vector<16x5120xi32>, i32 -> vector<16x5120xi32>
    %select_n3A_85 = arith.select %ne3A_75, %roll3A_82, %roll3A_84 : vector<16x5120xi1>, vector<16x5120xi32>
    %gt3A_86 = arith.cmpf ogt, %select_n3A_80, %select_n3A_68 : vector<16x5120xf32>
    %eq3A_87 = arith.cmpf oeq, %select_n3A_80, %select_n3A_68 : vector<16x5120xf32>
    %lt3A_88 = arith.cmpi slt, %select_n3A_85, %select_n3A_69 : vector<16x5120xi32>
    %and3A_89 = arith.andi %eq3A_87, %lt3A_88 : vector<16x5120xi1>
    %or3A_90 = arith.ori %gt3A_86, %and3A_89 : vector<16x5120xi1>
    %xor3A_91 = arith.xori %and3A_43, %ne3A_75 : vector<16x5120xi1>
    %xor3A_92 = arith.xori %or3A_90, %xor3A_91 : vector<16x5120xi1>
    %not3A_93 = arith.constant dense<true> : vector<16x5120xi1>
    %not3A_94 = arith.xori %xor3A_92, %not3A_93 : vector<16x5120xi1>
    %select_n3A_95 = arith.select %not3A_94, %select_n3A_80, %select_n3A_68 : vector<16x5120xi1>, vector<16x5120xf32>
    %select_n3A_96 = arith.select %not3A_94, %select_n3A_85, %select_n3A_69 : vector<16x5120xi1>, vector<16x5120xi32>
    %and3A_97 = arith.constant 128 : i32
    %and3A_98 = vector.broadcast %and3A_97 : i32 to vector<16x5120xi32>
    %and3A_99 = arith.andi %iota3A_44, %and3A_98 : vector<16x5120xi32>
    %ne3A_100 = arith.constant 0 : i32
    %ne3A_101 = vector.broadcast %ne3A_100 : i32 to vector<16x5120xi32>
    %ne3A_102 = arith.cmpi ne, %and3A_99, %ne3A_101 : vector<16x5120xi32>
    %roll3A_103 = arith.constant 128 : i32
    %roll3A_104 = tpu.dynamic_rotate %select_n3A_95 by %roll3A_103 dim 1 : vector<16x5120xf32>, i32 -> vector<16x5120xf32>
    %roll3A_105 = arith.constant 4992 : i32
    %roll3A_106 = tpu.dynamic_rotate %select_n3A_95 by %roll3A_105 dim 1 : vector<16x5120xf32>, i32 -> vector<16x5120xf32>
    %select_n3A_107 = arith.select %ne3A_102, %roll3A_104, %roll3A_106 : vector<16x5120xi1>, vector<16x5120xf32>
    %roll3A_108 = arith.constant 128 : i32
    %roll3A_109 = tpu.dynamic_rotate %select_n3A_96 by %roll3A_108 dim 1 : vector<16x5120xi32>, i32 -> vector<16x5120xi32>
    %roll3A_110 = arith.constant 4992 : i32
    %roll3A_111 = tpu.dynamic_rotate %select_n3A_96 by %roll3A_110 dim 1 : vector<16x5120xi32>, i32 -> vector<16x5120xi32>
    %select_n3A_112 = arith.select %ne3A_102, %roll3A_109, %roll3A_111 : vector<16x5120xi1>, vector<16x5120xi32>
    %gt3A_113 = arith.cmpf ogt, %select_n3A_107, %select_n3A_95 : vector<16x5120xf32>
    %eq3A_114 = arith.cmpf oeq, %select_n3A_107, %select_n3A_95 : vector<16x5120xf32>
    %lt3A_115 = arith.cmpi slt, %select_n3A_112, %select_n3A_96 : vector<16x5120xi32>
    %and3A_116 = arith.andi %eq3A_114, %lt3A_115 : vector<16x5120xi1>
    %or3A_117 = arith.ori %gt3A_113, %and3A_116 : vector<16x5120xi1>
    %xor3A_118 = arith.xori %and3A_43, %ne3A_102 : vector<16x5120xi1>
    %xor3A_119 = arith.xori %or3A_117, %xor3A_118 : vector<16x5120xi1>
    %not3A_120 = arith.constant dense<true> : vector<16x5120xi1>
    %not3A_121 = arith.xori %xor3A_119, %not3A_120 : vector<16x5120xi1>
    %select_n3A_122 = arith.select %not3A_121, %select_n3A_107, %select_n3A_95 : vector<16x5120xi1>, vector<16x5120xf32>
    %select_n3A_123 = arith.select %not3A_121, %select_n3A_112, %select_n3A_96 : vector<16x5120xi1>, vector<16x5120xi32>
    %and3A_124 = arith.constant 64 : i32
    %and3A_125 = vector.broadcast %and3A_124 : i32 to vector<16x5120xi32>
    %and3A_126 = arith.andi %iota3A_44, %and3A_125 : vector<16x5120xi32>
    %ne3A_127 = arith.constant 0 : i32
    %ne3A_128 = vector.broadcast %ne3A_127 : i32 to vector<16x5120xi32>
    %ne3A_129 = arith.cmpi ne, %and3A_126, %ne3A_128 : vector<16x5120xi32>
    %roll3A_130 = arith.constant 64 : i32
    %roll3A_131 = tpu.dynamic_rotate %select_n3A_122 by %roll3A_130 dim 1 : vector<16x5120xf32>, i32 -> vector<16x5120xf32>
    %roll3A_132 = arith.constant 5056 : i32
    %roll3A_133 = tpu.dynamic_rotate %select_n3A_122 by %roll3A_132 dim 1 : vector<16x5120xf32>, i32 -> vector<16x5120xf32>
    %select_n3A_134 = arith.select %ne3A_129, %roll3A_131, %roll3A_133 : vector<16x5120xi1>, vector<16x5120xf32>
    %roll3A_135 = arith.constant 64 : i32
    %roll3A_136 = tpu.dynamic_rotate %select_n3A_123 by %roll3A_135 dim 1 : vector<16x5120xi32>, i32 -> vector<16x5120xi32>
    %roll3A_137 = arith.constant 5056 : i32
    %roll3A_138 = tpu.dynamic_rotate %select_n3A_123 by %roll3A_137 dim 1 : vector<16x5120xi32>, i32 -> vector<16x5120xi32>
    %select_n3A_139 = arith.select %ne3A_129, %roll3A_136, %roll3A_138 : vector<16x5120xi1>, vector<16x5120xi32>
    %gt3A_140 = arith.cmpf ogt, %select_n3A_134, %select_n3A_122 : vector<16x5120xf32>
    %eq3A_141 = arith.cmpf oeq, %select_n3A_134, %select_n3A_122 : vector<16x5120xf32>
    %lt3A_142 = arith.cmpi slt, %select_n3A_139, %select_n3A_123 : vector<16x5120xi32>
    %and3A_143 = arith.andi %eq3A_141, %lt3A_142 : vector<16x5120xi1>
    %or3A_144 = arith.ori %gt3A_140, %and3A_143 : vector<16x5120xi1>
    %xor3A_145 = arith.xori %and3A_43, %ne3A_129 : vector<16x5120xi1>
    %xor3A_146 = arith.xori %or3A_144, %xor3A_145 : vector<16x5120xi1>
    %not3A_147 = arith.constant dense<true> : vector<16x5120xi1>
    %not3A_148 = arith.xori %xor3A_146, %not3A_147 : vector<16x5120xi1>
    %select_n3A_149 = arith.select %not3A_148, %select_n3A_134, %select_n3A_122 : vector<16x5120xi1>, vector<16x5120xf32>
    %select_n3A_150 = arith.select %not3A_148, %select_n3A_139, %select_n3A_123 : vector<16x5120xi1>, vector<16x5120xi32>
    %and3A_151 = arith.constant 32 : i32
    %and3A_152 = vector.broadcast %and3A_151 : i32 to vector<16x5120xi32>
    %and3A_153 = arith.andi %iota3A_44, %and3A_152 : vector<16x5120xi32>
    %ne3A_154 = arith.constant 0 : i32
    %ne3A_155 = vector.broadcast %ne3A_154 : i32 to vector<16x5120xi32>
    %ne3A_156 = arith.cmpi ne, %and3A_153, %ne3A_155 : vector<16x5120xi32>
    %roll3A_157 = arith.constant 32 : i32
    %roll3A_158 = tpu.dynamic_rotate %select_n3A_149 by %roll3A_157 dim 1 : vector<16x5120xf32>, i32 -> vector<16x5120xf32>
    %roll3A_159 = arith.constant 5088 : i32
    %roll3A_160 = tpu.dynamic_rotate %select_n3A_149 by %roll3A_159 dim 1 : vector<16x5120xf32>, i32 -> vector<16x5120xf32>
    %select_n3A_161 = arith.select %ne3A_156, %roll3A_158, %roll3A_160 : vector<16x5120xi1>, vector<16x5120xf32>
    %roll3A_162 = arith.constant 32 : i32
    %roll3A_163 = tpu.dynamic_rotate %select_n3A_150 by %roll3A_162 dim 1 : vector<16x5120xi32>, i32 -> vector<16x5120xi32>
    %roll3A_164 = arith.constant 5088 : i32
    %roll3A_165 = tpu.dynamic_rotate %select_n3A_150 by %roll3A_164 dim 1 : vector<16x5120xi32>, i32 -> vector<16x5120xi32>
    %select_n3A_166 = arith.select %ne3A_156, %roll3A_163, %roll3A_165 : vector<16x5120xi1>, vector<16x5120xi32>
    %gt3A_167 = arith.cmpf ogt, %select_n3A_161, %select_n3A_149 : vector<16x5120xf32>
    %eq3A_168 = arith.cmpf oeq, %select_n3A_161, %select_n3A_149 : vector<16x5120xf32>
    %lt3A_169 = arith.cmpi slt, %select_n3A_166, %select_n3A_150 : vector<16x5120xi32>
    %and3A_170 = arith.andi %eq3A_168, %lt3A_169 : vector<16x5120xi1>
    %or3A_171 = arith.ori %gt3A_167, %and3A_170 : vector<16x5120xi1>
    %xor3A_172 = arith.xori %and3A_43, %ne3A_156 : vector<16x5120xi1>
    %xor3A_173 = arith.xori %or3A_171, %xor3A_172 : vector<16x5120xi1>
    %not3A_174 = arith.constant dense<true> : vector<16x5120xi1>
    %not3A_175 = arith.xori %xor3A_173, %not3A_174 : vector<16x5120xi1>
    %select_n3A_176 = arith.select %not3A_175, %select_n3A_161, %select_n3A_149 : vector<16x5120xi1>, vector<16x5120xf32>
    %select_n3A_177 = arith.select %not3A_175, %select_n3A_166, %select_n3A_150 : vector<16x5120xi1>, vector<16x5120xi32>
    %and3A_178 = arith.constant 16 : i32
    %and3A_179 = vector.broadcast %and3A_178 : i32 to vector<16x5120xi32>
    %and3A_180 = arith.andi %iota3A_44, %and3A_179 : vector<16x5120xi32>
    %ne3A_181 = arith.constant 0 : i32
    %ne3A_182 = vector.broadcast %ne3A_181 : i32 to vector<16x5120xi32>
    %ne3A_183 = arith.cmpi ne, %and3A_180, %ne3A_182 : vector<16x5120xi32>
    %roll3A_184 = arith.constant 16 : i32
    %roll3A_185 = tpu.dynamic_rotate %select_n3A_176 by %roll3A_184 dim 1 : vector<16x5120xf32>, i32 -> vector<16x5120xf32>
    %roll3A_186 = arith.constant 5104 : i32
    %roll3A_187 = tpu.dynamic_rotate %select_n3A_176 by %roll3A_186 dim 1 : vector<16x5120xf32>, i32 -> vector<16x5120xf32>
    %select_n3A_188 = arith.select %ne3A_183, %roll3A_185, %roll3A_187 : vector<16x5120xi1>, vector<16x5120xf32>
    %roll3A_189 = arith.constant 16 : i32
    %roll3A_190 = tpu.dynamic_rotate %select_n3A_177 by %roll3A_189 dim 1 : vector<16x5120xi32>, i32 -> vector<16x5120xi32>
    %roll3A_191 = arith.constant 5104 : i32
    %roll3A_192 = tpu.dynamic_rotate %select_n3A_177 by %roll3A_191 dim 1 : vector<16x5120xi32>, i32 -> vector<16x5120xi32>
    %select_n3A_193 = arith.select %ne3A_183, %roll3A_190, %roll3A_192 : vector<16x5120xi1>, vector<16x5120xi32>
    %gt3A_194 = arith.cmpf ogt, %select_n3A_188, %select_n3A_176 : vector<16x5120xf32>
    %eq3A_195 = arith.cmpf oeq, %select_n3A_188, %select_n3A_176 : vector<16x5120xf32>
    %lt3A_196 = arith.cmpi slt, %select_n3A_193, %select_n3A_177 : vector<16x5120xi32>
    %and3A_197 = arith.andi %eq3A_195, %lt3A_196 : vector<16x5120xi1>
    %or3A_198 = arith.ori %gt3A_194, %and3A_197 : vector<16x5120xi1>
    %xor3A_199 = arith.xori %and3A_43, %ne3A_183 : vector<16x5120xi1>
    %xor3A_200 = arith.xori %or3A_198, %xor3A_199 : vector<16x5120xi1>
    %not3A_201 = arith.constant dense<true> : vector<16x5120xi1>
    %not3A_202 = arith.xori %xor3A_200, %not3A_201 : vector<16x5120xi1>
    %select_n3A_203 = arith.select %not3A_202, %select_n3A_188, %select_n3A_176 : vector<16x5120xi1>, vector<16x5120xf32>
    %select_n3A_204 = arith.select %not3A_202, %select_n3A_193, %select_n3A_177 : vector<16x5120xi1>, vector<16x5120xi32>
    %and3A_205 = arith.constant 8 : i32
    %and3A_206 = vector.broadcast %and3A_205 : i32 to vector<16x5120xi32>
    %and3A_207 = arith.andi %iota3A_44, %and3A_206 : vector<16x5120xi32>
    %ne3A_208 = arith.constant 0 : i32
    %ne3A_209 = vector.broadcast %ne3A_208 : i32 to vector<16x5120xi32>
    %ne3A_210 = arith.cmpi ne, %and3A_207, %ne3A_209 : vector<16x5120xi32>
    %roll3A_211 = arith.constant 8 : i32
    %roll3A_212 = tpu.dynamic_rotate %select_n3A_203 by %roll3A_211 dim 1 : vector<16x5120xf32>, i32 -> vector<16x5120xf32>
    %roll3A_213 = arith.constant 5112 : i32
    %roll3A_214 = tpu.dynamic_rotate %select_n3A_203 by %roll3A_213 dim 1 : vector<16x5120xf32>, i32 -> vector<16x5120xf32>
    %select_n3A_215 = arith.select %ne3A_210, %roll3A_212, %roll3A_214 : vector<16x5120xi1>, vector<16x5120xf32>
    %roll3A_216 = arith.constant 8 : i32
    %roll3A_217 = tpu.dynamic_rotate %select_n3A_204 by %roll3A_216 dim 1 : vector<16x5120xi32>, i32 -> vector<16x5120xi32>
    %roll3A_218 = arith.constant 5112 : i32
    %roll3A_219 = tpu.dynamic_rotate %select_n3A_204 by %roll3A_218 dim 1 : vector<16x5120xi32>, i32 -> vector<16x5120xi32>
    %select_n3A_220 = arith.select %ne3A_210, %roll3A_217, %roll3A_219 : vector<16x5120xi1>, vector<16x5120xi32>
    %gt3A_221 = arith.cmpf ogt, %select_n3A_215, %select_n3A_203 : vector<16x5120xf32>
    %eq3A_222 = arith.cmpf oeq, %select_n3A_215, %select_n3A_203 : vector<16x5120xf32>
    %lt3A_223 = arith.cmpi slt, %select_n3A_220, %select_n3A_204 : vector<16x5120xi32>
    %and3A_224 = arith.andi %eq3A_222, %lt3A_223 : vector<16x5120xi1>
    %or3A_225 = arith.ori %gt3A_221, %and3A_224 : vector<16x5120xi1>
    %xor3A_226 = arith.xori %and3A_43, %ne3A_210 : vector<16x5120xi1>
    %xor3A_227 = arith.xori %or3A_225, %xor3A_226 : vector<16x5120xi1>
    %not3A_228 = arith.constant dense<true> : vector<16x5120xi1>
    %not3A_229 = arith.xori %xor3A_227, %not3A_228 : vector<16x5120xi1>
    %select_n3A_230 = arith.select %not3A_229, %select_n3A_215, %select_n3A_203 : vector<16x5120xi1>, vector<16x5120xf32>
    %select_n3A_231 = arith.select %not3A_229, %select_n3A_220, %select_n3A_204 : vector<16x5120xi1>, vector<16x5120xi32>
    %and3A_232 = arith.constant 4 : i32
    %and3A_233 = vector.broadcast %and3A_232 : i32 to vector<16x5120xi32>
    %and3A_234 = arith.andi %iota3A_44, %and3A_233 : vector<16x5120xi32>
    %ne3A_235 = arith.constant 0 : i32
    %ne3A_236 = vector.broadcast %ne3A_235 : i32 to vector<16x5120xi32>
    %ne3A_237 = arith.cmpi ne, %and3A_234, %ne3A_236 : vector<16x5120xi32>
    %roll3A_238 = arith.constant 4 : i32
    %roll3A_239 = tpu.dynamic_rotate %select_n3A_230 by %roll3A_238 dim 1 : vector<16x5120xf32>, i32 -> vector<16x5120xf32>
    %roll3A_240 = arith.constant 5116 : i32
    %roll3A_241 = tpu.dynamic_rotate %select_n3A_230 by %roll3A_240 dim 1 : vector<16x5120xf32>, i32 -> vector<16x5120xf32>
    %select_n3A_242 = arith.select %ne3A_237, %roll3A_239, %roll3A_241 : vector<16x5120xi1>, vector<16x5120xf32>
    %roll3A_243 = arith.constant 4 : i32
    %roll3A_244 = tpu.dynamic_rotate %select_n3A_231 by %roll3A_243 dim 1 : vector<16x5120xi32>, i32 -> vector<16x5120xi32>
    %roll3A_245 = arith.constant 5116 : i32
    %roll3A_246 = tpu.dynamic_rotate %select_n3A_231 by %roll3A_245 dim 1 : vector<16x5120xi32>, i32 -> vector<16x5120xi32>
    %select_n3A_247 = arith.select %ne3A_237, %roll3A_244, %roll3A_246 : vector<16x5120xi1>, vector<16x5120xi32>
    %gt3A_248 = arith.cmpf ogt, %select_n3A_242, %select_n3A_230 : vector<16x5120xf32>
    %eq3A_249 = arith.cmpf oeq, %select_n3A_242, %select_n3A_230 : vector<16x5120xf32>
    %lt3A_250 = arith.cmpi slt, %select_n3A_247, %select_n3A_231 : vector<16x5120xi32>
    %and3A_251 = arith.andi %eq3A_249, %lt3A_250 : vector<16x5120xi1>
    %or3A_252 = arith.ori %gt3A_248, %and3A_251 : vector<16x5120xi1>
    %xor3A_253 = arith.xori %and3A_43, %ne3A_237 : vector<16x5120xi1>
    %xor3A_254 = arith.xori %or3A_252, %xor3A_253 : vector<16x5120xi1>
    %not3A_255 = arith.constant dense<true> : vector<16x5120xi1>
    %not3A_256 = arith.xori %xor3A_254, %not3A_255 : vector<16x5120xi1>
    %select_n3A_257 = arith.select %not3A_256, %select_n3A_242, %select_n3A_230 : vector<16x5120xi1>, vector<16x5120xf32>
    %select_n3A_258 = arith.select %not3A_256, %select_n3A_247, %select_n3A_231 : vector<16x5120xi1>, vector<16x5120xi32>
    %and3A_259 = arith.constant 2 : i32
    %and3A_260 = vector.broadcast %and3A_259 : i32 to vector<16x5120xi32>
    %and3A_261 = arith.andi %iota3A_44, %and3A_260 : vector<16x5120xi32>
    %ne3A_262 = arith.constant 0 : i32
    %ne3A_263 = vector.broadcast %ne3A_262 : i32 to vector<16x5120xi32>
    %ne3A_264 = arith.cmpi ne, %and3A_261, %ne3A_263 : vector<16x5120xi32>
    %roll3A_265 = arith.constant 2 : i32
    %roll3A_266 = tpu.dynamic_rotate %select_n3A_257 by %roll3A_265 dim 1 : vector<16x5120xf32>, i32 -> vector<16x5120xf32>
    %roll3A_267 = arith.constant 5118 : i32
    %roll3A_268 = tpu.dynamic_rotate %select_n3A_257 by %roll3A_267 dim 1 : vector<16x5120xf32>, i32 -> vector<16x5120xf32>
    %select_n3A_269 = arith.select %ne3A_264, %roll3A_266, %roll3A_268 : vector<16x5120xi1>, vector<16x5120xf32>
    %roll3A_270 = arith.constant 2 : i32
    %roll3A_271 = tpu.dynamic_rotate %select_n3A_258 by %roll3A_270 dim 1 : vector<16x5120xi32>, i32 -> vector<16x5120xi32>
    %roll3A_272 = arith.constant 5118 : i32
    %roll3A_273 = tpu.dynamic_rotate %select_n3A_258 by %roll3A_272 dim 1 : vector<16x5120xi32>, i32 -> vector<16x5120xi32>
    %select_n3A_274 = arith.select %ne3A_264, %roll3A_271, %roll3A_273 : vector<16x5120xi1>, vector<16x5120xi32>
    %gt3A_275 = arith.cmpf ogt, %select_n3A_269, %select_n3A_257 : vector<16x5120xf32>
    %eq3A_276 = arith.cmpf oeq, %select_n3A_269, %select_n3A_257 : vector<16x5120xf32>
    %lt3A_277 = arith.cmpi slt, %select_n3A_274, %select_n3A_258 : vector<16x5120xi32>
    %and3A_278 = arith.andi %eq3A_276, %lt3A_277 : vector<16x5120xi1>
    %or3A_279 = arith.ori %gt3A_275, %and3A_278 : vector<16x5120xi1>
    %xor3A_280 = arith.xori %and3A_43, %ne3A_264 : vector<16x5120xi1>
    %xor3A_281 = arith.xori %or3A_279, %xor3A_280 : vector<16x5120xi1>
    %not3A_282 = arith.constant dense<true> : vector<16x5120xi1>
    %not3A_283 = arith.xori %xor3A_281, %not3A_282 : vector<16x5120xi1>
    %select_n3A_284 = arith.select %not3A_283, %select_n3A_269, %select_n3A_257 : vector<16x5120xi1>, vector<16x5120xf32>
    %select_n3A_285 = arith.select %not3A_283, %select_n3A_274, %select_n3A_258 : vector<16x5120xi1>, vector<16x5120xi32>
    %and3A_286 = arith.constant 1 : i32
    %and3A_287 = vector.broadcast %and3A_286 : i32 to vector<16x5120xi32>
    %and3A_288 = arith.andi %iota3A_44, %and3A_287 : vector<16x5120xi32>
    %ne3A_289 = arith.constant 0 : i32
    %ne3A_290 = vector.broadcast %ne3A_289 : i32 to vector<16x5120xi32>
    %ne3A_291 = arith.cmpi ne, %and3A_288, %ne3A_290 : vector<16x5120xi32>
    %roll3A_292 = arith.constant 1 : i32
    %roll3A_293 = tpu.dynamic_rotate %select_n3A_284 by %roll3A_292 dim 1 : vector<16x5120xf32>, i32 -> vector<16x5120xf32>
    %roll3A_294 = arith.constant 5119 : i32
    %roll3A_295 = tpu.dynamic_rotate %select_n3A_284 by %roll3A_294 dim 1 : vector<16x5120xf32>, i32 -> vector<16x5120xf32>
    %select_n3A_296 = arith.select %ne3A_291, %roll3A_293, %roll3A_295 : vector<16x5120xi1>, vector<16x5120xf32>
    %roll3A_297 = arith.constant 1 : i32
    %roll3A_298 = tpu.dynamic_rotate %select_n3A_285 by %roll3A_297 dim 1 : vector<16x5120xi32>, i32 -> vector<16x5120xi32>
    %roll3A_299 = arith.constant 5119 : i32
    %roll3A_300 = tpu.dynamic_rotate %select_n3A_285 by %roll3A_299 dim 1 : vector<16x5120xi32>, i32 -> vector<16x5120xi32>
    %select_n3A_301 = arith.select %ne3A_291, %roll3A_298, %roll3A_300 : vector<16x5120xi1>, vector<16x5120xi32>
    %gt3A_302 = arith.cmpf ogt, %select_n3A_296, %select_n3A_284 : vector<16x5120xf32>
    %eq3A_303 = arith.cmpf oeq, %select_n3A_296, %select_n3A_284 : vector<16x5120xf32>
    %lt3A_304 = arith.cmpi slt, %select_n3A_301, %select_n3A_285 : vector<16x5120xi32>
    %and3A_305 = arith.andi %eq3A_303, %lt3A_304 : vector<16x5120xi1>
    %or3A_306 = arith.ori %gt3A_302, %and3A_305 : vector<16x5120xi1>
    %xor3A_307 = arith.xori %and3A_43, %ne3A_291 : vector<16x5120xi1>
    %xor3A_308 = arith.xori %or3A_306, %xor3A_307 : vector<16x5120xi1>
    %not3A_309 = arith.constant dense<true> : vector<16x5120xi1>
    %not3A_310 = arith.xori %xor3A_308, %not3A_309 : vector<16x5120xi1>
    %select_n3A_311 = arith.select %not3A_310, %select_n3A_296, %select_n3A_284 : vector<16x5120xi1>, vector<16x5120xf32>
    %select_n3A_312 = arith.select %not3A_310, %select_n3A_301, %select_n3A_285 : vector<16x5120xi1>, vector<16x5120xi32>
    %iota3A_313 = tpu.iota {dimensions = array<i32: 1>} : vector<16x5120xi32>
    %roll3A_314 = arith.constant 4096 : i32
    %roll3A_315 = tpu.dynamic_rotate %select_n3A_311 by %roll3A_314 dim 1 : vector<16x5120xf32>, i32 -> vector<16x5120xf32>
    %roll3A_316 = arith.constant 4096 : i32
    %roll3A_317 = tpu.dynamic_rotate %select_n3A_312 by %roll3A_316 dim 1 : vector<16x5120xi32>, i32 -> vector<16x5120xi32>
    %gt3A_318 = arith.cmpf ogt, %select_n3A_311, %roll3A_315 : vector<16x5120xf32>
    %eq3A_319 = arith.cmpf oeq, %select_n3A_311, %roll3A_315 : vector<16x5120xf32>
    %lt3A_320 = arith.cmpi slt, %select_n3A_312, %roll3A_317 : vector<16x5120xi32>
    %and3A_321 = arith.andi %eq3A_319, %lt3A_320 : vector<16x5120xi1>
    %or3A_322 = arith.ori %gt3A_318, %and3A_321 : vector<16x5120xi1>
    %lt3A_323 = arith.constant 4096 : i32
    %lt3A_324 = vector.broadcast %lt3A_323 : i32 to vector<16x5120xi32>
    %lt3A_325 = arith.cmpi slt, %iota3A_313, %lt3A_324 : vector<16x5120xi32>
    %not3A_326 = arith.constant dense<true> : vector<16x5120xi1>
    %not3A_327 = arith.xori %or3A_322, %not3A_326 : vector<16x5120xi1>
    %and3A_328 = arith.andi %lt3A_325, %not3A_327 : vector<16x5120xi1>
    %select_n3A_329 = arith.select %and3A_328, %roll3A_315, %select_n3A_311 : vector<16x5120xi1>, vector<16x5120xf32>
    %not3A_330 = arith.constant dense<true> : vector<16x5120xi1>
    %not3A_331 = arith.xori %or3A_322, %not3A_330 : vector<16x5120xi1>
    %and3A_332 = arith.andi %lt3A_325, %not3A_331 : vector<16x5120xi1>
    %select_n3A_333 = arith.select %and3A_332, %roll3A_317, %select_n3A_312 : vector<16x5120xi1>, vector<16x5120xi32>
    %slice3A_334 = vector.extract_strided_slice %select_n3A_329 {offsets = [0, 0], sizes = [16, 1024], strides = [1, 1]} : vector<16x5120xf32> to vector<16x1024xf32>
    %slice3A_335 = vector.extract_strided_slice %select_n3A_329 {offsets = [0, 2048], sizes = [16, 1024], strides = [1, 1]} : vector<16x5120xf32> to vector<16x1024xf32>
    %slice3A_336 = vector.extract_strided_slice %select_n3A_329 {offsets = [0, 4096], sizes = [16, 1024], strides = [1, 1]} : vector<16x5120xf32> to vector<16x1024xf32>
    %concatenate3A_337 = tpu.concatenate %slice3A_334, %slice3A_335, %slice3A_336 in 1 : vector<16x1024xf32>, vector<16x1024xf32>, vector<16x1024xf32> -> vector<16x3072xf32>
    %slice3A_338 = vector.extract_strided_slice %select_n3A_333 {offsets = [0, 0], sizes = [16, 1024], strides = [1, 1]} : vector<16x5120xi32> to vector<16x1024xi32>
    %slice3A_339 = vector.extract_strided_slice %select_n3A_333 {offsets = [0, 2048], sizes = [16, 1024], strides = [1, 1]} : vector<16x5120xi32> to vector<16x1024xi32>
    %slice3A_340 = vector.extract_strided_slice %select_n3A_333 {offsets = [0, 4096], sizes = [16, 1024], strides = [1, 1]} : vector<16x5120xi32> to vector<16x1024xi32>
    %concatenate3A_341 = tpu.concatenate %slice3A_338, %slice3A_339, %slice3A_340 in 1 : vector<16x1024xi32>, vector<16x1024xi32>, vector<16x1024xi32> -> vector<16x3072xi32>
    %iota3A_342 = tpu.iota {dimensions = array<i32: 1>} : vector<16x3072xi32>
    %lt3A_343 = arith.constant 1024 : i32
    %lt3A_344 = vector.broadcast %lt3A_343 : i32 to vector<16x3072xi32>
    %lt3A_345 = arith.cmpi slt, %iota3A_342, %lt3A_344 : vector<16x3072xi32>
    %iota3A_346 = tpu.iota {dimensions = array<i32: 1>} : vector<16x3072xi32>
    %and3A_347 = arith.constant 512 : i32
    %and3A_348 = vector.broadcast %and3A_347 : i32 to vector<16x3072xi32>
    %and3A_349 = arith.andi %iota3A_346, %and3A_348 : vector<16x3072xi32>
    %ne3A_350 = arith.constant 0 : i32
    %ne3A_351 = vector.broadcast %ne3A_350 : i32 to vector<16x3072xi32>
    %ne3A_352 = arith.cmpi ne, %and3A_349, %ne3A_351 : vector<16x3072xi32>
    %roll3A_353 = arith.constant 512 : i32
    %roll3A_354 = tpu.dynamic_rotate %concatenate3A_337 by %roll3A_353 dim 1 : vector<16x3072xf32>, i32 -> vector<16x3072xf32>
    %roll3A_355 = arith.constant 2560 : i32
    %roll3A_356 = tpu.dynamic_rotate %concatenate3A_337 by %roll3A_355 dim 1 : vector<16x3072xf32>, i32 -> vector<16x3072xf32>
    %select_n3A_357 = arith.select %ne3A_352, %roll3A_354, %roll3A_356 : vector<16x3072xi1>, vector<16x3072xf32>
    %roll3A_358 = arith.constant 512 : i32
    %roll3A_359 = tpu.dynamic_rotate %concatenate3A_341 by %roll3A_358 dim 1 : vector<16x3072xi32>, i32 -> vector<16x3072xi32>
    %roll3A_360 = arith.constant 2560 : i32
    %roll3A_361 = tpu.dynamic_rotate %concatenate3A_341 by %roll3A_360 dim 1 : vector<16x3072xi32>, i32 -> vector<16x3072xi32>
    %select_n3A_362 = arith.select %ne3A_352, %roll3A_359, %roll3A_361 : vector<16x3072xi1>, vector<16x3072xi32>
    %gt3A_363 = arith.cmpf ogt, %select_n3A_357, %concatenate3A_337 : vector<16x3072xf32>
    %eq3A_364 = arith.cmpf oeq, %select_n3A_357, %concatenate3A_337 : vector<16x3072xf32>
    %lt3A_365 = arith.cmpi slt, %select_n3A_362, %concatenate3A_341 : vector<16x3072xi32>
    %and3A_366 = arith.andi %eq3A_364, %lt3A_365 : vector<16x3072xi1>
    %or3A_367 = arith.ori %gt3A_363, %and3A_366 : vector<16x3072xi1>
    %xor3A_368 = arith.xori %lt3A_345, %ne3A_352 : vector<16x3072xi1>
    %xor3A_369 = arith.xori %or3A_367, %xor3A_368 : vector<16x3072xi1>
    %not3A_370 = arith.constant dense<true> : vector<16x3072xi1>
    %not3A_371 = arith.xori %xor3A_369, %not3A_370 : vector<16x3072xi1>
    %select_n3A_372 = arith.select %not3A_371, %select_n3A_357, %concatenate3A_337 : vector<16x3072xi1>, vector<16x3072xf32>
    %select_n3A_373 = arith.select %not3A_371, %select_n3A_362, %concatenate3A_341 : vector<16x3072xi1>, vector<16x3072xi32>
    %and3A_374 = arith.constant 256 : i32
    %and3A_375 = vector.broadcast %and3A_374 : i32 to vector<16x3072xi32>
    %and3A_376 = arith.andi %iota3A_346, %and3A_375 : vector<16x3072xi32>
    %ne3A_377 = arith.constant 0 : i32
    %ne3A_378 = vector.broadcast %ne3A_377 : i32 to vector<16x3072xi32>
    %ne3A_379 = arith.cmpi ne, %and3A_376, %ne3A_378 : vector<16x3072xi32>
    %roll3A_380 = arith.constant 256 : i32
    %roll3A_381 = tpu.dynamic_rotate %select_n3A_372 by %roll3A_380 dim 1 : vector<16x3072xf32>, i32 -> vector<16x3072xf32>
    %roll3A_382 = arith.constant 2816 : i32
    %roll3A_383 = tpu.dynamic_rotate %select_n3A_372 by %roll3A_382 dim 1 : vector<16x3072xf32>, i32 -> vector<16x3072xf32>
    %select_n3A_384 = arith.select %ne3A_379, %roll3A_381, %roll3A_383 : vector<16x3072xi1>, vector<16x3072xf32>
    %roll3A_385 = arith.constant 256 : i32
    %roll3A_386 = tpu.dynamic_rotate %select_n3A_373 by %roll3A_385 dim 1 : vector<16x3072xi32>, i32 -> vector<16x3072xi32>
    %roll3A_387 = arith.constant 2816 : i32
    %roll3A_388 = tpu.dynamic_rotate %select_n3A_373 by %roll3A_387 dim 1 : vector<16x3072xi32>, i32 -> vector<16x3072xi32>
    %select_n3A_389 = arith.select %ne3A_379, %roll3A_386, %roll3A_388 : vector<16x3072xi1>, vector<16x3072xi32>
    %gt3A_390 = arith.cmpf ogt, %select_n3A_384, %select_n3A_372 : vector<16x3072xf32>
    %eq3A_391 = arith.cmpf oeq, %select_n3A_384, %select_n3A_372 : vector<16x3072xf32>
    %lt3A_392 = arith.cmpi slt, %select_n3A_389, %select_n3A_373 : vector<16x3072xi32>
    %and3A_393 = arith.andi %eq3A_391, %lt3A_392 : vector<16x3072xi1>
    %or3A_394 = arith.ori %gt3A_390, %and3A_393 : vector<16x3072xi1>
    %xor3A_395 = arith.xori %lt3A_345, %ne3A_379 : vector<16x3072xi1>
    %xor3A_396 = arith.xori %or3A_394, %xor3A_395 : vector<16x3072xi1>
    %not3A_397 = arith.constant dense<true> : vector<16x3072xi1>
    %not3A_398 = arith.xori %xor3A_396, %not3A_397 : vector<16x3072xi1>
    %select_n3A_399 = arith.select %not3A_398, %select_n3A_384, %select_n3A_372 : vector<16x3072xi1>, vector<16x3072xf32>
    %select_n3A_400 = arith.select %not3A_398, %select_n3A_389, %select_n3A_373 : vector<16x3072xi1>, vector<16x3072xi32>
    %and3A_401 = arith.constant 128 : i32
    %and3A_402 = vector.broadcast %and3A_401 : i32 to vector<16x3072xi32>
    %and3A_403 = arith.andi %iota3A_346, %and3A_402 : vector<16x3072xi32>
    %ne3A_404 = arith.constant 0 : i32
    %ne3A_405 = vector.broadcast %ne3A_404 : i32 to vector<16x3072xi32>
    %ne3A_406 = arith.cmpi ne, %and3A_403, %ne3A_405 : vector<16x3072xi32>
    %roll3A_407 = arith.constant 128 : i32
    %roll3A_408 = tpu.dynamic_rotate %select_n3A_399 by %roll3A_407 dim 1 : vector<16x3072xf32>, i32 -> vector<16x3072xf32>
    %roll3A_409 = arith.constant 2944 : i32
    %roll3A_410 = tpu.dynamic_rotate %select_n3A_399 by %roll3A_409 dim 1 : vector<16x3072xf32>, i32 -> vector<16x3072xf32>
    %select_n3A_411 = arith.select %ne3A_406, %roll3A_408, %roll3A_410 : vector<16x3072xi1>, vector<16x3072xf32>
    %roll3A_412 = arith.constant 128 : i32
    %roll3A_413 = tpu.dynamic_rotate %select_n3A_400 by %roll3A_412 dim 1 : vector<16x3072xi32>, i32 -> vector<16x3072xi32>
    %roll3A_414 = arith.constant 2944 : i32
    %roll3A_415 = tpu.dynamic_rotate %select_n3A_400 by %roll3A_414 dim 1 : vector<16x3072xi32>, i32 -> vector<16x3072xi32>
    %select_n3A_416 = arith.select %ne3A_406, %roll3A_413, %roll3A_415 : vector<16x3072xi1>, vector<16x3072xi32>
    %gt3A_417 = arith.cmpf ogt, %select_n3A_411, %select_n3A_399 : vector<16x3072xf32>
    %eq3A_418 = arith.cmpf oeq, %select_n3A_411, %select_n3A_399 : vector<16x3072xf32>
    %lt3A_419 = arith.cmpi slt, %select_n3A_416, %select_n3A_400 : vector<16x3072xi32>
    %and3A_420 = arith.andi %eq3A_418, %lt3A_419 : vector<16x3072xi1>
    %or3A_421 = arith.ori %gt3A_417, %and3A_420 : vector<16x3072xi1>
    %xor3A_422 = arith.xori %lt3A_345, %ne3A_406 : vector<16x3072xi1>
    %xor3A_423 = arith.xori %or3A_421, %xor3A_422 : vector<16x3072xi1>
    %not3A_424 = arith.constant dense<true> : vector<16x3072xi1>
    %not3A_425 = arith.xori %xor3A_423, %not3A_424 : vector<16x3072xi1>
    %select_n3A_426 = arith.select %not3A_425, %select_n3A_411, %select_n3A_399 : vector<16x3072xi1>, vector<16x3072xf32>
    %select_n3A_427 = arith.select %not3A_425, %select_n3A_416, %select_n3A_400 : vector<16x3072xi1>, vector<16x3072xi32>
    %and3A_428 = arith.constant 64 : i32
    %and3A_429 = vector.broadcast %and3A_428 : i32 to vector<16x3072xi32>
    %and3A_430 = arith.andi %iota3A_346, %and3A_429 : vector<16x3072xi32>
    %ne3A_431 = arith.constant 0 : i32
    %ne3A_432 = vector.broadcast %ne3A_431 : i32 to vector<16x3072xi32>
    %ne3A_433 = arith.cmpi ne, %and3A_430, %ne3A_432 : vector<16x3072xi32>
    %roll3A_434 = arith.constant 64 : i32
    %roll3A_435 = tpu.dynamic_rotate %select_n3A_426 by %roll3A_434 dim 1 : vector<16x3072xf32>, i32 -> vector<16x3072xf32>
    %roll3A_436 = arith.constant 3008 : i32
    %roll3A_437 = tpu.dynamic_rotate %select_n3A_426 by %roll3A_436 dim 1 : vector<16x3072xf32>, i32 -> vector<16x3072xf32>
    %select_n3A_438 = arith.select %ne3A_433, %roll3A_435, %roll3A_437 : vector<16x3072xi1>, vector<16x3072xf32>
    %roll3A_439 = arith.constant 64 : i32
    %roll3A_440 = tpu.dynamic_rotate %select_n3A_427 by %roll3A_439 dim 1 : vector<16x3072xi32>, i32 -> vector<16x3072xi32>
    %roll3A_441 = arith.constant 3008 : i32
    %roll3A_442 = tpu.dynamic_rotate %select_n3A_427 by %roll3A_441 dim 1 : vector<16x3072xi32>, i32 -> vector<16x3072xi32>
    %select_n3A_443 = arith.select %ne3A_433, %roll3A_440, %roll3A_442 : vector<16x3072xi1>, vector<16x3072xi32>
    %gt3A_444 = arith.cmpf ogt, %select_n3A_438, %select_n3A_426 : vector<16x3072xf32>
    %eq3A_445 = arith.cmpf oeq, %select_n3A_438, %select_n3A_426 : vector<16x3072xf32>
    %lt3A_446 = arith.cmpi slt, %select_n3A_443, %select_n3A_427 : vector<16x3072xi32>
    %and3A_447 = arith.andi %eq3A_445, %lt3A_446 : vector<16x3072xi1>
    %or3A_448 = arith.ori %gt3A_444, %and3A_447 : vector<16x3072xi1>
    %xor3A_449 = arith.xori %lt3A_345, %ne3A_433 : vector<16x3072xi1>
    %xor3A_450 = arith.xori %or3A_448, %xor3A_449 : vector<16x3072xi1>
    %not3A_451 = arith.constant dense<true> : vector<16x3072xi1>
    %not3A_452 = arith.xori %xor3A_450, %not3A_451 : vector<16x3072xi1>
    %select_n3A_453 = arith.select %not3A_452, %select_n3A_438, %select_n3A_426 : vector<16x3072xi1>, vector<16x3072xf32>
    %select_n3A_454 = arith.select %not3A_452, %select_n3A_443, %select_n3A_427 : vector<16x3072xi1>, vector<16x3072xi32>
    %and3A_455 = arith.constant 32 : i32
    %and3A_456 = vector.broadcast %and3A_455 : i32 to vector<16x3072xi32>
    %and3A_457 = arith.andi %iota3A_346, %and3A_456 : vector<16x3072xi32>
    %ne3A_458 = arith.constant 0 : i32
    %ne3A_459 = vector.broadcast %ne3A_458 : i32 to vector<16x3072xi32>
    %ne3A_460 = arith.cmpi ne, %and3A_457, %ne3A_459 : vector<16x3072xi32>
    %roll3A_461 = arith.constant 32 : i32
    %roll3A_462 = tpu.dynamic_rotate %select_n3A_453 by %roll3A_461 dim 1 : vector<16x3072xf32>, i32 -> vector<16x3072xf32>
    %roll3A_463 = arith.constant 3040 : i32
    %roll3A_464 = tpu.dynamic_rotate %select_n3A_453 by %roll3A_463 dim 1 : vector<16x3072xf32>, i32 -> vector<16x3072xf32>
    %select_n3A_465 = arith.select %ne3A_460, %roll3A_462, %roll3A_464 : vector<16x3072xi1>, vector<16x3072xf32>
    %roll3A_466 = arith.constant 32 : i32
    %roll3A_467 = tpu.dynamic_rotate %select_n3A_454 by %roll3A_466 dim 1 : vector<16x3072xi32>, i32 -> vector<16x3072xi32>
    %roll3A_468 = arith.constant 3040 : i32
    %roll3A_469 = tpu.dynamic_rotate %select_n3A_454 by %roll3A_468 dim 1 : vector<16x3072xi32>, i32 -> vector<16x3072xi32>
    %select_n3A_470 = arith.select %ne3A_460, %roll3A_467, %roll3A_469 : vector<16x3072xi1>, vector<16x3072xi32>
    %gt3A_471 = arith.cmpf ogt, %select_n3A_465, %select_n3A_453 : vector<16x3072xf32>
    %eq3A_472 = arith.cmpf oeq, %select_n3A_465, %select_n3A_453 : vector<16x3072xf32>
    %lt3A_473 = arith.cmpi slt, %select_n3A_470, %select_n3A_454 : vector<16x3072xi32>
    %and3A_474 = arith.andi %eq3A_472, %lt3A_473 : vector<16x3072xi1>
    %or3A_475 = arith.ori %gt3A_471, %and3A_474 : vector<16x3072xi1>
    %xor3A_476 = arith.xori %lt3A_345, %ne3A_460 : vector<16x3072xi1>
    %xor3A_477 = arith.xori %or3A_475, %xor3A_476 : vector<16x3072xi1>
    %not3A_478 = arith.constant dense<true> : vector<16x3072xi1>
    %not3A_479 = arith.xori %xor3A_477, %not3A_478 : vector<16x3072xi1>
    %select_n3A_480 = arith.select %not3A_479, %select_n3A_465, %select_n3A_453 : vector<16x3072xi1>, vector<16x3072xf32>
    %select_n3A_481 = arith.select %not3A_479, %select_n3A_470, %select_n3A_454 : vector<16x3072xi1>, vector<16x3072xi32>
    %and3A_482 = arith.constant 16 : i32
    %and3A_483 = vector.broadcast %and3A_482 : i32 to vector<16x3072xi32>
    %and3A_484 = arith.andi %iota3A_346, %and3A_483 : vector<16x3072xi32>
    %ne3A_485 = arith.constant 0 : i32
    %ne3A_486 = vector.broadcast %ne3A_485 : i32 to vector<16x3072xi32>
    %ne3A_487 = arith.cmpi ne, %and3A_484, %ne3A_486 : vector<16x3072xi32>
    %roll3A_488 = arith.constant 16 : i32
    %roll3A_489 = tpu.dynamic_rotate %select_n3A_480 by %roll3A_488 dim 1 : vector<16x3072xf32>, i32 -> vector<16x3072xf32>
    %roll3A_490 = arith.constant 3056 : i32
    %roll3A_491 = tpu.dynamic_rotate %select_n3A_480 by %roll3A_490 dim 1 : vector<16x3072xf32>, i32 -> vector<16x3072xf32>
    %select_n3A_492 = arith.select %ne3A_487, %roll3A_489, %roll3A_491 : vector<16x3072xi1>, vector<16x3072xf32>
    %roll3A_493 = arith.constant 16 : i32
    %roll3A_494 = tpu.dynamic_rotate %select_n3A_481 by %roll3A_493 dim 1 : vector<16x3072xi32>, i32 -> vector<16x3072xi32>
    %roll3A_495 = arith.constant 3056 : i32
    %roll3A_496 = tpu.dynamic_rotate %select_n3A_481 by %roll3A_495 dim 1 : vector<16x3072xi32>, i32 -> vector<16x3072xi32>
    %select_n3A_497 = arith.select %ne3A_487, %roll3A_494, %roll3A_496 : vector<16x3072xi1>, vector<16x3072xi32>
    %gt3A_498 = arith.cmpf ogt, %select_n3A_492, %select_n3A_480 : vector<16x3072xf32>
    %eq3A_499 = arith.cmpf oeq, %select_n3A_492, %select_n3A_480 : vector<16x3072xf32>
    %lt3A_500 = arith.cmpi slt, %select_n3A_497, %select_n3A_481 : vector<16x3072xi32>
    %and3A_501 = arith.andi %eq3A_499, %lt3A_500 : vector<16x3072xi1>
    %or3A_502 = arith.ori %gt3A_498, %and3A_501 : vector<16x3072xi1>
    %xor3A_503 = arith.xori %lt3A_345, %ne3A_487 : vector<16x3072xi1>
    %xor3A_504 = arith.xori %or3A_502, %xor3A_503 : vector<16x3072xi1>
    %not3A_505 = arith.constant dense<true> : vector<16x3072xi1>
    %not3A_506 = arith.xori %xor3A_504, %not3A_505 : vector<16x3072xi1>
    %select_n3A_507 = arith.select %not3A_506, %select_n3A_492, %select_n3A_480 : vector<16x3072xi1>, vector<16x3072xf32>
    %select_n3A_508 = arith.select %not3A_506, %select_n3A_497, %select_n3A_481 : vector<16x3072xi1>, vector<16x3072xi32>
    %and3A_509 = arith.constant 8 : i32
    %and3A_510 = vector.broadcast %and3A_509 : i32 to vector<16x3072xi32>
    %and3A_511 = arith.andi %iota3A_346, %and3A_510 : vector<16x3072xi32>
    %ne3A_512 = arith.constant 0 : i32
    %ne3A_513 = vector.broadcast %ne3A_512 : i32 to vector<16x3072xi32>
    %ne3A_514 = arith.cmpi ne, %and3A_511, %ne3A_513 : vector<16x3072xi32>
    %roll3A_515 = arith.constant 8 : i32
    %roll3A_516 = tpu.dynamic_rotate %select_n3A_507 by %roll3A_515 dim 1 : vector<16x3072xf32>, i32 -> vector<16x3072xf32>
    %roll3A_517 = arith.constant 3064 : i32
    %roll3A_518 = tpu.dynamic_rotate %select_n3A_507 by %roll3A_517 dim 1 : vector<16x3072xf32>, i32 -> vector<16x3072xf32>
    %select_n3A_519 = arith.select %ne3A_514, %roll3A_516, %roll3A_518 : vector<16x3072xi1>, vector<16x3072xf32>
    %roll3A_520 = arith.constant 8 : i32
    %roll3A_521 = tpu.dynamic_rotate %select_n3A_508 by %roll3A_520 dim 1 : vector<16x3072xi32>, i32 -> vector<16x3072xi32>
    %roll3A_522 = arith.constant 3064 : i32
    %roll3A_523 = tpu.dynamic_rotate %select_n3A_508 by %roll3A_522 dim 1 : vector<16x3072xi32>, i32 -> vector<16x3072xi32>
    %select_n3A_524 = arith.select %ne3A_514, %roll3A_521, %roll3A_523 : vector<16x3072xi1>, vector<16x3072xi32>
    %gt3A_525 = arith.cmpf ogt, %select_n3A_519, %select_n3A_507 : vector<16x3072xf32>
    %eq3A_526 = arith.cmpf oeq, %select_n3A_519, %select_n3A_507 : vector<16x3072xf32>
    %lt3A_527 = arith.cmpi slt, %select_n3A_524, %select_n3A_508 : vector<16x3072xi32>
    %and3A_528 = arith.andi %eq3A_526, %lt3A_527 : vector<16x3072xi1>
    %or3A_529 = arith.ori %gt3A_525, %and3A_528 : vector<16x3072xi1>
    %xor3A_530 = arith.xori %lt3A_345, %ne3A_514 : vector<16x3072xi1>
    %xor3A_531 = arith.xori %or3A_529, %xor3A_530 : vector<16x3072xi1>
    %not3A_532 = arith.constant dense<true> : vector<16x3072xi1>
    %not3A_533 = arith.xori %xor3A_531, %not3A_532 : vector<16x3072xi1>
    %select_n3A_534 = arith.select %not3A_533, %select_n3A_519, %select_n3A_507 : vector<16x3072xi1>, vector<16x3072xf32>
    %select_n3A_535 = arith.select %not3A_533, %select_n3A_524, %select_n3A_508 : vector<16x3072xi1>, vector<16x3072xi32>
    %and3A_536 = arith.constant 4 : i32
    %and3A_537 = vector.broadcast %and3A_536 : i32 to vector<16x3072xi32>
    %and3A_538 = arith.andi %iota3A_346, %and3A_537 : vector<16x3072xi32>
    %ne3A_539 = arith.constant 0 : i32
    %ne3A_540 = vector.broadcast %ne3A_539 : i32 to vector<16x3072xi32>
    %ne3A_541 = arith.cmpi ne, %and3A_538, %ne3A_540 : vector<16x3072xi32>
    %roll3A_542 = arith.constant 4 : i32
    %roll3A_543 = tpu.dynamic_rotate %select_n3A_534 by %roll3A_542 dim 1 : vector<16x3072xf32>, i32 -> vector<16x3072xf32>
    %roll3A_544 = arith.constant 3068 : i32
    %roll3A_545 = tpu.dynamic_rotate %select_n3A_534 by %roll3A_544 dim 1 : vector<16x3072xf32>, i32 -> vector<16x3072xf32>
    %select_n3A_546 = arith.select %ne3A_541, %roll3A_543, %roll3A_545 : vector<16x3072xi1>, vector<16x3072xf32>
    %roll3A_547 = arith.constant 4 : i32
    %roll3A_548 = tpu.dynamic_rotate %select_n3A_535 by %roll3A_547 dim 1 : vector<16x3072xi32>, i32 -> vector<16x3072xi32>
    %roll3A_549 = arith.constant 3068 : i32
    %roll3A_550 = tpu.dynamic_rotate %select_n3A_535 by %roll3A_549 dim 1 : vector<16x3072xi32>, i32 -> vector<16x3072xi32>
    %select_n3A_551 = arith.select %ne3A_541, %roll3A_548, %roll3A_550 : vector<16x3072xi1>, vector<16x3072xi32>
    %gt3A_552 = arith.cmpf ogt, %select_n3A_546, %select_n3A_534 : vector<16x3072xf32>
    %eq3A_553 = arith.cmpf oeq, %select_n3A_546, %select_n3A_534 : vector<16x3072xf32>
    %lt3A_554 = arith.cmpi slt, %select_n3A_551, %select_n3A_535 : vector<16x3072xi32>
    %and3A_555 = arith.andi %eq3A_553, %lt3A_554 : vector<16x3072xi1>
    %or3A_556 = arith.ori %gt3A_552, %and3A_555 : vector<16x3072xi1>
    %xor3A_557 = arith.xori %lt3A_345, %ne3A_541 : vector<16x3072xi1>
    %xor3A_558 = arith.xori %or3A_556, %xor3A_557 : vector<16x3072xi1>
    %not3A_559 = arith.constant dense<true> : vector<16x3072xi1>
    %not3A_560 = arith.xori %xor3A_558, %not3A_559 : vector<16x3072xi1>
    %select_n3A_561 = arith.select %not3A_560, %select_n3A_546, %select_n3A_534 : vector<16x3072xi1>, vector<16x3072xf32>
    %select_n3A_562 = arith.select %not3A_560, %select_n3A_551, %select_n3A_535 : vector<16x3072xi1>, vector<16x3072xi32>
    %and3A_563 = arith.constant 2 : i32
    %and3A_564 = vector.broadcast %and3A_563 : i32 to vector<16x3072xi32>
    %and3A_565 = arith.andi %iota3A_346, %and3A_564 : vector<16x3072xi32>
    %ne3A_566 = arith.constant 0 : i32
    %ne3A_567 = vector.broadcast %ne3A_566 : i32 to vector<16x3072xi32>
    %ne3A_568 = arith.cmpi ne, %and3A_565, %ne3A_567 : vector<16x3072xi32>
    %roll3A_569 = arith.constant 2 : i32
    %roll3A_570 = tpu.dynamic_rotate %select_n3A_561 by %roll3A_569 dim 1 : vector<16x3072xf32>, i32 -> vector<16x3072xf32>
    %roll3A_571 = arith.constant 3070 : i32
    %roll3A_572 = tpu.dynamic_rotate %select_n3A_561 by %roll3A_571 dim 1 : vector<16x3072xf32>, i32 -> vector<16x3072xf32>
    %select_n3A_573 = arith.select %ne3A_568, %roll3A_570, %roll3A_572 : vector<16x3072xi1>, vector<16x3072xf32>
    %roll3A_574 = arith.constant 2 : i32
    %roll3A_575 = tpu.dynamic_rotate %select_n3A_562 by %roll3A_574 dim 1 : vector<16x3072xi32>, i32 -> vector<16x3072xi32>
    %roll3A_576 = arith.constant 3070 : i32
    %roll3A_577 = tpu.dynamic_rotate %select_n3A_562 by %roll3A_576 dim 1 : vector<16x3072xi32>, i32 -> vector<16x3072xi32>
    %select_n3A_578 = arith.select %ne3A_568, %roll3A_575, %roll3A_577 : vector<16x3072xi1>, vector<16x3072xi32>
    %gt3A_579 = arith.cmpf ogt, %select_n3A_573, %select_n3A_561 : vector<16x3072xf32>
    %eq3A_580 = arith.cmpf oeq, %select_n3A_573, %select_n3A_561 : vector<16x3072xf32>
    %lt3A_581 = arith.cmpi slt, %select_n3A_578, %select_n3A_562 : vector<16x3072xi32>
    %and3A_582 = arith.andi %eq3A_580, %lt3A_581 : vector<16x3072xi1>
    %or3A_583 = arith.ori %gt3A_579, %and3A_582 : vector<16x3072xi1>
    %xor3A_584 = arith.xori %lt3A_345, %ne3A_568 : vector<16x3072xi1>
    %xor3A_585 = arith.xori %or3A_583, %xor3A_584 : vector<16x3072xi1>
    %not3A_586 = arith.constant dense<true> : vector<16x3072xi1>
    %not3A_587 = arith.xori %xor3A_585, %not3A_586 : vector<16x3072xi1>
    %select_n3A_588 = arith.select %not3A_587, %select_n3A_573, %select_n3A_561 : vector<16x3072xi1>, vector<16x3072xf32>
    %select_n3A_589 = arith.select %not3A_587, %select_n3A_578, %select_n3A_562 : vector<16x3072xi1>, vector<16x3072xi32>
    %and3A_590 = arith.constant 1 : i32
    %and3A_591 = vector.broadcast %and3A_590 : i32 to vector<16x3072xi32>
    %and3A_592 = arith.andi %iota3A_346, %and3A_591 : vector<16x3072xi32>
    %ne3A_593 = arith.constant 0 : i32
    %ne3A_594 = vector.broadcast %ne3A_593 : i32 to vector<16x3072xi32>
    %ne3A_595 = arith.cmpi ne, %and3A_592, %ne3A_594 : vector<16x3072xi32>
    %roll3A_596 = arith.constant 1 : i32
    %roll3A_597 = tpu.dynamic_rotate %select_n3A_588 by %roll3A_596 dim 1 : vector<16x3072xf32>, i32 -> vector<16x3072xf32>
    %roll3A_598 = arith.constant 3071 : i32
    %roll3A_599 = tpu.dynamic_rotate %select_n3A_588 by %roll3A_598 dim 1 : vector<16x3072xf32>, i32 -> vector<16x3072xf32>
    %select_n3A_600 = arith.select %ne3A_595, %roll3A_597, %roll3A_599 : vector<16x3072xi1>, vector<16x3072xf32>
    %roll3A_601 = arith.constant 1 : i32
    %roll3A_602 = tpu.dynamic_rotate %select_n3A_589 by %roll3A_601 dim 1 : vector<16x3072xi32>, i32 -> vector<16x3072xi32>
    %roll3A_603 = arith.constant 3071 : i32
    %roll3A_604 = tpu.dynamic_rotate %select_n3A_589 by %roll3A_603 dim 1 : vector<16x3072xi32>, i32 -> vector<16x3072xi32>
    %select_n3A_605 = arith.select %ne3A_595, %roll3A_602, %roll3A_604 : vector<16x3072xi1>, vector<16x3072xi32>
    %gt3A_606 = arith.cmpf ogt, %select_n3A_600, %select_n3A_588 : vector<16x3072xf32>
    %eq3A_607 = arith.cmpf oeq, %select_n3A_600, %select_n3A_588 : vector<16x3072xf32>
    %lt3A_608 = arith.cmpi slt, %select_n3A_605, %select_n3A_589 : vector<16x3072xi32>
    %and3A_609 = arith.andi %eq3A_607, %lt3A_608 : vector<16x3072xi1>
    %or3A_610 = arith.ori %gt3A_606, %and3A_609 : vector<16x3072xi1>
    %xor3A_611 = arith.xori %lt3A_345, %ne3A_595 : vector<16x3072xi1>
    %xor3A_612 = arith.xori %or3A_610, %xor3A_611 : vector<16x3072xi1>
    %not3A_613 = arith.constant dense<true> : vector<16x3072xi1>
    %not3A_614 = arith.xori %xor3A_612, %not3A_613 : vector<16x3072xi1>
    %select_n3A_615 = arith.select %not3A_614, %select_n3A_600, %select_n3A_588 : vector<16x3072xi1>, vector<16x3072xf32>
    %select_n3A_616 = arith.select %not3A_614, %select_n3A_605, %select_n3A_589 : vector<16x3072xi1>, vector<16x3072xi32>
    %iota3A_617 = tpu.iota {dimensions = array<i32: 1>} : vector<16x3072xi32>
    %roll3A_618 = arith.constant 2048 : i32
    %roll3A_619 = tpu.dynamic_rotate %select_n3A_615 by %roll3A_618 dim 1 : vector<16x3072xf32>, i32 -> vector<16x3072xf32>
    %roll3A_620 = arith.constant 2048 : i32
    %roll3A_621 = tpu.dynamic_rotate %select_n3A_616 by %roll3A_620 dim 1 : vector<16x3072xi32>, i32 -> vector<16x3072xi32>
    %gt3A_622 = arith.cmpf ogt, %select_n3A_615, %roll3A_619 : vector<16x3072xf32>
    %eq3A_623 = arith.cmpf oeq, %select_n3A_615, %roll3A_619 : vector<16x3072xf32>
    %lt3A_624 = arith.cmpi slt, %select_n3A_616, %roll3A_621 : vector<16x3072xi32>
    %and3A_625 = arith.andi %eq3A_623, %lt3A_624 : vector<16x3072xi1>
    %or3A_626 = arith.ori %gt3A_622, %and3A_625 : vector<16x3072xi1>
    %lt3A_627 = arith.constant 2048 : i32
    %lt3A_628 = vector.broadcast %lt3A_627 : i32 to vector<16x3072xi32>
    %lt3A_629 = arith.cmpi slt, %iota3A_617, %lt3A_628 : vector<16x3072xi32>
    %not3A_630 = arith.constant dense<true> : vector<16x3072xi1>
    %not3A_631 = arith.xori %or3A_626, %not3A_630 : vector<16x3072xi1>
    %and3A_632 = arith.andi %lt3A_629, %not3A_631 : vector<16x3072xi1>
    %select_n3A_633 = arith.select %and3A_632, %roll3A_619, %select_n3A_615 : vector<16x3072xi1>, vector<16x3072xf32>
    %not3A_634 = arith.constant dense<true> : vector<16x3072xi1>
    %not3A_635 = arith.xori %or3A_626, %not3A_634 : vector<16x3072xi1>
    %and3A_636 = arith.andi %lt3A_629, %not3A_635 : vector<16x3072xi1>
    %select_n3A_637 = arith.select %and3A_636, %roll3A_621, %select_n3A_616 : vector<16x3072xi1>, vector<16x3072xi32>
    %slice3A_638 = vector.extract_strided_slice %select_n3A_633 {offsets = [0, 0], sizes = [16, 1024], strides = [1, 1]} : vector<16x3072xf32> to vector<16x1024xf32>
    %slice3A_639 = vector.extract_strided_slice %select_n3A_633 {offsets = [0, 2048], sizes = [16, 1024], strides = [1, 1]} : vector<16x3072xf32> to vector<16x1024xf32>
    %concatenate3A_640 = tpu.concatenate %slice3A_638, %slice3A_639 in 1 : vector<16x1024xf32>, vector<16x1024xf32> -> vector<16x2048xf32>
    %slice3A_641 = vector.extract_strided_slice %select_n3A_637 {offsets = [0, 0], sizes = [16, 1024], strides = [1, 1]} : vector<16x3072xi32> to vector<16x1024xi32>
    %slice3A_642 = vector.extract_strided_slice %select_n3A_637 {offsets = [0, 2048], sizes = [16, 1024], strides = [1, 1]} : vector<16x3072xi32> to vector<16x1024xi32>
    %concatenate3A_643 = tpu.concatenate %slice3A_641, %slice3A_642 in 1 : vector<16x1024xi32>, vector<16x1024xi32> -> vector<16x2048xi32>
    %iota3A_644 = tpu.iota {dimensions = array<i32: 1>} : vector<16x2048xi32>
    %lt3A_645 = arith.constant 1024 : i32
    %lt3A_646 = vector.broadcast %lt3A_645 : i32 to vector<16x2048xi32>
    %lt3A_647 = arith.cmpi slt, %iota3A_644, %lt3A_646 : vector<16x2048xi32>
    %iota3A_648 = tpu.iota {dimensions = array<i32: 1>} : vector<16x2048xi32>
    %and3A_649 = arith.constant 512 : i32
    %and3A_650 = vector.broadcast %and3A_649 : i32 to vector<16x2048xi32>
    %and3A_651 = arith.andi %iota3A_648, %and3A_650 : vector<16x2048xi32>
    %ne3A_652 = arith.constant 0 : i32
    %ne3A_653 = vector.broadcast %ne3A_652 : i32 to vector<16x2048xi32>
    %ne3A_654 = arith.cmpi ne, %and3A_651, %ne3A_653 : vector<16x2048xi32>
    %roll3A_655 = arith.constant 512 : i32
    %roll3A_656 = tpu.dynamic_rotate %concatenate3A_640 by %roll3A_655 dim 1 : vector<16x2048xf32>, i32 -> vector<16x2048xf32>
    %roll3A_657 = arith.constant 1536 : i32
    %roll3A_658 = tpu.dynamic_rotate %concatenate3A_640 by %roll3A_657 dim 1 : vector<16x2048xf32>, i32 -> vector<16x2048xf32>
    %select_n3A_659 = arith.select %ne3A_654, %roll3A_656, %roll3A_658 : vector<16x2048xi1>, vector<16x2048xf32>
    %roll3A_660 = arith.constant 512 : i32
    %roll3A_661 = tpu.dynamic_rotate %concatenate3A_643 by %roll3A_660 dim 1 : vector<16x2048xi32>, i32 -> vector<16x2048xi32>
    %roll3A_662 = arith.constant 1536 : i32
    %roll3A_663 = tpu.dynamic_rotate %concatenate3A_643 by %roll3A_662 dim 1 : vector<16x2048xi32>, i32 -> vector<16x2048xi32>
    %select_n3A_664 = arith.select %ne3A_654, %roll3A_661, %roll3A_663 : vector<16x2048xi1>, vector<16x2048xi32>
    %gt3A_665 = arith.cmpf ogt, %select_n3A_659, %concatenate3A_640 : vector<16x2048xf32>
    %eq3A_666 = arith.cmpf oeq, %select_n3A_659, %concatenate3A_640 : vector<16x2048xf32>
    %lt3A_667 = arith.cmpi slt, %select_n3A_664, %concatenate3A_643 : vector<16x2048xi32>
    %and3A_668 = arith.andi %eq3A_666, %lt3A_667 : vector<16x2048xi1>
    %or3A_669 = arith.ori %gt3A_665, %and3A_668 : vector<16x2048xi1>
    %xor3A_670 = arith.xori %lt3A_647, %ne3A_654 : vector<16x2048xi1>
    %xor3A_671 = arith.xori %or3A_669, %xor3A_670 : vector<16x2048xi1>
    %not3A_672 = arith.constant dense<true> : vector<16x2048xi1>
    %not3A_673 = arith.xori %xor3A_671, %not3A_672 : vector<16x2048xi1>
    %select_n3A_674 = arith.select %not3A_673, %select_n3A_659, %concatenate3A_640 : vector<16x2048xi1>, vector<16x2048xf32>
    %select_n3A_675 = arith.select %not3A_673, %select_n3A_664, %concatenate3A_643 : vector<16x2048xi1>, vector<16x2048xi32>
    %and3A_676 = arith.constant 256 : i32
    %and3A_677 = vector.broadcast %and3A_676 : i32 to vector<16x2048xi32>
    %and3A_678 = arith.andi %iota3A_648, %and3A_677 : vector<16x2048xi32>
    %ne3A_679 = arith.constant 0 : i32
    %ne3A_680 = vector.broadcast %ne3A_679 : i32 to vector<16x2048xi32>
    %ne3A_681 = arith.cmpi ne, %and3A_678, %ne3A_680 : vector<16x2048xi32>
    %roll3A_682 = arith.constant 256 : i32
    %roll3A_683 = tpu.dynamic_rotate %select_n3A_674 by %roll3A_682 dim 1 : vector<16x2048xf32>, i32 -> vector<16x2048xf32>
    %roll3A_684 = arith.constant 1792 : i32
    %roll3A_685 = tpu.dynamic_rotate %select_n3A_674 by %roll3A_684 dim 1 : vector<16x2048xf32>, i32 -> vector<16x2048xf32>
    %select_n3A_686 = arith.select %ne3A_681, %roll3A_683, %roll3A_685 : vector<16x2048xi1>, vector<16x2048xf32>
    %roll3A_687 = arith.constant 256 : i32
    %roll3A_688 = tpu.dynamic_rotate %select_n3A_675 by %roll3A_687 dim 1 : vector<16x2048xi32>, i32 -> vector<16x2048xi32>
    %roll3A_689 = arith.constant 1792 : i32
    %roll3A_690 = tpu.dynamic_rotate %select_n3A_675 by %roll3A_689 dim 1 : vector<16x2048xi32>, i32 -> vector<16x2048xi32>
    %select_n3A_691 = arith.select %ne3A_681, %roll3A_688, %roll3A_690 : vector<16x2048xi1>, vector<16x2048xi32>
    %gt3A_692 = arith.cmpf ogt, %select_n3A_686, %select_n3A_674 : vector<16x2048xf32>
    %eq3A_693 = arith.cmpf oeq, %select_n3A_686, %select_n3A_674 : vector<16x2048xf32>
    %lt3A_694 = arith.cmpi slt, %select_n3A_691, %select_n3A_675 : vector<16x2048xi32>
    %and3A_695 = arith.andi %eq3A_693, %lt3A_694 : vector<16x2048xi1>
    %or3A_696 = arith.ori %gt3A_692, %and3A_695 : vector<16x2048xi1>
    %xor3A_697 = arith.xori %lt3A_647, %ne3A_681 : vector<16x2048xi1>
    %xor3A_698 = arith.xori %or3A_696, %xor3A_697 : vector<16x2048xi1>
    %not3A_699 = arith.constant dense<true> : vector<16x2048xi1>
    %not3A_700 = arith.xori %xor3A_698, %not3A_699 : vector<16x2048xi1>
    %select_n3A_701 = arith.select %not3A_700, %select_n3A_686, %select_n3A_674 : vector<16x2048xi1>, vector<16x2048xf32>
    %select_n3A_702 = arith.select %not3A_700, %select_n3A_691, %select_n3A_675 : vector<16x2048xi1>, vector<16x2048xi32>
    %and3A_703 = arith.constant 128 : i32
    %and3A_704 = vector.broadcast %and3A_703 : i32 to vector<16x2048xi32>
    %and3A_705 = arith.andi %iota3A_648, %and3A_704 : vector<16x2048xi32>
    %ne3A_706 = arith.constant 0 : i32
    %ne3A_707 = vector.broadcast %ne3A_706 : i32 to vector<16x2048xi32>
    %ne3A_708 = arith.cmpi ne, %and3A_705, %ne3A_707 : vector<16x2048xi32>
    %roll3A_709 = arith.constant 128 : i32
    %roll3A_710 = tpu.dynamic_rotate %select_n3A_701 by %roll3A_709 dim 1 : vector<16x2048xf32>, i32 -> vector<16x2048xf32>
    %roll3A_711 = arith.constant 1920 : i32
    %roll3A_712 = tpu.dynamic_rotate %select_n3A_701 by %roll3A_711 dim 1 : vector<16x2048xf32>, i32 -> vector<16x2048xf32>
    %select_n3A_713 = arith.select %ne3A_708, %roll3A_710, %roll3A_712 : vector<16x2048xi1>, vector<16x2048xf32>
    %roll3A_714 = arith.constant 128 : i32
    %roll3A_715 = tpu.dynamic_rotate %select_n3A_702 by %roll3A_714 dim 1 : vector<16x2048xi32>, i32 -> vector<16x2048xi32>
    %roll3A_716 = arith.constant 1920 : i32
    %roll3A_717 = tpu.dynamic_rotate %select_n3A_702 by %roll3A_716 dim 1 : vector<16x2048xi32>, i32 -> vector<16x2048xi32>
    %select_n3A_718 = arith.select %ne3A_708, %roll3A_715, %roll3A_717 : vector<16x2048xi1>, vector<16x2048xi32>
    %gt3A_719 = arith.cmpf ogt, %select_n3A_713, %select_n3A_701 : vector<16x2048xf32>
    %eq3A_720 = arith.cmpf oeq, %select_n3A_713, %select_n3A_701 : vector<16x2048xf32>
    %lt3A_721 = arith.cmpi slt, %select_n3A_718, %select_n3A_702 : vector<16x2048xi32>
    %and3A_722 = arith.andi %eq3A_720, %lt3A_721 : vector<16x2048xi1>
    %or3A_723 = arith.ori %gt3A_719, %and3A_722 : vector<16x2048xi1>
    %xor3A_724 = arith.xori %lt3A_647, %ne3A_708 : vector<16x2048xi1>
    %xor3A_725 = arith.xori %or3A_723, %xor3A_724 : vector<16x2048xi1>
    %not3A_726 = arith.constant dense<true> : vector<16x2048xi1>
    %not3A_727 = arith.xori %xor3A_725, %not3A_726 : vector<16x2048xi1>
    %select_n3A_728 = arith.select %not3A_727, %select_n3A_713, %select_n3A_701 : vector<16x2048xi1>, vector<16x2048xf32>
    %select_n3A_729 = arith.select %not3A_727, %select_n3A_718, %select_n3A_702 : vector<16x2048xi1>, vector<16x2048xi32>
    %and3A_730 = arith.constant 64 : i32
    %and3A_731 = vector.broadcast %and3A_730 : i32 to vector<16x2048xi32>
    %and3A_732 = arith.andi %iota3A_648, %and3A_731 : vector<16x2048xi32>
    %ne3A_733 = arith.constant 0 : i32
    %ne3A_734 = vector.broadcast %ne3A_733 : i32 to vector<16x2048xi32>
    %ne3A_735 = arith.cmpi ne, %and3A_732, %ne3A_734 : vector<16x2048xi32>
    %roll3A_736 = arith.constant 64 : i32
    %roll3A_737 = tpu.dynamic_rotate %select_n3A_728 by %roll3A_736 dim 1 : vector<16x2048xf32>, i32 -> vector<16x2048xf32>
    %roll3A_738 = arith.constant 1984 : i32
    %roll3A_739 = tpu.dynamic_rotate %select_n3A_728 by %roll3A_738 dim 1 : vector<16x2048xf32>, i32 -> vector<16x2048xf32>
    %select_n3A_740 = arith.select %ne3A_735, %roll3A_737, %roll3A_739 : vector<16x2048xi1>, vector<16x2048xf32>
    %roll3A_741 = arith.constant 64 : i32
    %roll3A_742 = tpu.dynamic_rotate %select_n3A_729 by %roll3A_741 dim 1 : vector<16x2048xi32>, i32 -> vector<16x2048xi32>
    %roll3A_743 = arith.constant 1984 : i32
    %roll3A_744 = tpu.dynamic_rotate %select_n3A_729 by %roll3A_743 dim 1 : vector<16x2048xi32>, i32 -> vector<16x2048xi32>
    %select_n3A_745 = arith.select %ne3A_735, %roll3A_742, %roll3A_744 : vector<16x2048xi1>, vector<16x2048xi32>
    %gt3A_746 = arith.cmpf ogt, %select_n3A_740, %select_n3A_728 : vector<16x2048xf32>
    %eq3A_747 = arith.cmpf oeq, %select_n3A_740, %select_n3A_728 : vector<16x2048xf32>
    %lt3A_748 = arith.cmpi slt, %select_n3A_745, %select_n3A_729 : vector<16x2048xi32>
    %and3A_749 = arith.andi %eq3A_747, %lt3A_748 : vector<16x2048xi1>
    %or3A_750 = arith.ori %gt3A_746, %and3A_749 : vector<16x2048xi1>
    %xor3A_751 = arith.xori %lt3A_647, %ne3A_735 : vector<16x2048xi1>
    %xor3A_752 = arith.xori %or3A_750, %xor3A_751 : vector<16x2048xi1>
    %not3A_753 = arith.constant dense<true> : vector<16x2048xi1>
    %not3A_754 = arith.xori %xor3A_752, %not3A_753 : vector<16x2048xi1>
    %select_n3A_755 = arith.select %not3A_754, %select_n3A_740, %select_n3A_728 : vector<16x2048xi1>, vector<16x2048xf32>
    %select_n3A_756 = arith.select %not3A_754, %select_n3A_745, %select_n3A_729 : vector<16x2048xi1>, vector<16x2048xi32>
    %and3A_757 = arith.constant 32 : i32
    %and3A_758 = vector.broadcast %and3A_757 : i32 to vector<16x2048xi32>
    %and3A_759 = arith.andi %iota3A_648, %and3A_758 : vector<16x2048xi32>
    %ne3A_760 = arith.constant 0 : i32
    %ne3A_761 = vector.broadcast %ne3A_760 : i32 to vector<16x2048xi32>
    %ne3A_762 = arith.cmpi ne, %and3A_759, %ne3A_761 : vector<16x2048xi32>
    %roll3A_763 = arith.constant 32 : i32
    %roll3A_764 = tpu.dynamic_rotate %select_n3A_755 by %roll3A_763 dim 1 : vector<16x2048xf32>, i32 -> vector<16x2048xf32>
    %roll3A_765 = arith.constant 2016 : i32
    %roll3A_766 = tpu.dynamic_rotate %select_n3A_755 by %roll3A_765 dim 1 : vector<16x2048xf32>, i32 -> vector<16x2048xf32>
    %select_n3A_767 = arith.select %ne3A_762, %roll3A_764, %roll3A_766 : vector<16x2048xi1>, vector<16x2048xf32>
    %roll3A_768 = arith.constant 32 : i32
    %roll3A_769 = tpu.dynamic_rotate %select_n3A_756 by %roll3A_768 dim 1 : vector<16x2048xi32>, i32 -> vector<16x2048xi32>
    %roll3A_770 = arith.constant 2016 : i32
    %roll3A_771 = tpu.dynamic_rotate %select_n3A_756 by %roll3A_770 dim 1 : vector<16x2048xi32>, i32 -> vector<16x2048xi32>
    %select_n3A_772 = arith.select %ne3A_762, %roll3A_769, %roll3A_771 : vector<16x2048xi1>, vector<16x2048xi32>
    %gt3A_773 = arith.cmpf ogt, %select_n3A_767, %select_n3A_755 : vector<16x2048xf32>
    %eq3A_774 = arith.cmpf oeq, %select_n3A_767, %select_n3A_755 : vector<16x2048xf32>
    %lt3A_775 = arith.cmpi slt, %select_n3A_772, %select_n3A_756 : vector<16x2048xi32>
    %and3A_776 = arith.andi %eq3A_774, %lt3A_775 : vector<16x2048xi1>
    %or3A_777 = arith.ori %gt3A_773, %and3A_776 : vector<16x2048xi1>
    %xor3A_778 = arith.xori %lt3A_647, %ne3A_762 : vector<16x2048xi1>
    %xor3A_779 = arith.xori %or3A_777, %xor3A_778 : vector<16x2048xi1>
    %not3A_780 = arith.constant dense<true> : vector<16x2048xi1>
    %not3A_781 = arith.xori %xor3A_779, %not3A_780 : vector<16x2048xi1>
    %select_n3A_782 = arith.select %not3A_781, %select_n3A_767, %select_n3A_755 : vector<16x2048xi1>, vector<16x2048xf32>
    %select_n3A_783 = arith.select %not3A_781, %select_n3A_772, %select_n3A_756 : vector<16x2048xi1>, vector<16x2048xi32>
    %and3A_784 = arith.constant 16 : i32
    %and3A_785 = vector.broadcast %and3A_784 : i32 to vector<16x2048xi32>
    %and3A_786 = arith.andi %iota3A_648, %and3A_785 : vector<16x2048xi32>
    %ne3A_787 = arith.constant 0 : i32
    %ne3A_788 = vector.broadcast %ne3A_787 : i32 to vector<16x2048xi32>
    %ne3A_789 = arith.cmpi ne, %and3A_786, %ne3A_788 : vector<16x2048xi32>
    %roll3A_790 = arith.constant 16 : i32
    %roll3A_791 = tpu.dynamic_rotate %select_n3A_782 by %roll3A_790 dim 1 : vector<16x2048xf32>, i32 -> vector<16x2048xf32>
    %roll3A_792 = arith.constant 2032 : i32
    %roll3A_793 = tpu.dynamic_rotate %select_n3A_782 by %roll3A_792 dim 1 : vector<16x2048xf32>, i32 -> vector<16x2048xf32>
    %select_n3A_794 = arith.select %ne3A_789, %roll3A_791, %roll3A_793 : vector<16x2048xi1>, vector<16x2048xf32>
    %roll3A_795 = arith.constant 16 : i32
    %roll3A_796 = tpu.dynamic_rotate %select_n3A_783 by %roll3A_795 dim 1 : vector<16x2048xi32>, i32 -> vector<16x2048xi32>
    %roll3A_797 = arith.constant 2032 : i32
    %roll3A_798 = tpu.dynamic_rotate %select_n3A_783 by %roll3A_797 dim 1 : vector<16x2048xi32>, i32 -> vector<16x2048xi32>
    %select_n3A_799 = arith.select %ne3A_789, %roll3A_796, %roll3A_798 : vector<16x2048xi1>, vector<16x2048xi32>
    %gt3A_800 = arith.cmpf ogt, %select_n3A_794, %select_n3A_782 : vector<16x2048xf32>
    %eq3A_801 = arith.cmpf oeq, %select_n3A_794, %select_n3A_782 : vector<16x2048xf32>
    %lt3A_802 = arith.cmpi slt, %select_n3A_799, %select_n3A_783 : vector<16x2048xi32>
    %and3A_803 = arith.andi %eq3A_801, %lt3A_802 : vector<16x2048xi1>
    %or3A_804 = arith.ori %gt3A_800, %and3A_803 : vector<16x2048xi1>
    %xor3A_805 = arith.xori %lt3A_647, %ne3A_789 : vector<16x2048xi1>
    %xor3A_806 = arith.xori %or3A_804, %xor3A_805 : vector<16x2048xi1>
    %not3A_807 = arith.constant dense<true> : vector<16x2048xi1>
    %not3A_808 = arith.xori %xor3A_806, %not3A_807 : vector<16x2048xi1>
    %select_n3A_809 = arith.select %not3A_808, %select_n3A_794, %select_n3A_782 : vector<16x2048xi1>, vector<16x2048xf32>
    %select_n3A_810 = arith.select %not3A_808, %select_n3A_799, %select_n3A_783 : vector<16x2048xi1>, vector<16x2048xi32>
    %and3A_811 = arith.constant 8 : i32
    %and3A_812 = vector.broadcast %and3A_811 : i32 to vector<16x2048xi32>
    %and3A_813 = arith.andi %iota3A_648, %and3A_812 : vector<16x2048xi32>
    %ne3A_814 = arith.constant 0 : i32
    %ne3A_815 = vector.broadcast %ne3A_814 : i32 to vector<16x2048xi32>
    %ne3A_816 = arith.cmpi ne, %and3A_813, %ne3A_815 : vector<16x2048xi32>
    %roll3A_817 = arith.constant 8 : i32
    %roll3A_818 = tpu.dynamic_rotate %select_n3A_809 by %roll3A_817 dim 1 : vector<16x2048xf32>, i32 -> vector<16x2048xf32>
    %roll3A_819 = arith.constant 2040 : i32
    %roll3A_820 = tpu.dynamic_rotate %select_n3A_809 by %roll3A_819 dim 1 : vector<16x2048xf32>, i32 -> vector<16x2048xf32>
    %select_n3A_821 = arith.select %ne3A_816, %roll3A_818, %roll3A_820 : vector<16x2048xi1>, vector<16x2048xf32>
    %roll3A_822 = arith.constant 8 : i32
    %roll3A_823 = tpu.dynamic_rotate %select_n3A_810 by %roll3A_822 dim 1 : vector<16x2048xi32>, i32 -> vector<16x2048xi32>
    %roll3A_824 = arith.constant 2040 : i32
    %roll3A_825 = tpu.dynamic_rotate %select_n3A_810 by %roll3A_824 dim 1 : vector<16x2048xi32>, i32 -> vector<16x2048xi32>
    %select_n3A_826 = arith.select %ne3A_816, %roll3A_823, %roll3A_825 : vector<16x2048xi1>, vector<16x2048xi32>
    %gt3A_827 = arith.cmpf ogt, %select_n3A_821, %select_n3A_809 : vector<16x2048xf32>
    %eq3A_828 = arith.cmpf oeq, %select_n3A_821, %select_n3A_809 : vector<16x2048xf32>
    %lt3A_829 = arith.cmpi slt, %select_n3A_826, %select_n3A_810 : vector<16x2048xi32>
    %and3A_830 = arith.andi %eq3A_828, %lt3A_829 : vector<16x2048xi1>
    %or3A_831 = arith.ori %gt3A_827, %and3A_830 : vector<16x2048xi1>
    %xor3A_832 = arith.xori %lt3A_647, %ne3A_816 : vector<16x2048xi1>
    %xor3A_833 = arith.xori %or3A_831, %xor3A_832 : vector<16x2048xi1>
    %not3A_834 = arith.constant dense<true> : vector<16x2048xi1>
    %not3A_835 = arith.xori %xor3A_833, %not3A_834 : vector<16x2048xi1>
    %select_n3A_836 = arith.select %not3A_835, %select_n3A_821, %select_n3A_809 : vector<16x2048xi1>, vector<16x2048xf32>
    %select_n3A_837 = arith.select %not3A_835, %select_n3A_826, %select_n3A_810 : vector<16x2048xi1>, vector<16x2048xi32>
    %and3A_838 = arith.constant 4 : i32
    %and3A_839 = vector.broadcast %and3A_838 : i32 to vector<16x2048xi32>
    %and3A_840 = arith.andi %iota3A_648, %and3A_839 : vector<16x2048xi32>
    %ne3A_841 = arith.constant 0 : i32
    %ne3A_842 = vector.broadcast %ne3A_841 : i32 to vector<16x2048xi32>
    %ne3A_843 = arith.cmpi ne, %and3A_840, %ne3A_842 : vector<16x2048xi32>
    %roll3A_844 = arith.constant 4 : i32
    %roll3A_845 = tpu.dynamic_rotate %select_n3A_836 by %roll3A_844 dim 1 : vector<16x2048xf32>, i32 -> vector<16x2048xf32>
    %roll3A_846 = arith.constant 2044 : i32
    %roll3A_847 = tpu.dynamic_rotate %select_n3A_836 by %roll3A_846 dim 1 : vector<16x2048xf32>, i32 -> vector<16x2048xf32>
    %select_n3A_848 = arith.select %ne3A_843, %roll3A_845, %roll3A_847 : vector<16x2048xi1>, vector<16x2048xf32>
    %roll3A_849 = arith.constant 4 : i32
    %roll3A_850 = tpu.dynamic_rotate %select_n3A_837 by %roll3A_849 dim 1 : vector<16x2048xi32>, i32 -> vector<16x2048xi32>
    %roll3A_851 = arith.constant 2044 : i32
    %roll3A_852 = tpu.dynamic_rotate %select_n3A_837 by %roll3A_851 dim 1 : vector<16x2048xi32>, i32 -> vector<16x2048xi32>
    %select_n3A_853 = arith.select %ne3A_843, %roll3A_850, %roll3A_852 : vector<16x2048xi1>, vector<16x2048xi32>
    %gt3A_854 = arith.cmpf ogt, %select_n3A_848, %select_n3A_836 : vector<16x2048xf32>
    %eq3A_855 = arith.cmpf oeq, %select_n3A_848, %select_n3A_836 : vector<16x2048xf32>
    %lt3A_856 = arith.cmpi slt, %select_n3A_853, %select_n3A_837 : vector<16x2048xi32>
    %and3A_857 = arith.andi %eq3A_855, %lt3A_856 : vector<16x2048xi1>
    %or3A_858 = arith.ori %gt3A_854, %and3A_857 : vector<16x2048xi1>
    %xor3A_859 = arith.xori %lt3A_647, %ne3A_843 : vector<16x2048xi1>
    %xor3A_860 = arith.xori %or3A_858, %xor3A_859 : vector<16x2048xi1>
    %not3A_861 = arith.constant dense<true> : vector<16x2048xi1>
    %not3A_862 = arith.xori %xor3A_860, %not3A_861 : vector<16x2048xi1>
    %select_n3A_863 = arith.select %not3A_862, %select_n3A_848, %select_n3A_836 : vector<16x2048xi1>, vector<16x2048xf32>
    %select_n3A_864 = arith.select %not3A_862, %select_n3A_853, %select_n3A_837 : vector<16x2048xi1>, vector<16x2048xi32>
    %and3A_865 = arith.constant 2 : i32
    %and3A_866 = vector.broadcast %and3A_865 : i32 to vector<16x2048xi32>
    %and3A_867 = arith.andi %iota3A_648, %and3A_866 : vector<16x2048xi32>
    %ne3A_868 = arith.constant 0 : i32
    %ne3A_869 = vector.broadcast %ne3A_868 : i32 to vector<16x2048xi32>
    %ne3A_870 = arith.cmpi ne, %and3A_867, %ne3A_869 : vector<16x2048xi32>
    %roll3A_871 = arith.constant 2 : i32
    %roll3A_872 = tpu.dynamic_rotate %select_n3A_863 by %roll3A_871 dim 1 : vector<16x2048xf32>, i32 -> vector<16x2048xf32>
    %roll3A_873 = arith.constant 2046 : i32
    %roll3A_874 = tpu.dynamic_rotate %select_n3A_863 by %roll3A_873 dim 1 : vector<16x2048xf32>, i32 -> vector<16x2048xf32>
    %select_n3A_875 = arith.select %ne3A_870, %roll3A_872, %roll3A_874 : vector<16x2048xi1>, vector<16x2048xf32>
    %roll3A_876 = arith.constant 2 : i32
    %roll3A_877 = tpu.dynamic_rotate %select_n3A_864 by %roll3A_876 dim 1 : vector<16x2048xi32>, i32 -> vector<16x2048xi32>
    %roll3A_878 = arith.constant 2046 : i32
    %roll3A_879 = tpu.dynamic_rotate %select_n3A_864 by %roll3A_878 dim 1 : vector<16x2048xi32>, i32 -> vector<16x2048xi32>
    %select_n3A_880 = arith.select %ne3A_870, %roll3A_877, %roll3A_879 : vector<16x2048xi1>, vector<16x2048xi32>
    %gt3A_881 = arith.cmpf ogt, %select_n3A_875, %select_n3A_863 : vector<16x2048xf32>
    %eq3A_882 = arith.cmpf oeq, %select_n3A_875, %select_n3A_863 : vector<16x2048xf32>
    %lt3A_883 = arith.cmpi slt, %select_n3A_880, %select_n3A_864 : vector<16x2048xi32>
    %and3A_884 = arith.andi %eq3A_882, %lt3A_883 : vector<16x2048xi1>
    %or3A_885 = arith.ori %gt3A_881, %and3A_884 : vector<16x2048xi1>
    %xor3A_886 = arith.xori %lt3A_647, %ne3A_870 : vector<16x2048xi1>
    %xor3A_887 = arith.xori %or3A_885, %xor3A_886 : vector<16x2048xi1>
    %not3A_888 = arith.constant dense<true> : vector<16x2048xi1>
    %not3A_889 = arith.xori %xor3A_887, %not3A_888 : vector<16x2048xi1>
    %select_n3A_890 = arith.select %not3A_889, %select_n3A_875, %select_n3A_863 : vector<16x2048xi1>, vector<16x2048xf32>
    %select_n3A_891 = arith.select %not3A_889, %select_n3A_880, %select_n3A_864 : vector<16x2048xi1>, vector<16x2048xi32>
    %and3A_892 = arith.constant 1 : i32
    %and3A_893 = vector.broadcast %and3A_892 : i32 to vector<16x2048xi32>
    %and3A_894 = arith.andi %iota3A_648, %and3A_893 : vector<16x2048xi32>
    %ne3A_895 = arith.constant 0 : i32
    %ne3A_896 = vector.broadcast %ne3A_895 : i32 to vector<16x2048xi32>
    %ne3A_897 = arith.cmpi ne, %and3A_894, %ne3A_896 : vector<16x2048xi32>
    %roll3A_898 = arith.constant 1 : i32
    %roll3A_899 = tpu.dynamic_rotate %select_n3A_890 by %roll3A_898 dim 1 : vector<16x2048xf32>, i32 -> vector<16x2048xf32>
    %roll3A_900 = arith.constant 2047 : i32
    %roll3A_901 = tpu.dynamic_rotate %select_n3A_890 by %roll3A_900 dim 1 : vector<16x2048xf32>, i32 -> vector<16x2048xf32>
    %select_n3A_902 = arith.select %ne3A_897, %roll3A_899, %roll3A_901 : vector<16x2048xi1>, vector<16x2048xf32>
    %roll3A_903 = arith.constant 1 : i32
    %roll3A_904 = tpu.dynamic_rotate %select_n3A_891 by %roll3A_903 dim 1 : vector<16x2048xi32>, i32 -> vector<16x2048xi32>
    %roll3A_905 = arith.constant 2047 : i32
    %roll3A_906 = tpu.dynamic_rotate %select_n3A_891 by %roll3A_905 dim 1 : vector<16x2048xi32>, i32 -> vector<16x2048xi32>
    %select_n3A_907 = arith.select %ne3A_897, %roll3A_904, %roll3A_906 : vector<16x2048xi1>, vector<16x2048xi32>
    %gt3A_908 = arith.cmpf ogt, %select_n3A_902, %select_n3A_890 : vector<16x2048xf32>
    %eq3A_909 = arith.cmpf oeq, %select_n3A_902, %select_n3A_890 : vector<16x2048xf32>
    %lt3A_910 = arith.cmpi slt, %select_n3A_907, %select_n3A_891 : vector<16x2048xi32>
    %and3A_911 = arith.andi %eq3A_909, %lt3A_910 : vector<16x2048xi1>
    %or3A_912 = arith.ori %gt3A_908, %and3A_911 : vector<16x2048xi1>
    %xor3A_913 = arith.xori %lt3A_647, %ne3A_897 : vector<16x2048xi1>
    %xor3A_914 = arith.xori %or3A_912, %xor3A_913 : vector<16x2048xi1>
    %not3A_915 = arith.constant dense<true> : vector<16x2048xi1>
    %not3A_916 = arith.xori %xor3A_914, %not3A_915 : vector<16x2048xi1>
    %select_n3A_917 = arith.select %not3A_916, %select_n3A_902, %select_n3A_890 : vector<16x2048xi1>, vector<16x2048xf32>
    %select_n3A_918 = arith.select %not3A_916, %select_n3A_907, %select_n3A_891 : vector<16x2048xi1>, vector<16x2048xi32>
    %iota3A_919 = tpu.iota {dimensions = array<i32: 1>} : vector<16x2048xi32>
    %roll3A_920 = arith.constant 1024 : i32
    %roll3A_921 = tpu.dynamic_rotate %select_n3A_917 by %roll3A_920 dim 1 : vector<16x2048xf32>, i32 -> vector<16x2048xf32>
    %roll3A_922 = arith.constant 1024 : i32
    %roll3A_923 = tpu.dynamic_rotate %select_n3A_918 by %roll3A_922 dim 1 : vector<16x2048xi32>, i32 -> vector<16x2048xi32>
    %gt3A_924 = arith.cmpf ogt, %select_n3A_917, %roll3A_921 : vector<16x2048xf32>
    %eq3A_925 = arith.cmpf oeq, %select_n3A_917, %roll3A_921 : vector<16x2048xf32>
    %lt3A_926 = arith.cmpi slt, %select_n3A_918, %roll3A_923 : vector<16x2048xi32>
    %and3A_927 = arith.andi %eq3A_925, %lt3A_926 : vector<16x2048xi1>
    %or3A_928 = arith.ori %gt3A_924, %and3A_927 : vector<16x2048xi1>
    %lt3A_929 = arith.constant 2048 : i32
    %lt3A_930 = vector.broadcast %lt3A_929 : i32 to vector<16x2048xi32>
    %lt3A_931 = arith.cmpi slt, %iota3A_919, %lt3A_930 : vector<16x2048xi32>
    %not3A_932 = arith.constant dense<true> : vector<16x2048xi1>
    %not3A_933 = arith.xori %or3A_928, %not3A_932 : vector<16x2048xi1>
    %and3A_934 = arith.andi %lt3A_931, %not3A_933 : vector<16x2048xi1>
    %select_n3A_935 = arith.select %and3A_934, %roll3A_921, %select_n3A_917 : vector<16x2048xi1>, vector<16x2048xf32>
    %not3A_936 = arith.constant dense<true> : vector<16x2048xi1>
    %not3A_937 = arith.xori %or3A_928, %not3A_936 : vector<16x2048xi1>
    %and3A_938 = arith.andi %lt3A_931, %not3A_937 : vector<16x2048xi1>
    %select_n3A_939 = arith.select %and3A_938, %roll3A_923, %select_n3A_918 : vector<16x2048xi1>, vector<16x2048xi32>
    %slice3A_940 = vector.extract_strided_slice %select_n3A_935 {offsets = [0, 0], sizes = [16, 1024], strides = [1, 1]} : vector<16x2048xf32> to vector<16x1024xf32>
    %slice3A_941 = vector.extract_strided_slice %select_n3A_939 {offsets = [0, 0], sizes = [16, 1024], strides = [1, 1]} : vector<16x2048xi32> to vector<16x1024xi32>
    %broadcast_in_dim3A = arith.constant true
    %broadcast_in_dim3A_942 = vector.broadcast %broadcast_in_dim3A : i1 to vector<16x1024xi1>
    %iota3A_943 = tpu.iota {dimensions = array<i32: 1>} : vector<16x1024xi32>
    %and3A_944 = arith.constant 512 : i32
    %and3A_945 = vector.broadcast %and3A_944 : i32 to vector<16x1024xi32>
    %and3A_946 = arith.andi %iota3A_943, %and3A_945 : vector<16x1024xi32>
    %ne3A_947 = arith.constant 0 : i32
    %ne3A_948 = vector.broadcast %ne3A_947 : i32 to vector<16x1024xi32>
    %ne3A_949 = arith.cmpi ne, %and3A_946, %ne3A_948 : vector<16x1024xi32>
    %roll3A_950 = arith.constant 512 : i32
    %roll3A_951 = tpu.dynamic_rotate %slice3A_940 by %roll3A_950 dim 1 : vector<16x1024xf32>, i32 -> vector<16x1024xf32>
    %roll3A_952 = arith.constant 512 : i32
    %roll3A_953 = tpu.dynamic_rotate %slice3A_940 by %roll3A_952 dim 1 : vector<16x1024xf32>, i32 -> vector<16x1024xf32>
    %select_n3A_954 = arith.select %ne3A_949, %roll3A_951, %roll3A_953 : vector<16x1024xi1>, vector<16x1024xf32>
    %roll3A_955 = arith.constant 512 : i32
    %roll3A_956 = tpu.dynamic_rotate %slice3A_941 by %roll3A_955 dim 1 : vector<16x1024xi32>, i32 -> vector<16x1024xi32>
    %roll3A_957 = arith.constant 512 : i32
    %roll3A_958 = tpu.dynamic_rotate %slice3A_941 by %roll3A_957 dim 1 : vector<16x1024xi32>, i32 -> vector<16x1024xi32>
    %select_n3A_959 = arith.select %ne3A_949, %roll3A_956, %roll3A_958 : vector<16x1024xi1>, vector<16x1024xi32>
    %gt3A_960 = arith.cmpf ogt, %select_n3A_954, %slice3A_940 : vector<16x1024xf32>
    %eq3A_961 = arith.cmpf oeq, %select_n3A_954, %slice3A_940 : vector<16x1024xf32>
    %lt3A_962 = arith.cmpi slt, %select_n3A_959, %slice3A_941 : vector<16x1024xi32>
    %and3A_963 = arith.andi %eq3A_961, %lt3A_962 : vector<16x1024xi1>
    %or3A_964 = arith.ori %gt3A_960, %and3A_963 : vector<16x1024xi1>
    %xor3A_965 = arith.xori %broadcast_in_dim3A_942, %ne3A_949 : vector<16x1024xi1>
    %xor3A_966 = arith.xori %or3A_964, %xor3A_965 : vector<16x1024xi1>
    %not3A_967 = arith.constant dense<true> : vector<16x1024xi1>
    %not3A_968 = arith.xori %xor3A_966, %not3A_967 : vector<16x1024xi1>
    %select_n3A_969 = arith.select %not3A_968, %select_n3A_954, %slice3A_940 : vector<16x1024xi1>, vector<16x1024xf32>
    %select_n3A_970 = arith.select %not3A_968, %select_n3A_959, %slice3A_941 : vector<16x1024xi1>, vector<16x1024xi32>
    %and3A_971 = arith.constant 256 : i32
    %and3A_972 = vector.broadcast %and3A_971 : i32 to vector<16x1024xi32>
    %and3A_973 = arith.andi %iota3A_943, %and3A_972 : vector<16x1024xi32>
    %ne3A_974 = arith.constant 0 : i32
    %ne3A_975 = vector.broadcast %ne3A_974 : i32 to vector<16x1024xi32>
    %ne3A_976 = arith.cmpi ne, %and3A_973, %ne3A_975 : vector<16x1024xi32>
    %roll3A_977 = arith.constant 256 : i32
    %roll3A_978 = tpu.dynamic_rotate %select_n3A_969 by %roll3A_977 dim 1 : vector<16x1024xf32>, i32 -> vector<16x1024xf32>
    %roll3A_979 = arith.constant 768 : i32
    %roll3A_980 = tpu.dynamic_rotate %select_n3A_969 by %roll3A_979 dim 1 : vector<16x1024xf32>, i32 -> vector<16x1024xf32>
    %select_n3A_981 = arith.select %ne3A_976, %roll3A_978, %roll3A_980 : vector<16x1024xi1>, vector<16x1024xf32>
    %roll3A_982 = arith.constant 256 : i32
    %roll3A_983 = tpu.dynamic_rotate %select_n3A_970 by %roll3A_982 dim 1 : vector<16x1024xi32>, i32 -> vector<16x1024xi32>
    %roll3A_984 = arith.constant 768 : i32
    %roll3A_985 = tpu.dynamic_rotate %select_n3A_970 by %roll3A_984 dim 1 : vector<16x1024xi32>, i32 -> vector<16x1024xi32>
    %select_n3A_986 = arith.select %ne3A_976, %roll3A_983, %roll3A_985 : vector<16x1024xi1>, vector<16x1024xi32>
    %gt3A_987 = arith.cmpf ogt, %select_n3A_981, %select_n3A_969 : vector<16x1024xf32>
    %eq3A_988 = arith.cmpf oeq, %select_n3A_981, %select_n3A_969 : vector<16x1024xf32>
    %lt3A_989 = arith.cmpi slt, %select_n3A_986, %select_n3A_970 : vector<16x1024xi32>
    %and3A_990 = arith.andi %eq3A_988, %lt3A_989 : vector<16x1024xi1>
    %or3A_991 = arith.ori %gt3A_987, %and3A_990 : vector<16x1024xi1>
    %xor3A_992 = arith.xori %broadcast_in_dim3A_942, %ne3A_976 : vector<16x1024xi1>
    %xor3A_993 = arith.xori %or3A_991, %xor3A_992 : vector<16x1024xi1>
    %not3A_994 = arith.constant dense<true> : vector<16x1024xi1>
    %not3A_995 = arith.xori %xor3A_993, %not3A_994 : vector<16x1024xi1>
    %select_n3A_996 = arith.select %not3A_995, %select_n3A_981, %select_n3A_969 : vector<16x1024xi1>, vector<16x1024xf32>
    %select_n3A_997 = arith.select %not3A_995, %select_n3A_986, %select_n3A_970 : vector<16x1024xi1>, vector<16x1024xi32>
    %and3A_998 = arith.constant 128 : i32
    %and3A_999 = vector.broadcast %and3A_998 : i32 to vector<16x1024xi32>
    %and3A_1000 = arith.andi %iota3A_943, %and3A_999 : vector<16x1024xi32>
    %ne3A_1001 = arith.constant 0 : i32
    %ne3A_1002 = vector.broadcast %ne3A_1001 : i32 to vector<16x1024xi32>
    %ne3A_1003 = arith.cmpi ne, %and3A_1000, %ne3A_1002 : vector<16x1024xi32>
    %roll3A_1004 = arith.constant 128 : i32
    %roll3A_1005 = tpu.dynamic_rotate %select_n3A_996 by %roll3A_1004 dim 1 : vector<16x1024xf32>, i32 -> vector<16x1024xf32>
    %roll3A_1006 = arith.constant 896 : i32
    %roll3A_1007 = tpu.dynamic_rotate %select_n3A_996 by %roll3A_1006 dim 1 : vector<16x1024xf32>, i32 -> vector<16x1024xf32>
    %select_n3A_1008 = arith.select %ne3A_1003, %roll3A_1005, %roll3A_1007 : vector<16x1024xi1>, vector<16x1024xf32>
    %roll3A_1009 = arith.constant 128 : i32
    %roll3A_1010 = tpu.dynamic_rotate %select_n3A_997 by %roll3A_1009 dim 1 : vector<16x1024xi32>, i32 -> vector<16x1024xi32>
    %roll3A_1011 = arith.constant 896 : i32
    %roll3A_1012 = tpu.dynamic_rotate %select_n3A_997 by %roll3A_1011 dim 1 : vector<16x1024xi32>, i32 -> vector<16x1024xi32>
    %select_n3A_1013 = arith.select %ne3A_1003, %roll3A_1010, %roll3A_1012 : vector<16x1024xi1>, vector<16x1024xi32>
    %gt3A_1014 = arith.cmpf ogt, %select_n3A_1008, %select_n3A_996 : vector<16x1024xf32>
    %eq3A_1015 = arith.cmpf oeq, %select_n3A_1008, %select_n3A_996 : vector<16x1024xf32>
    %lt3A_1016 = arith.cmpi slt, %select_n3A_1013, %select_n3A_997 : vector<16x1024xi32>
    %and3A_1017 = arith.andi %eq3A_1015, %lt3A_1016 : vector<16x1024xi1>
    %or3A_1018 = arith.ori %gt3A_1014, %and3A_1017 : vector<16x1024xi1>
    %xor3A_1019 = arith.xori %broadcast_in_dim3A_942, %ne3A_1003 : vector<16x1024xi1>
    %xor3A_1020 = arith.xori %or3A_1018, %xor3A_1019 : vector<16x1024xi1>
    %not3A_1021 = arith.constant dense<true> : vector<16x1024xi1>
    %not3A_1022 = arith.xori %xor3A_1020, %not3A_1021 : vector<16x1024xi1>
    %select_n3A_1023 = arith.select %not3A_1022, %select_n3A_1008, %select_n3A_996 : vector<16x1024xi1>, vector<16x1024xf32>
    %select_n3A_1024 = arith.select %not3A_1022, %select_n3A_1013, %select_n3A_997 : vector<16x1024xi1>, vector<16x1024xi32>
    %and3A_1025 = arith.constant 64 : i32
    %and3A_1026 = vector.broadcast %and3A_1025 : i32 to vector<16x1024xi32>
    %and3A_1027 = arith.andi %iota3A_943, %and3A_1026 : vector<16x1024xi32>
    %ne3A_1028 = arith.constant 0 : i32
    %ne3A_1029 = vector.broadcast %ne3A_1028 : i32 to vector<16x1024xi32>
    %ne3A_1030 = arith.cmpi ne, %and3A_1027, %ne3A_1029 : vector<16x1024xi32>
    %roll3A_1031 = arith.constant 64 : i32
    %roll3A_1032 = tpu.dynamic_rotate %select_n3A_1023 by %roll3A_1031 dim 1 : vector<16x1024xf32>, i32 -> vector<16x1024xf32>
    %roll3A_1033 = arith.constant 960 : i32
    %roll3A_1034 = tpu.dynamic_rotate %select_n3A_1023 by %roll3A_1033 dim 1 : vector<16x1024xf32>, i32 -> vector<16x1024xf32>
    %select_n3A_1035 = arith.select %ne3A_1030, %roll3A_1032, %roll3A_1034 : vector<16x1024xi1>, vector<16x1024xf32>
    %roll3A_1036 = arith.constant 64 : i32
    %roll3A_1037 = tpu.dynamic_rotate %select_n3A_1024 by %roll3A_1036 dim 1 : vector<16x1024xi32>, i32 -> vector<16x1024xi32>
    %roll3A_1038 = arith.constant 960 : i32
    %roll3A_1039 = tpu.dynamic_rotate %select_n3A_1024 by %roll3A_1038 dim 1 : vector<16x1024xi32>, i32 -> vector<16x1024xi32>
    %select_n3A_1040 = arith.select %ne3A_1030, %roll3A_1037, %roll3A_1039 : vector<16x1024xi1>, vector<16x1024xi32>
    %gt3A_1041 = arith.cmpf ogt, %select_n3A_1035, %select_n3A_1023 : vector<16x1024xf32>
    %eq3A_1042 = arith.cmpf oeq, %select_n3A_1035, %select_n3A_1023 : vector<16x1024xf32>
    %lt3A_1043 = arith.cmpi slt, %select_n3A_1040, %select_n3A_1024 : vector<16x1024xi32>
    %and3A_1044 = arith.andi %eq3A_1042, %lt3A_1043 : vector<16x1024xi1>
    %or3A_1045 = arith.ori %gt3A_1041, %and3A_1044 : vector<16x1024xi1>
    %xor3A_1046 = arith.xori %broadcast_in_dim3A_942, %ne3A_1030 : vector<16x1024xi1>
    %xor3A_1047 = arith.xori %or3A_1045, %xor3A_1046 : vector<16x1024xi1>
    %not3A_1048 = arith.constant dense<true> : vector<16x1024xi1>
    %not3A_1049 = arith.xori %xor3A_1047, %not3A_1048 : vector<16x1024xi1>
    %select_n3A_1050 = arith.select %not3A_1049, %select_n3A_1035, %select_n3A_1023 : vector<16x1024xi1>, vector<16x1024xf32>
    %select_n3A_1051 = arith.select %not3A_1049, %select_n3A_1040, %select_n3A_1024 : vector<16x1024xi1>, vector<16x1024xi32>
    %and3A_1052 = arith.constant 32 : i32
    %and3A_1053 = vector.broadcast %and3A_1052 : i32 to vector<16x1024xi32>
    %and3A_1054 = arith.andi %iota3A_943, %and3A_1053 : vector<16x1024xi32>
    %ne3A_1055 = arith.constant 0 : i32
    %ne3A_1056 = vector.broadcast %ne3A_1055 : i32 to vector<16x1024xi32>
    %ne3A_1057 = arith.cmpi ne, %and3A_1054, %ne3A_1056 : vector<16x1024xi32>
    %roll3A_1058 = arith.constant 32 : i32
    %roll3A_1059 = tpu.dynamic_rotate %select_n3A_1050 by %roll3A_1058 dim 1 : vector<16x1024xf32>, i32 -> vector<16x1024xf32>
    %roll3A_1060 = arith.constant 992 : i32
    %roll3A_1061 = tpu.dynamic_rotate %select_n3A_1050 by %roll3A_1060 dim 1 : vector<16x1024xf32>, i32 -> vector<16x1024xf32>
    %select_n3A_1062 = arith.select %ne3A_1057, %roll3A_1059, %roll3A_1061 : vector<16x1024xi1>, vector<16x1024xf32>
    %roll3A_1063 = arith.constant 32 : i32
    %roll3A_1064 = tpu.dynamic_rotate %select_n3A_1051 by %roll3A_1063 dim 1 : vector<16x1024xi32>, i32 -> vector<16x1024xi32>
    %roll3A_1065 = arith.constant 992 : i32
    %roll3A_1066 = tpu.dynamic_rotate %select_n3A_1051 by %roll3A_1065 dim 1 : vector<16x1024xi32>, i32 -> vector<16x1024xi32>
    %select_n3A_1067 = arith.select %ne3A_1057, %roll3A_1064, %roll3A_1066 : vector<16x1024xi1>, vector<16x1024xi32>
    %gt3A_1068 = arith.cmpf ogt, %select_n3A_1062, %select_n3A_1050 : vector<16x1024xf32>
    %eq3A_1069 = arith.cmpf oeq, %select_n3A_1062, %select_n3A_1050 : vector<16x1024xf32>
    %lt3A_1070 = arith.cmpi slt, %select_n3A_1067, %select_n3A_1051 : vector<16x1024xi32>
    %and3A_1071 = arith.andi %eq3A_1069, %lt3A_1070 : vector<16x1024xi1>
    %or3A_1072 = arith.ori %gt3A_1068, %and3A_1071 : vector<16x1024xi1>
    %xor3A_1073 = arith.xori %broadcast_in_dim3A_942, %ne3A_1057 : vector<16x1024xi1>
    %xor3A_1074 = arith.xori %or3A_1072, %xor3A_1073 : vector<16x1024xi1>
    %not3A_1075 = arith.constant dense<true> : vector<16x1024xi1>
    %not3A_1076 = arith.xori %xor3A_1074, %not3A_1075 : vector<16x1024xi1>
    %select_n3A_1077 = arith.select %not3A_1076, %select_n3A_1062, %select_n3A_1050 : vector<16x1024xi1>, vector<16x1024xf32>
    %select_n3A_1078 = arith.select %not3A_1076, %select_n3A_1067, %select_n3A_1051 : vector<16x1024xi1>, vector<16x1024xi32>
    %and3A_1079 = arith.constant 16 : i32
    %and3A_1080 = vector.broadcast %and3A_1079 : i32 to vector<16x1024xi32>
    %and3A_1081 = arith.andi %iota3A_943, %and3A_1080 : vector<16x1024xi32>
    %ne3A_1082 = arith.constant 0 : i32
    %ne3A_1083 = vector.broadcast %ne3A_1082 : i32 to vector<16x1024xi32>
    %ne3A_1084 = arith.cmpi ne, %and3A_1081, %ne3A_1083 : vector<16x1024xi32>
    %roll3A_1085 = arith.constant 16 : i32
    %roll3A_1086 = tpu.dynamic_rotate %select_n3A_1077 by %roll3A_1085 dim 1 : vector<16x1024xf32>, i32 -> vector<16x1024xf32>
    %roll3A_1087 = arith.constant 1008 : i32
    %roll3A_1088 = tpu.dynamic_rotate %select_n3A_1077 by %roll3A_1087 dim 1 : vector<16x1024xf32>, i32 -> vector<16x1024xf32>
    %select_n3A_1089 = arith.select %ne3A_1084, %roll3A_1086, %roll3A_1088 : vector<16x1024xi1>, vector<16x1024xf32>
    %roll3A_1090 = arith.constant 16 : i32
    %roll3A_1091 = tpu.dynamic_rotate %select_n3A_1078 by %roll3A_1090 dim 1 : vector<16x1024xi32>, i32 -> vector<16x1024xi32>
    %roll3A_1092 = arith.constant 1008 : i32
    %roll3A_1093 = tpu.dynamic_rotate %select_n3A_1078 by %roll3A_1092 dim 1 : vector<16x1024xi32>, i32 -> vector<16x1024xi32>
    %select_n3A_1094 = arith.select %ne3A_1084, %roll3A_1091, %roll3A_1093 : vector<16x1024xi1>, vector<16x1024xi32>
    %gt3A_1095 = arith.cmpf ogt, %select_n3A_1089, %select_n3A_1077 : vector<16x1024xf32>
    %eq3A_1096 = arith.cmpf oeq, %select_n3A_1089, %select_n3A_1077 : vector<16x1024xf32>
    %lt3A_1097 = arith.cmpi slt, %select_n3A_1094, %select_n3A_1078 : vector<16x1024xi32>
    %and3A_1098 = arith.andi %eq3A_1096, %lt3A_1097 : vector<16x1024xi1>
    %or3A_1099 = arith.ori %gt3A_1095, %and3A_1098 : vector<16x1024xi1>
    %xor3A_1100 = arith.xori %broadcast_in_dim3A_942, %ne3A_1084 : vector<16x1024xi1>
    %xor3A_1101 = arith.xori %or3A_1099, %xor3A_1100 : vector<16x1024xi1>
    %not3A_1102 = arith.constant dense<true> : vector<16x1024xi1>
    %not3A_1103 = arith.xori %xor3A_1101, %not3A_1102 : vector<16x1024xi1>
    %select_n3A_1104 = arith.select %not3A_1103, %select_n3A_1089, %select_n3A_1077 : vector<16x1024xi1>, vector<16x1024xf32>
    %select_n3A_1105 = arith.select %not3A_1103, %select_n3A_1094, %select_n3A_1078 : vector<16x1024xi1>, vector<16x1024xi32>
    %and3A_1106 = arith.constant 8 : i32
    %and3A_1107 = vector.broadcast %and3A_1106 : i32 to vector<16x1024xi32>
    %and3A_1108 = arith.andi %iota3A_943, %and3A_1107 : vector<16x1024xi32>
    %ne3A_1109 = arith.constant 0 : i32
    %ne3A_1110 = vector.broadcast %ne3A_1109 : i32 to vector<16x1024xi32>
    %ne3A_1111 = arith.cmpi ne, %and3A_1108, %ne3A_1110 : vector<16x1024xi32>
    %roll3A_1112 = arith.constant 8 : i32
    %roll3A_1113 = tpu.dynamic_rotate %select_n3A_1104 by %roll3A_1112 dim 1 : vector<16x1024xf32>, i32 -> vector<16x1024xf32>
    %roll3A_1114 = arith.constant 1016 : i32
    %roll3A_1115 = tpu.dynamic_rotate %select_n3A_1104 by %roll3A_1114 dim 1 : vector<16x1024xf32>, i32 -> vector<16x1024xf32>
    %select_n3A_1116 = arith.select %ne3A_1111, %roll3A_1113, %roll3A_1115 : vector<16x1024xi1>, vector<16x1024xf32>
    %roll3A_1117 = arith.constant 8 : i32
    %roll3A_1118 = tpu.dynamic_rotate %select_n3A_1105 by %roll3A_1117 dim 1 : vector<16x1024xi32>, i32 -> vector<16x1024xi32>
    %roll3A_1119 = arith.constant 1016 : i32
    %roll3A_1120 = tpu.dynamic_rotate %select_n3A_1105 by %roll3A_1119 dim 1 : vector<16x1024xi32>, i32 -> vector<16x1024xi32>
    %select_n3A_1121 = arith.select %ne3A_1111, %roll3A_1118, %roll3A_1120 : vector<16x1024xi1>, vector<16x1024xi32>
    %gt3A_1122 = arith.cmpf ogt, %select_n3A_1116, %select_n3A_1104 : vector<16x1024xf32>
    %eq3A_1123 = arith.cmpf oeq, %select_n3A_1116, %select_n3A_1104 : vector<16x1024xf32>
    %lt3A_1124 = arith.cmpi slt, %select_n3A_1121, %select_n3A_1105 : vector<16x1024xi32>
    %and3A_1125 = arith.andi %eq3A_1123, %lt3A_1124 : vector<16x1024xi1>
    %or3A_1126 = arith.ori %gt3A_1122, %and3A_1125 : vector<16x1024xi1>
    %xor3A_1127 = arith.xori %broadcast_in_dim3A_942, %ne3A_1111 : vector<16x1024xi1>
    %xor3A_1128 = arith.xori %or3A_1126, %xor3A_1127 : vector<16x1024xi1>
    %not3A_1129 = arith.constant dense<true> : vector<16x1024xi1>
    %not3A_1130 = arith.xori %xor3A_1128, %not3A_1129 : vector<16x1024xi1>
    %select_n3A_1131 = arith.select %not3A_1130, %select_n3A_1116, %select_n3A_1104 : vector<16x1024xi1>, vector<16x1024xf32>
    %select_n3A_1132 = arith.select %not3A_1130, %select_n3A_1121, %select_n3A_1105 : vector<16x1024xi1>, vector<16x1024xi32>
    %and3A_1133 = arith.constant 4 : i32
    %and3A_1134 = vector.broadcast %and3A_1133 : i32 to vector<16x1024xi32>
    %and3A_1135 = arith.andi %iota3A_943, %and3A_1134 : vector<16x1024xi32>
    %ne3A_1136 = arith.constant 0 : i32
    %ne3A_1137 = vector.broadcast %ne3A_1136 : i32 to vector<16x1024xi32>
    %ne3A_1138 = arith.cmpi ne, %and3A_1135, %ne3A_1137 : vector<16x1024xi32>
    %roll3A_1139 = arith.constant 4 : i32
    %roll3A_1140 = tpu.dynamic_rotate %select_n3A_1131 by %roll3A_1139 dim 1 : vector<16x1024xf32>, i32 -> vector<16x1024xf32>
    %roll3A_1141 = arith.constant 1020 : i32
    %roll3A_1142 = tpu.dynamic_rotate %select_n3A_1131 by %roll3A_1141 dim 1 : vector<16x1024xf32>, i32 -> vector<16x1024xf32>
    %select_n3A_1143 = arith.select %ne3A_1138, %roll3A_1140, %roll3A_1142 : vector<16x1024xi1>, vector<16x1024xf32>
    %roll3A_1144 = arith.constant 4 : i32
    %roll3A_1145 = tpu.dynamic_rotate %select_n3A_1132 by %roll3A_1144 dim 1 : vector<16x1024xi32>, i32 -> vector<16x1024xi32>
    %roll3A_1146 = arith.constant 1020 : i32
    %roll3A_1147 = tpu.dynamic_rotate %select_n3A_1132 by %roll3A_1146 dim 1 : vector<16x1024xi32>, i32 -> vector<16x1024xi32>
    %select_n3A_1148 = arith.select %ne3A_1138, %roll3A_1145, %roll3A_1147 : vector<16x1024xi1>, vector<16x1024xi32>
    %gt3A_1149 = arith.cmpf ogt, %select_n3A_1143, %select_n3A_1131 : vector<16x1024xf32>
    %eq3A_1150 = arith.cmpf oeq, %select_n3A_1143, %select_n3A_1131 : vector<16x1024xf32>
    %lt3A_1151 = arith.cmpi slt, %select_n3A_1148, %select_n3A_1132 : vector<16x1024xi32>
    %and3A_1152 = arith.andi %eq3A_1150, %lt3A_1151 : vector<16x1024xi1>
    %or3A_1153 = arith.ori %gt3A_1149, %and3A_1152 : vector<16x1024xi1>
    %xor3A_1154 = arith.xori %broadcast_in_dim3A_942, %ne3A_1138 : vector<16x1024xi1>
    %xor3A_1155 = arith.xori %or3A_1153, %xor3A_1154 : vector<16x1024xi1>
    %not3A_1156 = arith.constant dense<true> : vector<16x1024xi1>
    %not3A_1157 = arith.xori %xor3A_1155, %not3A_1156 : vector<16x1024xi1>
    %select_n3A_1158 = arith.select %not3A_1157, %select_n3A_1143, %select_n3A_1131 : vector<16x1024xi1>, vector<16x1024xf32>
    %select_n3A_1159 = arith.select %not3A_1157, %select_n3A_1148, %select_n3A_1132 : vector<16x1024xi1>, vector<16x1024xi32>
    %and3A_1160 = arith.constant 2 : i32
    %and3A_1161 = vector.broadcast %and3A_1160 : i32 to vector<16x1024xi32>
    %and3A_1162 = arith.andi %iota3A_943, %and3A_1161 : vector<16x1024xi32>
    %ne3A_1163 = arith.constant 0 : i32
    %ne3A_1164 = vector.broadcast %ne3A_1163 : i32 to vector<16x1024xi32>
    %ne3A_1165 = arith.cmpi ne, %and3A_1162, %ne3A_1164 : vector<16x1024xi32>
    %roll3A_1166 = arith.constant 2 : i32
    %roll3A_1167 = tpu.dynamic_rotate %select_n3A_1158 by %roll3A_1166 dim 1 : vector<16x1024xf32>, i32 -> vector<16x1024xf32>
    %roll3A_1168 = arith.constant 1022 : i32
    %roll3A_1169 = tpu.dynamic_rotate %select_n3A_1158 by %roll3A_1168 dim 1 : vector<16x1024xf32>, i32 -> vector<16x1024xf32>
    %select_n3A_1170 = arith.select %ne3A_1165, %roll3A_1167, %roll3A_1169 : vector<16x1024xi1>, vector<16x1024xf32>
    %roll3A_1171 = arith.constant 2 : i32
    %roll3A_1172 = tpu.dynamic_rotate %select_n3A_1159 by %roll3A_1171 dim 1 : vector<16x1024xi32>, i32 -> vector<16x1024xi32>
    %roll3A_1173 = arith.constant 1022 : i32
    %roll3A_1174 = tpu.dynamic_rotate %select_n3A_1159 by %roll3A_1173 dim 1 : vector<16x1024xi32>, i32 -> vector<16x1024xi32>
    %select_n3A_1175 = arith.select %ne3A_1165, %roll3A_1172, %roll3A_1174 : vector<16x1024xi1>, vector<16x1024xi32>
    %gt3A_1176 = arith.cmpf ogt, %select_n3A_1170, %select_n3A_1158 : vector<16x1024xf32>
    %eq3A_1177 = arith.cmpf oeq, %select_n3A_1170, %select_n3A_1158 : vector<16x1024xf32>
    %lt3A_1178 = arith.cmpi slt, %select_n3A_1175, %select_n3A_1159 : vector<16x1024xi32>
    %and3A_1179 = arith.andi %eq3A_1177, %lt3A_1178 : vector<16x1024xi1>
    %or3A_1180 = arith.ori %gt3A_1176, %and3A_1179 : vector<16x1024xi1>
    %xor3A_1181 = arith.xori %broadcast_in_dim3A_942, %ne3A_1165 : vector<16x1024xi1>
    %xor3A_1182 = arith.xori %or3A_1180, %xor3A_1181 : vector<16x1024xi1>
    %not3A_1183 = arith.constant dense<true> : vector<16x1024xi1>
    %not3A_1184 = arith.xori %xor3A_1182, %not3A_1183 : vector<16x1024xi1>
    %select_n3A_1185 = arith.select %not3A_1184, %select_n3A_1170, %select_n3A_1158 : vector<16x1024xi1>, vector<16x1024xf32>
    %select_n3A_1186 = arith.select %not3A_1184, %select_n3A_1175, %select_n3A_1159 : vector<16x1024xi1>, vector<16x1024xi32>
    %and3A_1187 = arith.constant 1 : i32
    %and3A_1188 = vector.broadcast %and3A_1187 : i32 to vector<16x1024xi32>
    %and3A_1189 = arith.andi %iota3A_943, %and3A_1188 : vector<16x1024xi32>
    %ne3A_1190 = arith.constant 0 : i32
    %ne3A_1191 = vector.broadcast %ne3A_1190 : i32 to vector<16x1024xi32>
    %ne3A_1192 = arith.cmpi ne, %and3A_1189, %ne3A_1191 : vector<16x1024xi32>
    %roll3A_1193 = arith.constant 1 : i32
    %roll3A_1194 = tpu.dynamic_rotate %select_n3A_1185 by %roll3A_1193 dim 1 : vector<16x1024xf32>, i32 -> vector<16x1024xf32>
    %roll3A_1195 = arith.constant 1023 : i32
    %roll3A_1196 = tpu.dynamic_rotate %select_n3A_1185 by %roll3A_1195 dim 1 : vector<16x1024xf32>, i32 -> vector<16x1024xf32>
    %select_n3A_1197 = arith.select %ne3A_1192, %roll3A_1194, %roll3A_1196 : vector<16x1024xi1>, vector<16x1024xf32>
    %roll3A_1198 = arith.constant 1 : i32
    %roll3A_1199 = tpu.dynamic_rotate %select_n3A_1186 by %roll3A_1198 dim 1 : vector<16x1024xi32>, i32 -> vector<16x1024xi32>
    %roll3A_1200 = arith.constant 1023 : i32
    %roll3A_1201 = tpu.dynamic_rotate %select_n3A_1186 by %roll3A_1200 dim 1 : vector<16x1024xi32>, i32 -> vector<16x1024xi32>
    %select_n3A_1202 = arith.select %ne3A_1192, %roll3A_1199, %roll3A_1201 : vector<16x1024xi1>, vector<16x1024xi32>
    %gt3A_1203 = arith.cmpf ogt, %select_n3A_1197, %select_n3A_1185 : vector<16x1024xf32>
    %eq3A_1204 = arith.cmpf oeq, %select_n3A_1197, %select_n3A_1185 : vector<16x1024xf32>
    %lt3A_1205 = arith.cmpi slt, %select_n3A_1202, %select_n3A_1186 : vector<16x1024xi32>
    %and3A_1206 = arith.andi %eq3A_1204, %lt3A_1205 : vector<16x1024xi1>
    %or3A_1207 = arith.ori %gt3A_1203, %and3A_1206 : vector<16x1024xi1>
    %xor3A_1208 = arith.xori %broadcast_in_dim3A_942, %ne3A_1192 : vector<16x1024xi1>
    %xor3A_1209 = arith.xori %or3A_1207, %xor3A_1208 : vector<16x1024xi1>
    %not3A_1210 = arith.constant dense<true> : vector<16x1024xi1>
    %not3A_1211 = arith.xori %xor3A_1209, %not3A_1210 : vector<16x1024xi1>
    %select_n3A_1212 = arith.select %not3A_1211, %select_n3A_1197, %select_n3A_1185 : vector<16x1024xi1>, vector<16x1024xf32>
    %select_n3A_1213 = arith.select %not3A_1211, %select_n3A_1202, %select_n3A_1186 : vector<16x1024xi1>, vector<16x1024xi32>
    %swap3A = arith.constant 0 : index
    %swap3A_1214 = arith.constant 0 : index
    %swap3A_1215 = vector.load %arg1[%swap3A, %swap3A_1214] : memref<16x1024xf32, #tpu.memory_space<vmem>>, vector<16x1024xf32>
    tpu.vector_store %arg1[%swap3A, %swap3A_1214], %select_n3A_1212 {strides = array<i32>} : memref<16x1024xf32, #tpu.memory_space<vmem>>, vector<16x1024xf32>,
    %iota3A_1216 = tpu.iota {dimensions = array<i32: 0>} : vector<16x1024xi32>
    %mul3A = arith.constant 8704 : i32
    %mul3A_1217 = vector.broadcast %mul3A : i32 to vector<16x1024xi32>
    %mul3A_1218 = arith.muli %iota3A_1216, %mul3A_1217 : vector<16x1024xi32>
    %add3A = arith.addi %select_n3A_1213, %mul3A_1218 : vector<16x1024xi32>
    %swap3A_1219 = arith.constant 0 : index
    %swap3A_1220 = arith.constant 0 : index
    %swap3A_1221 = vector.load %arg2[%swap3A_1219, %swap3A_1220] : memref<16x1024xi32, #tpu.memory_space<vmem>>, vector<16x1024xi32>
    tpu.vector_store %arg2[%swap3A_1219, %swap3A_1220], %add3A {strides = array<i32>} : memref<16x1024xi32, #tpu.memory_space<vmem>>, vector<16x1024xi32>,
    return
  }
}

module attributes {stable_mosaic.version = 14 : i64} {
  func.func @_nms_kernel(%arg0: memref<128x16x1024xf32, #tpu.memory_space<vmem>>, %arg1: memref<16x1024xf32, #tpu.memory_space<vmem>>, %arg2: memref<16x1024xi32, #tpu.memory_space<vmem>>, %arg3: memref<16x8x256xf32, #tpu.memory_space<vmem>>, %arg4: memref<7x8x16x128xf32, #tpu.memory_space<vmem>>, %arg5: memref<128x16x128xf32, #tpu.memory_space<vmem>>) attributes {dimension_semantics = [], scalar_prefetch = 0 : i64, scratch_operands = 2 : i64, tpu.core_type = #tpu.core_type<tc>} {
    %iota3A = tpu.iota {dimensions = array<i32: 1>} : vector<16x1024xi32>
    %get3A = arith.constant 0 : index
    %get3A_0 = arith.constant 0 : index
    %get3A_1 = vector.load %arg2[%get3A, %get3A_0] : memref<16x1024xi32, #tpu.memory_space<vmem>>, vector<16x1024xi32>
    %and3A = arith.constant 15 : i32
    %and3A_2 = vector.broadcast %and3A : i32 to vector<16x1024xi32>
    %and3A_3 = arith.andi %get3A_1, %and3A_2 : vector<16x1024xi32>
    %eq3A = arith.constant 0 : i32
    %eq3A_4 = vector.broadcast %eq3A : i32 to vector<16x1024xi32>
    %eq3A_5 = arith.cmpi eq, %and3A_3, %eq3A_4 : vector<16x1024xi32>
    %eq3A_6 = arith.constant 1 : i32
    %eq3A_7 = vector.broadcast %eq3A_6 : i32 to vector<16x1024xi32>
    %eq3A_8 = arith.cmpi eq, %and3A_3, %eq3A_7 : vector<16x1024xi32>
    %eq3A_9 = arith.constant 2 : i32
    %eq3A_10 = vector.broadcast %eq3A_9 : i32 to vector<16x1024xi32>
    %eq3A_11 = arith.cmpi eq, %and3A_3, %eq3A_10 : vector<16x1024xi32>
    %eq3A_12 = arith.constant 3 : i32
    %eq3A_13 = vector.broadcast %eq3A_12 : i32 to vector<16x1024xi32>
    %eq3A_14 = arith.cmpi eq, %and3A_3, %eq3A_13 : vector<16x1024xi32>
    %eq3A_15 = arith.constant 4 : i32
    %eq3A_16 = vector.broadcast %eq3A_15 : i32 to vector<16x1024xi32>
    %eq3A_17 = arith.cmpi eq, %and3A_3, %eq3A_16 : vector<16x1024xi32>
    %eq3A_18 = arith.constant 5 : i32
    %eq3A_19 = vector.broadcast %eq3A_18 : i32 to vector<16x1024xi32>
    %eq3A_20 = arith.cmpi eq, %and3A_3, %eq3A_19 : vector<16x1024xi32>
    %eq3A_21 = arith.constant 6 : i32
    %eq3A_22 = vector.broadcast %eq3A_21 : i32 to vector<16x1024xi32>
    %eq3A_23 = arith.cmpi eq, %and3A_3, %eq3A_22 : vector<16x1024xi32>
    %eq3A_24 = arith.constant 7 : i32
    %eq3A_25 = vector.broadcast %eq3A_24 : i32 to vector<16x1024xi32>
    %eq3A_26 = arith.cmpi eq, %and3A_3, %eq3A_25 : vector<16x1024xi32>
    %eq3A_27 = arith.constant 8 : i32
    %eq3A_28 = vector.broadcast %eq3A_27 : i32 to vector<16x1024xi32>
    %eq3A_29 = arith.cmpi eq, %and3A_3, %eq3A_28 : vector<16x1024xi32>
    %eq3A_30 = arith.constant 9 : i32
    %eq3A_31 = vector.broadcast %eq3A_30 : i32 to vector<16x1024xi32>
    %eq3A_32 = arith.cmpi eq, %and3A_3, %eq3A_31 : vector<16x1024xi32>
    %eq3A_33 = arith.constant 10 : i32
    %eq3A_34 = vector.broadcast %eq3A_33 : i32 to vector<16x1024xi32>
    %eq3A_35 = arith.cmpi eq, %and3A_3, %eq3A_34 : vector<16x1024xi32>
    %eq3A_36 = arith.constant 11 : i32
    %eq3A_37 = vector.broadcast %eq3A_36 : i32 to vector<16x1024xi32>
    %eq3A_38 = arith.cmpi eq, %and3A_3, %eq3A_37 : vector<16x1024xi32>
    %eq3A_39 = arith.constant 12 : i32
    %eq3A_40 = vector.broadcast %eq3A_39 : i32 to vector<16x1024xi32>
    %eq3A_41 = arith.cmpi eq, %and3A_3, %eq3A_40 : vector<16x1024xi32>
    %eq3A_42 = arith.constant 13 : i32
    %eq3A_43 = vector.broadcast %eq3A_42 : i32 to vector<16x1024xi32>
    %eq3A_44 = arith.cmpi eq, %and3A_3, %eq3A_43 : vector<16x1024xi32>
    %eq3A_45 = arith.constant 14 : i32
    %eq3A_46 = vector.broadcast %eq3A_45 : i32 to vector<16x1024xi32>
    %eq3A_47 = arith.cmpi eq, %and3A_3, %eq3A_46 : vector<16x1024xi32>
    %eq3A_48 = arith.constant 15 : i32
    %eq3A_49 = vector.broadcast %eq3A_48 : i32 to vector<16x1024xi32>
    %eq3A_50 = arith.cmpi eq, %and3A_3, %eq3A_49 : vector<16x1024xi32>
    %broadcast_in_dim3A = arith.constant 0.000000e+00 : f32
    %broadcast_in_dim3A_51 = vector.broadcast %broadcast_in_dim3A : f32 to vector<16x1024xf32>
    %get3A_52 = arith.constant 0 : index
    %get3A_53 = arith.constant 0 : index
    %get3A_54 = arith.constant 0 : index
    %get3A_55 = vector.load %arg0[%get3A_52, %get3A_53, %get3A_54] : memref<128x16x1024xf32, #tpu.memory_space<vmem>>, vector<1x16x1024xf32>
    %get3A_56 = vector.shape_cast %get3A_55 : vector<1x16x1024xf32> to vector<16x1024xf32>
    %jit3A = arith.constant 0.000000e+00 : f32
    %broadcast_in_dim3A_57 = vector.broadcast %jit3A : f32 to vector<16x1024xf32>
    %select_n3A = arith.select %eq3A_5, %get3A_56, %broadcast_in_dim3A_57 : vector<16x1024xi1>, vector<16x1024xf32>
    %add3A = arith.addf %broadcast_in_dim3A_51, %select_n3A : vector<16x1024xf32>
    %get3A_58 = arith.constant 8 : index
    %get3A_59 = arith.constant 0 : index
    %get3A_60 = arith.constant 0 : index
    %get3A_61 = vector.load %arg0[%get3A_58, %get3A_59, %get3A_60] : memref<128x16x1024xf32, #tpu.memory_space<vmem>>, vector<1x16x1024xf32>
    %get3A_62 = vector.shape_cast %get3A_61 : vector<1x16x1024xf32> to vector<16x1024xf32>
    %jit3A_63 = arith.constant 0.000000e+00 : f32
    %broadcast_in_dim3A_64 = vector.broadcast %jit3A_63 : f32 to vector<16x1024xf32>
    %select_n3A_65 = arith.select %eq3A_8, %get3A_62, %broadcast_in_dim3A_64 : vector<16x1024xi1>, vector<16x1024xf32>
    %add3A_66 = arith.addf %add3A, %select_n3A_65 : vector<16x1024xf32>
    %get3A_67 = arith.constant 16 : index
    %get3A_68 = arith.constant 0 : index
    %get3A_69 = arith.constant 0 : index
    %get3A_70 = vector.load %arg0[%get3A_67, %get3A_68, %get3A_69] : memref<128x16x1024xf32, #tpu.memory_space<vmem>>, vector<1x16x1024xf32>
    %get3A_71 = vector.shape_cast %get3A_70 : vector<1x16x1024xf32> to vector<16x1024xf32>
    %jit3A_72 = arith.constant 0.000000e+00 : f32
    %broadcast_in_dim3A_73 = vector.broadcast %jit3A_72 : f32 to vector<16x1024xf32>
    %select_n3A_74 = arith.select %eq3A_11, %get3A_71, %broadcast_in_dim3A_73 : vector<16x1024xi1>, vector<16x1024xf32>
    %add3A_75 = arith.addf %add3A_66, %select_n3A_74 : vector<16x1024xf32>
    %get3A_76 = arith.constant 24 : index
    %get3A_77 = arith.constant 0 : index
    %get3A_78 = arith.constant 0 : index
    %get3A_79 = vector.load %arg0[%get3A_76, %get3A_77, %get3A_78] : memref<128x16x1024xf32, #tpu.memory_space<vmem>>, vector<1x16x1024xf32>
    %get3A_80 = vector.shape_cast %get3A_79 : vector<1x16x1024xf32> to vector<16x1024xf32>
    %jit3A_81 = arith.constant 0.000000e+00 : f32
    %broadcast_in_dim3A_82 = vector.broadcast %jit3A_81 : f32 to vector<16x1024xf32>
    %select_n3A_83 = arith.select %eq3A_14, %get3A_80, %broadcast_in_dim3A_82 : vector<16x1024xi1>, vector<16x1024xf32>
    %add3A_84 = arith.addf %add3A_75, %select_n3A_83 : vector<16x1024xf32>
    %get3A_85 = arith.constant 32 : index
    %get3A_86 = arith.constant 0 : index
    %get3A_87 = arith.constant 0 : index
    %get3A_88 = vector.load %arg0[%get3A_85, %get3A_86, %get3A_87] : memref<128x16x1024xf32, #tpu.memory_space<vmem>>, vector<1x16x1024xf32>
    %get3A_89 = vector.shape_cast %get3A_88 : vector<1x16x1024xf32> to vector<16x1024xf32>
    %jit3A_90 = arith.constant 0.000000e+00 : f32
    %broadcast_in_dim3A_91 = vector.broadcast %jit3A_90 : f32 to vector<16x1024xf32>
    %select_n3A_92 = arith.select %eq3A_17, %get3A_89, %broadcast_in_dim3A_91 : vector<16x1024xi1>, vector<16x1024xf32>
    %add3A_93 = arith.addf %add3A_84, %select_n3A_92 : vector<16x1024xf32>
    %get3A_94 = arith.constant 40 : index
    %get3A_95 = arith.constant 0 : index
    %get3A_96 = arith.constant 0 : index
    %get3A_97 = vector.load %arg0[%get3A_94, %get3A_95, %get3A_96] : memref<128x16x1024xf32, #tpu.memory_space<vmem>>, vector<1x16x1024xf32>
    %get3A_98 = vector.shape_cast %get3A_97 : vector<1x16x1024xf32> to vector<16x1024xf32>
    %jit3A_99 = arith.constant 0.000000e+00 : f32
    %broadcast_in_dim3A_100 = vector.broadcast %jit3A_99 : f32 to vector<16x1024xf32>
    %select_n3A_101 = arith.select %eq3A_20, %get3A_98, %broadcast_in_dim3A_100 : vector<16x1024xi1>, vector<16x1024xf32>
    %add3A_102 = arith.addf %add3A_93, %select_n3A_101 : vector<16x1024xf32>
    %get3A_103 = arith.constant 48 : index
    %get3A_104 = arith.constant 0 : index
    %get3A_105 = arith.constant 0 : index
    %get3A_106 = vector.load %arg0[%get3A_103, %get3A_104, %get3A_105] : memref<128x16x1024xf32, #tpu.memory_space<vmem>>, vector<1x16x1024xf32>
    %get3A_107 = vector.shape_cast %get3A_106 : vector<1x16x1024xf32> to vector<16x1024xf32>
    %jit3A_108 = arith.constant 0.000000e+00 : f32
    %broadcast_in_dim3A_109 = vector.broadcast %jit3A_108 : f32 to vector<16x1024xf32>
    %select_n3A_110 = arith.select %eq3A_23, %get3A_107, %broadcast_in_dim3A_109 : vector<16x1024xi1>, vector<16x1024xf32>
    %add3A_111 = arith.addf %add3A_102, %select_n3A_110 : vector<16x1024xf32>
    %get3A_112 = arith.constant 56 : index
    %get3A_113 = arith.constant 0 : index
    %get3A_114 = arith.constant 0 : index
    %get3A_115 = vector.load %arg0[%get3A_112, %get3A_113, %get3A_114] : memref<128x16x1024xf32, #tpu.memory_space<vmem>>, vector<1x16x1024xf32>
    %get3A_116 = vector.shape_cast %get3A_115 : vector<1x16x1024xf32> to vector<16x1024xf32>
    %jit3A_117 = arith.constant 0.000000e+00 : f32
    %broadcast_in_dim3A_118 = vector.broadcast %jit3A_117 : f32 to vector<16x1024xf32>
    %select_n3A_119 = arith.select %eq3A_26, %get3A_116, %broadcast_in_dim3A_118 : vector<16x1024xi1>, vector<16x1024xf32>
    %add3A_120 = arith.addf %add3A_111, %select_n3A_119 : vector<16x1024xf32>
    %get3A_121 = arith.constant 64 : index
    %get3A_122 = arith.constant 0 : index
    %get3A_123 = arith.constant 0 : index
    %get3A_124 = vector.load %arg0[%get3A_121, %get3A_122, %get3A_123] : memref<128x16x1024xf32, #tpu.memory_space<vmem>>, vector<1x16x1024xf32>
    %get3A_125 = vector.shape_cast %get3A_124 : vector<1x16x1024xf32> to vector<16x1024xf32>
    %jit3A_126 = arith.constant 0.000000e+00 : f32
    %broadcast_in_dim3A_127 = vector.broadcast %jit3A_126 : f32 to vector<16x1024xf32>
    %select_n3A_128 = arith.select %eq3A_29, %get3A_125, %broadcast_in_dim3A_127 : vector<16x1024xi1>, vector<16x1024xf32>
    %add3A_129 = arith.addf %add3A_120, %select_n3A_128 : vector<16x1024xf32>
    %get3A_130 = arith.constant 72 : index
    %get3A_131 = arith.constant 0 : index
    %get3A_132 = arith.constant 0 : index
    %get3A_133 = vector.load %arg0[%get3A_130, %get3A_131, %get3A_132] : memref<128x16x1024xf32, #tpu.memory_space<vmem>>, vector<1x16x1024xf32>
    %get3A_134 = vector.shape_cast %get3A_133 : vector<1x16x1024xf32> to vector<16x1024xf32>
    %jit3A_135 = arith.constant 0.000000e+00 : f32
    %broadcast_in_dim3A_136 = vector.broadcast %jit3A_135 : f32 to vector<16x1024xf32>
    %select_n3A_137 = arith.select %eq3A_32, %get3A_134, %broadcast_in_dim3A_136 : vector<16x1024xi1>, vector<16x1024xf32>
    %add3A_138 = arith.addf %add3A_129, %select_n3A_137 : vector<16x1024xf32>
    %get3A_139 = arith.constant 80 : index
    %get3A_140 = arith.constant 0 : index
    %get3A_141 = arith.constant 0 : index
    %get3A_142 = vector.load %arg0[%get3A_139, %get3A_140, %get3A_141] : memref<128x16x1024xf32, #tpu.memory_space<vmem>>, vector<1x16x1024xf32>
    %get3A_143 = vector.shape_cast %get3A_142 : vector<1x16x1024xf32> to vector<16x1024xf32>
    %jit3A_144 = arith.constant 0.000000e+00 : f32
    %broadcast_in_dim3A_145 = vector.broadcast %jit3A_144 : f32 to vector<16x1024xf32>
    %select_n3A_146 = arith.select %eq3A_35, %get3A_143, %broadcast_in_dim3A_145 : vector<16x1024xi1>, vector<16x1024xf32>
    %add3A_147 = arith.addf %add3A_138, %select_n3A_146 : vector<16x1024xf32>
    %get3A_148 = arith.constant 88 : index
    %get3A_149 = arith.constant 0 : index
    %get3A_150 = arith.constant 0 : index
    %get3A_151 = vector.load %arg0[%get3A_148, %get3A_149, %get3A_150] : memref<128x16x1024xf32, #tpu.memory_space<vmem>>, vector<1x16x1024xf32>
    %get3A_152 = vector.shape_cast %get3A_151 : vector<1x16x1024xf32> to vector<16x1024xf32>
    %jit3A_153 = arith.constant 0.000000e+00 : f32
    %broadcast_in_dim3A_154 = vector.broadcast %jit3A_153 : f32 to vector<16x1024xf32>
    %select_n3A_155 = arith.select %eq3A_38, %get3A_152, %broadcast_in_dim3A_154 : vector<16x1024xi1>, vector<16x1024xf32>
    %add3A_156 = arith.addf %add3A_147, %select_n3A_155 : vector<16x1024xf32>
    %get3A_157 = arith.constant 96 : index
    %get3A_158 = arith.constant 0 : index
    %get3A_159 = arith.constant 0 : index
    %get3A_160 = vector.load %arg0[%get3A_157, %get3A_158, %get3A_159] : memref<128x16x1024xf32, #tpu.memory_space<vmem>>, vector<1x16x1024xf32>
    %get3A_161 = vector.shape_cast %get3A_160 : vector<1x16x1024xf32> to vector<16x1024xf32>
    %jit3A_162 = arith.constant 0.000000e+00 : f32
    %broadcast_in_dim3A_163 = vector.broadcast %jit3A_162 : f32 to vector<16x1024xf32>
    %select_n3A_164 = arith.select %eq3A_41, %get3A_161, %broadcast_in_dim3A_163 : vector<16x1024xi1>, vector<16x1024xf32>
    %add3A_165 = arith.addf %add3A_156, %select_n3A_164 : vector<16x1024xf32>
    %get3A_166 = arith.constant 104 : index
    %get3A_167 = arith.constant 0 : index
    %get3A_168 = arith.constant 0 : index
    %get3A_169 = vector.load %arg0[%get3A_166, %get3A_167, %get3A_168] : memref<128x16x1024xf32, #tpu.memory_space<vmem>>, vector<1x16x1024xf32>
    %get3A_170 = vector.shape_cast %get3A_169 : vector<1x16x1024xf32> to vector<16x1024xf32>
    %jit3A_171 = arith.constant 0.000000e+00 : f32
    %broadcast_in_dim3A_172 = vector.broadcast %jit3A_171 : f32 to vector<16x1024xf32>
    %select_n3A_173 = arith.select %eq3A_44, %get3A_170, %broadcast_in_dim3A_172 : vector<16x1024xi1>, vector<16x1024xf32>
    %add3A_174 = arith.addf %add3A_165, %select_n3A_173 : vector<16x1024xf32>
    %get3A_175 = arith.constant 112 : index
    %get3A_176 = arith.constant 0 : index
    %get3A_177 = arith.constant 0 : index
    %get3A_178 = vector.load %arg0[%get3A_175, %get3A_176, %get3A_177] : memref<128x16x1024xf32, #tpu.memory_space<vmem>>, vector<1x16x1024xf32>
    %get3A_179 = vector.shape_cast %get3A_178 : vector<1x16x1024xf32> to vector<16x1024xf32>
    %jit3A_180 = arith.constant 0.000000e+00 : f32
    %broadcast_in_dim3A_181 = vector.broadcast %jit3A_180 : f32 to vector<16x1024xf32>
    %select_n3A_182 = arith.select %eq3A_47, %get3A_179, %broadcast_in_dim3A_181 : vector<16x1024xi1>, vector<16x1024xf32>
    %add3A_183 = arith.addf %add3A_174, %select_n3A_182 : vector<16x1024xf32>
    %get3A_184 = arith.constant 120 : index
    %get3A_185 = arith.constant 0 : index
    %get3A_186 = arith.constant 0 : index
    %get3A_187 = vector.load %arg0[%get3A_184, %get3A_185, %get3A_186] : memref<128x16x1024xf32, #tpu.memory_space<vmem>>, vector<1x16x1024xf32>
    %get3A_188 = vector.shape_cast %get3A_187 : vector<1x16x1024xf32> to vector<16x1024xf32>
    %jit3A_189 = arith.constant 0.000000e+00 : f32
    %broadcast_in_dim3A_190 = vector.broadcast %jit3A_189 : f32 to vector<16x1024xf32>
    %select_n3A_191 = arith.select %eq3A_50, %get3A_188, %broadcast_in_dim3A_190 : vector<16x1024xi1>, vector<16x1024xf32>
    %add3A_192 = arith.addf %add3A_183, %select_n3A_191 : vector<16x1024xf32>
    %broadcast_in_dim3A_193 = arith.constant 0.000000e+00 : f32
    %broadcast_in_dim3A_194 = vector.broadcast %broadcast_in_dim3A_193 : f32 to vector<16x1024xf32>
    %get3A_195 = arith.constant 1 : index
    %get3A_196 = arith.constant 0 : index
    %get3A_197 = arith.constant 0 : index
    %get3A_198 = vector.load %arg0[%get3A_195, %get3A_196, %get3A_197] : memref<128x16x1024xf32, #tpu.memory_space<vmem>>, vector<1x16x1024xf32>
    %get3A_199 = vector.shape_cast %get3A_198 : vector<1x16x1024xf32> to vector<16x1024xf32>
    %jit3A_200 = arith.constant 0.000000e+00 : f32
    %broadcast_in_dim3A_201 = vector.broadcast %jit3A_200 : f32 to vector<16x1024xf32>
    %select_n3A_202 = arith.select %eq3A_5, %get3A_199, %broadcast_in_dim3A_201 : vector<16x1024xi1>, vector<16x1024xf32>
    %add3A_203 = arith.addf %broadcast_in_dim3A_194, %select_n3A_202 : vector<16x1024xf32>
    %get3A_204 = arith.constant 9 : index
    %get3A_205 = arith.constant 0 : index
    %get3A_206 = arith.constant 0 : index
    %get3A_207 = vector.load %arg0[%get3A_204, %get3A_205, %get3A_206] : memref<128x16x1024xf32, #tpu.memory_space<vmem>>, vector<1x16x1024xf32>
    %get3A_208 = vector.shape_cast %get3A_207 : vector<1x16x1024xf32> to vector<16x1024xf32>
    %jit3A_209 = arith.constant 0.000000e+00 : f32
    %broadcast_in_dim3A_210 = vector.broadcast %jit3A_209 : f32 to vector<16x1024xf32>
    %select_n3A_211 = arith.select %eq3A_8, %get3A_208, %broadcast_in_dim3A_210 : vector<16x1024xi1>, vector<16x1024xf32>
    %add3A_212 = arith.addf %add3A_203, %select_n3A_211 : vector<16x1024xf32>
    %get3A_213 = arith.constant 17 : index
    %get3A_214 = arith.constant 0 : index
    %get3A_215 = arith.constant 0 : index
    %get3A_216 = vector.load %arg0[%get3A_213, %get3A_214, %get3A_215] : memref<128x16x1024xf32, #tpu.memory_space<vmem>>, vector<1x16x1024xf32>
    %get3A_217 = vector.shape_cast %get3A_216 : vector<1x16x1024xf32> to vector<16x1024xf32>
    %jit3A_218 = arith.constant 0.000000e+00 : f32
    %broadcast_in_dim3A_219 = vector.broadcast %jit3A_218 : f32 to vector<16x1024xf32>
    %select_n3A_220 = arith.select %eq3A_11, %get3A_217, %broadcast_in_dim3A_219 : vector<16x1024xi1>, vector<16x1024xf32>
    %add3A_221 = arith.addf %add3A_212, %select_n3A_220 : vector<16x1024xf32>
    %get3A_222 = arith.constant 25 : index
    %get3A_223 = arith.constant 0 : index
    %get3A_224 = arith.constant 0 : index
    %get3A_225 = vector.load %arg0[%get3A_222, %get3A_223, %get3A_224] : memref<128x16x1024xf32, #tpu.memory_space<vmem>>, vector<1x16x1024xf32>
    %get3A_226 = vector.shape_cast %get3A_225 : vector<1x16x1024xf32> to vector<16x1024xf32>
    %jit3A_227 = arith.constant 0.000000e+00 : f32
    %broadcast_in_dim3A_228 = vector.broadcast %jit3A_227 : f32 to vector<16x1024xf32>
    %select_n3A_229 = arith.select %eq3A_14, %get3A_226, %broadcast_in_dim3A_228 : vector<16x1024xi1>, vector<16x1024xf32>
    %add3A_230 = arith.addf %add3A_221, %select_n3A_229 : vector<16x1024xf32>
    %get3A_231 = arith.constant 33 : index
    %get3A_232 = arith.constant 0 : index
    %get3A_233 = arith.constant 0 : index
    %get3A_234 = vector.load %arg0[%get3A_231, %get3A_232, %get3A_233] : memref<128x16x1024xf32, #tpu.memory_space<vmem>>, vector<1x16x1024xf32>
    %get3A_235 = vector.shape_cast %get3A_234 : vector<1x16x1024xf32> to vector<16x1024xf32>
    %jit3A_236 = arith.constant 0.000000e+00 : f32
    %broadcast_in_dim3A_237 = vector.broadcast %jit3A_236 : f32 to vector<16x1024xf32>
    %select_n3A_238 = arith.select %eq3A_17, %get3A_235, %broadcast_in_dim3A_237 : vector<16x1024xi1>, vector<16x1024xf32>
    %add3A_239 = arith.addf %add3A_230, %select_n3A_238 : vector<16x1024xf32>
    %get3A_240 = arith.constant 41 : index
    %get3A_241 = arith.constant 0 : index
    %get3A_242 = arith.constant 0 : index
    %get3A_243 = vector.load %arg0[%get3A_240, %get3A_241, %get3A_242] : memref<128x16x1024xf32, #tpu.memory_space<vmem>>, vector<1x16x1024xf32>
    %get3A_244 = vector.shape_cast %get3A_243 : vector<1x16x1024xf32> to vector<16x1024xf32>
    %jit3A_245 = arith.constant 0.000000e+00 : f32
    %broadcast_in_dim3A_246 = vector.broadcast %jit3A_245 : f32 to vector<16x1024xf32>
    %select_n3A_247 = arith.select %eq3A_20, %get3A_244, %broadcast_in_dim3A_246 : vector<16x1024xi1>, vector<16x1024xf32>
    %add3A_248 = arith.addf %add3A_239, %select_n3A_247 : vector<16x1024xf32>
    %get3A_249 = arith.constant 49 : index
    %get3A_250 = arith.constant 0 : index
    %get3A_251 = arith.constant 0 : index
    %get3A_252 = vector.load %arg0[%get3A_249, %get3A_250, %get3A_251] : memref<128x16x1024xf32, #tpu.memory_space<vmem>>, vector<1x16x1024xf32>
    %get3A_253 = vector.shape_cast %get3A_252 : vector<1x16x1024xf32> to vector<16x1024xf32>
    %jit3A_254 = arith.constant 0.000000e+00 : f32
    %broadcast_in_dim3A_255 = vector.broadcast %jit3A_254 : f32 to vector<16x1024xf32>
    %select_n3A_256 = arith.select %eq3A_23, %get3A_253, %broadcast_in_dim3A_255 : vector<16x1024xi1>, vector<16x1024xf32>
    %add3A_257 = arith.addf %add3A_248, %select_n3A_256 : vector<16x1024xf32>
    %get3A_258 = arith.constant 57 : index
    %get3A_259 = arith.constant 0 : index
    %get3A_260 = arith.constant 0 : index
    %get3A_261 = vector.load %arg0[%get3A_258, %get3A_259, %get3A_260] : memref<128x16x1024xf32, #tpu.memory_space<vmem>>, vector<1x16x1024xf32>
    %get3A_262 = vector.shape_cast %get3A_261 : vector<1x16x1024xf32> to vector<16x1024xf32>
    %jit3A_263 = arith.constant 0.000000e+00 : f32
    %broadcast_in_dim3A_264 = vector.broadcast %jit3A_263 : f32 to vector<16x1024xf32>
    %select_n3A_265 = arith.select %eq3A_26, %get3A_262, %broadcast_in_dim3A_264 : vector<16x1024xi1>, vector<16x1024xf32>
    %add3A_266 = arith.addf %add3A_257, %select_n3A_265 : vector<16x1024xf32>
    %get3A_267 = arith.constant 65 : index
    %get3A_268 = arith.constant 0 : index
    %get3A_269 = arith.constant 0 : index
    %get3A_270 = vector.load %arg0[%get3A_267, %get3A_268, %get3A_269] : memref<128x16x1024xf32, #tpu.memory_space<vmem>>, vector<1x16x1024xf32>
    %get3A_271 = vector.shape_cast %get3A_270 : vector<1x16x1024xf32> to vector<16x1024xf32>
    %jit3A_272 = arith.constant 0.000000e+00 : f32
    %broadcast_in_dim3A_273 = vector.broadcast %jit3A_272 : f32 to vector<16x1024xf32>
    %select_n3A_274 = arith.select %eq3A_29, %get3A_271, %broadcast_in_dim3A_273 : vector<16x1024xi1>, vector<16x1024xf32>
    %add3A_275 = arith.addf %add3A_266, %select_n3A_274 : vector<16x1024xf32>
    %get3A_276 = arith.constant 73 : index
    %get3A_277 = arith.constant 0 : index
    %get3A_278 = arith.constant 0 : index
    %get3A_279 = vector.load %arg0[%get3A_276, %get3A_277, %get3A_278] : memref<128x16x1024xf32, #tpu.memory_space<vmem>>, vector<1x16x1024xf32>
    %get3A_280 = vector.shape_cast %get3A_279 : vector<1x16x1024xf32> to vector<16x1024xf32>
    %jit3A_281 = arith.constant 0.000000e+00 : f32
    %broadcast_in_dim3A_282 = vector.broadcast %jit3A_281 : f32 to vector<16x1024xf32>
    %select_n3A_283 = arith.select %eq3A_32, %get3A_280, %broadcast_in_dim3A_282 : vector<16x1024xi1>, vector<16x1024xf32>
    %add3A_284 = arith.addf %add3A_275, %select_n3A_283 : vector<16x1024xf32>
    %get3A_285 = arith.constant 81 : index
    %get3A_286 = arith.constant 0 : index
    %get3A_287 = arith.constant 0 : index
    %get3A_288 = vector.load %arg0[%get3A_285, %get3A_286, %get3A_287] : memref<128x16x1024xf32, #tpu.memory_space<vmem>>, vector<1x16x1024xf32>
    %get3A_289 = vector.shape_cast %get3A_288 : vector<1x16x1024xf32> to vector<16x1024xf32>
    %jit3A_290 = arith.constant 0.000000e+00 : f32
    %broadcast_in_dim3A_291 = vector.broadcast %jit3A_290 : f32 to vector<16x1024xf32>
    %select_n3A_292 = arith.select %eq3A_35, %get3A_289, %broadcast_in_dim3A_291 : vector<16x1024xi1>, vector<16x1024xf32>
    %add3A_293 = arith.addf %add3A_284, %select_n3A_292 : vector<16x1024xf32>
    %get3A_294 = arith.constant 89 : index
    %get3A_295 = arith.constant 0 : index
    %get3A_296 = arith.constant 0 : index
    %get3A_297 = vector.load %arg0[%get3A_294, %get3A_295, %get3A_296] : memref<128x16x1024xf32, #tpu.memory_space<vmem>>, vector<1x16x1024xf32>
    %get3A_298 = vector.shape_cast %get3A_297 : vector<1x16x1024xf32> to vector<16x1024xf32>
    %jit3A_299 = arith.constant 0.000000e+00 : f32
    %broadcast_in_dim3A_300 = vector.broadcast %jit3A_299 : f32 to vector<16x1024xf32>
    %select_n3A_301 = arith.select %eq3A_38, %get3A_298, %broadcast_in_dim3A_300 : vector<16x1024xi1>, vector<16x1024xf32>
    %add3A_302 = arith.addf %add3A_293, %select_n3A_301 : vector<16x1024xf32>
    %get3A_303 = arith.constant 97 : index
    %get3A_304 = arith.constant 0 : index
    %get3A_305 = arith.constant 0 : index
    %get3A_306 = vector.load %arg0[%get3A_303, %get3A_304, %get3A_305] : memref<128x16x1024xf32, #tpu.memory_space<vmem>>, vector<1x16x1024xf32>
    %get3A_307 = vector.shape_cast %get3A_306 : vector<1x16x1024xf32> to vector<16x1024xf32>
    %jit3A_308 = arith.constant 0.000000e+00 : f32
    %broadcast_in_dim3A_309 = vector.broadcast %jit3A_308 : f32 to vector<16x1024xf32>
    %select_n3A_310 = arith.select %eq3A_41, %get3A_307, %broadcast_in_dim3A_309 : vector<16x1024xi1>, vector<16x1024xf32>
    %add3A_311 = arith.addf %add3A_302, %select_n3A_310 : vector<16x1024xf32>
    %get3A_312 = arith.constant 105 : index
    %get3A_313 = arith.constant 0 : index
    %get3A_314 = arith.constant 0 : index
    %get3A_315 = vector.load %arg0[%get3A_312, %get3A_313, %get3A_314] : memref<128x16x1024xf32, #tpu.memory_space<vmem>>, vector<1x16x1024xf32>
    %get3A_316 = vector.shape_cast %get3A_315 : vector<1x16x1024xf32> to vector<16x1024xf32>
    %jit3A_317 = arith.constant 0.000000e+00 : f32
    %broadcast_in_dim3A_318 = vector.broadcast %jit3A_317 : f32 to vector<16x1024xf32>
    %select_n3A_319 = arith.select %eq3A_44, %get3A_316, %broadcast_in_dim3A_318 : vector<16x1024xi1>, vector<16x1024xf32>
    %add3A_320 = arith.addf %add3A_311, %select_n3A_319 : vector<16x1024xf32>
    %get3A_321 = arith.constant 113 : index
    %get3A_322 = arith.constant 0 : index
    %get3A_323 = arith.constant 0 : index
    %get3A_324 = vector.load %arg0[%get3A_321, %get3A_322, %get3A_323] : memref<128x16x1024xf32, #tpu.memory_space<vmem>>, vector<1x16x1024xf32>
    %get3A_325 = vector.shape_cast %get3A_324 : vector<1x16x1024xf32> to vector<16x1024xf32>
    %jit3A_326 = arith.constant 0.000000e+00 : f32
    %broadcast_in_dim3A_327 = vector.broadcast %jit3A_326 : f32 to vector<16x1024xf32>
    %select_n3A_328 = arith.select %eq3A_47, %get3A_325, %broadcast_in_dim3A_327 : vector<16x1024xi1>, vector<16x1024xf32>
    %add3A_329 = arith.addf %add3A_320, %select_n3A_328 : vector<16x1024xf32>
    %get3A_330 = arith.constant 121 : index
    %get3A_331 = arith.constant 0 : index
    %get3A_332 = arith.constant 0 : index
    %get3A_333 = vector.load %arg0[%get3A_330, %get3A_331, %get3A_332] : memref<128x16x1024xf32, #tpu.memory_space<vmem>>, vector<1x16x1024xf32>
    %get3A_334 = vector.shape_cast %get3A_333 : vector<1x16x1024xf32> to vector<16x1024xf32>
    %jit3A_335 = arith.constant 0.000000e+00 : f32
    %broadcast_in_dim3A_336 = vector.broadcast %jit3A_335 : f32 to vector<16x1024xf32>
    %select_n3A_337 = arith.select %eq3A_50, %get3A_334, %broadcast_in_dim3A_336 : vector<16x1024xi1>, vector<16x1024xf32>
    %add3A_338 = arith.addf %add3A_329, %select_n3A_337 : vector<16x1024xf32>
    %broadcast_in_dim3A_339 = arith.constant 0.000000e+00 : f32
    %broadcast_in_dim3A_340 = vector.broadcast %broadcast_in_dim3A_339 : f32 to vector<16x1024xf32>
    %get3A_341 = arith.constant 2 : index
    %get3A_342 = arith.constant 0 : index
    %get3A_343 = arith.constant 0 : index
    %get3A_344 = vector.load %arg0[%get3A_341, %get3A_342, %get3A_343] : memref<128x16x1024xf32, #tpu.memory_space<vmem>>, vector<1x16x1024xf32>
    %get3A_345 = vector.shape_cast %get3A_344 : vector<1x16x1024xf32> to vector<16x1024xf32>
    %jit3A_346 = arith.constant 0.000000e+00 : f32
    %broadcast_in_dim3A_347 = vector.broadcast %jit3A_346 : f32 to vector<16x1024xf32>
    %select_n3A_348 = arith.select %eq3A_5, %get3A_345, %broadcast_in_dim3A_347 : vector<16x1024xi1>, vector<16x1024xf32>
    %add3A_349 = arith.addf %broadcast_in_dim3A_340, %select_n3A_348 : vector<16x1024xf32>
    %get3A_350 = arith.constant 10 : index
    %get3A_351 = arith.constant 0 : index
    %get3A_352 = arith.constant 0 : index
    %get3A_353 = vector.load %arg0[%get3A_350, %get3A_351, %get3A_352] : memref<128x16x1024xf32, #tpu.memory_space<vmem>>, vector<1x16x1024xf32>
    %get3A_354 = vector.shape_cast %get3A_353 : vector<1x16x1024xf32> to vector<16x1024xf32>
    %jit3A_355 = arith.constant 0.000000e+00 : f32
    %broadcast_in_dim3A_356 = vector.broadcast %jit3A_355 : f32 to vector<16x1024xf32>
    %select_n3A_357 = arith.select %eq3A_8, %get3A_354, %broadcast_in_dim3A_356 : vector<16x1024xi1>, vector<16x1024xf32>
    %add3A_358 = arith.addf %add3A_349, %select_n3A_357 : vector<16x1024xf32>
    %get3A_359 = arith.constant 18 : index
    %get3A_360 = arith.constant 0 : index
    %get3A_361 = arith.constant 0 : index
    %get3A_362 = vector.load %arg0[%get3A_359, %get3A_360, %get3A_361] : memref<128x16x1024xf32, #tpu.memory_space<vmem>>, vector<1x16x1024xf32>
    %get3A_363 = vector.shape_cast %get3A_362 : vector<1x16x1024xf32> to vector<16x1024xf32>
    %jit3A_364 = arith.constant 0.000000e+00 : f32
    %broadcast_in_dim3A_365 = vector.broadcast %jit3A_364 : f32 to vector<16x1024xf32>
    %select_n3A_366 = arith.select %eq3A_11, %get3A_363, %broadcast_in_dim3A_365 : vector<16x1024xi1>, vector<16x1024xf32>
    %add3A_367 = arith.addf %add3A_358, %select_n3A_366 : vector<16x1024xf32>
    %get3A_368 = arith.constant 26 : index
    %get3A_369 = arith.constant 0 : index
    %get3A_370 = arith.constant 0 : index
    %get3A_371 = vector.load %arg0[%get3A_368, %get3A_369, %get3A_370] : memref<128x16x1024xf32, #tpu.memory_space<vmem>>, vector<1x16x1024xf32>
    %get3A_372 = vector.shape_cast %get3A_371 : vector<1x16x1024xf32> to vector<16x1024xf32>
    %jit3A_373 = arith.constant 0.000000e+00 : f32
    %broadcast_in_dim3A_374 = vector.broadcast %jit3A_373 : f32 to vector<16x1024xf32>
    %select_n3A_375 = arith.select %eq3A_14, %get3A_372, %broadcast_in_dim3A_374 : vector<16x1024xi1>, vector<16x1024xf32>
    %add3A_376 = arith.addf %add3A_367, %select_n3A_375 : vector<16x1024xf32>
    %get3A_377 = arith.constant 34 : index
    %get3A_378 = arith.constant 0 : index
    %get3A_379 = arith.constant 0 : index
    %get3A_380 = vector.load %arg0[%get3A_377, %get3A_378, %get3A_379] : memref<128x16x1024xf32, #tpu.memory_space<vmem>>, vector<1x16x1024xf32>
    %get3A_381 = vector.shape_cast %get3A_380 : vector<1x16x1024xf32> to vector<16x1024xf32>
    %jit3A_382 = arith.constant 0.000000e+00 : f32
    %broadcast_in_dim3A_383 = vector.broadcast %jit3A_382 : f32 to vector<16x1024xf32>
    %select_n3A_384 = arith.select %eq3A_17, %get3A_381, %broadcast_in_dim3A_383 : vector<16x1024xi1>, vector<16x1024xf32>
    %add3A_385 = arith.addf %add3A_376, %select_n3A_384 : vector<16x1024xf32>
    %get3A_386 = arith.constant 42 : index
    %get3A_387 = arith.constant 0 : index
    %get3A_388 = arith.constant 0 : index
    %get3A_389 = vector.load %arg0[%get3A_386, %get3A_387, %get3A_388] : memref<128x16x1024xf32, #tpu.memory_space<vmem>>, vector<1x16x1024xf32>
    %get3A_390 = vector.shape_cast %get3A_389 : vector<1x16x1024xf32> to vector<16x1024xf32>
    %jit3A_391 = arith.constant 0.000000e+00 : f32
    %broadcast_in_dim3A_392 = vector.broadcast %jit3A_391 : f32 to vector<16x1024xf32>
    %select_n3A_393 = arith.select %eq3A_20, %get3A_390, %broadcast_in_dim3A_392 : vector<16x1024xi1>, vector<16x1024xf32>
    %add3A_394 = arith.addf %add3A_385, %select_n3A_393 : vector<16x1024xf32>
    %get3A_395 = arith.constant 50 : index
    %get3A_396 = arith.constant 0 : index
    %get3A_397 = arith.constant 0 : index
    %get3A_398 = vector.load %arg0[%get3A_395, %get3A_396, %get3A_397] : memref<128x16x1024xf32, #tpu.memory_space<vmem>>, vector<1x16x1024xf32>
    %get3A_399 = vector.shape_cast %get3A_398 : vector<1x16x1024xf32> to vector<16x1024xf32>
    %jit3A_400 = arith.constant 0.000000e+00 : f32
    %broadcast_in_dim3A_401 = vector.broadcast %jit3A_400 : f32 to vector<16x1024xf32>
    %select_n3A_402 = arith.select %eq3A_23, %get3A_399, %broadcast_in_dim3A_401 : vector<16x1024xi1>, vector<16x1024xf32>
    %add3A_403 = arith.addf %add3A_394, %select_n3A_402 : vector<16x1024xf32>
    %get3A_404 = arith.constant 58 : index
    %get3A_405 = arith.constant 0 : index
    %get3A_406 = arith.constant 0 : index
    %get3A_407 = vector.load %arg0[%get3A_404, %get3A_405, %get3A_406] : memref<128x16x1024xf32, #tpu.memory_space<vmem>>, vector<1x16x1024xf32>
    %get3A_408 = vector.shape_cast %get3A_407 : vector<1x16x1024xf32> to vector<16x1024xf32>
    %jit3A_409 = arith.constant 0.000000e+00 : f32
    %broadcast_in_dim3A_410 = vector.broadcast %jit3A_409 : f32 to vector<16x1024xf32>
    %select_n3A_411 = arith.select %eq3A_26, %get3A_408, %broadcast_in_dim3A_410 : vector<16x1024xi1>, vector<16x1024xf32>
    %add3A_412 = arith.addf %add3A_403, %select_n3A_411 : vector<16x1024xf32>
    %get3A_413 = arith.constant 66 : index
    %get3A_414 = arith.constant 0 : index
    %get3A_415 = arith.constant 0 : index
    %get3A_416 = vector.load %arg0[%get3A_413, %get3A_414, %get3A_415] : memref<128x16x1024xf32, #tpu.memory_space<vmem>>, vector<1x16x1024xf32>
    %get3A_417 = vector.shape_cast %get3A_416 : vector<1x16x1024xf32> to vector<16x1024xf32>
    %jit3A_418 = arith.constant 0.000000e+00 : f32
    %broadcast_in_dim3A_419 = vector.broadcast %jit3A_418 : f32 to vector<16x1024xf32>
    %select_n3A_420 = arith.select %eq3A_29, %get3A_417, %broadcast_in_dim3A_419 : vector<16x1024xi1>, vector<16x1024xf32>
    %add3A_421 = arith.addf %add3A_412, %select_n3A_420 : vector<16x1024xf32>
    %get3A_422 = arith.constant 74 : index
    %get3A_423 = arith.constant 0 : index
    %get3A_424 = arith.constant 0 : index
    %get3A_425 = vector.load %arg0[%get3A_422, %get3A_423, %get3A_424] : memref<128x16x1024xf32, #tpu.memory_space<vmem>>, vector<1x16x1024xf32>
    %get3A_426 = vector.shape_cast %get3A_425 : vector<1x16x1024xf32> to vector<16x1024xf32>
    %jit3A_427 = arith.constant 0.000000e+00 : f32
    %broadcast_in_dim3A_428 = vector.broadcast %jit3A_427 : f32 to vector<16x1024xf32>
    %select_n3A_429 = arith.select %eq3A_32, %get3A_426, %broadcast_in_dim3A_428 : vector<16x1024xi1>, vector<16x1024xf32>
    %add3A_430 = arith.addf %add3A_421, %select_n3A_429 : vector<16x1024xf32>
    %get3A_431 = arith.constant 82 : index
    %get3A_432 = arith.constant 0 : index
    %get3A_433 = arith.constant 0 : index
    %get3A_434 = vector.load %arg0[%get3A_431, %get3A_432, %get3A_433] : memref<128x16x1024xf32, #tpu.memory_space<vmem>>, vector<1x16x1024xf32>
    %get3A_435 = vector.shape_cast %get3A_434 : vector<1x16x1024xf32> to vector<16x1024xf32>
    %jit3A_436 = arith.constant 0.000000e+00 : f32
    %broadcast_in_dim3A_437 = vector.broadcast %jit3A_436 : f32 to vector<16x1024xf32>
    %select_n3A_438 = arith.select %eq3A_35, %get3A_435, %broadcast_in_dim3A_437 : vector<16x1024xi1>, vector<16x1024xf32>
    %add3A_439 = arith.addf %add3A_430, %select_n3A_438 : vector<16x1024xf32>
    %get3A_440 = arith.constant 90 : index
    %get3A_441 = arith.constant 0 : index
    %get3A_442 = arith.constant 0 : index
    %get3A_443 = vector.load %arg0[%get3A_440, %get3A_441, %get3A_442] : memref<128x16x1024xf32, #tpu.memory_space<vmem>>, vector<1x16x1024xf32>
    %get3A_444 = vector.shape_cast %get3A_443 : vector<1x16x1024xf32> to vector<16x1024xf32>
    %jit3A_445 = arith.constant 0.000000e+00 : f32
    %broadcast_in_dim3A_446 = vector.broadcast %jit3A_445 : f32 to vector<16x1024xf32>
    %select_n3A_447 = arith.select %eq3A_38, %get3A_444, %broadcast_in_dim3A_446 : vector<16x1024xi1>, vector<16x1024xf32>
    %add3A_448 = arith.addf %add3A_439, %select_n3A_447 : vector<16x1024xf32>
    %get3A_449 = arith.constant 98 : index
    %get3A_450 = arith.constant 0 : index
    %get3A_451 = arith.constant 0 : index
    %get3A_452 = vector.load %arg0[%get3A_449, %get3A_450, %get3A_451] : memref<128x16x1024xf32, #tpu.memory_space<vmem>>, vector<1x16x1024xf32>
    %get3A_453 = vector.shape_cast %get3A_452 : vector<1x16x1024xf32> to vector<16x1024xf32>
    %jit3A_454 = arith.constant 0.000000e+00 : f32
    %broadcast_in_dim3A_455 = vector.broadcast %jit3A_454 : f32 to vector<16x1024xf32>
    %select_n3A_456 = arith.select %eq3A_41, %get3A_453, %broadcast_in_dim3A_455 : vector<16x1024xi1>, vector<16x1024xf32>
    %add3A_457 = arith.addf %add3A_448, %select_n3A_456 : vector<16x1024xf32>
    %get3A_458 = arith.constant 106 : index
    %get3A_459 = arith.constant 0 : index
    %get3A_460 = arith.constant 0 : index
    %get3A_461 = vector.load %arg0[%get3A_458, %get3A_459, %get3A_460] : memref<128x16x1024xf32, #tpu.memory_space<vmem>>, vector<1x16x1024xf32>
    %get3A_462 = vector.shape_cast %get3A_461 : vector<1x16x1024xf32> to vector<16x1024xf32>
    %jit3A_463 = arith.constant 0.000000e+00 : f32
    %broadcast_in_dim3A_464 = vector.broadcast %jit3A_463 : f32 to vector<16x1024xf32>
    %select_n3A_465 = arith.select %eq3A_44, %get3A_462, %broadcast_in_dim3A_464 : vector<16x1024xi1>, vector<16x1024xf32>
    %add3A_466 = arith.addf %add3A_457, %select_n3A_465 : vector<16x1024xf32>
    %get3A_467 = arith.constant 114 : index
    %get3A_468 = arith.constant 0 : index
    %get3A_469 = arith.constant 0 : index
    %get3A_470 = vector.load %arg0[%get3A_467, %get3A_468, %get3A_469] : memref<128x16x1024xf32, #tpu.memory_space<vmem>>, vector<1x16x1024xf32>
    %get3A_471 = vector.shape_cast %get3A_470 : vector<1x16x1024xf32> to vector<16x1024xf32>
    %jit3A_472 = arith.constant 0.000000e+00 : f32
    %broadcast_in_dim3A_473 = vector.broadcast %jit3A_472 : f32 to vector<16x1024xf32>
    %select_n3A_474 = arith.select %eq3A_47, %get3A_471, %broadcast_in_dim3A_473 : vector<16x1024xi1>, vector<16x1024xf32>
    %add3A_475 = arith.addf %add3A_466, %select_n3A_474 : vector<16x1024xf32>
    %get3A_476 = arith.constant 122 : index
    %get3A_477 = arith.constant 0 : index
    %get3A_478 = arith.constant 0 : index
    %get3A_479 = vector.load %arg0[%get3A_476, %get3A_477, %get3A_478] : memref<128x16x1024xf32, #tpu.memory_space<vmem>>, vector<1x16x1024xf32>
    %get3A_480 = vector.shape_cast %get3A_479 : vector<1x16x1024xf32> to vector<16x1024xf32>
    %jit3A_481 = arith.constant 0.000000e+00 : f32
    %broadcast_in_dim3A_482 = vector.broadcast %jit3A_481 : f32 to vector<16x1024xf32>
    %select_n3A_483 = arith.select %eq3A_50, %get3A_480, %broadcast_in_dim3A_482 : vector<16x1024xi1>, vector<16x1024xf32>
    %add3A_484 = arith.addf %add3A_475, %select_n3A_483 : vector<16x1024xf32>
    %broadcast_in_dim3A_485 = arith.constant 0.000000e+00 : f32
    %broadcast_in_dim3A_486 = vector.broadcast %broadcast_in_dim3A_485 : f32 to vector<16x1024xf32>
    %get3A_487 = arith.constant 3 : index
    %get3A_488 = arith.constant 0 : index
    %get3A_489 = arith.constant 0 : index
    %get3A_490 = vector.load %arg0[%get3A_487, %get3A_488, %get3A_489] : memref<128x16x1024xf32, #tpu.memory_space<vmem>>, vector<1x16x1024xf32>
    %get3A_491 = vector.shape_cast %get3A_490 : vector<1x16x1024xf32> to vector<16x1024xf32>
    %jit3A_492 = arith.constant 0.000000e+00 : f32
    %broadcast_in_dim3A_493 = vector.broadcast %jit3A_492 : f32 to vector<16x1024xf32>
    %select_n3A_494 = arith.select %eq3A_5, %get3A_491, %broadcast_in_dim3A_493 : vector<16x1024xi1>, vector<16x1024xf32>
    %add3A_495 = arith.addf %broadcast_in_dim3A_486, %select_n3A_494 : vector<16x1024xf32>
    %get3A_496 = arith.constant 11 : index
    %get3A_497 = arith.constant 0 : index
    %get3A_498 = arith.constant 0 : index
    %get3A_499 = vector.load %arg0[%get3A_496, %get3A_497, %get3A_498] : memref<128x16x1024xf32, #tpu.memory_space<vmem>>, vector<1x16x1024xf32>
    %get3A_500 = vector.shape_cast %get3A_499 : vector<1x16x1024xf32> to vector<16x1024xf32>
    %jit3A_501 = arith.constant 0.000000e+00 : f32
    %broadcast_in_dim3A_502 = vector.broadcast %jit3A_501 : f32 to vector<16x1024xf32>
    %select_n3A_503 = arith.select %eq3A_8, %get3A_500, %broadcast_in_dim3A_502 : vector<16x1024xi1>, vector<16x1024xf32>
    %add3A_504 = arith.addf %add3A_495, %select_n3A_503 : vector<16x1024xf32>
    %get3A_505 = arith.constant 19 : index
    %get3A_506 = arith.constant 0 : index
    %get3A_507 = arith.constant 0 : index
    %get3A_508 = vector.load %arg0[%get3A_505, %get3A_506, %get3A_507] : memref<128x16x1024xf32, #tpu.memory_space<vmem>>, vector<1x16x1024xf32>
    %get3A_509 = vector.shape_cast %get3A_508 : vector<1x16x1024xf32> to vector<16x1024xf32>
    %jit3A_510 = arith.constant 0.000000e+00 : f32
    %broadcast_in_dim3A_511 = vector.broadcast %jit3A_510 : f32 to vector<16x1024xf32>
    %select_n3A_512 = arith.select %eq3A_11, %get3A_509, %broadcast_in_dim3A_511 : vector<16x1024xi1>, vector<16x1024xf32>
    %add3A_513 = arith.addf %add3A_504, %select_n3A_512 : vector<16x1024xf32>
    %get3A_514 = arith.constant 27 : index
    %get3A_515 = arith.constant 0 : index
    %get3A_516 = arith.constant 0 : index
    %get3A_517 = vector.load %arg0[%get3A_514, %get3A_515, %get3A_516] : memref<128x16x1024xf32, #tpu.memory_space<vmem>>, vector<1x16x1024xf32>
    %get3A_518 = vector.shape_cast %get3A_517 : vector<1x16x1024xf32> to vector<16x1024xf32>
    %jit3A_519 = arith.constant 0.000000e+00 : f32
    %broadcast_in_dim3A_520 = vector.broadcast %jit3A_519 : f32 to vector<16x1024xf32>
    %select_n3A_521 = arith.select %eq3A_14, %get3A_518, %broadcast_in_dim3A_520 : vector<16x1024xi1>, vector<16x1024xf32>
    %add3A_522 = arith.addf %add3A_513, %select_n3A_521 : vector<16x1024xf32>
    %get3A_523 = arith.constant 35 : index
    %get3A_524 = arith.constant 0 : index
    %get3A_525 = arith.constant 0 : index
    %get3A_526 = vector.load %arg0[%get3A_523, %get3A_524, %get3A_525] : memref<128x16x1024xf32, #tpu.memory_space<vmem>>, vector<1x16x1024xf32>
    %get3A_527 = vector.shape_cast %get3A_526 : vector<1x16x1024xf32> to vector<16x1024xf32>
    %jit3A_528 = arith.constant 0.000000e+00 : f32
    %broadcast_in_dim3A_529 = vector.broadcast %jit3A_528 : f32 to vector<16x1024xf32>
    %select_n3A_530 = arith.select %eq3A_17, %get3A_527, %broadcast_in_dim3A_529 : vector<16x1024xi1>, vector<16x1024xf32>
    %add3A_531 = arith.addf %add3A_522, %select_n3A_530 : vector<16x1024xf32>
    %get3A_532 = arith.constant 43 : index
    %get3A_533 = arith.constant 0 : index
    %get3A_534 = arith.constant 0 : index
    %get3A_535 = vector.load %arg0[%get3A_532, %get3A_533, %get3A_534] : memref<128x16x1024xf32, #tpu.memory_space<vmem>>, vector<1x16x1024xf32>
    %get3A_536 = vector.shape_cast %get3A_535 : vector<1x16x1024xf32> to vector<16x1024xf32>
    %jit3A_537 = arith.constant 0.000000e+00 : f32
    %broadcast_in_dim3A_538 = vector.broadcast %jit3A_537 : f32 to vector<16x1024xf32>
    %select_n3A_539 = arith.select %eq3A_20, %get3A_536, %broadcast_in_dim3A_538 : vector<16x1024xi1>, vector<16x1024xf32>
    %add3A_540 = arith.addf %add3A_531, %select_n3A_539 : vector<16x1024xf32>
    %get3A_541 = arith.constant 51 : index
    %get3A_542 = arith.constant 0 : index
    %get3A_543 = arith.constant 0 : index
    %get3A_544 = vector.load %arg0[%get3A_541, %get3A_542, %get3A_543] : memref<128x16x1024xf32, #tpu.memory_space<vmem>>, vector<1x16x1024xf32>
    %get3A_545 = vector.shape_cast %get3A_544 : vector<1x16x1024xf32> to vector<16x1024xf32>
    %jit3A_546 = arith.constant 0.000000e+00 : f32
    %broadcast_in_dim3A_547 = vector.broadcast %jit3A_546 : f32 to vector<16x1024xf32>
    %select_n3A_548 = arith.select %eq3A_23, %get3A_545, %broadcast_in_dim3A_547 : vector<16x1024xi1>, vector<16x1024xf32>
    %add3A_549 = arith.addf %add3A_540, %select_n3A_548 : vector<16x1024xf32>
    %get3A_550 = arith.constant 59 : index
    %get3A_551 = arith.constant 0 : index
    %get3A_552 = arith.constant 0 : index
    %get3A_553 = vector.load %arg0[%get3A_550, %get3A_551, %get3A_552] : memref<128x16x1024xf32, #tpu.memory_space<vmem>>, vector<1x16x1024xf32>
    %get3A_554 = vector.shape_cast %get3A_553 : vector<1x16x1024xf32> to vector<16x1024xf32>
    %jit3A_555 = arith.constant 0.000000e+00 : f32
    %broadcast_in_dim3A_556 = vector.broadcast %jit3A_555 : f32 to vector<16x1024xf32>
    %select_n3A_557 = arith.select %eq3A_26, %get3A_554, %broadcast_in_dim3A_556 : vector<16x1024xi1>, vector<16x1024xf32>
    %add3A_558 = arith.addf %add3A_549, %select_n3A_557 : vector<16x1024xf32>
    %get3A_559 = arith.constant 67 : index
    %get3A_560 = arith.constant 0 : index
    %get3A_561 = arith.constant 0 : index
    %get3A_562 = vector.load %arg0[%get3A_559, %get3A_560, %get3A_561] : memref<128x16x1024xf32, #tpu.memory_space<vmem>>, vector<1x16x1024xf32>
    %get3A_563 = vector.shape_cast %get3A_562 : vector<1x16x1024xf32> to vector<16x1024xf32>
    %jit3A_564 = arith.constant 0.000000e+00 : f32
    %broadcast_in_dim3A_565 = vector.broadcast %jit3A_564 : f32 to vector<16x1024xf32>
    %select_n3A_566 = arith.select %eq3A_29, %get3A_563, %broadcast_in_dim3A_565 : vector<16x1024xi1>, vector<16x1024xf32>
    %add3A_567 = arith.addf %add3A_558, %select_n3A_566 : vector<16x1024xf32>
    %get3A_568 = arith.constant 75 : index
    %get3A_569 = arith.constant 0 : index
    %get3A_570 = arith.constant 0 : index
    %get3A_571 = vector.load %arg0[%get3A_568, %get3A_569, %get3A_570] : memref<128x16x1024xf32, #tpu.memory_space<vmem>>, vector<1x16x1024xf32>
    %get3A_572 = vector.shape_cast %get3A_571 : vector<1x16x1024xf32> to vector<16x1024xf32>
    %jit3A_573 = arith.constant 0.000000e+00 : f32
    %broadcast_in_dim3A_574 = vector.broadcast %jit3A_573 : f32 to vector<16x1024xf32>
    %select_n3A_575 = arith.select %eq3A_32, %get3A_572, %broadcast_in_dim3A_574 : vector<16x1024xi1>, vector<16x1024xf32>
    %add3A_576 = arith.addf %add3A_567, %select_n3A_575 : vector<16x1024xf32>
    %get3A_577 = arith.constant 83 : index
    %get3A_578 = arith.constant 0 : index
    %get3A_579 = arith.constant 0 : index
    %get3A_580 = vector.load %arg0[%get3A_577, %get3A_578, %get3A_579] : memref<128x16x1024xf32, #tpu.memory_space<vmem>>, vector<1x16x1024xf32>
    %get3A_581 = vector.shape_cast %get3A_580 : vector<1x16x1024xf32> to vector<16x1024xf32>
    %jit3A_582 = arith.constant 0.000000e+00 : f32
    %broadcast_in_dim3A_583 = vector.broadcast %jit3A_582 : f32 to vector<16x1024xf32>
    %select_n3A_584 = arith.select %eq3A_35, %get3A_581, %broadcast_in_dim3A_583 : vector<16x1024xi1>, vector<16x1024xf32>
    %add3A_585 = arith.addf %add3A_576, %select_n3A_584 : vector<16x1024xf32>
    %get3A_586 = arith.constant 91 : index
    %get3A_587 = arith.constant 0 : index
    %get3A_588 = arith.constant 0 : index
    %get3A_589 = vector.load %arg0[%get3A_586, %get3A_587, %get3A_588] : memref<128x16x1024xf32, #tpu.memory_space<vmem>>, vector<1x16x1024xf32>
    %get3A_590 = vector.shape_cast %get3A_589 : vector<1x16x1024xf32> to vector<16x1024xf32>
    %jit3A_591 = arith.constant 0.000000e+00 : f32
    %broadcast_in_dim3A_592 = vector.broadcast %jit3A_591 : f32 to vector<16x1024xf32>
    %select_n3A_593 = arith.select %eq3A_38, %get3A_590, %broadcast_in_dim3A_592 : vector<16x1024xi1>, vector<16x1024xf32>
    %add3A_594 = arith.addf %add3A_585, %select_n3A_593 : vector<16x1024xf32>
    %get3A_595 = arith.constant 99 : index
    %get3A_596 = arith.constant 0 : index
    %get3A_597 = arith.constant 0 : index
    %get3A_598 = vector.load %arg0[%get3A_595, %get3A_596, %get3A_597] : memref<128x16x1024xf32, #tpu.memory_space<vmem>>, vector<1x16x1024xf32>
    %get3A_599 = vector.shape_cast %get3A_598 : vector<1x16x1024xf32> to vector<16x1024xf32>
    %jit3A_600 = arith.constant 0.000000e+00 : f32
    %broadcast_in_dim3A_601 = vector.broadcast %jit3A_600 : f32 to vector<16x1024xf32>
    %select_n3A_602 = arith.select %eq3A_41, %get3A_599, %broadcast_in_dim3A_601 : vector<16x1024xi1>, vector<16x1024xf32>
    %add3A_603 = arith.addf %add3A_594, %select_n3A_602 : vector<16x1024xf32>
    %get3A_604 = arith.constant 107 : index
    %get3A_605 = arith.constant 0 : index
    %get3A_606 = arith.constant 0 : index
    %get3A_607 = vector.load %arg0[%get3A_604, %get3A_605, %get3A_606] : memref<128x16x1024xf32, #tpu.memory_space<vmem>>, vector<1x16x1024xf32>
    %get3A_608 = vector.shape_cast %get3A_607 : vector<1x16x1024xf32> to vector<16x1024xf32>
    %jit3A_609 = arith.constant 0.000000e+00 : f32
    %broadcast_in_dim3A_610 = vector.broadcast %jit3A_609 : f32 to vector<16x1024xf32>
    %select_n3A_611 = arith.select %eq3A_44, %get3A_608, %broadcast_in_dim3A_610 : vector<16x1024xi1>, vector<16x1024xf32>
    %add3A_612 = arith.addf %add3A_603, %select_n3A_611 : vector<16x1024xf32>
    %get3A_613 = arith.constant 115 : index
    %get3A_614 = arith.constant 0 : index
    %get3A_615 = arith.constant 0 : index
    %get3A_616 = vector.load %arg0[%get3A_613, %get3A_614, %get3A_615] : memref<128x16x1024xf32, #tpu.memory_space<vmem>>, vector<1x16x1024xf32>
    %get3A_617 = vector.shape_cast %get3A_616 : vector<1x16x1024xf32> to vector<16x1024xf32>
    %jit3A_618 = arith.constant 0.000000e+00 : f32
    %broadcast_in_dim3A_619 = vector.broadcast %jit3A_618 : f32 to vector<16x1024xf32>
    %select_n3A_620 = arith.select %eq3A_47, %get3A_617, %broadcast_in_dim3A_619 : vector<16x1024xi1>, vector<16x1024xf32>
    %add3A_621 = arith.addf %add3A_612, %select_n3A_620 : vector<16x1024xf32>
    %get3A_622 = arith.constant 123 : index
    %get3A_623 = arith.constant 0 : index
    %get3A_624 = arith.constant 0 : index
    %get3A_625 = vector.load %arg0[%get3A_622, %get3A_623, %get3A_624] : memref<128x16x1024xf32, #tpu.memory_space<vmem>>, vector<1x16x1024xf32>
    %get3A_626 = vector.shape_cast %get3A_625 : vector<1x16x1024xf32> to vector<16x1024xf32>
    %jit3A_627 = arith.constant 0.000000e+00 : f32
    %broadcast_in_dim3A_628 = vector.broadcast %jit3A_627 : f32 to vector<16x1024xf32>
    %select_n3A_629 = arith.select %eq3A_50, %get3A_626, %broadcast_in_dim3A_628 : vector<16x1024xi1>, vector<16x1024xf32>
    %add3A_630 = arith.addf %add3A_621, %select_n3A_629 : vector<16x1024xf32>
    %broadcast_in_dim3A_631 = arith.constant 0.000000e+00 : f32
    %broadcast_in_dim3A_632 = vector.broadcast %broadcast_in_dim3A_631 : f32 to vector<16x1024xf32>
    %get3A_633 = arith.constant 4 : index
    %get3A_634 = arith.constant 0 : index
    %get3A_635 = arith.constant 0 : index
    %get3A_636 = vector.load %arg0[%get3A_633, %get3A_634, %get3A_635] : memref<128x16x1024xf32, #tpu.memory_space<vmem>>, vector<1x16x1024xf32>
    %get3A_637 = vector.shape_cast %get3A_636 : vector<1x16x1024xf32> to vector<16x1024xf32>
    %jit3A_638 = arith.constant 0.000000e+00 : f32
    %broadcast_in_dim3A_639 = vector.broadcast %jit3A_638 : f32 to vector<16x1024xf32>
    %select_n3A_640 = arith.select %eq3A_5, %get3A_637, %broadcast_in_dim3A_639 : vector<16x1024xi1>, vector<16x1024xf32>
    %add3A_641 = arith.addf %broadcast_in_dim3A_632, %select_n3A_640 : vector<16x1024xf32>
    %get3A_642 = arith.constant 12 : index
    %get3A_643 = arith.constant 0 : index
    %get3A_644 = arith.constant 0 : index
    %get3A_645 = vector.load %arg0[%get3A_642, %get3A_643, %get3A_644] : memref<128x16x1024xf32, #tpu.memory_space<vmem>>, vector<1x16x1024xf32>
    %get3A_646 = vector.shape_cast %get3A_645 : vector<1x16x1024xf32> to vector<16x1024xf32>
    %jit3A_647 = arith.constant 0.000000e+00 : f32
    %broadcast_in_dim3A_648 = vector.broadcast %jit3A_647 : f32 to vector<16x1024xf32>
    %select_n3A_649 = arith.select %eq3A_8, %get3A_646, %broadcast_in_dim3A_648 : vector<16x1024xi1>, vector<16x1024xf32>
    %add3A_650 = arith.addf %add3A_641, %select_n3A_649 : vector<16x1024xf32>
    %get3A_651 = arith.constant 20 : index
    %get3A_652 = arith.constant 0 : index
    %get3A_653 = arith.constant 0 : index
    %get3A_654 = vector.load %arg0[%get3A_651, %get3A_652, %get3A_653] : memref<128x16x1024xf32, #tpu.memory_space<vmem>>, vector<1x16x1024xf32>
    %get3A_655 = vector.shape_cast %get3A_654 : vector<1x16x1024xf32> to vector<16x1024xf32>
    %jit3A_656 = arith.constant 0.000000e+00 : f32
    %broadcast_in_dim3A_657 = vector.broadcast %jit3A_656 : f32 to vector<16x1024xf32>
    %select_n3A_658 = arith.select %eq3A_11, %get3A_655, %broadcast_in_dim3A_657 : vector<16x1024xi1>, vector<16x1024xf32>
    %add3A_659 = arith.addf %add3A_650, %select_n3A_658 : vector<16x1024xf32>
    %get3A_660 = arith.constant 28 : index
    %get3A_661 = arith.constant 0 : index
    %get3A_662 = arith.constant 0 : index
    %get3A_663 = vector.load %arg0[%get3A_660, %get3A_661, %get3A_662] : memref<128x16x1024xf32, #tpu.memory_space<vmem>>, vector<1x16x1024xf32>
    %get3A_664 = vector.shape_cast %get3A_663 : vector<1x16x1024xf32> to vector<16x1024xf32>
    %jit3A_665 = arith.constant 0.000000e+00 : f32
    %broadcast_in_dim3A_666 = vector.broadcast %jit3A_665 : f32 to vector<16x1024xf32>
    %select_n3A_667 = arith.select %eq3A_14, %get3A_664, %broadcast_in_dim3A_666 : vector<16x1024xi1>, vector<16x1024xf32>
    %add3A_668 = arith.addf %add3A_659, %select_n3A_667 : vector<16x1024xf32>
    %get3A_669 = arith.constant 36 : index
    %get3A_670 = arith.constant 0 : index
    %get3A_671 = arith.constant 0 : index
    %get3A_672 = vector.load %arg0[%get3A_669, %get3A_670, %get3A_671] : memref<128x16x1024xf32, #tpu.memory_space<vmem>>, vector<1x16x1024xf32>
    %get3A_673 = vector.shape_cast %get3A_672 : vector<1x16x1024xf32> to vector<16x1024xf32>
    %jit3A_674 = arith.constant 0.000000e+00 : f32
    %broadcast_in_dim3A_675 = vector.broadcast %jit3A_674 : f32 to vector<16x1024xf32>
    %select_n3A_676 = arith.select %eq3A_17, %get3A_673, %broadcast_in_dim3A_675 : vector<16x1024xi1>, vector<16x1024xf32>
    %add3A_677 = arith.addf %add3A_668, %select_n3A_676 : vector<16x1024xf32>
    %get3A_678 = arith.constant 44 : index
    %get3A_679 = arith.constant 0 : index
    %get3A_680 = arith.constant 0 : index
    %get3A_681 = vector.load %arg0[%get3A_678, %get3A_679, %get3A_680] : memref<128x16x1024xf32, #tpu.memory_space<vmem>>, vector<1x16x1024xf32>
    %get3A_682 = vector.shape_cast %get3A_681 : vector<1x16x1024xf32> to vector<16x1024xf32>
    %jit3A_683 = arith.constant 0.000000e+00 : f32
    %broadcast_in_dim3A_684 = vector.broadcast %jit3A_683 : f32 to vector<16x1024xf32>
    %select_n3A_685 = arith.select %eq3A_20, %get3A_682, %broadcast_in_dim3A_684 : vector<16x1024xi1>, vector<16x1024xf32>
    %add3A_686 = arith.addf %add3A_677, %select_n3A_685 : vector<16x1024xf32>
    %get3A_687 = arith.constant 52 : index
    %get3A_688 = arith.constant 0 : index
    %get3A_689 = arith.constant 0 : index
    %get3A_690 = vector.load %arg0[%get3A_687, %get3A_688, %get3A_689] : memref<128x16x1024xf32, #tpu.memory_space<vmem>>, vector<1x16x1024xf32>
    %get3A_691 = vector.shape_cast %get3A_690 : vector<1x16x1024xf32> to vector<16x1024xf32>
    %jit3A_692 = arith.constant 0.000000e+00 : f32
    %broadcast_in_dim3A_693 = vector.broadcast %jit3A_692 : f32 to vector<16x1024xf32>
    %select_n3A_694 = arith.select %eq3A_23, %get3A_691, %broadcast_in_dim3A_693 : vector<16x1024xi1>, vector<16x1024xf32>
    %add3A_695 = arith.addf %add3A_686, %select_n3A_694 : vector<16x1024xf32>
    %get3A_696 = arith.constant 60 : index
    %get3A_697 = arith.constant 0 : index
    %get3A_698 = arith.constant 0 : index
    %get3A_699 = vector.load %arg0[%get3A_696, %get3A_697, %get3A_698] : memref<128x16x1024xf32, #tpu.memory_space<vmem>>, vector<1x16x1024xf32>
    %get3A_700 = vector.shape_cast %get3A_699 : vector<1x16x1024xf32> to vector<16x1024xf32>
    %jit3A_701 = arith.constant 0.000000e+00 : f32
    %broadcast_in_dim3A_702 = vector.broadcast %jit3A_701 : f32 to vector<16x1024xf32>
    %select_n3A_703 = arith.select %eq3A_26, %get3A_700, %broadcast_in_dim3A_702 : vector<16x1024xi1>, vector<16x1024xf32>
    %add3A_704 = arith.addf %add3A_695, %select_n3A_703 : vector<16x1024xf32>
    %get3A_705 = arith.constant 68 : index
    %get3A_706 = arith.constant 0 : index
    %get3A_707 = arith.constant 0 : index
    %get3A_708 = vector.load %arg0[%get3A_705, %get3A_706, %get3A_707] : memref<128x16x1024xf32, #tpu.memory_space<vmem>>, vector<1x16x1024xf32>
    %get3A_709 = vector.shape_cast %get3A_708 : vector<1x16x1024xf32> to vector<16x1024xf32>
    %jit3A_710 = arith.constant 0.000000e+00 : f32
    %broadcast_in_dim3A_711 = vector.broadcast %jit3A_710 : f32 to vector<16x1024xf32>
    %select_n3A_712 = arith.select %eq3A_29, %get3A_709, %broadcast_in_dim3A_711 : vector<16x1024xi1>, vector<16x1024xf32>
    %add3A_713 = arith.addf %add3A_704, %select_n3A_712 : vector<16x1024xf32>
    %get3A_714 = arith.constant 76 : index
    %get3A_715 = arith.constant 0 : index
    %get3A_716 = arith.constant 0 : index
    %get3A_717 = vector.load %arg0[%get3A_714, %get3A_715, %get3A_716] : memref<128x16x1024xf32, #tpu.memory_space<vmem>>, vector<1x16x1024xf32>
    %get3A_718 = vector.shape_cast %get3A_717 : vector<1x16x1024xf32> to vector<16x1024xf32>
    %jit3A_719 = arith.constant 0.000000e+00 : f32
    %broadcast_in_dim3A_720 = vector.broadcast %jit3A_719 : f32 to vector<16x1024xf32>
    %select_n3A_721 = arith.select %eq3A_32, %get3A_718, %broadcast_in_dim3A_720 : vector<16x1024xi1>, vector<16x1024xf32>
    %add3A_722 = arith.addf %add3A_713, %select_n3A_721 : vector<16x1024xf32>
    %get3A_723 = arith.constant 84 : index
    %get3A_724 = arith.constant 0 : index
    %get3A_725 = arith.constant 0 : index
    %get3A_726 = vector.load %arg0[%get3A_723, %get3A_724, %get3A_725] : memref<128x16x1024xf32, #tpu.memory_space<vmem>>, vector<1x16x1024xf32>
    %get3A_727 = vector.shape_cast %get3A_726 : vector<1x16x1024xf32> to vector<16x1024xf32>
    %jit3A_728 = arith.constant 0.000000e+00 : f32
    %broadcast_in_dim3A_729 = vector.broadcast %jit3A_728 : f32 to vector<16x1024xf32>
    %select_n3A_730 = arith.select %eq3A_35, %get3A_727, %broadcast_in_dim3A_729 : vector<16x1024xi1>, vector<16x1024xf32>
    %add3A_731 = arith.addf %add3A_722, %select_n3A_730 : vector<16x1024xf32>
    %get3A_732 = arith.constant 92 : index
    %get3A_733 = arith.constant 0 : index
    %get3A_734 = arith.constant 0 : index
    %get3A_735 = vector.load %arg0[%get3A_732, %get3A_733, %get3A_734] : memref<128x16x1024xf32, #tpu.memory_space<vmem>>, vector<1x16x1024xf32>
    %get3A_736 = vector.shape_cast %get3A_735 : vector<1x16x1024xf32> to vector<16x1024xf32>
    %jit3A_737 = arith.constant 0.000000e+00 : f32
    %broadcast_in_dim3A_738 = vector.broadcast %jit3A_737 : f32 to vector<16x1024xf32>
    %select_n3A_739 = arith.select %eq3A_38, %get3A_736, %broadcast_in_dim3A_738 : vector<16x1024xi1>, vector<16x1024xf32>
    %add3A_740 = arith.addf %add3A_731, %select_n3A_739 : vector<16x1024xf32>
    %get3A_741 = arith.constant 100 : index
    %get3A_742 = arith.constant 0 : index
    %get3A_743 = arith.constant 0 : index
    %get3A_744 = vector.load %arg0[%get3A_741, %get3A_742, %get3A_743] : memref<128x16x1024xf32, #tpu.memory_space<vmem>>, vector<1x16x1024xf32>
    %get3A_745 = vector.shape_cast %get3A_744 : vector<1x16x1024xf32> to vector<16x1024xf32>
    %jit3A_746 = arith.constant 0.000000e+00 : f32
    %broadcast_in_dim3A_747 = vector.broadcast %jit3A_746 : f32 to vector<16x1024xf32>
    %select_n3A_748 = arith.select %eq3A_41, %get3A_745, %broadcast_in_dim3A_747 : vector<16x1024xi1>, vector<16x1024xf32>
    %add3A_749 = arith.addf %add3A_740, %select_n3A_748 : vector<16x1024xf32>
    %get3A_750 = arith.constant 108 : index
    %get3A_751 = arith.constant 0 : index
    %get3A_752 = arith.constant 0 : index
    %get3A_753 = vector.load %arg0[%get3A_750, %get3A_751, %get3A_752] : memref<128x16x1024xf32, #tpu.memory_space<vmem>>, vector<1x16x1024xf32>
    %get3A_754 = vector.shape_cast %get3A_753 : vector<1x16x1024xf32> to vector<16x1024xf32>
    %jit3A_755 = arith.constant 0.000000e+00 : f32
    %broadcast_in_dim3A_756 = vector.broadcast %jit3A_755 : f32 to vector<16x1024xf32>
    %select_n3A_757 = arith.select %eq3A_44, %get3A_754, %broadcast_in_dim3A_756 : vector<16x1024xi1>, vector<16x1024xf32>
    %add3A_758 = arith.addf %add3A_749, %select_n3A_757 : vector<16x1024xf32>
    %get3A_759 = arith.constant 116 : index
    %get3A_760 = arith.constant 0 : index
    %get3A_761 = arith.constant 0 : index
    %get3A_762 = vector.load %arg0[%get3A_759, %get3A_760, %get3A_761] : memref<128x16x1024xf32, #tpu.memory_space<vmem>>, vector<1x16x1024xf32>
    %get3A_763 = vector.shape_cast %get3A_762 : vector<1x16x1024xf32> to vector<16x1024xf32>
    %jit3A_764 = arith.constant 0.000000e+00 : f32
    %broadcast_in_dim3A_765 = vector.broadcast %jit3A_764 : f32 to vector<16x1024xf32>
    %select_n3A_766 = arith.select %eq3A_47, %get3A_763, %broadcast_in_dim3A_765 : vector<16x1024xi1>, vector<16x1024xf32>
    %add3A_767 = arith.addf %add3A_758, %select_n3A_766 : vector<16x1024xf32>
    %get3A_768 = arith.constant 124 : index
    %get3A_769 = arith.constant 0 : index
    %get3A_770 = arith.constant 0 : index
    %get3A_771 = vector.load %arg0[%get3A_768, %get3A_769, %get3A_770] : memref<128x16x1024xf32, #tpu.memory_space<vmem>>, vector<1x16x1024xf32>
    %get3A_772 = vector.shape_cast %get3A_771 : vector<1x16x1024xf32> to vector<16x1024xf32>
    %jit3A_773 = arith.constant 0.000000e+00 : f32
    %broadcast_in_dim3A_774 = vector.broadcast %jit3A_773 : f32 to vector<16x1024xf32>
    %select_n3A_775 = arith.select %eq3A_50, %get3A_772, %broadcast_in_dim3A_774 : vector<16x1024xi1>, vector<16x1024xf32>
    %add3A_776 = arith.addf %add3A_767, %select_n3A_775 : vector<16x1024xf32>
    %broadcast_in_dim3A_777 = arith.constant 0.000000e+00 : f32
    %broadcast_in_dim3A_778 = vector.broadcast %broadcast_in_dim3A_777 : f32 to vector<16x1024xf32>
    %get3A_779 = arith.constant 5 : index
    %get3A_780 = arith.constant 0 : index
    %get3A_781 = arith.constant 0 : index
    %get3A_782 = vector.load %arg0[%get3A_779, %get3A_780, %get3A_781] : memref<128x16x1024xf32, #tpu.memory_space<vmem>>, vector<1x16x1024xf32>
    %get3A_783 = vector.shape_cast %get3A_782 : vector<1x16x1024xf32> to vector<16x1024xf32>
    %jit3A_784 = arith.constant 0.000000e+00 : f32
    %broadcast_in_dim3A_785 = vector.broadcast %jit3A_784 : f32 to vector<16x1024xf32>
    %select_n3A_786 = arith.select %eq3A_5, %get3A_783, %broadcast_in_dim3A_785 : vector<16x1024xi1>, vector<16x1024xf32>
    %add3A_787 = arith.addf %broadcast_in_dim3A_778, %select_n3A_786 : vector<16x1024xf32>
    %get3A_788 = arith.constant 13 : index
    %get3A_789 = arith.constant 0 : index
    %get3A_790 = arith.constant 0 : index
    %get3A_791 = vector.load %arg0[%get3A_788, %get3A_789, %get3A_790] : memref<128x16x1024xf32, #tpu.memory_space<vmem>>, vector<1x16x1024xf32>
    %get3A_792 = vector.shape_cast %get3A_791 : vector<1x16x1024xf32> to vector<16x1024xf32>
    %jit3A_793 = arith.constant 0.000000e+00 : f32
    %broadcast_in_dim3A_794 = vector.broadcast %jit3A_793 : f32 to vector<16x1024xf32>
    %select_n3A_795 = arith.select %eq3A_8, %get3A_792, %broadcast_in_dim3A_794 : vector<16x1024xi1>, vector<16x1024xf32>
    %add3A_796 = arith.addf %add3A_787, %select_n3A_795 : vector<16x1024xf32>
    %get3A_797 = arith.constant 21 : index
    %get3A_798 = arith.constant 0 : index
    %get3A_799 = arith.constant 0 : index
    %get3A_800 = vector.load %arg0[%get3A_797, %get3A_798, %get3A_799] : memref<128x16x1024xf32, #tpu.memory_space<vmem>>, vector<1x16x1024xf32>
    %get3A_801 = vector.shape_cast %get3A_800 : vector<1x16x1024xf32> to vector<16x1024xf32>
    %jit3A_802 = arith.constant 0.000000e+00 : f32
    %broadcast_in_dim3A_803 = vector.broadcast %jit3A_802 : f32 to vector<16x1024xf32>
    %select_n3A_804 = arith.select %eq3A_11, %get3A_801, %broadcast_in_dim3A_803 : vector<16x1024xi1>, vector<16x1024xf32>
    %add3A_805 = arith.addf %add3A_796, %select_n3A_804 : vector<16x1024xf32>
    %get3A_806 = arith.constant 29 : index
    %get3A_807 = arith.constant 0 : index
    %get3A_808 = arith.constant 0 : index
    %get3A_809 = vector.load %arg0[%get3A_806, %get3A_807, %get3A_808] : memref<128x16x1024xf32, #tpu.memory_space<vmem>>, vector<1x16x1024xf32>
    %get3A_810 = vector.shape_cast %get3A_809 : vector<1x16x1024xf32> to vector<16x1024xf32>
    %jit3A_811 = arith.constant 0.000000e+00 : f32
    %broadcast_in_dim3A_812 = vector.broadcast %jit3A_811 : f32 to vector<16x1024xf32>
    %select_n3A_813 = arith.select %eq3A_14, %get3A_810, %broadcast_in_dim3A_812 : vector<16x1024xi1>, vector<16x1024xf32>
    %add3A_814 = arith.addf %add3A_805, %select_n3A_813 : vector<16x1024xf32>
    %get3A_815 = arith.constant 37 : index
    %get3A_816 = arith.constant 0 : index
    %get3A_817 = arith.constant 0 : index
    %get3A_818 = vector.load %arg0[%get3A_815, %get3A_816, %get3A_817] : memref<128x16x1024xf32, #tpu.memory_space<vmem>>, vector<1x16x1024xf32>
    %get3A_819 = vector.shape_cast %get3A_818 : vector<1x16x1024xf32> to vector<16x1024xf32>
    %jit3A_820 = arith.constant 0.000000e+00 : f32
    %broadcast_in_dim3A_821 = vector.broadcast %jit3A_820 : f32 to vector<16x1024xf32>
    %select_n3A_822 = arith.select %eq3A_17, %get3A_819, %broadcast_in_dim3A_821 : vector<16x1024xi1>, vector<16x1024xf32>
    %add3A_823 = arith.addf %add3A_814, %select_n3A_822 : vector<16x1024xf32>
    %get3A_824 = arith.constant 45 : index
    %get3A_825 = arith.constant 0 : index
    %get3A_826 = arith.constant 0 : index
    %get3A_827 = vector.load %arg0[%get3A_824, %get3A_825, %get3A_826] : memref<128x16x1024xf32, #tpu.memory_space<vmem>>, vector<1x16x1024xf32>
    %get3A_828 = vector.shape_cast %get3A_827 : vector<1x16x1024xf32> to vector<16x1024xf32>
    %jit3A_829 = arith.constant 0.000000e+00 : f32
    %broadcast_in_dim3A_830 = vector.broadcast %jit3A_829 : f32 to vector<16x1024xf32>
    %select_n3A_831 = arith.select %eq3A_20, %get3A_828, %broadcast_in_dim3A_830 : vector<16x1024xi1>, vector<16x1024xf32>
    %add3A_832 = arith.addf %add3A_823, %select_n3A_831 : vector<16x1024xf32>
    %get3A_833 = arith.constant 53 : index
    %get3A_834 = arith.constant 0 : index
    %get3A_835 = arith.constant 0 : index
    %get3A_836 = vector.load %arg0[%get3A_833, %get3A_834, %get3A_835] : memref<128x16x1024xf32, #tpu.memory_space<vmem>>, vector<1x16x1024xf32>
    %get3A_837 = vector.shape_cast %get3A_836 : vector<1x16x1024xf32> to vector<16x1024xf32>
    %jit3A_838 = arith.constant 0.000000e+00 : f32
    %broadcast_in_dim3A_839 = vector.broadcast %jit3A_838 : f32 to vector<16x1024xf32>
    %select_n3A_840 = arith.select %eq3A_23, %get3A_837, %broadcast_in_dim3A_839 : vector<16x1024xi1>, vector<16x1024xf32>
    %add3A_841 = arith.addf %add3A_832, %select_n3A_840 : vector<16x1024xf32>
    %get3A_842 = arith.constant 61 : index
    %get3A_843 = arith.constant 0 : index
    %get3A_844 = arith.constant 0 : index
    %get3A_845 = vector.load %arg0[%get3A_842, %get3A_843, %get3A_844] : memref<128x16x1024xf32, #tpu.memory_space<vmem>>, vector<1x16x1024xf32>
    %get3A_846 = vector.shape_cast %get3A_845 : vector<1x16x1024xf32> to vector<16x1024xf32>
    %jit3A_847 = arith.constant 0.000000e+00 : f32
    %broadcast_in_dim3A_848 = vector.broadcast %jit3A_847 : f32 to vector<16x1024xf32>
    %select_n3A_849 = arith.select %eq3A_26, %get3A_846, %broadcast_in_dim3A_848 : vector<16x1024xi1>, vector<16x1024xf32>
    %add3A_850 = arith.addf %add3A_841, %select_n3A_849 : vector<16x1024xf32>
    %get3A_851 = arith.constant 69 : index
    %get3A_852 = arith.constant 0 : index
    %get3A_853 = arith.constant 0 : index
    %get3A_854 = vector.load %arg0[%get3A_851, %get3A_852, %get3A_853] : memref<128x16x1024xf32, #tpu.memory_space<vmem>>, vector<1x16x1024xf32>
    %get3A_855 = vector.shape_cast %get3A_854 : vector<1x16x1024xf32> to vector<16x1024xf32>
    %jit3A_856 = arith.constant 0.000000e+00 : f32
    %broadcast_in_dim3A_857 = vector.broadcast %jit3A_856 : f32 to vector<16x1024xf32>
    %select_n3A_858 = arith.select %eq3A_29, %get3A_855, %broadcast_in_dim3A_857 : vector<16x1024xi1>, vector<16x1024xf32>
    %add3A_859 = arith.addf %add3A_850, %select_n3A_858 : vector<16x1024xf32>
    %get3A_860 = arith.constant 77 : index
    %get3A_861 = arith.constant 0 : index
    %get3A_862 = arith.constant 0 : index
    %get3A_863 = vector.load %arg0[%get3A_860, %get3A_861, %get3A_862] : memref<128x16x1024xf32, #tpu.memory_space<vmem>>, vector<1x16x1024xf32>
    %get3A_864 = vector.shape_cast %get3A_863 : vector<1x16x1024xf32> to vector<16x1024xf32>
    %jit3A_865 = arith.constant 0.000000e+00 : f32
    %broadcast_in_dim3A_866 = vector.broadcast %jit3A_865 : f32 to vector<16x1024xf32>
    %select_n3A_867 = arith.select %eq3A_32, %get3A_864, %broadcast_in_dim3A_866 : vector<16x1024xi1>, vector<16x1024xf32>
    %add3A_868 = arith.addf %add3A_859, %select_n3A_867 : vector<16x1024xf32>
    %get3A_869 = arith.constant 85 : index
    %get3A_870 = arith.constant 0 : index
    %get3A_871 = arith.constant 0 : index
    %get3A_872 = vector.load %arg0[%get3A_869, %get3A_870, %get3A_871] : memref<128x16x1024xf32, #tpu.memory_space<vmem>>, vector<1x16x1024xf32>
    %get3A_873 = vector.shape_cast %get3A_872 : vector<1x16x1024xf32> to vector<16x1024xf32>
    %jit3A_874 = arith.constant 0.000000e+00 : f32
    %broadcast_in_dim3A_875 = vector.broadcast %jit3A_874 : f32 to vector<16x1024xf32>
    %select_n3A_876 = arith.select %eq3A_35, %get3A_873, %broadcast_in_dim3A_875 : vector<16x1024xi1>, vector<16x1024xf32>
    %add3A_877 = arith.addf %add3A_868, %select_n3A_876 : vector<16x1024xf32>
    %get3A_878 = arith.constant 93 : index
    %get3A_879 = arith.constant 0 : index
    %get3A_880 = arith.constant 0 : index
    %get3A_881 = vector.load %arg0[%get3A_878, %get3A_879, %get3A_880] : memref<128x16x1024xf32, #tpu.memory_space<vmem>>, vector<1x16x1024xf32>
    %get3A_882 = vector.shape_cast %get3A_881 : vector<1x16x1024xf32> to vector<16x1024xf32>
    %jit3A_883 = arith.constant 0.000000e+00 : f32
    %broadcast_in_dim3A_884 = vector.broadcast %jit3A_883 : f32 to vector<16x1024xf32>
    %select_n3A_885 = arith.select %eq3A_38, %get3A_882, %broadcast_in_dim3A_884 : vector<16x1024xi1>, vector<16x1024xf32>
    %add3A_886 = arith.addf %add3A_877, %select_n3A_885 : vector<16x1024xf32>
    %get3A_887 = arith.constant 101 : index
    %get3A_888 = arith.constant 0 : index
    %get3A_889 = arith.constant 0 : index
    %get3A_890 = vector.load %arg0[%get3A_887, %get3A_888, %get3A_889] : memref<128x16x1024xf32, #tpu.memory_space<vmem>>, vector<1x16x1024xf32>
    %get3A_891 = vector.shape_cast %get3A_890 : vector<1x16x1024xf32> to vector<16x1024xf32>
    %jit3A_892 = arith.constant 0.000000e+00 : f32
    %broadcast_in_dim3A_893 = vector.broadcast %jit3A_892 : f32 to vector<16x1024xf32>
    %select_n3A_894 = arith.select %eq3A_41, %get3A_891, %broadcast_in_dim3A_893 : vector<16x1024xi1>, vector<16x1024xf32>
    %add3A_895 = arith.addf %add3A_886, %select_n3A_894 : vector<16x1024xf32>
    %get3A_896 = arith.constant 109 : index
    %get3A_897 = arith.constant 0 : index
    %get3A_898 = arith.constant 0 : index
    %get3A_899 = vector.load %arg0[%get3A_896, %get3A_897, %get3A_898] : memref<128x16x1024xf32, #tpu.memory_space<vmem>>, vector<1x16x1024xf32>
    %get3A_900 = vector.shape_cast %get3A_899 : vector<1x16x1024xf32> to vector<16x1024xf32>
    %jit3A_901 = arith.constant 0.000000e+00 : f32
    %broadcast_in_dim3A_902 = vector.broadcast %jit3A_901 : f32 to vector<16x1024xf32>
    %select_n3A_903 = arith.select %eq3A_44, %get3A_900, %broadcast_in_dim3A_902 : vector<16x1024xi1>, vector<16x1024xf32>
    %add3A_904 = arith.addf %add3A_895, %select_n3A_903 : vector<16x1024xf32>
    %get3A_905 = arith.constant 117 : index
    %get3A_906 = arith.constant 0 : index
    %get3A_907 = arith.constant 0 : index
    %get3A_908 = vector.load %arg0[%get3A_905, %get3A_906, %get3A_907] : memref<128x16x1024xf32, #tpu.memory_space<vmem>>, vector<1x16x1024xf32>
    %get3A_909 = vector.shape_cast %get3A_908 : vector<1x16x1024xf32> to vector<16x1024xf32>
    %jit3A_910 = arith.constant 0.000000e+00 : f32
    %broadcast_in_dim3A_911 = vector.broadcast %jit3A_910 : f32 to vector<16x1024xf32>
    %select_n3A_912 = arith.select %eq3A_47, %get3A_909, %broadcast_in_dim3A_911 : vector<16x1024xi1>, vector<16x1024xf32>
    %add3A_913 = arith.addf %add3A_904, %select_n3A_912 : vector<16x1024xf32>
    %get3A_914 = arith.constant 125 : index
    %get3A_915 = arith.constant 0 : index
    %get3A_916 = arith.constant 0 : index
    %get3A_917 = vector.load %arg0[%get3A_914, %get3A_915, %get3A_916] : memref<128x16x1024xf32, #tpu.memory_space<vmem>>, vector<1x16x1024xf32>
    %get3A_918 = vector.shape_cast %get3A_917 : vector<1x16x1024xf32> to vector<16x1024xf32>
    %jit3A_919 = arith.constant 0.000000e+00 : f32
    %broadcast_in_dim3A_920 = vector.broadcast %jit3A_919 : f32 to vector<16x1024xf32>
    %select_n3A_921 = arith.select %eq3A_50, %get3A_918, %broadcast_in_dim3A_920 : vector<16x1024xi1>, vector<16x1024xf32>
    %add3A_922 = arith.addf %add3A_913, %select_n3A_921 : vector<16x1024xf32>
    %broadcast_in_dim3A_923 = arith.constant 0.000000e+00 : f32
    %broadcast_in_dim3A_924 = vector.broadcast %broadcast_in_dim3A_923 : f32 to vector<16x1024xf32>
    %get3A_925 = arith.constant 6 : index
    %get3A_926 = arith.constant 0 : index
    %get3A_927 = arith.constant 0 : index
    %get3A_928 = vector.load %arg0[%get3A_925, %get3A_926, %get3A_927] : memref<128x16x1024xf32, #tpu.memory_space<vmem>>, vector<1x16x1024xf32>
    %get3A_929 = vector.shape_cast %get3A_928 : vector<1x16x1024xf32> to vector<16x1024xf32>
    %jit3A_930 = arith.constant 0.000000e+00 : f32
    %broadcast_in_dim3A_931 = vector.broadcast %jit3A_930 : f32 to vector<16x1024xf32>
    %select_n3A_932 = arith.select %eq3A_5, %get3A_929, %broadcast_in_dim3A_931 : vector<16x1024xi1>, vector<16x1024xf32>
    %add3A_933 = arith.addf %broadcast_in_dim3A_924, %select_n3A_932 : vector<16x1024xf32>
    %get3A_934 = arith.constant 14 : index
    %get3A_935 = arith.constant 0 : index
    %get3A_936 = arith.constant 0 : index
    %get3A_937 = vector.load %arg0[%get3A_934, %get3A_935, %get3A_936] : memref<128x16x1024xf32, #tpu.memory_space<vmem>>, vector<1x16x1024xf32>
    %get3A_938 = vector.shape_cast %get3A_937 : vector<1x16x1024xf32> to vector<16x1024xf32>
    %jit3A_939 = arith.constant 0.000000e+00 : f32
    %broadcast_in_dim3A_940 = vector.broadcast %jit3A_939 : f32 to vector<16x1024xf32>
    %select_n3A_941 = arith.select %eq3A_8, %get3A_938, %broadcast_in_dim3A_940 : vector<16x1024xi1>, vector<16x1024xf32>
    %add3A_942 = arith.addf %add3A_933, %select_n3A_941 : vector<16x1024xf32>
    %get3A_943 = arith.constant 22 : index
    %get3A_944 = arith.constant 0 : index
    %get3A_945 = arith.constant 0 : index
    %get3A_946 = vector.load %arg0[%get3A_943, %get3A_944, %get3A_945] : memref<128x16x1024xf32, #tpu.memory_space<vmem>>, vector<1x16x1024xf32>
    %get3A_947 = vector.shape_cast %get3A_946 : vector<1x16x1024xf32> to vector<16x1024xf32>
    %jit3A_948 = arith.constant 0.000000e+00 : f32
    %broadcast_in_dim3A_949 = vector.broadcast %jit3A_948 : f32 to vector<16x1024xf32>
    %select_n3A_950 = arith.select %eq3A_11, %get3A_947, %broadcast_in_dim3A_949 : vector<16x1024xi1>, vector<16x1024xf32>
    %add3A_951 = arith.addf %add3A_942, %select_n3A_950 : vector<16x1024xf32>
    %get3A_952 = arith.constant 30 : index
    %get3A_953 = arith.constant 0 : index
    %get3A_954 = arith.constant 0 : index
    %get3A_955 = vector.load %arg0[%get3A_952, %get3A_953, %get3A_954] : memref<128x16x1024xf32, #tpu.memory_space<vmem>>, vector<1x16x1024xf32>
    %get3A_956 = vector.shape_cast %get3A_955 : vector<1x16x1024xf32> to vector<16x1024xf32>
    %jit3A_957 = arith.constant 0.000000e+00 : f32
    %broadcast_in_dim3A_958 = vector.broadcast %jit3A_957 : f32 to vector<16x1024xf32>
    %select_n3A_959 = arith.select %eq3A_14, %get3A_956, %broadcast_in_dim3A_958 : vector<16x1024xi1>, vector<16x1024xf32>
    %add3A_960 = arith.addf %add3A_951, %select_n3A_959 : vector<16x1024xf32>
    %get3A_961 = arith.constant 38 : index
    %get3A_962 = arith.constant 0 : index
    %get3A_963 = arith.constant 0 : index
    %get3A_964 = vector.load %arg0[%get3A_961, %get3A_962, %get3A_963] : memref<128x16x1024xf32, #tpu.memory_space<vmem>>, vector<1x16x1024xf32>
    %get3A_965 = vector.shape_cast %get3A_964 : vector<1x16x1024xf32> to vector<16x1024xf32>
    %jit3A_966 = arith.constant 0.000000e+00 : f32
    %broadcast_in_dim3A_967 = vector.broadcast %jit3A_966 : f32 to vector<16x1024xf32>
    %select_n3A_968 = arith.select %eq3A_17, %get3A_965, %broadcast_in_dim3A_967 : vector<16x1024xi1>, vector<16x1024xf32>
    %add3A_969 = arith.addf %add3A_960, %select_n3A_968 : vector<16x1024xf32>
    %get3A_970 = arith.constant 46 : index
    %get3A_971 = arith.constant 0 : index
    %get3A_972 = arith.constant 0 : index
    %get3A_973 = vector.load %arg0[%get3A_970, %get3A_971, %get3A_972] : memref<128x16x1024xf32, #tpu.memory_space<vmem>>, vector<1x16x1024xf32>
    %get3A_974 = vector.shape_cast %get3A_973 : vector<1x16x1024xf32> to vector<16x1024xf32>
    %jit3A_975 = arith.constant 0.000000e+00 : f32
    %broadcast_in_dim3A_976 = vector.broadcast %jit3A_975 : f32 to vector<16x1024xf32>
    %select_n3A_977 = arith.select %eq3A_20, %get3A_974, %broadcast_in_dim3A_976 : vector<16x1024xi1>, vector<16x1024xf32>
    %add3A_978 = arith.addf %add3A_969, %select_n3A_977 : vector<16x1024xf32>
    %get3A_979 = arith.constant 54 : index
    %get3A_980 = arith.constant 0 : index
    %get3A_981 = arith.constant 0 : index
    %get3A_982 = vector.load %arg0[%get3A_979, %get3A_980, %get3A_981] : memref<128x16x1024xf32, #tpu.memory_space<vmem>>, vector<1x16x1024xf32>
    %get3A_983 = vector.shape_cast %get3A_982 : vector<1x16x1024xf32> to vector<16x1024xf32>
    %jit3A_984 = arith.constant 0.000000e+00 : f32
    %broadcast_in_dim3A_985 = vector.broadcast %jit3A_984 : f32 to vector<16x1024xf32>
    %select_n3A_986 = arith.select %eq3A_23, %get3A_983, %broadcast_in_dim3A_985 : vector<16x1024xi1>, vector<16x1024xf32>
    %add3A_987 = arith.addf %add3A_978, %select_n3A_986 : vector<16x1024xf32>
    %get3A_988 = arith.constant 62 : index
    %get3A_989 = arith.constant 0 : index
    %get3A_990 = arith.constant 0 : index
    %get3A_991 = vector.load %arg0[%get3A_988, %get3A_989, %get3A_990] : memref<128x16x1024xf32, #tpu.memory_space<vmem>>, vector<1x16x1024xf32>
    %get3A_992 = vector.shape_cast %get3A_991 : vector<1x16x1024xf32> to vector<16x1024xf32>
    %jit3A_993 = arith.constant 0.000000e+00 : f32
    %broadcast_in_dim3A_994 = vector.broadcast %jit3A_993 : f32 to vector<16x1024xf32>
    %select_n3A_995 = arith.select %eq3A_26, %get3A_992, %broadcast_in_dim3A_994 : vector<16x1024xi1>, vector<16x1024xf32>
    %add3A_996 = arith.addf %add3A_987, %select_n3A_995 : vector<16x1024xf32>
    %get3A_997 = arith.constant 70 : index
    %get3A_998 = arith.constant 0 : index
    %get3A_999 = arith.constant 0 : index
    %get3A_1000 = vector.load %arg0[%get3A_997, %get3A_998, %get3A_999] : memref<128x16x1024xf32, #tpu.memory_space<vmem>>, vector<1x16x1024xf32>
    %get3A_1001 = vector.shape_cast %get3A_1000 : vector<1x16x1024xf32> to vector<16x1024xf32>
    %jit3A_1002 = arith.constant 0.000000e+00 : f32
    %broadcast_in_dim3A_1003 = vector.broadcast %jit3A_1002 : f32 to vector<16x1024xf32>
    %select_n3A_1004 = arith.select %eq3A_29, %get3A_1001, %broadcast_in_dim3A_1003 : vector<16x1024xi1>, vector<16x1024xf32>
    %add3A_1005 = arith.addf %add3A_996, %select_n3A_1004 : vector<16x1024xf32>
    %get3A_1006 = arith.constant 78 : index
    %get3A_1007 = arith.constant 0 : index
    %get3A_1008 = arith.constant 0 : index
    %get3A_1009 = vector.load %arg0[%get3A_1006, %get3A_1007, %get3A_1008] : memref<128x16x1024xf32, #tpu.memory_space<vmem>>, vector<1x16x1024xf32>
    %get3A_1010 = vector.shape_cast %get3A_1009 : vector<1x16x1024xf32> to vector<16x1024xf32>
    %jit3A_1011 = arith.constant 0.000000e+00 : f32
    %broadcast_in_dim3A_1012 = vector.broadcast %jit3A_1011 : f32 to vector<16x1024xf32>
    %select_n3A_1013 = arith.select %eq3A_32, %get3A_1010, %broadcast_in_dim3A_1012 : vector<16x1024xi1>, vector<16x1024xf32>
    %add3A_1014 = arith.addf %add3A_1005, %select_n3A_1013 : vector<16x1024xf32>
    %get3A_1015 = arith.constant 86 : index
    %get3A_1016 = arith.constant 0 : index
    %get3A_1017 = arith.constant 0 : index
    %get3A_1018 = vector.load %arg0[%get3A_1015, %get3A_1016, %get3A_1017] : memref<128x16x1024xf32, #tpu.memory_space<vmem>>, vector<1x16x1024xf32>
    %get3A_1019 = vector.shape_cast %get3A_1018 : vector<1x16x1024xf32> to vector<16x1024xf32>
    %jit3A_1020 = arith.constant 0.000000e+00 : f32
    %broadcast_in_dim3A_1021 = vector.broadcast %jit3A_1020 : f32 to vector<16x1024xf32>
    %select_n3A_1022 = arith.select %eq3A_35, %get3A_1019, %broadcast_in_dim3A_1021 : vector<16x1024xi1>, vector<16x1024xf32>
    %add3A_1023 = arith.addf %add3A_1014, %select_n3A_1022 : vector<16x1024xf32>
    %get3A_1024 = arith.constant 94 : index
    %get3A_1025 = arith.constant 0 : index
    %get3A_1026 = arith.constant 0 : index
    %get3A_1027 = vector.load %arg0[%get3A_1024, %get3A_1025, %get3A_1026] : memref<128x16x1024xf32, #tpu.memory_space<vmem>>, vector<1x16x1024xf32>
    %get3A_1028 = vector.shape_cast %get3A_1027 : vector<1x16x1024xf32> to vector<16x1024xf32>
    %jit3A_1029 = arith.constant 0.000000e+00 : f32
    %broadcast_in_dim3A_1030 = vector.broadcast %jit3A_1029 : f32 to vector<16x1024xf32>
    %select_n3A_1031 = arith.select %eq3A_38, %get3A_1028, %broadcast_in_dim3A_1030 : vector<16x1024xi1>, vector<16x1024xf32>
    %add3A_1032 = arith.addf %add3A_1023, %select_n3A_1031 : vector<16x1024xf32>
    %get3A_1033 = arith.constant 102 : index
    %get3A_1034 = arith.constant 0 : index
    %get3A_1035 = arith.constant 0 : index
    %get3A_1036 = vector.load %arg0[%get3A_1033, %get3A_1034, %get3A_1035] : memref<128x16x1024xf32, #tpu.memory_space<vmem>>, vector<1x16x1024xf32>
    %get3A_1037 = vector.shape_cast %get3A_1036 : vector<1x16x1024xf32> to vector<16x1024xf32>
    %jit3A_1038 = arith.constant 0.000000e+00 : f32
    %broadcast_in_dim3A_1039 = vector.broadcast %jit3A_1038 : f32 to vector<16x1024xf32>
    %select_n3A_1040 = arith.select %eq3A_41, %get3A_1037, %broadcast_in_dim3A_1039 : vector<16x1024xi1>, vector<16x1024xf32>
    %add3A_1041 = arith.addf %add3A_1032, %select_n3A_1040 : vector<16x1024xf32>
    %get3A_1042 = arith.constant 110 : index
    %get3A_1043 = arith.constant 0 : index
    %get3A_1044 = arith.constant 0 : index
    %get3A_1045 = vector.load %arg0[%get3A_1042, %get3A_1043, %get3A_1044] : memref<128x16x1024xf32, #tpu.memory_space<vmem>>, vector<1x16x1024xf32>
    %get3A_1046 = vector.shape_cast %get3A_1045 : vector<1x16x1024xf32> to vector<16x1024xf32>
    %jit3A_1047 = arith.constant 0.000000e+00 : f32
    %broadcast_in_dim3A_1048 = vector.broadcast %jit3A_1047 : f32 to vector<16x1024xf32>
    %select_n3A_1049 = arith.select %eq3A_44, %get3A_1046, %broadcast_in_dim3A_1048 : vector<16x1024xi1>, vector<16x1024xf32>
    %add3A_1050 = arith.addf %add3A_1041, %select_n3A_1049 : vector<16x1024xf32>
    %get3A_1051 = arith.constant 118 : index
    %get3A_1052 = arith.constant 0 : index
    %get3A_1053 = arith.constant 0 : index
    %get3A_1054 = vector.load %arg0[%get3A_1051, %get3A_1052, %get3A_1053] : memref<128x16x1024xf32, #tpu.memory_space<vmem>>, vector<1x16x1024xf32>
    %get3A_1055 = vector.shape_cast %get3A_1054 : vector<1x16x1024xf32> to vector<16x1024xf32>
    %jit3A_1056 = arith.constant 0.000000e+00 : f32
    %broadcast_in_dim3A_1057 = vector.broadcast %jit3A_1056 : f32 to vector<16x1024xf32>
    %select_n3A_1058 = arith.select %eq3A_47, %get3A_1055, %broadcast_in_dim3A_1057 : vector<16x1024xi1>, vector<16x1024xf32>
    %add3A_1059 = arith.addf %add3A_1050, %select_n3A_1058 : vector<16x1024xf32>
    %get3A_1060 = arith.constant 126 : index
    %get3A_1061 = arith.constant 0 : index
    %get3A_1062 = arith.constant 0 : index
    %get3A_1063 = vector.load %arg0[%get3A_1060, %get3A_1061, %get3A_1062] : memref<128x16x1024xf32, #tpu.memory_space<vmem>>, vector<1x16x1024xf32>
    %get3A_1064 = vector.shape_cast %get3A_1063 : vector<1x16x1024xf32> to vector<16x1024xf32>
    %jit3A_1065 = arith.constant 0.000000e+00 : f32
    %broadcast_in_dim3A_1066 = vector.broadcast %jit3A_1065 : f32 to vector<16x1024xf32>
    %select_n3A_1067 = arith.select %eq3A_50, %get3A_1064, %broadcast_in_dim3A_1066 : vector<16x1024xi1>, vector<16x1024xf32>
    %add3A_1068 = arith.addf %add3A_1059, %select_n3A_1067 : vector<16x1024xf32>
    %broadcast_in_dim3A_1069 = arith.constant 0.000000e+00 : f32
    %broadcast_in_dim3A_1070 = vector.broadcast %broadcast_in_dim3A_1069 : f32 to vector<16x1024xf32>
    %get3A_1071 = arith.constant 7 : index
    %get3A_1072 = arith.constant 0 : index
    %get3A_1073 = arith.constant 0 : index
    %get3A_1074 = vector.load %arg0[%get3A_1071, %get3A_1072, %get3A_1073] : memref<128x16x1024xf32, #tpu.memory_space<vmem>>, vector<1x16x1024xf32>
    %get3A_1075 = vector.shape_cast %get3A_1074 : vector<1x16x1024xf32> to vector<16x1024xf32>
    %jit3A_1076 = arith.constant 0.000000e+00 : f32
    %broadcast_in_dim3A_1077 = vector.broadcast %jit3A_1076 : f32 to vector<16x1024xf32>
    %select_n3A_1078 = arith.select %eq3A_5, %get3A_1075, %broadcast_in_dim3A_1077 : vector<16x1024xi1>, vector<16x1024xf32>
    %add3A_1079 = arith.addf %broadcast_in_dim3A_1070, %select_n3A_1078 : vector<16x1024xf32>
    %get3A_1080 = arith.constant 15 : index
    %get3A_1081 = arith.constant 0 : index
    %get3A_1082 = arith.constant 0 : index
    %get3A_1083 = vector.load %arg0[%get3A_1080, %get3A_1081, %get3A_1082] : memref<128x16x1024xf32, #tpu.memory_space<vmem>>, vector<1x16x1024xf32>
    %get3A_1084 = vector.shape_cast %get3A_1083 : vector<1x16x1024xf32> to vector<16x1024xf32>
    %jit3A_1085 = arith.constant 0.000000e+00 : f32
    %broadcast_in_dim3A_1086 = vector.broadcast %jit3A_1085 : f32 to vector<16x1024xf32>
    %select_n3A_1087 = arith.select %eq3A_8, %get3A_1084, %broadcast_in_dim3A_1086 : vector<16x1024xi1>, vector<16x1024xf32>
    %add3A_1088 = arith.addf %add3A_1079, %select_n3A_1087 : vector<16x1024xf32>
    %get3A_1089 = arith.constant 23 : index
    %get3A_1090 = arith.constant 0 : index
    %get3A_1091 = arith.constant 0 : index
    %get3A_1092 = vector.load %arg0[%get3A_1089, %get3A_1090, %get3A_1091] : memref<128x16x1024xf32, #tpu.memory_space<vmem>>, vector<1x16x1024xf32>
    %get3A_1093 = vector.shape_cast %get3A_1092 : vector<1x16x1024xf32> to vector<16x1024xf32>
    %jit3A_1094 = arith.constant 0.000000e+00 : f32
    %broadcast_in_dim3A_1095 = vector.broadcast %jit3A_1094 : f32 to vector<16x1024xf32>
    %select_n3A_1096 = arith.select %eq3A_11, %get3A_1093, %broadcast_in_dim3A_1095 : vector<16x1024xi1>, vector<16x1024xf32>
    %add3A_1097 = arith.addf %add3A_1088, %select_n3A_1096 : vector<16x1024xf32>
    %get3A_1098 = arith.constant 31 : index
    %get3A_1099 = arith.constant 0 : index
    %get3A_1100 = arith.constant 0 : index
    %get3A_1101 = vector.load %arg0[%get3A_1098, %get3A_1099, %get3A_1100] : memref<128x16x1024xf32, #tpu.memory_space<vmem>>, vector<1x16x1024xf32>
    %get3A_1102 = vector.shape_cast %get3A_1101 : vector<1x16x1024xf32> to vector<16x1024xf32>
    %jit3A_1103 = arith.constant 0.000000e+00 : f32
    %broadcast_in_dim3A_1104 = vector.broadcast %jit3A_1103 : f32 to vector<16x1024xf32>
    %select_n3A_1105 = arith.select %eq3A_14, %get3A_1102, %broadcast_in_dim3A_1104 : vector<16x1024xi1>, vector<16x1024xf32>
    %add3A_1106 = arith.addf %add3A_1097, %select_n3A_1105 : vector<16x1024xf32>
    %get3A_1107 = arith.constant 39 : index
    %get3A_1108 = arith.constant 0 : index
    %get3A_1109 = arith.constant 0 : index
    %get3A_1110 = vector.load %arg0[%get3A_1107, %get3A_1108, %get3A_1109] : memref<128x16x1024xf32, #tpu.memory_space<vmem>>, vector<1x16x1024xf32>
    %get3A_1111 = vector.shape_cast %get3A_1110 : vector<1x16x1024xf32> to vector<16x1024xf32>
    %jit3A_1112 = arith.constant 0.000000e+00 : f32
    %broadcast_in_dim3A_1113 = vector.broadcast %jit3A_1112 : f32 to vector<16x1024xf32>
    %select_n3A_1114 = arith.select %eq3A_17, %get3A_1111, %broadcast_in_dim3A_1113 : vector<16x1024xi1>, vector<16x1024xf32>
    %add3A_1115 = arith.addf %add3A_1106, %select_n3A_1114 : vector<16x1024xf32>
    %get3A_1116 = arith.constant 47 : index
    %get3A_1117 = arith.constant 0 : index
    %get3A_1118 = arith.constant 0 : index
    %get3A_1119 = vector.load %arg0[%get3A_1116, %get3A_1117, %get3A_1118] : memref<128x16x1024xf32, #tpu.memory_space<vmem>>, vector<1x16x1024xf32>
    %get3A_1120 = vector.shape_cast %get3A_1119 : vector<1x16x1024xf32> to vector<16x1024xf32>
    %jit3A_1121 = arith.constant 0.000000e+00 : f32
    %broadcast_in_dim3A_1122 = vector.broadcast %jit3A_1121 : f32 to vector<16x1024xf32>
    %select_n3A_1123 = arith.select %eq3A_20, %get3A_1120, %broadcast_in_dim3A_1122 : vector<16x1024xi1>, vector<16x1024xf32>
    %add3A_1124 = arith.addf %add3A_1115, %select_n3A_1123 : vector<16x1024xf32>
    %get3A_1125 = arith.constant 55 : index
    %get3A_1126 = arith.constant 0 : index
    %get3A_1127 = arith.constant 0 : index
    %get3A_1128 = vector.load %arg0[%get3A_1125, %get3A_1126, %get3A_1127] : memref<128x16x1024xf32, #tpu.memory_space<vmem>>, vector<1x16x1024xf32>
    %get3A_1129 = vector.shape_cast %get3A_1128 : vector<1x16x1024xf32> to vector<16x1024xf32>
    %jit3A_1130 = arith.constant 0.000000e+00 : f32
    %broadcast_in_dim3A_1131 = vector.broadcast %jit3A_1130 : f32 to vector<16x1024xf32>
    %select_n3A_1132 = arith.select %eq3A_23, %get3A_1129, %broadcast_in_dim3A_1131 : vector<16x1024xi1>, vector<16x1024xf32>
    %add3A_1133 = arith.addf %add3A_1124, %select_n3A_1132 : vector<16x1024xf32>
    %get3A_1134 = arith.constant 63 : index
    %get3A_1135 = arith.constant 0 : index
    %get3A_1136 = arith.constant 0 : index
    %get3A_1137 = vector.load %arg0[%get3A_1134, %get3A_1135, %get3A_1136] : memref<128x16x1024xf32, #tpu.memory_space<vmem>>, vector<1x16x1024xf32>
    %get3A_1138 = vector.shape_cast %get3A_1137 : vector<1x16x1024xf32> to vector<16x1024xf32>
    %jit3A_1139 = arith.constant 0.000000e+00 : f32
    %broadcast_in_dim3A_1140 = vector.broadcast %jit3A_1139 : f32 to vector<16x1024xf32>
    %select_n3A_1141 = arith.select %eq3A_26, %get3A_1138, %broadcast_in_dim3A_1140 : vector<16x1024xi1>, vector<16x1024xf32>
    %add3A_1142 = arith.addf %add3A_1133, %select_n3A_1141 : vector<16x1024xf32>
    %get3A_1143 = arith.constant 71 : index
    %get3A_1144 = arith.constant 0 : index
    %get3A_1145 = arith.constant 0 : index
    %get3A_1146 = vector.load %arg0[%get3A_1143, %get3A_1144, %get3A_1145] : memref<128x16x1024xf32, #tpu.memory_space<vmem>>, vector<1x16x1024xf32>
    %get3A_1147 = vector.shape_cast %get3A_1146 : vector<1x16x1024xf32> to vector<16x1024xf32>
    %jit3A_1148 = arith.constant 0.000000e+00 : f32
    %broadcast_in_dim3A_1149 = vector.broadcast %jit3A_1148 : f32 to vector<16x1024xf32>
    %select_n3A_1150 = arith.select %eq3A_29, %get3A_1147, %broadcast_in_dim3A_1149 : vector<16x1024xi1>, vector<16x1024xf32>
    %add3A_1151 = arith.addf %add3A_1142, %select_n3A_1150 : vector<16x1024xf32>
    %get3A_1152 = arith.constant 79 : index
    %get3A_1153 = arith.constant 0 : index
    %get3A_1154 = arith.constant 0 : index
    %get3A_1155 = vector.load %arg0[%get3A_1152, %get3A_1153, %get3A_1154] : memref<128x16x1024xf32, #tpu.memory_space<vmem>>, vector<1x16x1024xf32>
    %get3A_1156 = vector.shape_cast %get3A_1155 : vector<1x16x1024xf32> to vector<16x1024xf32>
    %jit3A_1157 = arith.constant 0.000000e+00 : f32
    %broadcast_in_dim3A_1158 = vector.broadcast %jit3A_1157 : f32 to vector<16x1024xf32>
    %select_n3A_1159 = arith.select %eq3A_32, %get3A_1156, %broadcast_in_dim3A_1158 : vector<16x1024xi1>, vector<16x1024xf32>
    %add3A_1160 = arith.addf %add3A_1151, %select_n3A_1159 : vector<16x1024xf32>
    %get3A_1161 = arith.constant 87 : index
    %get3A_1162 = arith.constant 0 : index
    %get3A_1163 = arith.constant 0 : index
    %get3A_1164 = vector.load %arg0[%get3A_1161, %get3A_1162, %get3A_1163] : memref<128x16x1024xf32, #tpu.memory_space<vmem>>, vector<1x16x1024xf32>
    %get3A_1165 = vector.shape_cast %get3A_1164 : vector<1x16x1024xf32> to vector<16x1024xf32>
    %jit3A_1166 = arith.constant 0.000000e+00 : f32
    %broadcast_in_dim3A_1167 = vector.broadcast %jit3A_1166 : f32 to vector<16x1024xf32>
    %select_n3A_1168 = arith.select %eq3A_35, %get3A_1165, %broadcast_in_dim3A_1167 : vector<16x1024xi1>, vector<16x1024xf32>
    %add3A_1169 = arith.addf %add3A_1160, %select_n3A_1168 : vector<16x1024xf32>
    %get3A_1170 = arith.constant 95 : index
    %get3A_1171 = arith.constant 0 : index
    %get3A_1172 = arith.constant 0 : index
    %get3A_1173 = vector.load %arg0[%get3A_1170, %get3A_1171, %get3A_1172] : memref<128x16x1024xf32, #tpu.memory_space<vmem>>, vector<1x16x1024xf32>
    %get3A_1174 = vector.shape_cast %get3A_1173 : vector<1x16x1024xf32> to vector<16x1024xf32>
    %jit3A_1175 = arith.constant 0.000000e+00 : f32
    %broadcast_in_dim3A_1176 = vector.broadcast %jit3A_1175 : f32 to vector<16x1024xf32>
    %select_n3A_1177 = arith.select %eq3A_38, %get3A_1174, %broadcast_in_dim3A_1176 : vector<16x1024xi1>, vector<16x1024xf32>
    %add3A_1178 = arith.addf %add3A_1169, %select_n3A_1177 : vector<16x1024xf32>
    %get3A_1179 = arith.constant 103 : index
    %get3A_1180 = arith.constant 0 : index
    %get3A_1181 = arith.constant 0 : index
    %get3A_1182 = vector.load %arg0[%get3A_1179, %get3A_1180, %get3A_1181] : memref<128x16x1024xf32, #tpu.memory_space<vmem>>, vector<1x16x1024xf32>
    %get3A_1183 = vector.shape_cast %get3A_1182 : vector<1x16x1024xf32> to vector<16x1024xf32>
    %jit3A_1184 = arith.constant 0.000000e+00 : f32
    %broadcast_in_dim3A_1185 = vector.broadcast %jit3A_1184 : f32 to vector<16x1024xf32>
    %select_n3A_1186 = arith.select %eq3A_41, %get3A_1183, %broadcast_in_dim3A_1185 : vector<16x1024xi1>, vector<16x1024xf32>
    %add3A_1187 = arith.addf %add3A_1178, %select_n3A_1186 : vector<16x1024xf32>
    %get3A_1188 = arith.constant 111 : index
    %get3A_1189 = arith.constant 0 : index
    %get3A_1190 = arith.constant 0 : index
    %get3A_1191 = vector.load %arg0[%get3A_1188, %get3A_1189, %get3A_1190] : memref<128x16x1024xf32, #tpu.memory_space<vmem>>, vector<1x16x1024xf32>
    %get3A_1192 = vector.shape_cast %get3A_1191 : vector<1x16x1024xf32> to vector<16x1024xf32>
    %jit3A_1193 = arith.constant 0.000000e+00 : f32
    %broadcast_in_dim3A_1194 = vector.broadcast %jit3A_1193 : f32 to vector<16x1024xf32>
    %select_n3A_1195 = arith.select %eq3A_44, %get3A_1192, %broadcast_in_dim3A_1194 : vector<16x1024xi1>, vector<16x1024xf32>
    %add3A_1196 = arith.addf %add3A_1187, %select_n3A_1195 : vector<16x1024xf32>
    %get3A_1197 = arith.constant 119 : index
    %get3A_1198 = arith.constant 0 : index
    %get3A_1199 = arith.constant 0 : index
    %get3A_1200 = vector.load %arg0[%get3A_1197, %get3A_1198, %get3A_1199] : memref<128x16x1024xf32, #tpu.memory_space<vmem>>, vector<1x16x1024xf32>
    %get3A_1201 = vector.shape_cast %get3A_1200 : vector<1x16x1024xf32> to vector<16x1024xf32>
    %jit3A_1202 = arith.constant 0.000000e+00 : f32
    %broadcast_in_dim3A_1203 = vector.broadcast %jit3A_1202 : f32 to vector<16x1024xf32>
    %select_n3A_1204 = arith.select %eq3A_47, %get3A_1201, %broadcast_in_dim3A_1203 : vector<16x1024xi1>, vector<16x1024xf32>
    %add3A_1205 = arith.addf %add3A_1196, %select_n3A_1204 : vector<16x1024xf32>
    %get3A_1206 = arith.constant 127 : index
    %get3A_1207 = arith.constant 0 : index
    %get3A_1208 = arith.constant 0 : index
    %get3A_1209 = vector.load %arg0[%get3A_1206, %get3A_1207, %get3A_1208] : memref<128x16x1024xf32, #tpu.memory_space<vmem>>, vector<1x16x1024xf32>
    %get3A_1210 = vector.shape_cast %get3A_1209 : vector<1x16x1024xf32> to vector<16x1024xf32>
    %jit3A_1211 = arith.constant 0.000000e+00 : f32
    %broadcast_in_dim3A_1212 = vector.broadcast %jit3A_1211 : f32 to vector<16x1024xf32>
    %select_n3A_1213 = arith.select %eq3A_50, %get3A_1210, %broadcast_in_dim3A_1212 : vector<16x1024xi1>, vector<16x1024xf32>
    %add3A_1214 = arith.addf %add3A_1205, %select_n3A_1213 : vector<16x1024xf32>
    %sub3A = arith.subf %add3A_1068, %add3A_776 : vector<16x1024xf32>
    %sub3A_1215 = arith.subf %add3A_1214, %add3A_922 : vector<16x1024xf32>
    %mul3A = arith.constant 5.000000e-01 : f32
    %mul3A_1216 = vector.broadcast %mul3A : f32 to vector<16x1024xf32>
    %mul3A_1217 = arith.mulf %mul3A_1216, %sub3A : vector<16x1024xf32>
    %add3A_1218 = arith.addf %add3A_776, %mul3A_1217 : vector<16x1024xf32>
    %mul3A_1219 = arith.constant 5.000000e-01 : f32
    %mul3A_1220 = vector.broadcast %mul3A_1219 : f32 to vector<16x1024xf32>
    %mul3A_1221 = arith.mulf %mul3A_1220, %sub3A_1215 : vector<16x1024xf32>
    %add3A_1222 = arith.addf %add3A_922, %mul3A_1221 : vector<16x1024xf32>
    %mul3A_1223 = arith.constant 2.000000e-01 : f32
    %mul3A_1224 = vector.broadcast %mul3A_1223 : f32 to vector<16x1024xf32>
    %mul3A_1225 = arith.mulf %add3A_484, %mul3A_1224 : vector<16x1024xf32>
    %exp3A = math.exp %mul3A_1225 : vector<16x1024xf32>
    %mul3A_1226 = arith.mulf %exp3A, %sub3A : vector<16x1024xf32>
    %mul3A_1227 = arith.constant 2.000000e-01 : f32
    %mul3A_1228 = vector.broadcast %mul3A_1227 : f32 to vector<16x1024xf32>
    %mul3A_1229 = arith.mulf %add3A_630, %mul3A_1228 : vector<16x1024xf32>
    %exp3A_1230 = math.exp %mul3A_1229 : vector<16x1024xf32>
    %mul3A_1231 = arith.mulf %exp3A_1230, %sub3A_1215 : vector<16x1024xf32>
    %mul3A_1232 = arith.constant 1.000000e-01 : f32
    %mul3A_1233 = vector.broadcast %mul3A_1232 : f32 to vector<16x1024xf32>
    %mul3A_1234 = arith.mulf %add3A_192, %mul3A_1233 : vector<16x1024xf32>
    %mul3A_1235 = arith.mulf %mul3A_1234, %sub3A : vector<16x1024xf32>
    %add3A_1236 = arith.addf %mul3A_1235, %add3A_1218 : vector<16x1024xf32>
    %mul3A_1237 = arith.constant 1.000000e-01 : f32
    %mul3A_1238 = vector.broadcast %mul3A_1237 : f32 to vector<16x1024xf32>
    %mul3A_1239 = arith.mulf %add3A_338, %mul3A_1238 : vector<16x1024xf32>
    %mul3A_1240 = arith.mulf %mul3A_1239, %sub3A_1215 : vector<16x1024xf32>
    %add3A_1241 = arith.addf %mul3A_1240, %add3A_1222 : vector<16x1024xf32>
    %mul3A_1242 = arith.constant 5.000000e-01 : f32
    %mul3A_1243 = vector.broadcast %mul3A_1242 : f32 to vector<16x1024xf32>
    %mul3A_1244 = arith.mulf %mul3A_1243, %mul3A_1226 : vector<16x1024xf32>
    %sub3A_1245 = arith.subf %add3A_1236, %mul3A_1244 : vector<16x1024xf32>
    %mul3A_1246 = arith.constant 5.000000e-01 : f32
    %mul3A_1247 = vector.broadcast %mul3A_1246 : f32 to vector<16x1024xf32>
    %mul3A_1248 = arith.mulf %mul3A_1247, %mul3A_1231 : vector<16x1024xf32>
    %sub3A_1249 = arith.subf %add3A_1241, %mul3A_1248 : vector<16x1024xf32>
    %add3A_1250 = arith.addf %sub3A_1245, %mul3A_1226 : vector<16x1024xf32>
    %add3A_1251 = arith.addf %sub3A_1249, %mul3A_1231 : vector<16x1024xf32>
    %sub3A_1252 = arith.subf %add3A_1250, %sub3A_1245 : vector<16x1024xf32>
    %max3A = arith.constant 0.000000e+00 : f32
    %max3A_1253 = vector.broadcast %max3A : f32 to vector<16x1024xf32>
    %max3A_1254 = arith.maximumf %sub3A_1252, %max3A_1253 : vector<16x1024xf32>
    %sub3A_1255 = arith.subf %add3A_1251, %sub3A_1249 : vector<16x1024xf32>
    %max3A_1256 = arith.constant 0.000000e+00 : f32
    %max3A_1257 = vector.broadcast %max3A_1256 : f32 to vector<16x1024xf32>
    %max3A_1258 = arith.maximumf %sub3A_1255, %max3A_1257 : vector<16x1024xf32>
    %mul3A_1259 = arith.mulf %max3A_1254, %max3A_1258 : vector<16x1024xf32>
    %lt3A = arith.constant 1000 : i32
    %lt3A_1260 = vector.broadcast %lt3A : i32 to vector<16x1024xi32>
    %lt3A_1261 = arith.cmpi slt, %iota3A, %lt3A_1260 : vector<16x1024xi32>
    %convert_element_type3A = arith.extui %lt3A_1261 : vector<16x1024xi1> to vector<16x1024xi32>
    %convert_element_type3A_1262 = arith.sitofp %convert_element_type3A : vector<16x1024xi32> to vector<16x1024xf32>
    %slice3A = vector.extract_strided_slice %sub3A_1245 {offsets = [0, 0], sizes = [16, 128], strides = [1, 1]} : vector<16x1024xf32> to vector<16x128xf32>
    %swap3A = arith.constant 0 : index
    %swap3A_1263 = arith.constant 0 : index
    %swap3A_1264 = arith.constant 0 : index
    %swap3A_1265 = arith.constant 0 : index
    %swap3A_1266 = vector.load %arg4[%swap3A, %swap3A_1263, %swap3A_1264, %swap3A_1265] : memref<7x8x16x128xf32, #tpu.memory_space<vmem>>, vector<1x1x16x128xf32>
    %swap3A_1267 = vector.shape_cast %swap3A_1266 : vector<1x1x16x128xf32> to vector<16x128xf32>
    %swap3A_1268 = vector.shape_cast %slice3A : vector<16x128xf32> to vector<1x1x16x128xf32>
    tpu.vector_store %arg4[%swap3A, %swap3A_1263, %swap3A_1264, %swap3A_1265], %swap3A_1268 {strides = array<i32>} : memref<7x8x16x128xf32, #tpu.memory_space<vmem>>, vector<1x1x16x128xf32>,
    %slice3A_1269 = vector.extract_strided_slice %sub3A_1249 {offsets = [0, 0], sizes = [16, 128], strides = [1, 1]} : vector<16x1024xf32> to vector<16x128xf32>
    %swap3A_1270 = arith.constant 1 : index
    %swap3A_1271 = arith.constant 0 : index
    %swap3A_1272 = arith.constant 0 : index
    %swap3A_1273 = arith.constant 0 : index
    %swap3A_1274 = vector.load %arg4[%swap3A_1270, %swap3A_1271, %swap3A_1272, %swap3A_1273] : memref<7x8x16x128xf32, #tpu.memory_space<vmem>>, vector<1x1x16x128xf32>
    %swap3A_1275 = vector.shape_cast %swap3A_1274 : vector<1x1x16x128xf32> to vector<16x128xf32>
    %swap3A_1276 = vector.shape_cast %slice3A_1269 : vector<16x128xf32> to vector<1x1x16x128xf32>
    tpu.vector_store %arg4[%swap3A_1270, %swap3A_1271, %swap3A_1272, %swap3A_1273], %swap3A_1276 {strides = array<i32>} : memref<7x8x16x128xf32, #tpu.memory_space<vmem>>, vector<1x1x16x128xf32>,
    %slice3A_1277 = vector.extract_strided_slice %add3A_1250 {offsets = [0, 0], sizes = [16, 128], strides = [1, 1]} : vector<16x1024xf32> to vector<16x128xf32>
    %swap3A_1278 = arith.constant 2 : index
    %swap3A_1279 = arith.constant 0 : index
    %swap3A_1280 = arith.constant 0 : index
    %swap3A_1281 = arith.constant 0 : index
    %swap3A_1282 = vector.load %arg4[%swap3A_1278, %swap3A_1279, %swap3A_1280, %swap3A_1281] : memref<7x8x16x128xf32, #tpu.memory_space<vmem>>, vector<1x1x16x128xf32>
    %swap3A_1283 = vector.shape_cast %swap3A_1282 : vector<1x1x16x128xf32> to vector<16x128xf32>
    %swap3A_1284 = vector.shape_cast %slice3A_1277 : vector<16x128xf32> to vector<1x1x16x128xf32>
    tpu.vector_store %arg4[%swap3A_1278, %swap3A_1279, %swap3A_1280, %swap3A_1281], %swap3A_1284 {strides = array<i32>} : memref<7x8x16x128xf32, #tpu.memory_space<vmem>>, vector<1x1x16x128xf32>,
    %slice3A_1285 = vector.extract_strided_slice %add3A_1251 {offsets = [0, 0], sizes = [16, 128], strides = [1, 1]} : vector<16x1024xf32> to vector<16x128xf32>
    %swap3A_1286 = arith.constant 3 : index
    %swap3A_1287 = arith.constant 0 : index
    %swap3A_1288 = arith.constant 0 : index
    %swap3A_1289 = arith.constant 0 : index
    %swap3A_1290 = vector.load %arg4[%swap3A_1286, %swap3A_1287, %swap3A_1288, %swap3A_1289] : memref<7x8x16x128xf32, #tpu.memory_space<vmem>>, vector<1x1x16x128xf32>
    %swap3A_1291 = vector.shape_cast %swap3A_1290 : vector<1x1x16x128xf32> to vector<16x128xf32>
    %swap3A_1292 = vector.shape_cast %slice3A_1285 : vector<16x128xf32> to vector<1x1x16x128xf32>
    tpu.vector_store %arg4[%swap3A_1286, %swap3A_1287, %swap3A_1288, %swap3A_1289], %swap3A_1292 {strides = array<i32>} : memref<7x8x16x128xf32, #tpu.memory_space<vmem>>, vector<1x1x16x128xf32>,
    %get3A_1293 = arith.constant 0 : index
    %get3A_1294 = arith.constant 0 : index
    %get3A_1295 = vector.load %arg1[%get3A_1293, %get3A_1294] : memref<16x1024xf32, #tpu.memory_space<vmem>>, vector<16x128xf32>
    %swap3A_1296 = arith.constant 4 : index
    %swap3A_1297 = arith.constant 0 : index
    %swap3A_1298 = arith.constant 0 : index
    %swap3A_1299 = arith.constant 0 : index
    %swap3A_1300 = vector.load %arg4[%swap3A_1296, %swap3A_1297, %swap3A_1298, %swap3A_1299] : memref<7x8x16x128xf32, #tpu.memory_space<vmem>>, vector<1x1x16x128xf32>
    %swap3A_1301 = vector.shape_cast %swap3A_1300 : vector<1x1x16x128xf32> to vector<16x128xf32>
    %swap3A_1302 = vector.shape_cast %get3A_1295 : vector<16x128xf32> to vector<1x1x16x128xf32>
    tpu.vector_store %arg4[%swap3A_1296, %swap3A_1297, %swap3A_1298, %swap3A_1299], %swap3A_1302 {strides = array<i32>} : memref<7x8x16x128xf32, #tpu.memory_space<vmem>>, vector<1x1x16x128xf32>,
    %slice3A_1303 = vector.extract_strided_slice %convert_element_type3A_1262 {offsets = [0, 0], sizes = [16, 128], strides = [1, 1]} : vector<16x1024xf32> to vector<16x128xf32>
    %swap3A_1304 = arith.constant 5 : index
    %swap3A_1305 = arith.constant 0 : index
    %swap3A_1306 = arith.constant 0 : index
    %swap3A_1307 = arith.constant 0 : index
    %swap3A_1308 = vector.load %arg4[%swap3A_1304, %swap3A_1305, %swap3A_1306, %swap3A_1307] : memref<7x8x16x128xf32, #tpu.memory_space<vmem>>, vector<1x1x16x128xf32>
    %swap3A_1309 = vector.shape_cast %swap3A_1308 : vector<1x1x16x128xf32> to vector<16x128xf32>
    %swap3A_1310 = vector.shape_cast %slice3A_1303 : vector<16x128xf32> to vector<1x1x16x128xf32>
    tpu.vector_store %arg4[%swap3A_1304, %swap3A_1305, %swap3A_1306, %swap3A_1307], %swap3A_1310 {strides = array<i32>} : memref<7x8x16x128xf32, #tpu.memory_space<vmem>>, vector<1x1x16x128xf32>,
    %slice3A_1311 = vector.extract_strided_slice %mul3A_1259 {offsets = [0, 0], sizes = [16, 128], strides = [1, 1]} : vector<16x1024xf32> to vector<16x128xf32>
    %swap3A_1312 = arith.constant 6 : index
    %swap3A_1313 = arith.constant 0 : index
    %swap3A_1314 = arith.constant 0 : index
    %swap3A_1315 = arith.constant 0 : index
    %swap3A_1316 = vector.load %arg4[%swap3A_1312, %swap3A_1313, %swap3A_1314, %swap3A_1315] : memref<7x8x16x128xf32, #tpu.memory_space<vmem>>, vector<1x1x16x128xf32>
    %swap3A_1317 = vector.shape_cast %swap3A_1316 : vector<1x1x16x128xf32> to vector<16x128xf32>
    %swap3A_1318 = vector.shape_cast %slice3A_1311 : vector<16x128xf32> to vector<1x1x16x128xf32>
    tpu.vector_store %arg4[%swap3A_1312, %swap3A_1313, %swap3A_1314, %swap3A_1315], %swap3A_1318 {strides = array<i32>} : memref<7x8x16x128xf32, #tpu.memory_space<vmem>>, vector<1x1x16x128xf32>,
    %slice3A_1319 = vector.extract_strided_slice %sub3A_1245 {offsets = [0, 128], sizes = [16, 128], strides = [1, 1]} : vector<16x1024xf32> to vector<16x128xf32>
    %swap3A_1320 = arith.constant 0 : index
    %swap3A_1321 = arith.constant 1 : index
    %swap3A_1322 = arith.constant 0 : index
    %swap3A_1323 = arith.constant 0 : index
    %swap3A_1324 = vector.load %arg4[%swap3A_1320, %swap3A_1321, %swap3A_1322, %swap3A_1323] : memref<7x8x16x128xf32, #tpu.memory_space<vmem>>, vector<1x1x16x128xf32>
    %swap3A_1325 = vector.shape_cast %swap3A_1324 : vector<1x1x16x128xf32> to vector<16x128xf32>
    %swap3A_1326 = vector.shape_cast %slice3A_1319 : vector<16x128xf32> to vector<1x1x16x128xf32>
    tpu.vector_store %arg4[%swap3A_1320, %swap3A_1321, %swap3A_1322, %swap3A_1323], %swap3A_1326 {strides = array<i32>} : memref<7x8x16x128xf32, #tpu.memory_space<vmem>>, vector<1x1x16x128xf32>,
    %slice3A_1327 = vector.extract_strided_slice %sub3A_1249 {offsets = [0, 128], sizes = [16, 128], strides = [1, 1]} : vector<16x1024xf32> to vector<16x128xf32>
    %swap3A_1328 = arith.constant 1 : index
    %swap3A_1329 = arith.constant 1 : index
    %swap3A_1330 = arith.constant 0 : index
    %swap3A_1331 = arith.constant 0 : index
    %swap3A_1332 = vector.load %arg4[%swap3A_1328, %swap3A_1329, %swap3A_1330, %swap3A_1331] : memref<7x8x16x128xf32, #tpu.memory_space<vmem>>, vector<1x1x16x128xf32>
    %swap3A_1333 = vector.shape_cast %swap3A_1332 : vector<1x1x16x128xf32> to vector<16x128xf32>
    %swap3A_1334 = vector.shape_cast %slice3A_1327 : vector<16x128xf32> to vector<1x1x16x128xf32>
    tpu.vector_store %arg4[%swap3A_1328, %swap3A_1329, %swap3A_1330, %swap3A_1331], %swap3A_1334 {strides = array<i32>} : memref<7x8x16x128xf32, #tpu.memory_space<vmem>>, vector<1x1x16x128xf32>,
    %slice3A_1335 = vector.extract_strided_slice %add3A_1250 {offsets = [0, 128], sizes = [16, 128], strides = [1, 1]} : vector<16x1024xf32> to vector<16x128xf32>
    %swap3A_1336 = arith.constant 2 : index
    %swap3A_1337 = arith.constant 1 : index
    %swap3A_1338 = arith.constant 0 : index
    %swap3A_1339 = arith.constant 0 : index
    %swap3A_1340 = vector.load %arg4[%swap3A_1336, %swap3A_1337, %swap3A_1338, %swap3A_1339] : memref<7x8x16x128xf32, #tpu.memory_space<vmem>>, vector<1x1x16x128xf32>
    %swap3A_1341 = vector.shape_cast %swap3A_1340 : vector<1x1x16x128xf32> to vector<16x128xf32>
    %swap3A_1342 = vector.shape_cast %slice3A_1335 : vector<16x128xf32> to vector<1x1x16x128xf32>
    tpu.vector_store %arg4[%swap3A_1336, %swap3A_1337, %swap3A_1338, %swap3A_1339], %swap3A_1342 {strides = array<i32>} : memref<7x8x16x128xf32, #tpu.memory_space<vmem>>, vector<1x1x16x128xf32>,
    %slice3A_1343 = vector.extract_strided_slice %add3A_1251 {offsets = [0, 128], sizes = [16, 128], strides = [1, 1]} : vector<16x1024xf32> to vector<16x128xf32>
    %swap3A_1344 = arith.constant 3 : index
    %swap3A_1345 = arith.constant 1 : index
    %swap3A_1346 = arith.constant 0 : index
    %swap3A_1347 = arith.constant 0 : index
    %swap3A_1348 = vector.load %arg4[%swap3A_1344, %swap3A_1345, %swap3A_1346, %swap3A_1347] : memref<7x8x16x128xf32, #tpu.memory_space<vmem>>, vector<1x1x16x128xf32>
    %swap3A_1349 = vector.shape_cast %swap3A_1348 : vector<1x1x16x128xf32> to vector<16x128xf32>
    %swap3A_1350 = vector.shape_cast %slice3A_1343 : vector<16x128xf32> to vector<1x1x16x128xf32>
    tpu.vector_store %arg4[%swap3A_1344, %swap3A_1345, %swap3A_1346, %swap3A_1347], %swap3A_1350 {strides = array<i32>} : memref<7x8x16x128xf32, #tpu.memory_space<vmem>>, vector<1x1x16x128xf32>,
    %get3A_1351 = arith.constant 0 : index
    %get3A_1352 = arith.constant 128 : index
    %get3A_1353 = vector.load %arg1[%get3A_1351, %get3A_1352] : memref<16x1024xf32, #tpu.memory_space<vmem>>, vector<16x128xf32>
    %swap3A_1354 = arith.constant 4 : index
    %swap3A_1355 = arith.constant 1 : index
    %swap3A_1356 = arith.constant 0 : index
    %swap3A_1357 = arith.constant 0 : index
    %swap3A_1358 = vector.load %arg4[%swap3A_1354, %swap3A_1355, %swap3A_1356, %swap3A_1357] : memref<7x8x16x128xf32, #tpu.memory_space<vmem>>, vector<1x1x16x128xf32>
    %swap3A_1359 = vector.shape_cast %swap3A_1358 : vector<1x1x16x128xf32> to vector<16x128xf32>
    %swap3A_1360 = vector.shape_cast %get3A_1353 : vector<16x128xf32> to vector<1x1x16x128xf32>
    tpu.vector_store %arg4[%swap3A_1354, %swap3A_1355, %swap3A_1356, %swap3A_1357], %swap3A_1360 {strides = array<i32>} : memref<7x8x16x128xf32, #tpu.memory_space<vmem>>, vector<1x1x16x128xf32>,
    %slice3A_1361 = vector.extract_strided_slice %convert_element_type3A_1262 {offsets = [0, 128], sizes = [16, 128], strides = [1, 1]} : vector<16x1024xf32> to vector<16x128xf32>
    %swap3A_1362 = arith.constant 5 : index
    %swap3A_1363 = arith.constant 1 : index
    %swap3A_1364 = arith.constant 0 : index
    %swap3A_1365 = arith.constant 0 : index
    %swap3A_1366 = vector.load %arg4[%swap3A_1362, %swap3A_1363, %swap3A_1364, %swap3A_1365] : memref<7x8x16x128xf32, #tpu.memory_space<vmem>>, vector<1x1x16x128xf32>
    %swap3A_1367 = vector.shape_cast %swap3A_1366 : vector<1x1x16x128xf32> to vector<16x128xf32>
    %swap3A_1368 = vector.shape_cast %slice3A_1361 : vector<16x128xf32> to vector<1x1x16x128xf32>
    tpu.vector_store %arg4[%swap3A_1362, %swap3A_1363, %swap3A_1364, %swap3A_1365], %swap3A_1368 {strides = array<i32>} : memref<7x8x16x128xf32, #tpu.memory_space<vmem>>, vector<1x1x16x128xf32>,
    %slice3A_1369 = vector.extract_strided_slice %mul3A_1259 {offsets = [0, 128], sizes = [16, 128], strides = [1, 1]} : vector<16x1024xf32> to vector<16x128xf32>
    %swap3A_1370 = arith.constant 6 : index
    %swap3A_1371 = arith.constant 1 : index
    %swap3A_1372 = arith.constant 0 : index
    %swap3A_1373 = arith.constant 0 : index
    %swap3A_1374 = vector.load %arg4[%swap3A_1370, %swap3A_1371, %swap3A_1372, %swap3A_1373] : memref<7x8x16x128xf32, #tpu.memory_space<vmem>>, vector<1x1x16x128xf32>
    %swap3A_1375 = vector.shape_cast %swap3A_1374 : vector<1x1x16x128xf32> to vector<16x128xf32>
    %swap3A_1376 = vector.shape_cast %slice3A_1369 : vector<16x128xf32> to vector<1x1x16x128xf32>
    tpu.vector_store %arg4[%swap3A_1370, %swap3A_1371, %swap3A_1372, %swap3A_1373], %swap3A_1376 {strides = array<i32>} : memref<7x8x16x128xf32, #tpu.memory_space<vmem>>, vector<1x1x16x128xf32>,
    %slice3A_1377 = vector.extract_strided_slice %sub3A_1245 {offsets = [0, 256], sizes = [16, 128], strides = [1, 1]} : vector<16x1024xf32> to vector<16x128xf32>
    %swap3A_1378 = arith.constant 0 : index
    %swap3A_1379 = arith.constant 2 : index
    %swap3A_1380 = arith.constant 0 : index
    %swap3A_1381 = arith.constant 0 : index
    %swap3A_1382 = vector.load %arg4[%swap3A_1378, %swap3A_1379, %swap3A_1380, %swap3A_1381] : memref<7x8x16x128xf32, #tpu.memory_space<vmem>>, vector<1x1x16x128xf32>
    %swap3A_1383 = vector.shape_cast %swap3A_1382 : vector<1x1x16x128xf32> to vector<16x128xf32>
    %swap3A_1384 = vector.shape_cast %slice3A_1377 : vector<16x128xf32> to vector<1x1x16x128xf32>
    tpu.vector_store %arg4[%swap3A_1378, %swap3A_1379, %swap3A_1380, %swap3A_1381], %swap3A_1384 {strides = array<i32>} : memref<7x8x16x128xf32, #tpu.memory_space<vmem>>, vector<1x1x16x128xf32>,
    %slice3A_1385 = vector.extract_strided_slice %sub3A_1249 {offsets = [0, 256], sizes = [16, 128], strides = [1, 1]} : vector<16x1024xf32> to vector<16x128xf32>
    %swap3A_1386 = arith.constant 1 : index
    %swap3A_1387 = arith.constant 2 : index
    %swap3A_1388 = arith.constant 0 : index
    %swap3A_1389 = arith.constant 0 : index
    %swap3A_1390 = vector.load %arg4[%swap3A_1386, %swap3A_1387, %swap3A_1388, %swap3A_1389] : memref<7x8x16x128xf32, #tpu.memory_space<vmem>>, vector<1x1x16x128xf32>
    %swap3A_1391 = vector.shape_cast %swap3A_1390 : vector<1x1x16x128xf32> to vector<16x128xf32>
    %swap3A_1392 = vector.shape_cast %slice3A_1385 : vector<16x128xf32> to vector<1x1x16x128xf32>
    tpu.vector_store %arg4[%swap3A_1386, %swap3A_1387, %swap3A_1388, %swap3A_1389], %swap3A_1392 {strides = array<i32>} : memref<7x8x16x128xf32, #tpu.memory_space<vmem>>, vector<1x1x16x128xf32>,
    %slice3A_1393 = vector.extract_strided_slice %add3A_1250 {offsets = [0, 256], sizes = [16, 128], strides = [1, 1]} : vector<16x1024xf32> to vector<16x128xf32>
    %swap3A_1394 = arith.constant 2 : index
    %swap3A_1395 = arith.constant 2 : index
    %swap3A_1396 = arith.constant 0 : index
    %swap3A_1397 = arith.constant 0 : index
    %swap3A_1398 = vector.load %arg4[%swap3A_1394, %swap3A_1395, %swap3A_1396, %swap3A_1397] : memref<7x8x16x128xf32, #tpu.memory_space<vmem>>, vector<1x1x16x128xf32>
    %swap3A_1399 = vector.shape_cast %swap3A_1398 : vector<1x1x16x128xf32> to vector<16x128xf32>
    %swap3A_1400 = vector.shape_cast %slice3A_1393 : vector<16x128xf32> to vector<1x1x16x128xf32>
    tpu.vector_store %arg4[%swap3A_1394, %swap3A_1395, %swap3A_1396, %swap3A_1397], %swap3A_1400 {strides = array<i32>} : memref<7x8x16x128xf32, #tpu.memory_space<vmem>>, vector<1x1x16x128xf32>,
    %slice3A_1401 = vector.extract_strided_slice %add3A_1251 {offsets = [0, 256], sizes = [16, 128], strides = [1, 1]} : vector<16x1024xf32> to vector<16x128xf32>
    %swap3A_1402 = arith.constant 3 : index
    %swap3A_1403 = arith.constant 2 : index
    %swap3A_1404 = arith.constant 0 : index
    %swap3A_1405 = arith.constant 0 : index
    %swap3A_1406 = vector.load %arg4[%swap3A_1402, %swap3A_1403, %swap3A_1404, %swap3A_1405] : memref<7x8x16x128xf32, #tpu.memory_space<vmem>>, vector<1x1x16x128xf32>
    %swap3A_1407 = vector.shape_cast %swap3A_1406 : vector<1x1x16x128xf32> to vector<16x128xf32>
    %swap3A_1408 = vector.shape_cast %slice3A_1401 : vector<16x128xf32> to vector<1x1x16x128xf32>
    tpu.vector_store %arg4[%swap3A_1402, %swap3A_1403, %swap3A_1404, %swap3A_1405], %swap3A_1408 {strides = array<i32>} : memref<7x8x16x128xf32, #tpu.memory_space<vmem>>, vector<1x1x16x128xf32>,
    %get3A_1409 = arith.constant 0 : index
    %get3A_1410 = arith.constant 256 : index
    %get3A_1411 = vector.load %arg1[%get3A_1409, %get3A_1410] : memref<16x1024xf32, #tpu.memory_space<vmem>>, vector<16x128xf32>
    %swap3A_1412 = arith.constant 4 : index
    %swap3A_1413 = arith.constant 2 : index
    %swap3A_1414 = arith.constant 0 : index
    %swap3A_1415 = arith.constant 0 : index
    %swap3A_1416 = vector.load %arg4[%swap3A_1412, %swap3A_1413, %swap3A_1414, %swap3A_1415] : memref<7x8x16x128xf32, #tpu.memory_space<vmem>>, vector<1x1x16x128xf32>
    %swap3A_1417 = vector.shape_cast %swap3A_1416 : vector<1x1x16x128xf32> to vector<16x128xf32>
    %swap3A_1418 = vector.shape_cast %get3A_1411 : vector<16x128xf32> to vector<1x1x16x128xf32>
    tpu.vector_store %arg4[%swap3A_1412, %swap3A_1413, %swap3A_1414, %swap3A_1415], %swap3A_1418 {strides = array<i32>} : memref<7x8x16x128xf32, #tpu.memory_space<vmem>>, vector<1x1x16x128xf32>,
    %slice3A_1419 = vector.extract_strided_slice %convert_element_type3A_1262 {offsets = [0, 256], sizes = [16, 128], strides = [1, 1]} : vector<16x1024xf32> to vector<16x128xf32>
    %swap3A_1420 = arith.constant 5 : index
    %swap3A_1421 = arith.constant 2 : index
    %swap3A_1422 = arith.constant 0 : index
    %swap3A_1423 = arith.constant 0 : index
    %swap3A_1424 = vector.load %arg4[%swap3A_1420, %swap3A_1421, %swap3A_1422, %swap3A_1423] : memref<7x8x16x128xf32, #tpu.memory_space<vmem>>, vector<1x1x16x128xf32>
    %swap3A_1425 = vector.shape_cast %swap3A_1424 : vector<1x1x16x128xf32> to vector<16x128xf32>
    %swap3A_1426 = vector.shape_cast %slice3A_1419 : vector<16x128xf32> to vector<1x1x16x128xf32>
    tpu.vector_store %arg4[%swap3A_1420, %swap3A_1421, %swap3A_1422, %swap3A_1423], %swap3A_1426 {strides = array<i32>} : memref<7x8x16x128xf32, #tpu.memory_space<vmem>>, vector<1x1x16x128xf32>,
    %slice3A_1427 = vector.extract_strided_slice %mul3A_1259 {offsets = [0, 256], sizes = [16, 128], strides = [1, 1]} : vector<16x1024xf32> to vector<16x128xf32>
    %swap3A_1428 = arith.constant 6 : index
    %swap3A_1429 = arith.constant 2 : index
    %swap3A_1430 = arith.constant 0 : index
    %swap3A_1431 = arith.constant 0 : index
    %swap3A_1432 = vector.load %arg4[%swap3A_1428, %swap3A_1429, %swap3A_1430, %swap3A_1431] : memref<7x8x16x128xf32, #tpu.memory_space<vmem>>, vector<1x1x16x128xf32>
    %swap3A_1433 = vector.shape_cast %swap3A_1432 : vector<1x1x16x128xf32> to vector<16x128xf32>
    %swap3A_1434 = vector.shape_cast %slice3A_1427 : vector<16x128xf32> to vector<1x1x16x128xf32>
    tpu.vector_store %arg4[%swap3A_1428, %swap3A_1429, %swap3A_1430, %swap3A_1431], %swap3A_1434 {strides = array<i32>} : memref<7x8x16x128xf32, #tpu.memory_space<vmem>>, vector<1x1x16x128xf32>,
    %slice3A_1435 = vector.extract_strided_slice %sub3A_1245 {offsets = [0, 384], sizes = [16, 128], strides = [1, 1]} : vector<16x1024xf32> to vector<16x128xf32>
    %swap3A_1436 = arith.constant 0 : index
    %swap3A_1437 = arith.constant 3 : index
    %swap3A_1438 = arith.constant 0 : index
    %swap3A_1439 = arith.constant 0 : index
    %swap3A_1440 = vector.load %arg4[%swap3A_1436, %swap3A_1437, %swap3A_1438, %swap3A_1439] : memref<7x8x16x128xf32, #tpu.memory_space<vmem>>, vector<1x1x16x128xf32>
    %swap3A_1441 = vector.shape_cast %swap3A_1440 : vector<1x1x16x128xf32> to vector<16x128xf32>
    %swap3A_1442 = vector.shape_cast %slice3A_1435 : vector<16x128xf32> to vector<1x1x16x128xf32>
    tpu.vector_store %arg4[%swap3A_1436, %swap3A_1437, %swap3A_1438, %swap3A_1439], %swap3A_1442 {strides = array<i32>} : memref<7x8x16x128xf32, #tpu.memory_space<vmem>>, vector<1x1x16x128xf32>,
    %slice3A_1443 = vector.extract_strided_slice %sub3A_1249 {offsets = [0, 384], sizes = [16, 128], strides = [1, 1]} : vector<16x1024xf32> to vector<16x128xf32>
    %swap3A_1444 = arith.constant 1 : index
    %swap3A_1445 = arith.constant 3 : index
    %swap3A_1446 = arith.constant 0 : index
    %swap3A_1447 = arith.constant 0 : index
    %swap3A_1448 = vector.load %arg4[%swap3A_1444, %swap3A_1445, %swap3A_1446, %swap3A_1447] : memref<7x8x16x128xf32, #tpu.memory_space<vmem>>, vector<1x1x16x128xf32>
    %swap3A_1449 = vector.shape_cast %swap3A_1448 : vector<1x1x16x128xf32> to vector<16x128xf32>
    %swap3A_1450 = vector.shape_cast %slice3A_1443 : vector<16x128xf32> to vector<1x1x16x128xf32>
    tpu.vector_store %arg4[%swap3A_1444, %swap3A_1445, %swap3A_1446, %swap3A_1447], %swap3A_1450 {strides = array<i32>} : memref<7x8x16x128xf32, #tpu.memory_space<vmem>>, vector<1x1x16x128xf32>,
    %slice3A_1451 = vector.extract_strided_slice %add3A_1250 {offsets = [0, 384], sizes = [16, 128], strides = [1, 1]} : vector<16x1024xf32> to vector<16x128xf32>
    %swap3A_1452 = arith.constant 2 : index
    %swap3A_1453 = arith.constant 3 : index
    %swap3A_1454 = arith.constant 0 : index
    %swap3A_1455 = arith.constant 0 : index
    %swap3A_1456 = vector.load %arg4[%swap3A_1452, %swap3A_1453, %swap3A_1454, %swap3A_1455] : memref<7x8x16x128xf32, #tpu.memory_space<vmem>>, vector<1x1x16x128xf32>
    %swap3A_1457 = vector.shape_cast %swap3A_1456 : vector<1x1x16x128xf32> to vector<16x128xf32>
    %swap3A_1458 = vector.shape_cast %slice3A_1451 : vector<16x128xf32> to vector<1x1x16x128xf32>
    tpu.vector_store %arg4[%swap3A_1452, %swap3A_1453, %swap3A_1454, %swap3A_1455], %swap3A_1458 {strides = array<i32>} : memref<7x8x16x128xf32, #tpu.memory_space<vmem>>, vector<1x1x16x128xf32>,
    %slice3A_1459 = vector.extract_strided_slice %add3A_1251 {offsets = [0, 384], sizes = [16, 128], strides = [1, 1]} : vector<16x1024xf32> to vector<16x128xf32>
    %swap3A_1460 = arith.constant 3 : index
    %swap3A_1461 = arith.constant 3 : index
    %swap3A_1462 = arith.constant 0 : index
    %swap3A_1463 = arith.constant 0 : index
    %swap3A_1464 = vector.load %arg4[%swap3A_1460, %swap3A_1461, %swap3A_1462, %swap3A_1463] : memref<7x8x16x128xf32, #tpu.memory_space<vmem>>, vector<1x1x16x128xf32>
    %swap3A_1465 = vector.shape_cast %swap3A_1464 : vector<1x1x16x128xf32> to vector<16x128xf32>
    %swap3A_1466 = vector.shape_cast %slice3A_1459 : vector<16x128xf32> to vector<1x1x16x128xf32>
    tpu.vector_store %arg4[%swap3A_1460, %swap3A_1461, %swap3A_1462, %swap3A_1463], %swap3A_1466 {strides = array<i32>} : memref<7x8x16x128xf32, #tpu.memory_space<vmem>>, vector<1x1x16x128xf32>,
    %get3A_1467 = arith.constant 0 : index
    %get3A_1468 = arith.constant 384 : index
    %get3A_1469 = vector.load %arg1[%get3A_1467, %get3A_1468] : memref<16x1024xf32, #tpu.memory_space<vmem>>, vector<16x128xf32>
    %swap3A_1470 = arith.constant 4 : index
    %swap3A_1471 = arith.constant 3 : index
    %swap3A_1472 = arith.constant 0 : index
    %swap3A_1473 = arith.constant 0 : index
    %swap3A_1474 = vector.load %arg4[%swap3A_1470, %swap3A_1471, %swap3A_1472, %swap3A_1473] : memref<7x8x16x128xf32, #tpu.memory_space<vmem>>, vector<1x1x16x128xf32>
    %swap3A_1475 = vector.shape_cast %swap3A_1474 : vector<1x1x16x128xf32> to vector<16x128xf32>
    %swap3A_1476 = vector.shape_cast %get3A_1469 : vector<16x128xf32> to vector<1x1x16x128xf32>
    tpu.vector_store %arg4[%swap3A_1470, %swap3A_1471, %swap3A_1472, %swap3A_1473], %swap3A_1476 {strides = array<i32>} : memref<7x8x16x128xf32, #tpu.memory_space<vmem>>, vector<1x1x16x128xf32>,
    %slice3A_1477 = vector.extract_strided_slice %convert_element_type3A_1262 {offsets = [0, 384], sizes = [16, 128], strides = [1, 1]} : vector<16x1024xf32> to vector<16x128xf32>
    %swap3A_1478 = arith.constant 5 : index
    %swap3A_1479 = arith.constant 3 : index
    %swap3A_1480 = arith.constant 0 : index
    %swap3A_1481 = arith.constant 0 : index
    %swap3A_1482 = vector.load %arg4[%swap3A_1478, %swap3A_1479, %swap3A_1480, %swap3A_1481] : memref<7x8x16x128xf32, #tpu.memory_space<vmem>>, vector<1x1x16x128xf32>
    %swap3A_1483 = vector.shape_cast %swap3A_1482 : vector<1x1x16x128xf32> to vector<16x128xf32>
    %swap3A_1484 = vector.shape_cast %slice3A_1477 : vector<16x128xf32> to vector<1x1x16x128xf32>
    tpu.vector_store %arg4[%swap3A_1478, %swap3A_1479, %swap3A_1480, %swap3A_1481], %swap3A_1484 {strides = array<i32>} : memref<7x8x16x128xf32, #tpu.memory_space<vmem>>, vector<1x1x16x128xf32>,
    %slice3A_1485 = vector.extract_strided_slice %mul3A_1259 {offsets = [0, 384], sizes = [16, 128], strides = [1, 1]} : vector<16x1024xf32> to vector<16x128xf32>
    %swap3A_1486 = arith.constant 6 : index
    %swap3A_1487 = arith.constant 3 : index
    %swap3A_1488 = arith.constant 0 : index
    %swap3A_1489 = arith.constant 0 : index
    %swap3A_1490 = vector.load %arg4[%swap3A_1486, %swap3A_1487, %swap3A_1488, %swap3A_1489] : memref<7x8x16x128xf32, #tpu.memory_space<vmem>>, vector<1x1x16x128xf32>
    %swap3A_1491 = vector.shape_cast %swap3A_1490 : vector<1x1x16x128xf32> to vector<16x128xf32>
    %swap3A_1492 = vector.shape_cast %slice3A_1485 : vector<16x128xf32> to vector<1x1x16x128xf32>
    tpu.vector_store %arg4[%swap3A_1486, %swap3A_1487, %swap3A_1488, %swap3A_1489], %swap3A_1492 {strides = array<i32>} : memref<7x8x16x128xf32, #tpu.memory_space<vmem>>, vector<1x1x16x128xf32>,
    %slice3A_1493 = vector.extract_strided_slice %sub3A_1245 {offsets = [0, 512], sizes = [16, 128], strides = [1, 1]} : vector<16x1024xf32> to vector<16x128xf32>
    %swap3A_1494 = arith.constant 0 : index
    %swap3A_1495 = arith.constant 4 : index
    %swap3A_1496 = arith.constant 0 : index
    %swap3A_1497 = arith.constant 0 : index
    %swap3A_1498 = vector.load %arg4[%swap3A_1494, %swap3A_1495, %swap3A_1496, %swap3A_1497] : memref<7x8x16x128xf32, #tpu.memory_space<vmem>>, vector<1x1x16x128xf32>
    %swap3A_1499 = vector.shape_cast %swap3A_1498 : vector<1x1x16x128xf32> to vector<16x128xf32>
    %swap3A_1500 = vector.shape_cast %slice3A_1493 : vector<16x128xf32> to vector<1x1x16x128xf32>
    tpu.vector_store %arg4[%swap3A_1494, %swap3A_1495, %swap3A_1496, %swap3A_1497], %swap3A_1500 {strides = array<i32>} : memref<7x8x16x128xf32, #tpu.memory_space<vmem>>, vector<1x1x16x128xf32>,
    %slice3A_1501 = vector.extract_strided_slice %sub3A_1249 {offsets = [0, 512], sizes = [16, 128], strides = [1, 1]} : vector<16x1024xf32> to vector<16x128xf32>
    %swap3A_1502 = arith.constant 1 : index
    %swap3A_1503 = arith.constant 4 : index
    %swap3A_1504 = arith.constant 0 : index
    %swap3A_1505 = arith.constant 0 : index
    %swap3A_1506 = vector.load %arg4[%swap3A_1502, %swap3A_1503, %swap3A_1504, %swap3A_1505] : memref<7x8x16x128xf32, #tpu.memory_space<vmem>>, vector<1x1x16x128xf32>
    %swap3A_1507 = vector.shape_cast %swap3A_1506 : vector<1x1x16x128xf32> to vector<16x128xf32>
    %swap3A_1508 = vector.shape_cast %slice3A_1501 : vector<16x128xf32> to vector<1x1x16x128xf32>
    tpu.vector_store %arg4[%swap3A_1502, %swap3A_1503, %swap3A_1504, %swap3A_1505], %swap3A_1508 {strides = array<i32>} : memref<7x8x16x128xf32, #tpu.memory_space<vmem>>, vector<1x1x16x128xf32>,
    %slice3A_1509 = vector.extract_strided_slice %add3A_1250 {offsets = [0, 512], sizes = [16, 128], strides = [1, 1]} : vector<16x1024xf32> to vector<16x128xf32>
    %swap3A_1510 = arith.constant 2 : index
    %swap3A_1511 = arith.constant 4 : index
    %swap3A_1512 = arith.constant 0 : index
    %swap3A_1513 = arith.constant 0 : index
    %swap3A_1514 = vector.load %arg4[%swap3A_1510, %swap3A_1511, %swap3A_1512, %swap3A_1513] : memref<7x8x16x128xf32, #tpu.memory_space<vmem>>, vector<1x1x16x128xf32>
    %swap3A_1515 = vector.shape_cast %swap3A_1514 : vector<1x1x16x128xf32> to vector<16x128xf32>
    %swap3A_1516 = vector.shape_cast %slice3A_1509 : vector<16x128xf32> to vector<1x1x16x128xf32>
    tpu.vector_store %arg4[%swap3A_1510, %swap3A_1511, %swap3A_1512, %swap3A_1513], %swap3A_1516 {strides = array<i32>} : memref<7x8x16x128xf32, #tpu.memory_space<vmem>>, vector<1x1x16x128xf32>,
    %slice3A_1517 = vector.extract_strided_slice %add3A_1251 {offsets = [0, 512], sizes = [16, 128], strides = [1, 1]} : vector<16x1024xf32> to vector<16x128xf32>
    %swap3A_1518 = arith.constant 3 : index
    %swap3A_1519 = arith.constant 4 : index
    %swap3A_1520 = arith.constant 0 : index
    %swap3A_1521 = arith.constant 0 : index
    %swap3A_1522 = vector.load %arg4[%swap3A_1518, %swap3A_1519, %swap3A_1520, %swap3A_1521] : memref<7x8x16x128xf32, #tpu.memory_space<vmem>>, vector<1x1x16x128xf32>
    %swap3A_1523 = vector.shape_cast %swap3A_1522 : vector<1x1x16x128xf32> to vector<16x128xf32>
    %swap3A_1524 = vector.shape_cast %slice3A_1517 : vector<16x128xf32> to vector<1x1x16x128xf32>
    tpu.vector_store %arg4[%swap3A_1518, %swap3A_1519, %swap3A_1520, %swap3A_1521], %swap3A_1524 {strides = array<i32>} : memref<7x8x16x128xf32, #tpu.memory_space<vmem>>, vector<1x1x16x128xf32>,
    %get3A_1525 = arith.constant 0 : index
    %get3A_1526 = arith.constant 512 : index
    %get3A_1527 = vector.load %arg1[%get3A_1525, %get3A_1526] : memref<16x1024xf32, #tpu.memory_space<vmem>>, vector<16x128xf32>
    %swap3A_1528 = arith.constant 4 : index
    %swap3A_1529 = arith.constant 4 : index
    %swap3A_1530 = arith.constant 0 : index
    %swap3A_1531 = arith.constant 0 : index
    %swap3A_1532 = vector.load %arg4[%swap3A_1528, %swap3A_1529, %swap3A_1530, %swap3A_1531] : memref<7x8x16x128xf32, #tpu.memory_space<vmem>>, vector<1x1x16x128xf32>
    %swap3A_1533 = vector.shape_cast %swap3A_1532 : vector<1x1x16x128xf32> to vector<16x128xf32>
    %swap3A_1534 = vector.shape_cast %get3A_1527 : vector<16x128xf32> to vector<1x1x16x128xf32>
    tpu.vector_store %arg4[%swap3A_1528, %swap3A_1529, %swap3A_1530, %swap3A_1531], %swap3A_1534 {strides = array<i32>} : memref<7x8x16x128xf32, #tpu.memory_space<vmem>>, vector<1x1x16x128xf32>,
    %slice3A_1535 = vector.extract_strided_slice %convert_element_type3A_1262 {offsets = [0, 512], sizes = [16, 128], strides = [1, 1]} : vector<16x1024xf32> to vector<16x128xf32>
    %swap3A_1536 = arith.constant 5 : index
    %swap3A_1537 = arith.constant 4 : index
    %swap3A_1538 = arith.constant 0 : index
    %swap3A_1539 = arith.constant 0 : index
    %swap3A_1540 = vector.load %arg4[%swap3A_1536, %swap3A_1537, %swap3A_1538, %swap3A_1539] : memref<7x8x16x128xf32, #tpu.memory_space<vmem>>, vector<1x1x16x128xf32>
    %swap3A_1541 = vector.shape_cast %swap3A_1540 : vector<1x1x16x128xf32> to vector<16x128xf32>
    %swap3A_1542 = vector.shape_cast %slice3A_1535 : vector<16x128xf32> to vector<1x1x16x128xf32>
    tpu.vector_store %arg4[%swap3A_1536, %swap3A_1537, %swap3A_1538, %swap3A_1539], %swap3A_1542 {strides = array<i32>} : memref<7x8x16x128xf32, #tpu.memory_space<vmem>>, vector<1x1x16x128xf32>,
    %slice3A_1543 = vector.extract_strided_slice %mul3A_1259 {offsets = [0, 512], sizes = [16, 128], strides = [1, 1]} : vector<16x1024xf32> to vector<16x128xf32>
    %swap3A_1544 = arith.constant 6 : index
    %swap3A_1545 = arith.constant 4 : index
    %swap3A_1546 = arith.constant 0 : index
    %swap3A_1547 = arith.constant 0 : index
    %swap3A_1548 = vector.load %arg4[%swap3A_1544, %swap3A_1545, %swap3A_1546, %swap3A_1547] : memref<7x8x16x128xf32, #tpu.memory_space<vmem>>, vector<1x1x16x128xf32>
    %swap3A_1549 = vector.shape_cast %swap3A_1548 : vector<1x1x16x128xf32> to vector<16x128xf32>
    %swap3A_1550 = vector.shape_cast %slice3A_1543 : vector<16x128xf32> to vector<1x1x16x128xf32>
    tpu.vector_store %arg4[%swap3A_1544, %swap3A_1545, %swap3A_1546, %swap3A_1547], %swap3A_1550 {strides = array<i32>} : memref<7x8x16x128xf32, #tpu.memory_space<vmem>>, vector<1x1x16x128xf32>,
    %slice3A_1551 = vector.extract_strided_slice %sub3A_1245 {offsets = [0, 640], sizes = [16, 128], strides = [1, 1]} : vector<16x1024xf32> to vector<16x128xf32>
    %swap3A_1552 = arith.constant 0 : index
    %swap3A_1553 = arith.constant 5 : index
    %swap3A_1554 = arith.constant 0 : index
    %swap3A_1555 = arith.constant 0 : index
    %swap3A_1556 = vector.load %arg4[%swap3A_1552, %swap3A_1553, %swap3A_1554, %swap3A_1555] : memref<7x8x16x128xf32, #tpu.memory_space<vmem>>, vector<1x1x16x128xf32>
    %swap3A_1557 = vector.shape_cast %swap3A_1556 : vector<1x1x16x128xf32> to vector<16x128xf32>
    %swap3A_1558 = vector.shape_cast %slice3A_1551 : vector<16x128xf32> to vector<1x1x16x128xf32>
    tpu.vector_store %arg4[%swap3A_1552, %swap3A_1553, %swap3A_1554, %swap3A_1555], %swap3A_1558 {strides = array<i32>} : memref<7x8x16x128xf32, #tpu.memory_space<vmem>>, vector<1x1x16x128xf32>,
    %slice3A_1559 = vector.extract_strided_slice %sub3A_1249 {offsets = [0, 640], sizes = [16, 128], strides = [1, 1]} : vector<16x1024xf32> to vector<16x128xf32>
    %swap3A_1560 = arith.constant 1 : index
    %swap3A_1561 = arith.constant 5 : index
    %swap3A_1562 = arith.constant 0 : index
    %swap3A_1563 = arith.constant 0 : index
    %swap3A_1564 = vector.load %arg4[%swap3A_1560, %swap3A_1561, %swap3A_1562, %swap3A_1563] : memref<7x8x16x128xf32, #tpu.memory_space<vmem>>, vector<1x1x16x128xf32>
    %swap3A_1565 = vector.shape_cast %swap3A_1564 : vector<1x1x16x128xf32> to vector<16x128xf32>
    %swap3A_1566 = vector.shape_cast %slice3A_1559 : vector<16x128xf32> to vector<1x1x16x128xf32>
    tpu.vector_store %arg4[%swap3A_1560, %swap3A_1561, %swap3A_1562, %swap3A_1563], %swap3A_1566 {strides = array<i32>} : memref<7x8x16x128xf32, #tpu.memory_space<vmem>>, vector<1x1x16x128xf32>,
    %slice3A_1567 = vector.extract_strided_slice %add3A_1250 {offsets = [0, 640], sizes = [16, 128], strides = [1, 1]} : vector<16x1024xf32> to vector<16x128xf32>
    %swap3A_1568 = arith.constant 2 : index
    %swap3A_1569 = arith.constant 5 : index
    %swap3A_1570 = arith.constant 0 : index
    %swap3A_1571 = arith.constant 0 : index
    %swap3A_1572 = vector.load %arg4[%swap3A_1568, %swap3A_1569, %swap3A_1570, %swap3A_1571] : memref<7x8x16x128xf32, #tpu.memory_space<vmem>>, vector<1x1x16x128xf32>
    %swap3A_1573 = vector.shape_cast %swap3A_1572 : vector<1x1x16x128xf32> to vector<16x128xf32>
    %swap3A_1574 = vector.shape_cast %slice3A_1567 : vector<16x128xf32> to vector<1x1x16x128xf32>
    tpu.vector_store %arg4[%swap3A_1568, %swap3A_1569, %swap3A_1570, %swap3A_1571], %swap3A_1574 {strides = array<i32>} : memref<7x8x16x128xf32, #tpu.memory_space<vmem>>, vector<1x1x16x128xf32>,
    %slice3A_1575 = vector.extract_strided_slice %add3A_1251 {offsets = [0, 640], sizes = [16, 128], strides = [1, 1]} : vector<16x1024xf32> to vector<16x128xf32>
    %swap3A_1576 = arith.constant 3 : index
    %swap3A_1577 = arith.constant 5 : index
    %swap3A_1578 = arith.constant 0 : index
    %swap3A_1579 = arith.constant 0 : index
    %swap3A_1580 = vector.load %arg4[%swap3A_1576, %swap3A_1577, %swap3A_1578, %swap3A_1579] : memref<7x8x16x128xf32, #tpu.memory_space<vmem>>, vector<1x1x16x128xf32>
    %swap3A_1581 = vector.shape_cast %swap3A_1580 : vector<1x1x16x128xf32> to vector<16x128xf32>
    %swap3A_1582 = vector.shape_cast %slice3A_1575 : vector<16x128xf32> to vector<1x1x16x128xf32>
    tpu.vector_store %arg4[%swap3A_1576, %swap3A_1577, %swap3A_1578, %swap3A_1579], %swap3A_1582 {strides = array<i32>} : memref<7x8x16x128xf32, #tpu.memory_space<vmem>>, vector<1x1x16x128xf32>,
    %get3A_1583 = arith.constant 0 : index
    %get3A_1584 = arith.constant 640 : index
    %get3A_1585 = vector.load %arg1[%get3A_1583, %get3A_1584] : memref<16x1024xf32, #tpu.memory_space<vmem>>, vector<16x128xf32>
    %swap3A_1586 = arith.constant 4 : index
    %swap3A_1587 = arith.constant 5 : index
    %swap3A_1588 = arith.constant 0 : index
    %swap3A_1589 = arith.constant 0 : index
    %swap3A_1590 = vector.load %arg4[%swap3A_1586, %swap3A_1587, %swap3A_1588, %swap3A_1589] : memref<7x8x16x128xf32, #tpu.memory_space<vmem>>, vector<1x1x16x128xf32>
    %swap3A_1591 = vector.shape_cast %swap3A_1590 : vector<1x1x16x128xf32> to vector<16x128xf32>
    %swap3A_1592 = vector.shape_cast %get3A_1585 : vector<16x128xf32> to vector<1x1x16x128xf32>
    tpu.vector_store %arg4[%swap3A_1586, %swap3A_1587, %swap3A_1588, %swap3A_1589], %swap3A_1592 {strides = array<i32>} : memref<7x8x16x128xf32, #tpu.memory_space<vmem>>, vector<1x1x16x128xf32>,
    %slice3A_1593 = vector.extract_strided_slice %convert_element_type3A_1262 {offsets = [0, 640], sizes = [16, 128], strides = [1, 1]} : vector<16x1024xf32> to vector<16x128xf32>
    %swap3A_1594 = arith.constant 5 : index
    %swap3A_1595 = arith.constant 5 : index
    %swap3A_1596 = arith.constant 0 : index
    %swap3A_1597 = arith.constant 0 : index
    %swap3A_1598 = vector.load %arg4[%swap3A_1594, %swap3A_1595, %swap3A_1596, %swap3A_1597] : memref<7x8x16x128xf32, #tpu.memory_space<vmem>>, vector<1x1x16x128xf32>
    %swap3A_1599 = vector.shape_cast %swap3A_1598 : vector<1x1x16x128xf32> to vector<16x128xf32>
    %swap3A_1600 = vector.shape_cast %slice3A_1593 : vector<16x128xf32> to vector<1x1x16x128xf32>
    tpu.vector_store %arg4[%swap3A_1594, %swap3A_1595, %swap3A_1596, %swap3A_1597], %swap3A_1600 {strides = array<i32>} : memref<7x8x16x128xf32, #tpu.memory_space<vmem>>, vector<1x1x16x128xf32>,
    %slice3A_1601 = vector.extract_strided_slice %mul3A_1259 {offsets = [0, 640], sizes = [16, 128], strides = [1, 1]} : vector<16x1024xf32> to vector<16x128xf32>
    %swap3A_1602 = arith.constant 6 : index
    %swap3A_1603 = arith.constant 5 : index
    %swap3A_1604 = arith.constant 0 : index
    %swap3A_1605 = arith.constant 0 : index
    %swap3A_1606 = vector.load %arg4[%swap3A_1602, %swap3A_1603, %swap3A_1604, %swap3A_1605] : memref<7x8x16x128xf32, #tpu.memory_space<vmem>>, vector<1x1x16x128xf32>
    %swap3A_1607 = vector.shape_cast %swap3A_1606 : vector<1x1x16x128xf32> to vector<16x128xf32>
    %swap3A_1608 = vector.shape_cast %slice3A_1601 : vector<16x128xf32> to vector<1x1x16x128xf32>
    tpu.vector_store %arg4[%swap3A_1602, %swap3A_1603, %swap3A_1604, %swap3A_1605], %swap3A_1608 {strides = array<i32>} : memref<7x8x16x128xf32, #tpu.memory_space<vmem>>, vector<1x1x16x128xf32>,
    %slice3A_1609 = vector.extract_strided_slice %sub3A_1245 {offsets = [0, 768], sizes = [16, 128], strides = [1, 1]} : vector<16x1024xf32> to vector<16x128xf32>
    %swap3A_1610 = arith.constant 0 : index
    %swap3A_1611 = arith.constant 6 : index
    %swap3A_1612 = arith.constant 0 : index
    %swap3A_1613 = arith.constant 0 : index
    %swap3A_1614 = vector.load %arg4[%swap3A_1610, %swap3A_1611, %swap3A_1612, %swap3A_1613] : memref<7x8x16x128xf32, #tpu.memory_space<vmem>>, vector<1x1x16x128xf32>
    %swap3A_1615 = vector.shape_cast %swap3A_1614 : vector<1x1x16x128xf32> to vector<16x128xf32>
    %swap3A_1616 = vector.shape_cast %slice3A_1609 : vector<16x128xf32> to vector<1x1x16x128xf32>
    tpu.vector_store %arg4[%swap3A_1610, %swap3A_1611, %swap3A_1612, %swap3A_1613], %swap3A_1616 {strides = array<i32>} : memref<7x8x16x128xf32, #tpu.memory_space<vmem>>, vector<1x1x16x128xf32>,
    %slice3A_1617 = vector.extract_strided_slice %sub3A_1249 {offsets = [0, 768], sizes = [16, 128], strides = [1, 1]} : vector<16x1024xf32> to vector<16x128xf32>
    %swap3A_1618 = arith.constant 1 : index
    %swap3A_1619 = arith.constant 6 : index
    %swap3A_1620 = arith.constant 0 : index
    %swap3A_1621 = arith.constant 0 : index
    %swap3A_1622 = vector.load %arg4[%swap3A_1618, %swap3A_1619, %swap3A_1620, %swap3A_1621] : memref<7x8x16x128xf32, #tpu.memory_space<vmem>>, vector<1x1x16x128xf32>
    %swap3A_1623 = vector.shape_cast %swap3A_1622 : vector<1x1x16x128xf32> to vector<16x128xf32>
    %swap3A_1624 = vector.shape_cast %slice3A_1617 : vector<16x128xf32> to vector<1x1x16x128xf32>
    tpu.vector_store %arg4[%swap3A_1618, %swap3A_1619, %swap3A_1620, %swap3A_1621], %swap3A_1624 {strides = array<i32>} : memref<7x8x16x128xf32, #tpu.memory_space<vmem>>, vector<1x1x16x128xf32>,
    %slice3A_1625 = vector.extract_strided_slice %add3A_1250 {offsets = [0, 768], sizes = [16, 128], strides = [1, 1]} : vector<16x1024xf32> to vector<16x128xf32>
    %swap3A_1626 = arith.constant 2 : index
    %swap3A_1627 = arith.constant 6 : index
    %swap3A_1628 = arith.constant 0 : index
    %swap3A_1629 = arith.constant 0 : index
    %swap3A_1630 = vector.load %arg4[%swap3A_1626, %swap3A_1627, %swap3A_1628, %swap3A_1629] : memref<7x8x16x128xf32, #tpu.memory_space<vmem>>, vector<1x1x16x128xf32>
    %swap3A_1631 = vector.shape_cast %swap3A_1630 : vector<1x1x16x128xf32> to vector<16x128xf32>
    %swap3A_1632 = vector.shape_cast %slice3A_1625 : vector<16x128xf32> to vector<1x1x16x128xf32>
    tpu.vector_store %arg4[%swap3A_1626, %swap3A_1627, %swap3A_1628, %swap3A_1629], %swap3A_1632 {strides = array<i32>} : memref<7x8x16x128xf32, #tpu.memory_space<vmem>>, vector<1x1x16x128xf32>,
    %slice3A_1633 = vector.extract_strided_slice %add3A_1251 {offsets = [0, 768], sizes = [16, 128], strides = [1, 1]} : vector<16x1024xf32> to vector<16x128xf32>
    %swap3A_1634 = arith.constant 3 : index
    %swap3A_1635 = arith.constant 6 : index
    %swap3A_1636 = arith.constant 0 : index
    %swap3A_1637 = arith.constant 0 : index
    %swap3A_1638 = vector.load %arg4[%swap3A_1634, %swap3A_1635, %swap3A_1636, %swap3A_1637] : memref<7x8x16x128xf32, #tpu.memory_space<vmem>>, vector<1x1x16x128xf32>
    %swap3A_1639 = vector.shape_cast %swap3A_1638 : vector<1x1x16x128xf32> to vector<16x128xf32>
    %swap3A_1640 = vector.shape_cast %slice3A_1633 : vector<16x128xf32> to vector<1x1x16x128xf32>
    tpu.vector_store %arg4[%swap3A_1634, %swap3A_1635, %swap3A_1636, %swap3A_1637], %swap3A_1640 {strides = array<i32>} : memref<7x8x16x128xf32, #tpu.memory_space<vmem>>, vector<1x1x16x128xf32>,
    %get3A_1641 = arith.constant 0 : index
    %get3A_1642 = arith.constant 768 : index
    %get3A_1643 = vector.load %arg1[%get3A_1641, %get3A_1642] : memref<16x1024xf32, #tpu.memory_space<vmem>>, vector<16x128xf32>
    %swap3A_1644 = arith.constant 4 : index
    %swap3A_1645 = arith.constant 6 : index
    %swap3A_1646 = arith.constant 0 : index
    %swap3A_1647 = arith.constant 0 : index
    %swap3A_1648 = vector.load %arg4[%swap3A_1644, %swap3A_1645, %swap3A_1646, %swap3A_1647] : memref<7x8x16x128xf32, #tpu.memory_space<vmem>>, vector<1x1x16x128xf32>
    %swap3A_1649 = vector.shape_cast %swap3A_1648 : vector<1x1x16x128xf32> to vector<16x128xf32>
    %swap3A_1650 = vector.shape_cast %get3A_1643 : vector<16x128xf32> to vector<1x1x16x128xf32>
    tpu.vector_store %arg4[%swap3A_1644, %swap3A_1645, %swap3A_1646, %swap3A_1647], %swap3A_1650 {strides = array<i32>} : memref<7x8x16x128xf32, #tpu.memory_space<vmem>>, vector<1x1x16x128xf32>,
    %slice3A_1651 = vector.extract_strided_slice %convert_element_type3A_1262 {offsets = [0, 768], sizes = [16, 128], strides = [1, 1]} : vector<16x1024xf32> to vector<16x128xf32>
    %swap3A_1652 = arith.constant 5 : index
    %swap3A_1653 = arith.constant 6 : index
    %swap3A_1654 = arith.constant 0 : index
    %swap3A_1655 = arith.constant 0 : index
    %swap3A_1656 = vector.load %arg4[%swap3A_1652, %swap3A_1653, %swap3A_1654, %swap3A_1655] : memref<7x8x16x128xf32, #tpu.memory_space<vmem>>, vector<1x1x16x128xf32>
    %swap3A_1657 = vector.shape_cast %swap3A_1656 : vector<1x1x16x128xf32> to vector<16x128xf32>
    %swap3A_1658 = vector.shape_cast %slice3A_1651 : vector<16x128xf32> to vector<1x1x16x128xf32>
    tpu.vector_store %arg4[%swap3A_1652, %swap3A_1653, %swap3A_1654, %swap3A_1655], %swap3A_1658 {strides = array<i32>} : memref<7x8x16x128xf32, #tpu.memory_space<vmem>>, vector<1x1x16x128xf32>,
    %slice3A_1659 = vector.extract_strided_slice %mul3A_1259 {offsets = [0, 768], sizes = [16, 128], strides = [1, 1]} : vector<16x1024xf32> to vector<16x128xf32>
    %swap3A_1660 = arith.constant 6 : index
    %swap3A_1661 = arith.constant 6 : index
    %swap3A_1662 = arith.constant 0 : index
    %swap3A_1663 = arith.constant 0 : index
    %swap3A_1664 = vector.load %arg4[%swap3A_1660, %swap3A_1661, %swap3A_1662, %swap3A_1663] : memref<7x8x16x128xf32, #tpu.memory_space<vmem>>, vector<1x1x16x128xf32>
    %swap3A_1665 = vector.shape_cast %swap3A_1664 : vector<1x1x16x128xf32> to vector<16x128xf32>
    %swap3A_1666 = vector.shape_cast %slice3A_1659 : vector<16x128xf32> to vector<1x1x16x128xf32>
    tpu.vector_store %arg4[%swap3A_1660, %swap3A_1661, %swap3A_1662, %swap3A_1663], %swap3A_1666 {strides = array<i32>} : memref<7x8x16x128xf32, #tpu.memory_space<vmem>>, vector<1x1x16x128xf32>,
    %slice3A_1667 = vector.extract_strided_slice %sub3A_1245 {offsets = [0, 896], sizes = [16, 128], strides = [1, 1]} : vector<16x1024xf32> to vector<16x128xf32>
    %swap3A_1668 = arith.constant 0 : index
    %swap3A_1669 = arith.constant 7 : index
    %swap3A_1670 = arith.constant 0 : index
    %swap3A_1671 = arith.constant 0 : index
    %swap3A_1672 = vector.load %arg4[%swap3A_1668, %swap3A_1669, %swap3A_1670, %swap3A_1671] : memref<7x8x16x128xf32, #tpu.memory_space<vmem>>, vector<1x1x16x128xf32>
    %swap3A_1673 = vector.shape_cast %swap3A_1672 : vector<1x1x16x128xf32> to vector<16x128xf32>
    %swap3A_1674 = vector.shape_cast %slice3A_1667 : vector<16x128xf32> to vector<1x1x16x128xf32>
    tpu.vector_store %arg4[%swap3A_1668, %swap3A_1669, %swap3A_1670, %swap3A_1671], %swap3A_1674 {strides = array<i32>} : memref<7x8x16x128xf32, #tpu.memory_space<vmem>>, vector<1x1x16x128xf32>,
    %slice3A_1675 = vector.extract_strided_slice %sub3A_1249 {offsets = [0, 896], sizes = [16, 128], strides = [1, 1]} : vector<16x1024xf32> to vector<16x128xf32>
    %swap3A_1676 = arith.constant 1 : index
    %swap3A_1677 = arith.constant 7 : index
    %swap3A_1678 = arith.constant 0 : index
    %swap3A_1679 = arith.constant 0 : index
    %swap3A_1680 = vector.load %arg4[%swap3A_1676, %swap3A_1677, %swap3A_1678, %swap3A_1679] : memref<7x8x16x128xf32, #tpu.memory_space<vmem>>, vector<1x1x16x128xf32>
    %swap3A_1681 = vector.shape_cast %swap3A_1680 : vector<1x1x16x128xf32> to vector<16x128xf32>
    %swap3A_1682 = vector.shape_cast %slice3A_1675 : vector<16x128xf32> to vector<1x1x16x128xf32>
    tpu.vector_store %arg4[%swap3A_1676, %swap3A_1677, %swap3A_1678, %swap3A_1679], %swap3A_1682 {strides = array<i32>} : memref<7x8x16x128xf32, #tpu.memory_space<vmem>>, vector<1x1x16x128xf32>,
    %slice3A_1683 = vector.extract_strided_slice %add3A_1250 {offsets = [0, 896], sizes = [16, 128], strides = [1, 1]} : vector<16x1024xf32> to vector<16x128xf32>
    %swap3A_1684 = arith.constant 2 : index
    %swap3A_1685 = arith.constant 7 : index
    %swap3A_1686 = arith.constant 0 : index
    %swap3A_1687 = arith.constant 0 : index
    %swap3A_1688 = vector.load %arg4[%swap3A_1684, %swap3A_1685, %swap3A_1686, %swap3A_1687] : memref<7x8x16x128xf32, #tpu.memory_space<vmem>>, vector<1x1x16x128xf32>
    %swap3A_1689 = vector.shape_cast %swap3A_1688 : vector<1x1x16x128xf32> to vector<16x128xf32>
    %swap3A_1690 = vector.shape_cast %slice3A_1683 : vector<16x128xf32> to vector<1x1x16x128xf32>
    tpu.vector_store %arg4[%swap3A_1684, %swap3A_1685, %swap3A_1686, %swap3A_1687], %swap3A_1690 {strides = array<i32>} : memref<7x8x16x128xf32, #tpu.memory_space<vmem>>, vector<1x1x16x128xf32>,
    %slice3A_1691 = vector.extract_strided_slice %add3A_1251 {offsets = [0, 896], sizes = [16, 128], strides = [1, 1]} : vector<16x1024xf32> to vector<16x128xf32>
    %swap3A_1692 = arith.constant 3 : index
    %swap3A_1693 = arith.constant 7 : index
    %swap3A_1694 = arith.constant 0 : index
    %swap3A_1695 = arith.constant 0 : index
    %swap3A_1696 = vector.load %arg4[%swap3A_1692, %swap3A_1693, %swap3A_1694, %swap3A_1695] : memref<7x8x16x128xf32, #tpu.memory_space<vmem>>, vector<1x1x16x128xf32>
    %swap3A_1697 = vector.shape_cast %swap3A_1696 : vector<1x1x16x128xf32> to vector<16x128xf32>
    %swap3A_1698 = vector.shape_cast %slice3A_1691 : vector<16x128xf32> to vector<1x1x16x128xf32>
    tpu.vector_store %arg4[%swap3A_1692, %swap3A_1693, %swap3A_1694, %swap3A_1695], %swap3A_1698 {strides = array<i32>} : memref<7x8x16x128xf32, #tpu.memory_space<vmem>>, vector<1x1x16x128xf32>,
    %get3A_1699 = arith.constant 0 : index
    %get3A_1700 = arith.constant 896 : index
    %get3A_1701 = vector.load %arg1[%get3A_1699, %get3A_1700] : memref<16x1024xf32, #tpu.memory_space<vmem>>, vector<16x128xf32>
    %swap3A_1702 = arith.constant 4 : index
    %swap3A_1703 = arith.constant 7 : index
    %swap3A_1704 = arith.constant 0 : index
    %swap3A_1705 = arith.constant 0 : index
    %swap3A_1706 = vector.load %arg4[%swap3A_1702, %swap3A_1703, %swap3A_1704, %swap3A_1705] : memref<7x8x16x128xf32, #tpu.memory_space<vmem>>, vector<1x1x16x128xf32>
    %swap3A_1707 = vector.shape_cast %swap3A_1706 : vector<1x1x16x128xf32> to vector<16x128xf32>
    %swap3A_1708 = vector.shape_cast %get3A_1701 : vector<16x128xf32> to vector<1x1x16x128xf32>
    tpu.vector_store %arg4[%swap3A_1702, %swap3A_1703, %swap3A_1704, %swap3A_1705], %swap3A_1708 {strides = array<i32>} : memref<7x8x16x128xf32, #tpu.memory_space<vmem>>, vector<1x1x16x128xf32>,
    %slice3A_1709 = vector.extract_strided_slice %convert_element_type3A_1262 {offsets = [0, 896], sizes = [16, 128], strides = [1, 1]} : vector<16x1024xf32> to vector<16x128xf32>
    %swap3A_1710 = arith.constant 5 : index
    %swap3A_1711 = arith.constant 7 : index
    %swap3A_1712 = arith.constant 0 : index
    %swap3A_1713 = arith.constant 0 : index
    %swap3A_1714 = vector.load %arg4[%swap3A_1710, %swap3A_1711, %swap3A_1712, %swap3A_1713] : memref<7x8x16x128xf32, #tpu.memory_space<vmem>>, vector<1x1x16x128xf32>
    %swap3A_1715 = vector.shape_cast %swap3A_1714 : vector<1x1x16x128xf32> to vector<16x128xf32>
    %swap3A_1716 = vector.shape_cast %slice3A_1709 : vector<16x128xf32> to vector<1x1x16x128xf32>
    tpu.vector_store %arg4[%swap3A_1710, %swap3A_1711, %swap3A_1712, %swap3A_1713], %swap3A_1716 {strides = array<i32>} : memref<7x8x16x128xf32, #tpu.memory_space<vmem>>, vector<1x1x16x128xf32>,
    %slice3A_1717 = vector.extract_strided_slice %mul3A_1259 {offsets = [0, 896], sizes = [16, 128], strides = [1, 1]} : vector<16x1024xf32> to vector<16x128xf32>
    %swap3A_1718 = arith.constant 6 : index
    %swap3A_1719 = arith.constant 7 : index
    %swap3A_1720 = arith.constant 0 : index
    %swap3A_1721 = arith.constant 0 : index
    %swap3A_1722 = vector.load %arg4[%swap3A_1718, %swap3A_1719, %swap3A_1720, %swap3A_1721] : memref<7x8x16x128xf32, #tpu.memory_space<vmem>>, vector<1x1x16x128xf32>
    %swap3A_1723 = vector.shape_cast %swap3A_1722 : vector<1x1x16x128xf32> to vector<16x128xf32>
    %swap3A_1724 = vector.shape_cast %slice3A_1717 : vector<16x128xf32> to vector<1x1x16x128xf32>
    tpu.vector_store %arg4[%swap3A_1718, %swap3A_1719, %swap3A_1720, %swap3A_1721], %swap3A_1724 {strides = array<i32>} : memref<7x8x16x128xf32, #tpu.memory_space<vmem>>, vector<1x1x16x128xf32>,
    %scan3A = arith.constant 0 : i32
    %scan3A_1725 = arith.constant 8 : i32
    %scan3A_1726 = arith.addi %scan3A, %scan3A_1725 : i32
    %scan3A_1727 = arith.constant 1 : i32
    scf.for %scan3A_2264 = %scan3A to %scan3A_1726 step %scan3A_1727  : i32 {
      %get3A_2265 = arith.constant 0 : index
      %get3A_2266 = arith.index_cast %scan3A_2264 : i32 to index
      %get3A_2267 = arith.constant 0 : index
      %get3A_2268 = arith.constant 0 : index
      %get3A_2269 = vector.load %arg4[%get3A_2265, %get3A_2266, %get3A_2267, %get3A_2268] : memref<7x8x16x128xf32, #tpu.memory_space<vmem>>, vector<1x1x16x128xf32>
      %get3A_2270 = vector.shape_cast %get3A_2269 : vector<1x1x16x128xf32> to vector<16x128xf32>
      %get3A_2271 = arith.constant 1 : index
      %get3A_2272 = arith.index_cast %scan3A_2264 : i32 to index
      %get3A_2273 = arith.constant 0 : index
      %get3A_2274 = arith.constant 0 : index
      %get3A_2275 = vector.load %arg4[%get3A_2271, %get3A_2272, %get3A_2273, %get3A_2274] : memref<7x8x16x128xf32, #tpu.memory_space<vmem>>, vector<1x1x16x128xf32>
      %get3A_2276 = vector.shape_cast %get3A_2275 : vector<1x1x16x128xf32> to vector<16x128xf32>
      %get3A_2277 = arith.constant 2 : index
      %get3A_2278 = arith.index_cast %scan3A_2264 : i32 to index
      %get3A_2279 = arith.constant 0 : index
      %get3A_2280 = arith.constant 0 : index
      %get3A_2281 = vector.load %arg4[%get3A_2277, %get3A_2278, %get3A_2279, %get3A_2280] : memref<7x8x16x128xf32, #tpu.memory_space<vmem>>, vector<1x1x16x128xf32>
      %get3A_2282 = vector.shape_cast %get3A_2281 : vector<1x1x16x128xf32> to vector<16x128xf32>
      %get3A_2283 = arith.constant 3 : index
      %get3A_2284 = arith.index_cast %scan3A_2264 : i32 to index
      %get3A_2285 = arith.constant 0 : index
      %get3A_2286 = arith.constant 0 : index
      %get3A_2287 = vector.load %arg4[%get3A_2283, %get3A_2284, %get3A_2285, %get3A_2286] : memref<7x8x16x128xf32, #tpu.memory_space<vmem>>, vector<1x1x16x128xf32>
      %get3A_2288 = vector.shape_cast %get3A_2287 : vector<1x1x16x128xf32> to vector<16x128xf32>
      %get3A_2289 = arith.constant 6 : index
      %get3A_2290 = arith.index_cast %scan3A_2264 : i32 to index
      %get3A_2291 = arith.constant 0 : index
      %get3A_2292 = arith.constant 0 : index
      %get3A_2293 = vector.load %arg4[%get3A_2289, %get3A_2290, %get3A_2291, %get3A_2292] : memref<7x8x16x128xf32, #tpu.memory_space<vmem>>, vector<1x1x16x128xf32>
      %get3A_2294 = vector.shape_cast %get3A_2293 : vector<1x1x16x128xf32> to vector<16x128xf32>
      %get3A_2295 = arith.constant 5 : index
      %get3A_2296 = arith.index_cast %scan3A_2264 : i32 to index
      %get3A_2297 = arith.constant 0 : index
      %get3A_2298 = arith.constant 0 : index
      %get3A_2299 = vector.load %arg4[%get3A_2295, %get3A_2296, %get3A_2297, %get3A_2298] : memref<7x8x16x128xf32, #tpu.memory_space<vmem>>, vector<1x1x16x128xf32>
      %get3A_2300 = vector.shape_cast %get3A_2299 : vector<1x1x16x128xf32> to vector<16x128xf32>
      %transpose3A = tpu.transpose %get3A_2270, [1, 0] : vector<16x128xf32> -> vector<128x16xf32>
      %broadcast_in_dim3A_2301 = vector.shape_cast %transpose3A : vector<128x16xf32> to vector<128x16x1xf32>
      %transpose3A_2302 = tpu.transpose %get3A_2276, [1, 0] : vector<16x128xf32> -> vector<128x16xf32>
      %broadcast_in_dim3A_2303 = vector.shape_cast %transpose3A_2302 : vector<128x16xf32> to vector<128x16x1xf32>
      %transpose3A_2304 = tpu.transpose %get3A_2282, [1, 0] : vector<16x128xf32> -> vector<128x16xf32>
      %broadcast_in_dim3A_2305 = vector.shape_cast %transpose3A_2304 : vector<128x16xf32> to vector<128x16x1xf32>
      %transpose3A_2306 = tpu.transpose %get3A_2288, [1, 0] : vector<16x128xf32> -> vector<128x16xf32>
      %broadcast_in_dim3A_2307 = vector.shape_cast %transpose3A_2306 : vector<128x16xf32> to vector<128x16x1xf32>
      %transpose3A_2308 = tpu.transpose %get3A_2294, [1, 0] : vector<16x128xf32> -> vector<128x16xf32>
      %broadcast_in_dim3A_2309 = vector.shape_cast %transpose3A_2308 : vector<128x16xf32> to vector<128x16x1xf32>
      %broadcast_in_dim3A_2310 = vector.shape_cast %get3A_2270 : vector<16x128xf32> to vector<1x16x128xf32>
      %broadcast_in_dim3A_2311 = vector.shape_cast %get3A_2276 : vector<16x128xf32> to vector<1x16x128xf32>
      %broadcast_in_dim3A_2312 = vector.shape_cast %get3A_2282 : vector<16x128xf32> to vector<1x16x128xf32>
      %broadcast_in_dim3A_2313 = vector.shape_cast %get3A_2288 : vector<16x128xf32> to vector<1x16x128xf32>
      %broadcast_in_dim3A_2314 = vector.shape_cast %get3A_2294 : vector<16x128xf32> to vector<1x16x128xf32>
      %max3A_2315 = vector.broadcast %broadcast_in_dim3A_2301 : vector<128x16x1xf32> to vector<128x16x128xf32>
      %max3A_2316 = vector.broadcast %broadcast_in_dim3A_2310 : vector<1x16x128xf32> to vector<128x16x128xf32>
      %max3A_2317 = arith.maximumf %max3A_2315, %max3A_2316 : vector<128x16x128xf32>
      %max3A_2318 = vector.broadcast %broadcast_in_dim3A_2303 : vector<128x16x1xf32> to vector<128x16x128xf32>
      %max3A_2319 = vector.broadcast %broadcast_in_dim3A_2311 : vector<1x16x128xf32> to vector<128x16x128xf32>
      %max3A_2320 = arith.maximumf %max3A_2318, %max3A_2319 : vector<128x16x128xf32>
      %min3A_2321 = vector.broadcast %broadcast_in_dim3A_2305 : vector<128x16x1xf32> to vector<128x16x128xf32>
      %min3A_2322 = vector.broadcast %broadcast_in_dim3A_2312 : vector<1x16x128xf32> to vector<128x16x128xf32>
      %min3A_2323 = arith.minimumf %min3A_2321, %min3A_2322 : vector<128x16x128xf32>
      %min3A_2324 = vector.broadcast %broadcast_in_dim3A_2307 : vector<128x16x1xf32> to vector<128x16x128xf32>
      %min3A_2325 = vector.broadcast %broadcast_in_dim3A_2313 : vector<1x16x128xf32> to vector<128x16x128xf32>
      %min3A_2326 = arith.minimumf %min3A_2324, %min3A_2325 : vector<128x16x128xf32>
      %sub3A_2327 = arith.subf %min3A_2323, %max3A_2317 : vector<128x16x128xf32>
      %max3A_2328 = arith.constant 0.000000e+00 : f32
      %max3A_2329 = vector.broadcast %max3A_2328 : f32 to vector<128x16x128xf32>
      %max3A_2330 = arith.maximumf %sub3A_2327, %max3A_2329 : vector<128x16x128xf32>
      %sub3A_2331 = arith.subf %min3A_2326, %max3A_2320 : vector<128x16x128xf32>
      %max3A_2332 = arith.constant 0.000000e+00 : f32
      %max3A_2333 = vector.broadcast %max3A_2332 : f32 to vector<128x16x128xf32>
      %max3A_2334 = arith.maximumf %sub3A_2331, %max3A_2333 : vector<128x16x128xf32>
      %mul3A_2335 = arith.mulf %max3A_2330, %max3A_2334 : vector<128x16x128xf32>
      %add3A_2336 = vector.broadcast %broadcast_in_dim3A_2309 : vector<128x16x1xf32> to vector<128x16x128xf32>
      %add3A_2337 = vector.broadcast %broadcast_in_dim3A_2314 : vector<1x16x128xf32> to vector<128x16x128xf32>
      %add3A_2338 = arith.addf %add3A_2336, %add3A_2337 : vector<128x16x128xf32>
      %sub3A_2339 = arith.subf %add3A_2338, %mul3A_2335 : vector<128x16x128xf32>
      %add3A_2340 = arith.constant 9.99999993E-9 : f32
      %add3A_2341 = vector.broadcast %add3A_2340 : f32 to vector<128x16x128xf32>
      %add3A_2342 = arith.addf %sub3A_2339, %add3A_2341 : vector<128x16x128xf32>
      %div3A = arith.divf %mul3A_2335, %add3A_2342 : vector<128x16x128xf32>
      %iota3A_2343 = tpu.iota {dimensions = array<i32: 0>} : vector<128x16x128xi32>
      %iota3A_2344 = tpu.iota {dimensions = array<i32: 2>} : vector<128x16x128xi32>
      %gt3A_2345 = arith.constant 8.000000e-01 : f32
      %gt3A_2346 = vector.broadcast %gt3A_2345 : f32 to vector<128x16x128xf32>
      %gt3A_2347 = arith.cmpf ogt, %div3A, %gt3A_2346 : vector<128x16x128xf32>
      %gt3A_2348 = arith.cmpi sgt, %iota3A_2344, %iota3A_2343 : vector<128x16x128xi32>
      %and3A_2349 = arith.andi %gt3A_2347, %gt3A_2348 : vector<128x16x128xi1>
      %convert_element_type3A_2350 = arith.extui %and3A_2349 : vector<128x16x128xi1> to vector<128x16x128xi32>
      %convert_element_type3A_2351 = arith.sitofp %convert_element_type3A_2350 : vector<128x16x128xi32> to vector<128x16x128xf32>
      %swap3A_2352 = arith.constant 0 : index
      %swap3A_2353 = arith.constant 0 : index
      %swap3A_2354 = arith.constant 0 : index
      %swap3A_2355 = vector.load %arg5[%swap3A_2352, %swap3A_2353, %swap3A_2354] : memref<128x16x128xf32, #tpu.memory_space<vmem>>, vector<128x16x128xf32>
      tpu.vector_store %arg5[%swap3A_2352, %swap3A_2353, %swap3A_2354], %convert_element_type3A_2351 {strides = array<i32>} : memref<128x16x128xf32, #tpu.memory_space<vmem>>, vector<128x16x128xf32>,
      %while3A = arith.constant 0 : i32
      %while3A_2356 = arith.subi %scan3A_2264, %while3A : i32
      %while3A_2357 = arith.addi %while3A, %while3A_2356 : i32
      %while3A_2358 = arith.constant 1 : i32
      %while3A_2359 = arith.divsi %while3A_2356, %while3A_2358 : i32
      %while3A_2360 = arith.muli %while3A_2359, %while3A_2358 : i32
      %while3A_2361 = arith.addi %while3A, %while3A_2360 : i32
      %while3A_2362 = arith.constant 1 : i32
      %while3A_2363 = scf.for %while3A_2376 = %while3A to %while3A_2361 step %while3A_2362 iter_args(%while3A_2377 = %get3A_2300) -> (vector<16x128xf32>)  : i32 {
        %get3A_2378 = arith.constant 0 : index
        %get3A_2379 = arith.index_cast %while3A_2376 : i32 to index
        %get3A_2380 = arith.constant 0 : index
        %get3A_2381 = arith.constant 0 : index
        %get3A_2382 = vector.load %arg4[%get3A_2378, %get3A_2379, %get3A_2380, %get3A_2381] : memref<7x8x16x128xf32, #tpu.memory_space<vmem>>, vector<1x1x16x128xf32>
        %get3A_2383 = vector.shape_cast %get3A_2382 : vector<1x1x16x128xf32> to vector<16x128xf32>
        %broadcast_in_dim3A_2384 = vector.shape_cast %get3A_2383 : vector<16x128xf32> to vector<16x128x1xf32>
        %get3A_2385 = arith.constant 1 : index
        %get3A_2386 = arith.index_cast %while3A_2376 : i32 to index
        %get3A_2387 = arith.constant 0 : index
        %get3A_2388 = arith.constant 0 : index
        %get3A_2389 = vector.load %arg4[%get3A_2385, %get3A_2386, %get3A_2387, %get3A_2388] : memref<7x8x16x128xf32, #tpu.memory_space<vmem>>, vector<1x1x16x128xf32>
        %get3A_2390 = vector.shape_cast %get3A_2389 : vector<1x1x16x128xf32> to vector<16x128xf32>
        %broadcast_in_dim3A_2391 = vector.shape_cast %get3A_2390 : vector<16x128xf32> to vector<16x128x1xf32>
        %get3A_2392 = arith.constant 2 : index
        %get3A_2393 = arith.index_cast %while3A_2376 : i32 to index
        %get3A_2394 = arith.constant 0 : index
        %get3A_2395 = arith.constant 0 : index
        %get3A_2396 = vector.load %arg4[%get3A_2392, %get3A_2393, %get3A_2394, %get3A_2395] : memref<7x8x16x128xf32, #tpu.memory_space<vmem>>, vector<1x1x16x128xf32>
        %get3A_2397 = vector.shape_cast %get3A_2396 : vector<1x1x16x128xf32> to vector<16x128xf32>
        %broadcast_in_dim3A_2398 = vector.shape_cast %get3A_2397 : vector<16x128xf32> to vector<16x128x1xf32>
        %get3A_2399 = arith.constant 3 : index
        %get3A_2400 = arith.index_cast %while3A_2376 : i32 to index
        %get3A_2401 = arith.constant 0 : index
        %get3A_2402 = arith.constant 0 : index
        %get3A_2403 = vector.load %arg4[%get3A_2399, %get3A_2400, %get3A_2401, %get3A_2402] : memref<7x8x16x128xf32, #tpu.memory_space<vmem>>, vector<1x1x16x128xf32>
        %get3A_2404 = vector.shape_cast %get3A_2403 : vector<1x1x16x128xf32> to vector<16x128xf32>
        %broadcast_in_dim3A_2405 = vector.shape_cast %get3A_2404 : vector<16x128xf32> to vector<16x128x1xf32>
        %get3A_2406 = arith.constant 6 : index
        %get3A_2407 = arith.index_cast %while3A_2376 : i32 to index
        %get3A_2408 = arith.constant 0 : index
        %get3A_2409 = arith.constant 0 : index
        %get3A_2410 = vector.load %arg4[%get3A_2406, %get3A_2407, %get3A_2408, %get3A_2409] : memref<7x8x16x128xf32, #tpu.memory_space<vmem>>, vector<1x1x16x128xf32>
        %get3A_2411 = vector.shape_cast %get3A_2410 : vector<1x1x16x128xf32> to vector<16x128xf32>
        %broadcast_in_dim3A_2412 = vector.shape_cast %get3A_2411 : vector<16x128xf32> to vector<16x128x1xf32>
        %get3A_2413 = arith.constant 5 : index
        %get3A_2414 = arith.index_cast %while3A_2376 : i32 to index
        %get3A_2415 = arith.constant 0 : index
        %get3A_2416 = arith.constant 0 : index
        %get3A_2417 = vector.load %arg4[%get3A_2413, %get3A_2414, %get3A_2415, %get3A_2416] : memref<7x8x16x128xf32, #tpu.memory_space<vmem>>, vector<1x1x16x128xf32>
        %get3A_2418 = vector.shape_cast %get3A_2417 : vector<1x1x16x128xf32> to vector<16x128xf32>
        %broadcast_in_dim3A_2419 = vector.shape_cast %get3A_2418 : vector<16x128xf32> to vector<16x128x1xf32>
        %broadcast_in_dim3A_2420 = vector.shape_cast %get3A_2270 : vector<16x128xf32> to vector<16x1x128xf32>
        %broadcast_in_dim3A_2421 = vector.shape_cast %get3A_2276 : vector<16x128xf32> to vector<16x1x128xf32>
        %broadcast_in_dim3A_2422 = vector.shape_cast %get3A_2282 : vector<16x128xf32> to vector<16x1x128xf32>
        %broadcast_in_dim3A_2423 = vector.shape_cast %get3A_2288 : vector<16x128xf32> to vector<16x1x128xf32>
        %broadcast_in_dim3A_2424 = vector.shape_cast %get3A_2294 : vector<16x128xf32> to vector<16x1x128xf32>
        %max3A_2425 = vector.broadcast %broadcast_in_dim3A_2384 : vector<16x128x1xf32> to vector<16x128x128xf32>
        %max3A_2426 = vector.broadcast %broadcast_in_dim3A_2420 : vector<16x1x128xf32> to vector<16x128x128xf32>
        %max3A_2427 = arith.maximumf %max3A_2425, %max3A_2426 : vector<16x128x128xf32>
        %max3A_2428 = vector.broadcast %broadcast_in_dim3A_2391 : vector<16x128x1xf32> to vector<16x128x128xf32>
        %max3A_2429 = vector.broadcast %broadcast_in_dim3A_2421 : vector<16x1x128xf32> to vector<16x128x128xf32>
        %max3A_2430 = arith.maximumf %max3A_2428, %max3A_2429 : vector<16x128x128xf32>
        %min3A_2431 = vector.broadcast %broadcast_in_dim3A_2398 : vector<16x128x1xf32> to vector<16x128x128xf32>
        %min3A_2432 = vector.broadcast %broadcast_in_dim3A_2422 : vector<16x1x128xf32> to vector<16x128x128xf32>
        %min3A_2433 = arith.minimumf %min3A_2431, %min3A_2432 : vector<16x128x128xf32>
        %min3A_2434 = vector.broadcast %broadcast_in_dim3A_2405 : vector<16x128x1xf32> to vector<16x128x128xf32>
        %min3A_2435 = vector.broadcast %broadcast_in_dim3A_2423 : vector<16x1x128xf32> to vector<16x128x128xf32>
        %min3A_2436 = arith.minimumf %min3A_2434, %min3A_2435 : vector<16x128x128xf32>
        %sub3A_2437 = arith.subf %min3A_2433, %max3A_2427 : vector<16x128x128xf32>
        %max3A_2438 = arith.constant 0.000000e+00 : f32
        %max3A_2439 = vector.broadcast %max3A_2438 : f32 to vector<16x128x128xf32>
        %max3A_2440 = arith.maximumf %sub3A_2437, %max3A_2439 : vector<16x128x128xf32>
        %sub3A_2441 = arith.subf %min3A_2436, %max3A_2430 : vector<16x128x128xf32>
        %max3A_2442 = arith.constant 0.000000e+00 : f32
        %max3A_2443 = vector.broadcast %max3A_2442 : f32 to vector<16x128x128xf32>
        %max3A_2444 = arith.maximumf %sub3A_2441, %max3A_2443 : vector<16x128x128xf32>
        %mul3A_2445 = arith.mulf %max3A_2440, %max3A_2444 : vector<16x128x128xf32>
        %add3A_2446 = vector.broadcast %broadcast_in_dim3A_2412 : vector<16x128x1xf32> to vector<16x128x128xf32>
        %add3A_2447 = vector.broadcast %broadcast_in_dim3A_2424 : vector<16x1x128xf32> to vector<16x128x128xf32>
        %add3A_2448 = arith.addf %add3A_2446, %add3A_2447 : vector<16x128x128xf32>
        %sub3A_2449 = arith.subf %add3A_2448, %mul3A_2445 : vector<16x128x128xf32>
        %add3A_2450 = arith.constant 9.99999993E-9 : f32
        %add3A_2451 = vector.broadcast %add3A_2450 : f32 to vector<16x128x128xf32>
        %add3A_2452 = arith.addf %sub3A_2449, %add3A_2451 : vector<16x128x128xf32>
        %div3A_2453 = arith.divf %mul3A_2445, %add3A_2452 : vector<16x128x128xf32>
        %gt3A_2454 = arith.constant 8.000000e-01 : f32
        %gt3A_2455 = vector.broadcast %gt3A_2454 : f32 to vector<16x128x128xf32>
        %gt3A_2456 = arith.cmpf ogt, %div3A_2453, %gt3A_2455 : vector<16x128x128xf32>
        %convert_element_type3A_2457 = arith.extui %gt3A_2456 : vector<16x128x128xi1> to vector<16x128x128xi32>
        %convert_element_type3A_2458 = arith.sitofp %convert_element_type3A_2457 : vector<16x128x128xi32> to vector<16x128x128xf32>
        %mul3A_2459 = vector.broadcast %broadcast_in_dim3A_2419 : vector<16x128x1xf32> to vector<16x128x128xf32>
        %mul3A_2460 = arith.mulf %convert_element_type3A_2458, %mul3A_2459 : vector<16x128x128xf32>
        %reduce_max3A = arith.constant dense<0xFF800000> : vector<16x128xf32>
        %reduce_max3A_2461 = vector.multi_reduction <maximumf>, %mul3A_2460, %reduce_max3A [1] : vector<16x128x128xf32> to vector<16x128xf32>
        %sub3A_2462 = arith.constant 1.000000e+00 : f32
        %sub3A_2463 = vector.broadcast %sub3A_2462 : f32 to vector<16x128xf32>
        %sub3A_2464 = arith.subf %sub3A_2463, %reduce_max3A_2461 : vector<16x128xf32>
        %mul3A_2465 = arith.mulf %while3A_2377, %sub3A_2464 : vector<16x128xf32>
        scf.yield %mul3A_2465 : vector<16x128xf32>
      }
      %while3A_2364 = arith.constant 1 : i32
      %while3A_2365 = scf.for %while3A_2376 = %while3A_2361 to %while3A_2357 step %while3A_2364 iter_args(%while3A_2377 = %while3A_2363) -> (vector<16x128xf32>)  : i32 {
        %get3A_2378 = arith.constant 0 : index
        %get3A_2379 = arith.index_cast %while3A_2376 : i32 to index
        %get3A_2380 = arith.constant 0 : index
        %get3A_2381 = arith.constant 0 : index
        %get3A_2382 = vector.load %arg4[%get3A_2378, %get3A_2379, %get3A_2380, %get3A_2381] : memref<7x8x16x128xf32, #tpu.memory_space<vmem>>, vector<1x1x16x128xf32>
        %get3A_2383 = vector.shape_cast %get3A_2382 : vector<1x1x16x128xf32> to vector<16x128xf32>
        %broadcast_in_dim3A_2384 = vector.shape_cast %get3A_2383 : vector<16x128xf32> to vector<16x128x1xf32>
        %get3A_2385 = arith.constant 1 : index
        %get3A_2386 = arith.index_cast %while3A_2376 : i32 to index
        %get3A_2387 = arith.constant 0 : index
        %get3A_2388 = arith.constant 0 : index
        %get3A_2389 = vector.load %arg4[%get3A_2385, %get3A_2386, %get3A_2387, %get3A_2388] : memref<7x8x16x128xf32, #tpu.memory_space<vmem>>, vector<1x1x16x128xf32>
        %get3A_2390 = vector.shape_cast %get3A_2389 : vector<1x1x16x128xf32> to vector<16x128xf32>
        %broadcast_in_dim3A_2391 = vector.shape_cast %get3A_2390 : vector<16x128xf32> to vector<16x128x1xf32>
        %get3A_2392 = arith.constant 2 : index
        %get3A_2393 = arith.index_cast %while3A_2376 : i32 to index
        %get3A_2394 = arith.constant 0 : index
        %get3A_2395 = arith.constant 0 : index
        %get3A_2396 = vector.load %arg4[%get3A_2392, %get3A_2393, %get3A_2394, %get3A_2395] : memref<7x8x16x128xf32, #tpu.memory_space<vmem>>, vector<1x1x16x128xf32>
        %get3A_2397 = vector.shape_cast %get3A_2396 : vector<1x1x16x128xf32> to vector<16x128xf32>
        %broadcast_in_dim3A_2398 = vector.shape_cast %get3A_2397 : vector<16x128xf32> to vector<16x128x1xf32>
        %get3A_2399 = arith.constant 3 : index
        %get3A_2400 = arith.index_cast %while3A_2376 : i32 to index
        %get3A_2401 = arith.constant 0 : index
        %get3A_2402 = arith.constant 0 : index
        %get3A_2403 = vector.load %arg4[%get3A_2399, %get3A_2400, %get3A_2401, %get3A_2402] : memref<7x8x16x128xf32, #tpu.memory_space<vmem>>, vector<1x1x16x128xf32>
        %get3A_2404 = vector.shape_cast %get3A_2403 : vector<1x1x16x128xf32> to vector<16x128xf32>
        %broadcast_in_dim3A_2405 = vector.shape_cast %get3A_2404 : vector<16x128xf32> to vector<16x128x1xf32>
        %get3A_2406 = arith.constant 6 : index
        %get3A_2407 = arith.index_cast %while3A_2376 : i32 to index
        %get3A_2408 = arith.constant 0 : index
        %get3A_2409 = arith.constant 0 : index
        %get3A_2410 = vector.load %arg4[%get3A_2406, %get3A_2407, %get3A_2408, %get3A_2409] : memref<7x8x16x128xf32, #tpu.memory_space<vmem>>, vector<1x1x16x128xf32>
        %get3A_2411 = vector.shape_cast %get3A_2410 : vector<1x1x16x128xf32> to vector<16x128xf32>
        %broadcast_in_dim3A_2412 = vector.shape_cast %get3A_2411 : vector<16x128xf32> to vector<16x128x1xf32>
        %get3A_2413 = arith.constant 5 : index
        %get3A_2414 = arith.index_cast %while3A_2376 : i32 to index
        %get3A_2415 = arith.constant 0 : index
        %get3A_2416 = arith.constant 0 : index
        %get3A_2417 = vector.load %arg4[%get3A_2413, %get3A_2414, %get3A_2415, %get3A_2416] : memref<7x8x16x128xf32, #tpu.memory_space<vmem>>, vector<1x1x16x128xf32>
        %get3A_2418 = vector.shape_cast %get3A_2417 : vector<1x1x16x128xf32> to vector<16x128xf32>
        %broadcast_in_dim3A_2419 = vector.shape_cast %get3A_2418 : vector<16x128xf32> to vector<16x128x1xf32>
        %broadcast_in_dim3A_2420 = vector.shape_cast %get3A_2270 : vector<16x128xf32> to vector<16x1x128xf32>
        %broadcast_in_dim3A_2421 = vector.shape_cast %get3A_2276 : vector<16x128xf32> to vector<16x1x128xf32>
        %broadcast_in_dim3A_2422 = vector.shape_cast %get3A_2282 : vector<16x128xf32> to vector<16x1x128xf32>
        %broadcast_in_dim3A_2423 = vector.shape_cast %get3A_2288 : vector<16x128xf32> to vector<16x1x128xf32>
        %broadcast_in_dim3A_2424 = vector.shape_cast %get3A_2294 : vector<16x128xf32> to vector<16x1x128xf32>
        %max3A_2425 = vector.broadcast %broadcast_in_dim3A_2384 : vector<16x128x1xf32> to vector<16x128x128xf32>
        %max3A_2426 = vector.broadcast %broadcast_in_dim3A_2420 : vector<16x1x128xf32> to vector<16x128x128xf32>
        %max3A_2427 = arith.maximumf %max3A_2425, %max3A_2426 : vector<16x128x128xf32>
        %max3A_2428 = vector.broadcast %broadcast_in_dim3A_2391 : vector<16x128x1xf32> to vector<16x128x128xf32>
        %max3A_2429 = vector.broadcast %broadcast_in_dim3A_2421 : vector<16x1x128xf32> to vector<16x128x128xf32>
        %max3A_2430 = arith.maximumf %max3A_2428, %max3A_2429 : vector<16x128x128xf32>
        %min3A_2431 = vector.broadcast %broadcast_in_dim3A_2398 : vector<16x128x1xf32> to vector<16x128x128xf32>
        %min3A_2432 = vector.broadcast %broadcast_in_dim3A_2422 : vector<16x1x128xf32> to vector<16x128x128xf32>
        %min3A_2433 = arith.minimumf %min3A_2431, %min3A_2432 : vector<16x128x128xf32>
        %min3A_2434 = vector.broadcast %broadcast_in_dim3A_2405 : vector<16x128x1xf32> to vector<16x128x128xf32>
        %min3A_2435 = vector.broadcast %broadcast_in_dim3A_2423 : vector<16x1x128xf32> to vector<16x128x128xf32>
        %min3A_2436 = arith.minimumf %min3A_2434, %min3A_2435 : vector<16x128x128xf32>
        %sub3A_2437 = arith.subf %min3A_2433, %max3A_2427 : vector<16x128x128xf32>
        %max3A_2438 = arith.constant 0.000000e+00 : f32
        %max3A_2439 = vector.broadcast %max3A_2438 : f32 to vector<16x128x128xf32>
        %max3A_2440 = arith.maximumf %sub3A_2437, %max3A_2439 : vector<16x128x128xf32>
        %sub3A_2441 = arith.subf %min3A_2436, %max3A_2430 : vector<16x128x128xf32>
        %max3A_2442 = arith.constant 0.000000e+00 : f32
        %max3A_2443 = vector.broadcast %max3A_2442 : f32 to vector<16x128x128xf32>
        %max3A_2444 = arith.maximumf %sub3A_2441, %max3A_2443 : vector<16x128x128xf32>
        %mul3A_2445 = arith.mulf %max3A_2440, %max3A_2444 : vector<16x128x128xf32>
        %add3A_2446 = vector.broadcast %broadcast_in_dim3A_2412 : vector<16x128x1xf32> to vector<16x128x128xf32>
        %add3A_2447 = vector.broadcast %broadcast_in_dim3A_2424 : vector<16x1x128xf32> to vector<16x128x128xf32>
        %add3A_2448 = arith.addf %add3A_2446, %add3A_2447 : vector<16x128x128xf32>
        %sub3A_2449 = arith.subf %add3A_2448, %mul3A_2445 : vector<16x128x128xf32>
        %add3A_2450 = arith.constant 9.99999993E-9 : f32
        %add3A_2451 = vector.broadcast %add3A_2450 : f32 to vector<16x128x128xf32>
        %add3A_2452 = arith.addf %sub3A_2449, %add3A_2451 : vector<16x128x128xf32>
        %div3A_2453 = arith.divf %mul3A_2445, %add3A_2452 : vector<16x128x128xf32>
        %gt3A_2454 = arith.constant 8.000000e-01 : f32
        %gt3A_2455 = vector.broadcast %gt3A_2454 : f32 to vector<16x128x128xf32>
        %gt3A_2456 = arith.cmpf ogt, %div3A_2453, %gt3A_2455 : vector<16x128x128xf32>
        %convert_element_type3A_2457 = arith.extui %gt3A_2456 : vector<16x128x128xi1> to vector<16x128x128xi32>
        %convert_element_type3A_2458 = arith.sitofp %convert_element_type3A_2457 : vector<16x128x128xi32> to vector<16x128x128xf32>
        %mul3A_2459 = vector.broadcast %broadcast_in_dim3A_2419 : vector<16x128x1xf32> to vector<16x128x128xf32>
        %mul3A_2460 = arith.mulf %convert_element_type3A_2458, %mul3A_2459 : vector<16x128x128xf32>
        %reduce_max3A = arith.constant dense<0xFF800000> : vector<16x128xf32>
        %reduce_max3A_2461 = vector.multi_reduction <maximumf>, %mul3A_2460, %reduce_max3A [1] : vector<16x128x128xf32> to vector<16x128xf32>
        %sub3A_2462 = arith.constant 1.000000e+00 : f32
        %sub3A_2463 = vector.broadcast %sub3A_2462 : f32 to vector<16x128xf32>
        %sub3A_2464 = arith.subf %sub3A_2463, %reduce_max3A_2461 : vector<16x128xf32>
        %mul3A_2465 = arith.mulf %while3A_2377, %sub3A_2464 : vector<16x128xf32>
        scf.yield %mul3A_2465 : vector<16x128xf32>
      }
      %while3A_2366 = arith.constant true
      %while3A_2367 = arith.constant 0 : i32
      %while3A_2368:3 = scf.while (%while3A_2376 = %while3A_2365, %while3A_2377 = %while3A_2366, %while3A_2378 = %while3A_2367) : (vector<16x128xf32>, i1, i32) -> (vector<16x128xf32>, i1, i32) {
        scf.condition(%while3A_2377) %while3A_2376, %while3A_2377, %while3A_2378 : vector<16x128xf32>, i1, i32
      } do {
      ^bb0(%while3A_2376: vector<16x128xf32>, %while3A_2377: i1, %while3A_2378: i32):
        %transpose3A_2379 = tpu.transpose %while3A_2376, [1, 0] : vector<16x128xf32> -> vector<128x16xf32>
        %broadcast_in_dim3A_2380 = vector.shape_cast %transpose3A_2379 : vector<128x16xf32> to vector<128x16x1xf32>
        %get3A_2381 = arith.constant 0 : index
        %get3A_2382 = arith.constant 0 : index
        %get3A_2383 = arith.constant 0 : index
        %get3A_2384 = vector.load %arg5[%get3A_2381, %get3A_2382, %get3A_2383] : memref<128x16x128xf32, #tpu.memory_space<vmem>>, vector<128x16x128xf32>
        %mul3A_2385 = vector.broadcast %broadcast_in_dim3A_2380 : vector<128x16x1xf32> to vector<128x16x128xf32>
        %mul3A_2386 = arith.mulf %get3A_2384, %mul3A_2385 : vector<128x16x128xf32>
        %reduce_max3A = arith.constant dense<0xFF800000> : vector<16x128xf32>
        %reduce_max3A_2387 = vector.multi_reduction <maximumf>, %mul3A_2386, %reduce_max3A [0] : vector<128x16x128xf32> to vector<16x128xf32>
        %sub3A_2388 = arith.constant 1.000000e+00 : f32
        %sub3A_2389 = vector.broadcast %sub3A_2388 : f32 to vector<16x128xf32>
        %sub3A_2390 = arith.subf %sub3A_2389, %reduce_max3A_2387 : vector<16x128xf32>
        %mul3A_2391 = arith.mulf %while3A_2365, %sub3A_2390 : vector<16x128xf32>
        %ne3A = arith.cmpf one, %mul3A_2391, %while3A_2376 : vector<16x128xf32>
        %reduce_or3A = arith.constant 1.000000e+00 : f32
        %reduce_or3A_2392 = arith.constant 0.000000e+00 : f32
        %reduce_or3A_2393 = vector.broadcast %reduce_or3A : f32 to vector<16x128xf32>
        %reduce_or3A_2394 = vector.broadcast %reduce_or3A_2392 : f32 to vector<16x128xf32>
        %reduce_or3A_2395 = arith.select %ne3A, %reduce_or3A_2393, %reduce_or3A_2394 : vector<16x128xi1>, vector<16x128xf32>
        %reduce_or3A_2396 = vector.shape_cast %reduce_or3A_2395 : vector<16x128xf32> to vector<1x16x128xf32>
        %reduce_or3A_2397 = arith.constant dense<0xFF800000> : vector<1xf32>
        %reduce_or3A_2398 = vector.multi_reduction <maximumf>, %reduce_or3A_2396, %reduce_or3A_2397 [1, 2] : vector<1x16x128xf32> to vector<1xf32>
        %reduce_or3A_2399 = vector.shape_cast %reduce_or3A_2398 : vector<1xf32> to vector<1x1x1xf32>
        %reduce_or3A_2400 = vector.extract %reduce_or3A_2399[0, 0, 0] : f32 from vector<1x1x1xf32>
        %reduce_or3A_2401 = arith.constant 0.000000e+00 : f32
        %reduce_or3A_2402 = arith.cmpf ogt, %reduce_or3A_2400, %reduce_or3A_2401 : f32
        %add3A_2403 = arith.constant 1 : i32
        %add3A_2404 = arith.addi %while3A_2378, %add3A_2403 : i32
        scf.yield %mul3A_2391, %reduce_or3A_2402, %add3A_2404 : vector<16x128xf32>, i1, i32
      }
      %swap3A_2369 = arith.constant 5 : index
      %swap3A_2370 = arith.index_cast %scan3A_2264 : i32 to index
      %swap3A_2371 = arith.constant 0 : index
      %swap3A_2372 = arith.constant 0 : index
      %swap3A_2373 = vector.load %arg4[%swap3A_2369, %swap3A_2370, %swap3A_2371, %swap3A_2372] : memref<7x8x16x128xf32, #tpu.memory_space<vmem>>, vector<1x1x16x128xf32>
      %swap3A_2374 = vector.shape_cast %swap3A_2373 : vector<1x1x16x128xf32> to vector<16x128xf32>
      %swap3A_2375 = vector.shape_cast %while3A_2368#0 : vector<16x128xf32> to vector<1x1x16x128xf32>
      tpu.vector_store %arg4[%swap3A_2369, %swap3A_2370, %swap3A_2371, %swap3A_2372], %swap3A_2375 {strides = array<i32>} : memref<7x8x16x128xf32, #tpu.memory_space<vmem>>, vector<1x1x16x128xf32>,
    }
    %scan3A_1728 = arith.constant 8 : i32
    %get3A_1729 = arith.constant 5 : index
    %get3A_1730 = arith.constant 0 : index
    %get3A_1731 = arith.constant 0 : index
    %get3A_1732 = arith.constant 0 : index
    %get3A_1733 = vector.load %arg4[%get3A_1729, %get3A_1730, %get3A_1731, %get3A_1732] : memref<7x8x16x128xf32, #tpu.memory_space<vmem>>, vector<1x1x16x128xf32>
    %get3A_1734 = vector.shape_cast %get3A_1733 : vector<1x1x16x128xf32> to vector<16x128xf32>
    %get3A_1735 = arith.constant 5 : index
    %get3A_1736 = arith.constant 1 : index
    %get3A_1737 = arith.constant 0 : index
    %get3A_1738 = arith.constant 0 : index
    %get3A_1739 = vector.load %arg4[%get3A_1735, %get3A_1736, %get3A_1737, %get3A_1738] : memref<7x8x16x128xf32, #tpu.memory_space<vmem>>, vector<1x1x16x128xf32>
    %get3A_1740 = vector.shape_cast %get3A_1739 : vector<1x1x16x128xf32> to vector<16x128xf32>
    %get3A_1741 = arith.constant 5 : index
    %get3A_1742 = arith.constant 2 : index
    %get3A_1743 = arith.constant 0 : index
    %get3A_1744 = arith.constant 0 : index
    %get3A_1745 = vector.load %arg4[%get3A_1741, %get3A_1742, %get3A_1743, %get3A_1744] : memref<7x8x16x128xf32, #tpu.memory_space<vmem>>, vector<1x1x16x128xf32>
    %get3A_1746 = vector.shape_cast %get3A_1745 : vector<1x1x16x128xf32> to vector<16x128xf32>
    %get3A_1747 = arith.constant 5 : index
    %get3A_1748 = arith.constant 3 : index
    %get3A_1749 = arith.constant 0 : index
    %get3A_1750 = arith.constant 0 : index
    %get3A_1751 = vector.load %arg4[%get3A_1747, %get3A_1748, %get3A_1749, %get3A_1750] : memref<7x8x16x128xf32, #tpu.memory_space<vmem>>, vector<1x1x16x128xf32>
    %get3A_1752 = vector.shape_cast %get3A_1751 : vector<1x1x16x128xf32> to vector<16x128xf32>
    %get3A_1753 = arith.constant 5 : index
    %get3A_1754 = arith.constant 4 : index
    %get3A_1755 = arith.constant 0 : index
    %get3A_1756 = arith.constant 0 : index
    %get3A_1757 = vector.load %arg4[%get3A_1753, %get3A_1754, %get3A_1755, %get3A_1756] : memref<7x8x16x128xf32, #tpu.memory_space<vmem>>, vector<1x1x16x128xf32>
    %get3A_1758 = vector.shape_cast %get3A_1757 : vector<1x1x16x128xf32> to vector<16x128xf32>
    %get3A_1759 = arith.constant 5 : index
    %get3A_1760 = arith.constant 5 : index
    %get3A_1761 = arith.constant 0 : index
    %get3A_1762 = arith.constant 0 : index
    %get3A_1763 = vector.load %arg4[%get3A_1759, %get3A_1760, %get3A_1761, %get3A_1762] : memref<7x8x16x128xf32, #tpu.memory_space<vmem>>, vector<1x1x16x128xf32>
    %get3A_1764 = vector.shape_cast %get3A_1763 : vector<1x1x16x128xf32> to vector<16x128xf32>
    %get3A_1765 = arith.constant 5 : index
    %get3A_1766 = arith.constant 6 : index
    %get3A_1767 = arith.constant 0 : index
    %get3A_1768 = arith.constant 0 : index
    %get3A_1769 = vector.load %arg4[%get3A_1765, %get3A_1766, %get3A_1767, %get3A_1768] : memref<7x8x16x128xf32, #tpu.memory_space<vmem>>, vector<1x1x16x128xf32>
    %get3A_1770 = vector.shape_cast %get3A_1769 : vector<1x1x16x128xf32> to vector<16x128xf32>
    %get3A_1771 = arith.constant 5 : index
    %get3A_1772 = arith.constant 7 : index
    %get3A_1773 = arith.constant 0 : index
    %get3A_1774 = arith.constant 0 : index
    %get3A_1775 = vector.load %arg4[%get3A_1771, %get3A_1772, %get3A_1773, %get3A_1774] : memref<7x8x16x128xf32, #tpu.memory_space<vmem>>, vector<1x1x16x128xf32>
    %get3A_1776 = vector.shape_cast %get3A_1775 : vector<1x1x16x128xf32> to vector<16x128xf32>
    %concatenate3A = tpu.concatenate %get3A_1734, %get3A_1740, %get3A_1746, %get3A_1752, %get3A_1758, %get3A_1764, %get3A_1770, %get3A_1776 in 1 : vector<16x128xf32>, vector<16x128xf32>, vector<16x128xf32>, vector<16x128xf32>, vector<16x128xf32>, vector<16x128xf32>, vector<16x128xf32>, vector<16x128xf32> -> vector<16x1024xf32>
    %ge3A = arith.constant 1 : i32
    %ge3A_1777 = vector.broadcast %ge3A : i32 to vector<16x1024xi32>
    %ge3A_1778 = arith.cmpi sge, %iota3A, %ge3A_1777 : vector<16x1024xi32>
    %roll3A = arith.constant 1 : i32
    %roll3A_1779 = tpu.dynamic_rotate %concatenate3A by %roll3A dim 1 : vector<16x1024xf32>, i32 -> vector<16x1024xf32>
    %jit3A_1780 = arith.constant 0.000000e+00 : f32
    %broadcast_in_dim3A_1781 = vector.broadcast %jit3A_1780 : f32 to vector<16x1024xf32>
    %select_n3A_1782 = arith.select %ge3A_1778, %roll3A_1779, %broadcast_in_dim3A_1781 : vector<16x1024xi1>, vector<16x1024xf32>
    %add3A_1783 = arith.addf %concatenate3A, %select_n3A_1782 : vector<16x1024xf32>
    %ge3A_1784 = arith.constant 2 : i32
    %ge3A_1785 = vector.broadcast %ge3A_1784 : i32 to vector<16x1024xi32>
    %ge3A_1786 = arith.cmpi sge, %iota3A, %ge3A_1785 : vector<16x1024xi32>
    %roll3A_1787 = arith.constant 2 : i32
    %roll3A_1788 = tpu.dynamic_rotate %add3A_1783 by %roll3A_1787 dim 1 : vector<16x1024xf32>, i32 -> vector<16x1024xf32>
    %jit3A_1789 = arith.constant 0.000000e+00 : f32
    %broadcast_in_dim3A_1790 = vector.broadcast %jit3A_1789 : f32 to vector<16x1024xf32>
    %select_n3A_1791 = arith.select %ge3A_1786, %roll3A_1788, %broadcast_in_dim3A_1790 : vector<16x1024xi1>, vector<16x1024xf32>
    %add3A_1792 = arith.addf %add3A_1783, %select_n3A_1791 : vector<16x1024xf32>
    %ge3A_1793 = arith.constant 4 : i32
    %ge3A_1794 = vector.broadcast %ge3A_1793 : i32 to vector<16x1024xi32>
    %ge3A_1795 = arith.cmpi sge, %iota3A, %ge3A_1794 : vector<16x1024xi32>
    %roll3A_1796 = arith.constant 4 : i32
    %roll3A_1797 = tpu.dynamic_rotate %add3A_1792 by %roll3A_1796 dim 1 : vector<16x1024xf32>, i32 -> vector<16x1024xf32>
    %jit3A_1798 = arith.constant 0.000000e+00 : f32
    %broadcast_in_dim3A_1799 = vector.broadcast %jit3A_1798 : f32 to vector<16x1024xf32>
    %select_n3A_1800 = arith.select %ge3A_1795, %roll3A_1797, %broadcast_in_dim3A_1799 : vector<16x1024xi1>, vector<16x1024xf32>
    %add3A_1801 = arith.addf %add3A_1792, %select_n3A_1800 : vector<16x1024xf32>
    %ge3A_1802 = arith.constant 8 : i32
    %ge3A_1803 = vector.broadcast %ge3A_1802 : i32 to vector<16x1024xi32>
    %ge3A_1804 = arith.cmpi sge, %iota3A, %ge3A_1803 : vector<16x1024xi32>
    %roll3A_1805 = arith.constant 8 : i32
    %roll3A_1806 = tpu.dynamic_rotate %add3A_1801 by %roll3A_1805 dim 1 : vector<16x1024xf32>, i32 -> vector<16x1024xf32>
    %jit3A_1807 = arith.constant 0.000000e+00 : f32
    %broadcast_in_dim3A_1808 = vector.broadcast %jit3A_1807 : f32 to vector<16x1024xf32>
    %select_n3A_1809 = arith.select %ge3A_1804, %roll3A_1806, %broadcast_in_dim3A_1808 : vector<16x1024xi1>, vector<16x1024xf32>
    %add3A_1810 = arith.addf %add3A_1801, %select_n3A_1809 : vector<16x1024xf32>
    %ge3A_1811 = arith.constant 16 : i32
    %ge3A_1812 = vector.broadcast %ge3A_1811 : i32 to vector<16x1024xi32>
    %ge3A_1813 = arith.cmpi sge, %iota3A, %ge3A_1812 : vector<16x1024xi32>
    %roll3A_1814 = arith.constant 16 : i32
    %roll3A_1815 = tpu.dynamic_rotate %add3A_1810 by %roll3A_1814 dim 1 : vector<16x1024xf32>, i32 -> vector<16x1024xf32>
    %jit3A_1816 = arith.constant 0.000000e+00 : f32
    %broadcast_in_dim3A_1817 = vector.broadcast %jit3A_1816 : f32 to vector<16x1024xf32>
    %select_n3A_1818 = arith.select %ge3A_1813, %roll3A_1815, %broadcast_in_dim3A_1817 : vector<16x1024xi1>, vector<16x1024xf32>
    %add3A_1819 = arith.addf %add3A_1810, %select_n3A_1818 : vector<16x1024xf32>
    %ge3A_1820 = arith.constant 32 : i32
    %ge3A_1821 = vector.broadcast %ge3A_1820 : i32 to vector<16x1024xi32>
    %ge3A_1822 = arith.cmpi sge, %iota3A, %ge3A_1821 : vector<16x1024xi32>
    %roll3A_1823 = arith.constant 32 : i32
    %roll3A_1824 = tpu.dynamic_rotate %add3A_1819 by %roll3A_1823 dim 1 : vector<16x1024xf32>, i32 -> vector<16x1024xf32>
    %jit3A_1825 = arith.constant 0.000000e+00 : f32
    %broadcast_in_dim3A_1826 = vector.broadcast %jit3A_1825 : f32 to vector<16x1024xf32>
    %select_n3A_1827 = arith.select %ge3A_1822, %roll3A_1824, %broadcast_in_dim3A_1826 : vector<16x1024xi1>, vector<16x1024xf32>
    %add3A_1828 = arith.addf %add3A_1819, %select_n3A_1827 : vector<16x1024xf32>
    %ge3A_1829 = arith.constant 64 : i32
    %ge3A_1830 = vector.broadcast %ge3A_1829 : i32 to vector<16x1024xi32>
    %ge3A_1831 = arith.cmpi sge, %iota3A, %ge3A_1830 : vector<16x1024xi32>
    %roll3A_1832 = arith.constant 64 : i32
    %roll3A_1833 = tpu.dynamic_rotate %add3A_1828 by %roll3A_1832 dim 1 : vector<16x1024xf32>, i32 -> vector<16x1024xf32>
    %jit3A_1834 = arith.constant 0.000000e+00 : f32
    %broadcast_in_dim3A_1835 = vector.broadcast %jit3A_1834 : f32 to vector<16x1024xf32>
    %select_n3A_1836 = arith.select %ge3A_1831, %roll3A_1833, %broadcast_in_dim3A_1835 : vector<16x1024xi1>, vector<16x1024xf32>
    %add3A_1837 = arith.addf %add3A_1828, %select_n3A_1836 : vector<16x1024xf32>
    %ge3A_1838 = arith.constant 128 : i32
    %ge3A_1839 = vector.broadcast %ge3A_1838 : i32 to vector<16x1024xi32>
    %ge3A_1840 = arith.cmpi sge, %iota3A, %ge3A_1839 : vector<16x1024xi32>
    %roll3A_1841 = arith.constant 128 : i32
    %roll3A_1842 = tpu.dynamic_rotate %add3A_1837 by %roll3A_1841 dim 1 : vector<16x1024xf32>, i32 -> vector<16x1024xf32>
    %jit3A_1843 = arith.constant 0.000000e+00 : f32
    %broadcast_in_dim3A_1844 = vector.broadcast %jit3A_1843 : f32 to vector<16x1024xf32>
    %select_n3A_1845 = arith.select %ge3A_1840, %roll3A_1842, %broadcast_in_dim3A_1844 : vector<16x1024xi1>, vector<16x1024xf32>
    %add3A_1846 = arith.addf %add3A_1837, %select_n3A_1845 : vector<16x1024xf32>
    %ge3A_1847 = arith.constant 256 : i32
    %ge3A_1848 = vector.broadcast %ge3A_1847 : i32 to vector<16x1024xi32>
    %ge3A_1849 = arith.cmpi sge, %iota3A, %ge3A_1848 : vector<16x1024xi32>
    %roll3A_1850 = arith.constant 256 : i32
    %roll3A_1851 = tpu.dynamic_rotate %add3A_1846 by %roll3A_1850 dim 1 : vector<16x1024xf32>, i32 -> vector<16x1024xf32>
    %jit3A_1852 = arith.constant 0.000000e+00 : f32
    %broadcast_in_dim3A_1853 = vector.broadcast %jit3A_1852 : f32 to vector<16x1024xf32>
    %select_n3A_1854 = arith.select %ge3A_1849, %roll3A_1851, %broadcast_in_dim3A_1853 : vector<16x1024xi1>, vector<16x1024xf32>
    %add3A_1855 = arith.addf %add3A_1846, %select_n3A_1854 : vector<16x1024xf32>
    %ge3A_1856 = arith.constant 512 : i32
    %ge3A_1857 = vector.broadcast %ge3A_1856 : i32 to vector<16x1024xi32>
    %ge3A_1858 = arith.cmpi sge, %iota3A, %ge3A_1857 : vector<16x1024xi32>
    %roll3A_1859 = arith.constant 512 : i32
    %roll3A_1860 = tpu.dynamic_rotate %add3A_1855 by %roll3A_1859 dim 1 : vector<16x1024xf32>, i32 -> vector<16x1024xf32>
    %jit3A_1861 = arith.constant 0.000000e+00 : f32
    %broadcast_in_dim3A_1862 = vector.broadcast %jit3A_1861 : f32 to vector<16x1024xf32>
    %select_n3A_1863 = arith.select %ge3A_1858, %roll3A_1860, %broadcast_in_dim3A_1862 : vector<16x1024xi1>, vector<16x1024xf32>
    %add3A_1864 = arith.addf %add3A_1855, %select_n3A_1863 : vector<16x1024xf32>
    %gt3A = arith.constant 5.000000e-01 : f32
    %gt3A_1865 = vector.broadcast %gt3A : f32 to vector<16x1024xf32>
    %gt3A_1866 = arith.cmpf ogt, %concatenate3A, %gt3A_1865 : vector<16x1024xf32>
    %sub3A_1867 = arith.constant 1.000000e+00 : f32
    %sub3A_1868 = vector.broadcast %sub3A_1867 : f32 to vector<16x1024xf32>
    %sub3A_1869 = arith.subf %add3A_1864, %sub3A_1868 : vector<16x1024xf32>
    %jit3A_1870 = arith.constant -1.000000e+00 : f32
    %broadcast_in_dim3A_1871 = vector.broadcast %jit3A_1870 : f32 to vector<16x1024xf32>
    %select_n3A_1872 = arith.select %gt3A_1866, %sub3A_1869, %broadcast_in_dim3A_1871 : vector<16x1024xi1>, vector<16x1024xf32>
    %reduce_sum3A = arith.constant dense<0.000000e+00> : vector<16xf32>
    %reduce_sum3A_1873 = vector.multi_reduction <add>, %concatenate3A, %reduce_sum3A [1] : vector<16x1024xf32> to vector<16xf32>
    %broadcast_in_dim3A_1874 = vector.shape_cast %reduce_sum3A_1873 : vector<16xf32> to vector<16x1xf32>
    %iota3A_1875 = tpu.iota {dimensions = array<i32: 2>} : vector<16x128x256xi32>
    %convert_element_type3A_1876 = arith.sitofp %iota3A_1875 : vector<16x128x256xi32> to vector<16x128x256xf32>
    %broadcast_in_dim3A_1877 = arith.constant 0.000000e+00 : f32
    %broadcast_in_dim3A_1878 = vector.broadcast %broadcast_in_dim3A_1877 : f32 to vector<16x8x256xf32>
    %broadcast_in_dim3A_1879 = arith.constant 0.000000e+00 : f32
    %broadcast_in_dim3A_1880 = vector.broadcast %broadcast_in_dim3A_1879 : f32 to vector<16x3x128xf32>
    %slice3A_1881 = vector.extract_strided_slice %select_n3A_1872 {offsets = [0, 0], sizes = [16, 128], strides = [1, 1]} : vector<16x1024xf32> to vector<16x128xf32>
    %broadcast_in_dim3A_1882 = vector.shape_cast %slice3A_1881 : vector<16x128xf32> to vector<16x128x1xf32>
    %eq3A_1883 = vector.broadcast %broadcast_in_dim3A_1882 : vector<16x128x1xf32> to vector<16x128x256xf32>
    %eq3A_1884 = arith.cmpf oeq, %eq3A_1883, %convert_element_type3A_1876 : vector<16x128x256xf32>
    %convert_element_type3A_1885 = arith.extui %eq3A_1884 : vector<16x128x256xi1> to vector<16x128x256xi32>
    %convert_element_type3A_1886 = arith.sitofp %convert_element_type3A_1885 : vector<16x128x256xi32> to vector<16x128x256xf32>
    %get3A_1887 = arith.constant 0 : index
    %get3A_1888 = arith.constant 0 : index
    %get3A_1889 = arith.constant 0 : index
    %get3A_1890 = arith.constant 0 : index
    %get3A_1891 = vector.load %arg4[%get3A_1887, %get3A_1888, %get3A_1889, %get3A_1890] : memref<7x8x16x128xf32, #tpu.memory_space<vmem>>, vector<1x1x16x128xf32>
    %get3A_1892 = vector.shape_cast %get3A_1891 : vector<1x1x16x128xf32> to vector<16x128xf32>
    %broadcast_in_dim3A_1893 = vector.shape_cast %get3A_1892 : vector<16x128xf32> to vector<16x1x128xf32>
    %get3A_1894 = arith.constant 1 : index
    %get3A_1895 = arith.constant 0 : index
    %get3A_1896 = arith.constant 0 : index
    %get3A_1897 = arith.constant 0 : index
    %get3A_1898 = vector.load %arg4[%get3A_1894, %get3A_1895, %get3A_1896, %get3A_1897] : memref<7x8x16x128xf32, #tpu.memory_space<vmem>>, vector<1x1x16x128xf32>
    %get3A_1899 = vector.shape_cast %get3A_1898 : vector<1x1x16x128xf32> to vector<16x128xf32>
    %broadcast_in_dim3A_1900 = vector.shape_cast %get3A_1899 : vector<16x128xf32> to vector<16x1x128xf32>
    %get3A_1901 = arith.constant 2 : index
    %get3A_1902 = arith.constant 0 : index
    %get3A_1903 = arith.constant 0 : index
    %get3A_1904 = arith.constant 0 : index
    %get3A_1905 = vector.load %arg4[%get3A_1901, %get3A_1902, %get3A_1903, %get3A_1904] : memref<7x8x16x128xf32, #tpu.memory_space<vmem>>, vector<1x1x16x128xf32>
    %get3A_1906 = vector.shape_cast %get3A_1905 : vector<1x1x16x128xf32> to vector<16x128xf32>
    %broadcast_in_dim3A_1907 = vector.shape_cast %get3A_1906 : vector<16x128xf32> to vector<16x1x128xf32>
    %get3A_1908 = arith.constant 3 : index
    %get3A_1909 = arith.constant 0 : index
    %get3A_1910 = arith.constant 0 : index
    %get3A_1911 = arith.constant 0 : index
    %get3A_1912 = vector.load %arg4[%get3A_1908, %get3A_1909, %get3A_1910, %get3A_1911] : memref<7x8x16x128xf32, #tpu.memory_space<vmem>>, vector<1x1x16x128xf32>
    %get3A_1913 = vector.shape_cast %get3A_1912 : vector<1x1x16x128xf32> to vector<16x128xf32>
    %broadcast_in_dim3A_1914 = vector.shape_cast %get3A_1913 : vector<16x128xf32> to vector<16x1x128xf32>
    %get3A_1915 = arith.constant 4 : index
    %get3A_1916 = arith.constant 0 : index
    %get3A_1917 = arith.constant 0 : index
    %get3A_1918 = arith.constant 0 : index
    %get3A_1919 = vector.load %arg4[%get3A_1915, %get3A_1916, %get3A_1917, %get3A_1918] : memref<7x8x16x128xf32, #tpu.memory_space<vmem>>, vector<1x1x16x128xf32>
    %get3A_1920 = vector.shape_cast %get3A_1919 : vector<1x1x16x128xf32> to vector<16x128xf32>
    %broadcast_in_dim3A_1921 = vector.shape_cast %get3A_1920 : vector<16x128xf32> to vector<16x1x128xf32>
    %concatenate3A_1922 = tpu.concatenate %broadcast_in_dim3A_1893, %broadcast_in_dim3A_1900, %broadcast_in_dim3A_1907, %broadcast_in_dim3A_1914, %broadcast_in_dim3A_1921, %broadcast_in_dim3A_1880 in 1 : vector<16x1x128xf32>, vector<16x1x128xf32>, vector<16x1x128xf32>, vector<16x1x128xf32>, vector<16x1x128xf32>, vector<16x3x128xf32> -> vector<16x8x128xf32>
    %dot_general3A = arith.constant dense<0.000000e+00> : vector<16x8x256xf32>
    %dot_general3A_1923 = tpu.matmul %concatenate3A_1922, %convert_element_type3A_1886, %dot_general3A {dimension_numbers = #tpu.dot_dimension_numbers<[2], [1], [1], [2], [0, 0, 0, 1, 1, 2], [0], [0]>, transpose_lhs_hint = false} : vector<16x8x128xf32>, vector<16x128x256xf32>, vector<16x8x256xf32> -> vector<16x8x256xf32>
    %add3A_1924 = arith.addf %broadcast_in_dim3A_1878, %dot_general3A_1923 : vector<16x8x256xf32>
    %slice3A_1925 = vector.extract_strided_slice %select_n3A_1872 {offsets = [0, 128], sizes = [16, 128], strides = [1, 1]} : vector<16x1024xf32> to vector<16x128xf32>
    %broadcast_in_dim3A_1926 = vector.shape_cast %slice3A_1925 : vector<16x128xf32> to vector<16x128x1xf32>
    %eq3A_1927 = vector.broadcast %broadcast_in_dim3A_1926 : vector<16x128x1xf32> to vector<16x128x256xf32>
    %eq3A_1928 = arith.cmpf oeq, %eq3A_1927, %convert_element_type3A_1876 : vector<16x128x256xf32>
    %convert_element_type3A_1929 = arith.extui %eq3A_1928 : vector<16x128x256xi1> to vector<16x128x256xi32>
    %convert_element_type3A_1930 = arith.sitofp %convert_element_type3A_1929 : vector<16x128x256xi32> to vector<16x128x256xf32>
    %get3A_1931 = arith.constant 0 : index
    %get3A_1932 = arith.constant 1 : index
    %get3A_1933 = arith.constant 0 : index
    %get3A_1934 = arith.constant 0 : index
    %get3A_1935 = vector.load %arg4[%get3A_1931, %get3A_1932, %get3A_1933, %get3A_1934] : memref<7x8x16x128xf32, #tpu.memory_space<vmem>>, vector<1x1x16x128xf32>
    %get3A_1936 = vector.shape_cast %get3A_1935 : vector<1x1x16x128xf32> to vector<16x128xf32>
    %broadcast_in_dim3A_1937 = vector.shape_cast %get3A_1936 : vector<16x128xf32> to vector<16x1x128xf32>
    %get3A_1938 = arith.constant 1 : index
    %get3A_1939 = arith.constant 1 : index
    %get3A_1940 = arith.constant 0 : index
    %get3A_1941 = arith.constant 0 : index
    %get3A_1942 = vector.load %arg4[%get3A_1938, %get3A_1939, %get3A_1940, %get3A_1941] : memref<7x8x16x128xf32, #tpu.memory_space<vmem>>, vector<1x1x16x128xf32>
    %get3A_1943 = vector.shape_cast %get3A_1942 : vector<1x1x16x128xf32> to vector<16x128xf32>
    %broadcast_in_dim3A_1944 = vector.shape_cast %get3A_1943 : vector<16x128xf32> to vector<16x1x128xf32>
    %get3A_1945 = arith.constant 2 : index
    %get3A_1946 = arith.constant 1 : index
    %get3A_1947 = arith.constant 0 : index
    %get3A_1948 = arith.constant 0 : index
    %get3A_1949 = vector.load %arg4[%get3A_1945, %get3A_1946, %get3A_1947, %get3A_1948] : memref<7x8x16x128xf32, #tpu.memory_space<vmem>>, vector<1x1x16x128xf32>
    %get3A_1950 = vector.shape_cast %get3A_1949 : vector<1x1x16x128xf32> to vector<16x128xf32>
    %broadcast_in_dim3A_1951 = vector.shape_cast %get3A_1950 : vector<16x128xf32> to vector<16x1x128xf32>
    %get3A_1952 = arith.constant 3 : index
    %get3A_1953 = arith.constant 1 : index
    %get3A_1954 = arith.constant 0 : index
    %get3A_1955 = arith.constant 0 : index
    %get3A_1956 = vector.load %arg4[%get3A_1952, %get3A_1953, %get3A_1954, %get3A_1955] : memref<7x8x16x128xf32, #tpu.memory_space<vmem>>, vector<1x1x16x128xf32>
    %get3A_1957 = vector.shape_cast %get3A_1956 : vector<1x1x16x128xf32> to vector<16x128xf32>
    %broadcast_in_dim3A_1958 = vector.shape_cast %get3A_1957 : vector<16x128xf32> to vector<16x1x128xf32>
    %get3A_1959 = arith.constant 4 : index
    %get3A_1960 = arith.constant 1 : index
    %get3A_1961 = arith.constant 0 : index
    %get3A_1962 = arith.constant 0 : index
    %get3A_1963 = vector.load %arg4[%get3A_1959, %get3A_1960, %get3A_1961, %get3A_1962] : memref<7x8x16x128xf32, #tpu.memory_space<vmem>>, vector<1x1x16x128xf32>
    %get3A_1964 = vector.shape_cast %get3A_1963 : vector<1x1x16x128xf32> to vector<16x128xf32>
    %broadcast_in_dim3A_1965 = vector.shape_cast %get3A_1964 : vector<16x128xf32> to vector<16x1x128xf32>
    %concatenate3A_1966 = tpu.concatenate %broadcast_in_dim3A_1937, %broadcast_in_dim3A_1944, %broadcast_in_dim3A_1951, %broadcast_in_dim3A_1958, %broadcast_in_dim3A_1965, %broadcast_in_dim3A_1880 in 1 : vector<16x1x128xf32>, vector<16x1x128xf32>, vector<16x1x128xf32>, vector<16x1x128xf32>, vector<16x1x128xf32>, vector<16x3x128xf32> -> vector<16x8x128xf32>
    %dot_general3A_1967 = arith.constant dense<0.000000e+00> : vector<16x8x256xf32>
    %dot_general3A_1968 = tpu.matmul %concatenate3A_1966, %convert_element_type3A_1930, %dot_general3A_1967 {dimension_numbers = #tpu.dot_dimension_numbers<[2], [1], [1], [2], [0, 0, 0, 1, 1, 2], [0], [0]>, transpose_lhs_hint = false} : vector<16x8x128xf32>, vector<16x128x256xf32>, vector<16x8x256xf32> -> vector<16x8x256xf32>
    %add3A_1969 = arith.addf %add3A_1924, %dot_general3A_1968 : vector<16x8x256xf32>
    %slice3A_1970 = vector.extract_strided_slice %select_n3A_1872 {offsets = [0, 256], sizes = [16, 128], strides = [1, 1]} : vector<16x1024xf32> to vector<16x128xf32>
    %broadcast_in_dim3A_1971 = vector.shape_cast %slice3A_1970 : vector<16x128xf32> to vector<16x128x1xf32>
    %eq3A_1972 = vector.broadcast %broadcast_in_dim3A_1971 : vector<16x128x1xf32> to vector<16x128x256xf32>
    %eq3A_1973 = arith.cmpf oeq, %eq3A_1972, %convert_element_type3A_1876 : vector<16x128x256xf32>
    %convert_element_type3A_1974 = arith.extui %eq3A_1973 : vector<16x128x256xi1> to vector<16x128x256xi32>
    %convert_element_type3A_1975 = arith.sitofp %convert_element_type3A_1974 : vector<16x128x256xi32> to vector<16x128x256xf32>
    %get3A_1976 = arith.constant 0 : index
    %get3A_1977 = arith.constant 2 : index
    %get3A_1978 = arith.constant 0 : index
    %get3A_1979 = arith.constant 0 : index
    %get3A_1980 = vector.load %arg4[%get3A_1976, %get3A_1977, %get3A_1978, %get3A_1979] : memref<7x8x16x128xf32, #tpu.memory_space<vmem>>, vector<1x1x16x128xf32>
    %get3A_1981 = vector.shape_cast %get3A_1980 : vector<1x1x16x128xf32> to vector<16x128xf32>
    %broadcast_in_dim3A_1982 = vector.shape_cast %get3A_1981 : vector<16x128xf32> to vector<16x1x128xf32>
    %get3A_1983 = arith.constant 1 : index
    %get3A_1984 = arith.constant 2 : index
    %get3A_1985 = arith.constant 0 : index
    %get3A_1986 = arith.constant 0 : index
    %get3A_1987 = vector.load %arg4[%get3A_1983, %get3A_1984, %get3A_1985, %get3A_1986] : memref<7x8x16x128xf32, #tpu.memory_space<vmem>>, vector<1x1x16x128xf32>
    %get3A_1988 = vector.shape_cast %get3A_1987 : vector<1x1x16x128xf32> to vector<16x128xf32>
    %broadcast_in_dim3A_1989 = vector.shape_cast %get3A_1988 : vector<16x128xf32> to vector<16x1x128xf32>
    %get3A_1990 = arith.constant 2 : index
    %get3A_1991 = arith.constant 2 : index
    %get3A_1992 = arith.constant 0 : index
    %get3A_1993 = arith.constant 0 : index
    %get3A_1994 = vector.load %arg4[%get3A_1990, %get3A_1991, %get3A_1992, %get3A_1993] : memref<7x8x16x128xf32, #tpu.memory_space<vmem>>, vector<1x1x16x128xf32>
    %get3A_1995 = vector.shape_cast %get3A_1994 : vector<1x1x16x128xf32> to vector<16x128xf32>
    %broadcast_in_dim3A_1996 = vector.shape_cast %get3A_1995 : vector<16x128xf32> to vector<16x1x128xf32>
    %get3A_1997 = arith.constant 3 : index
    %get3A_1998 = arith.constant 2 : index
    %get3A_1999 = arith.constant 0 : index
    %get3A_2000 = arith.constant 0 : index
    %get3A_2001 = vector.load %arg4[%get3A_1997, %get3A_1998, %get3A_1999, %get3A_2000] : memref<7x8x16x128xf32, #tpu.memory_space<vmem>>, vector<1x1x16x128xf32>
    %get3A_2002 = vector.shape_cast %get3A_2001 : vector<1x1x16x128xf32> to vector<16x128xf32>
    %broadcast_in_dim3A_2003 = vector.shape_cast %get3A_2002 : vector<16x128xf32> to vector<16x1x128xf32>
    %get3A_2004 = arith.constant 4 : index
    %get3A_2005 = arith.constant 2 : index
    %get3A_2006 = arith.constant 0 : index
    %get3A_2007 = arith.constant 0 : index
    %get3A_2008 = vector.load %arg4[%get3A_2004, %get3A_2005, %get3A_2006, %get3A_2007] : memref<7x8x16x128xf32, #tpu.memory_space<vmem>>, vector<1x1x16x128xf32>
    %get3A_2009 = vector.shape_cast %get3A_2008 : vector<1x1x16x128xf32> to vector<16x128xf32>
    %broadcast_in_dim3A_2010 = vector.shape_cast %get3A_2009 : vector<16x128xf32> to vector<16x1x128xf32>
    %concatenate3A_2011 = tpu.concatenate %broadcast_in_dim3A_1982, %broadcast_in_dim3A_1989, %broadcast_in_dim3A_1996, %broadcast_in_dim3A_2003, %broadcast_in_dim3A_2010, %broadcast_in_dim3A_1880 in 1 : vector<16x1x128xf32>, vector<16x1x128xf32>, vector<16x1x128xf32>, vector<16x1x128xf32>, vector<16x1x128xf32>, vector<16x3x128xf32> -> vector<16x8x128xf32>
    %dot_general3A_2012 = arith.constant dense<0.000000e+00> : vector<16x8x256xf32>
    %dot_general3A_2013 = tpu.matmul %concatenate3A_2011, %convert_element_type3A_1975, %dot_general3A_2012 {dimension_numbers = #tpu.dot_dimension_numbers<[2], [1], [1], [2], [0, 0, 0, 1, 1, 2], [0], [0]>, transpose_lhs_hint = false} : vector<16x8x128xf32>, vector<16x128x256xf32>, vector<16x8x256xf32> -> vector<16x8x256xf32>
    %add3A_2014 = arith.addf %add3A_1969, %dot_general3A_2013 : vector<16x8x256xf32>
    %slice3A_2015 = vector.extract_strided_slice %select_n3A_1872 {offsets = [0, 384], sizes = [16, 128], strides = [1, 1]} : vector<16x1024xf32> to vector<16x128xf32>
    %broadcast_in_dim3A_2016 = vector.shape_cast %slice3A_2015 : vector<16x128xf32> to vector<16x128x1xf32>
    %eq3A_2017 = vector.broadcast %broadcast_in_dim3A_2016 : vector<16x128x1xf32> to vector<16x128x256xf32>
    %eq3A_2018 = arith.cmpf oeq, %eq3A_2017, %convert_element_type3A_1876 : vector<16x128x256xf32>
    %convert_element_type3A_2019 = arith.extui %eq3A_2018 : vector<16x128x256xi1> to vector<16x128x256xi32>
    %convert_element_type3A_2020 = arith.sitofp %convert_element_type3A_2019 : vector<16x128x256xi32> to vector<16x128x256xf32>
    %get3A_2021 = arith.constant 0 : index
    %get3A_2022 = arith.constant 3 : index
    %get3A_2023 = arith.constant 0 : index
    %get3A_2024 = arith.constant 0 : index
    %get3A_2025 = vector.load %arg4[%get3A_2021, %get3A_2022, %get3A_2023, %get3A_2024] : memref<7x8x16x128xf32, #tpu.memory_space<vmem>>, vector<1x1x16x128xf32>
    %get3A_2026 = vector.shape_cast %get3A_2025 : vector<1x1x16x128xf32> to vector<16x128xf32>
    %broadcast_in_dim3A_2027 = vector.shape_cast %get3A_2026 : vector<16x128xf32> to vector<16x1x128xf32>
    %get3A_2028 = arith.constant 1 : index
    %get3A_2029 = arith.constant 3 : index
    %get3A_2030 = arith.constant 0 : index
    %get3A_2031 = arith.constant 0 : index
    %get3A_2032 = vector.load %arg4[%get3A_2028, %get3A_2029, %get3A_2030, %get3A_2031] : memref<7x8x16x128xf32, #tpu.memory_space<vmem>>, vector<1x1x16x128xf32>
    %get3A_2033 = vector.shape_cast %get3A_2032 : vector<1x1x16x128xf32> to vector<16x128xf32>
    %broadcast_in_dim3A_2034 = vector.shape_cast %get3A_2033 : vector<16x128xf32> to vector<16x1x128xf32>
    %get3A_2035 = arith.constant 2 : index
    %get3A_2036 = arith.constant 3 : index
    %get3A_2037 = arith.constant 0 : index
    %get3A_2038 = arith.constant 0 : index
    %get3A_2039 = vector.load %arg4[%get3A_2035, %get3A_2036, %get3A_2037, %get3A_2038] : memref<7x8x16x128xf32, #tpu.memory_space<vmem>>, vector<1x1x16x128xf32>
    %get3A_2040 = vector.shape_cast %get3A_2039 : vector<1x1x16x128xf32> to vector<16x128xf32>
    %broadcast_in_dim3A_2041 = vector.shape_cast %get3A_2040 : vector<16x128xf32> to vector<16x1x128xf32>
    %get3A_2042 = arith.constant 3 : index
    %get3A_2043 = arith.constant 3 : index
    %get3A_2044 = arith.constant 0 : index
    %get3A_2045 = arith.constant 0 : index
    %get3A_2046 = vector.load %arg4[%get3A_2042, %get3A_2043, %get3A_2044, %get3A_2045] : memref<7x8x16x128xf32, #tpu.memory_space<vmem>>, vector<1x1x16x128xf32>
    %get3A_2047 = vector.shape_cast %get3A_2046 : vector<1x1x16x128xf32> to vector<16x128xf32>
    %broadcast_in_dim3A_2048 = vector.shape_cast %get3A_2047 : vector<16x128xf32> to vector<16x1x128xf32>
    %get3A_2049 = arith.constant 4 : index
    %get3A_2050 = arith.constant 3 : index
    %get3A_2051 = arith.constant 0 : index
    %get3A_2052 = arith.constant 0 : index
    %get3A_2053 = vector.load %arg4[%get3A_2049, %get3A_2050, %get3A_2051, %get3A_2052] : memref<7x8x16x128xf32, #tpu.memory_space<vmem>>, vector<1x1x16x128xf32>
    %get3A_2054 = vector.shape_cast %get3A_2053 : vector<1x1x16x128xf32> to vector<16x128xf32>
    %broadcast_in_dim3A_2055 = vector.shape_cast %get3A_2054 : vector<16x128xf32> to vector<16x1x128xf32>
    %concatenate3A_2056 = tpu.concatenate %broadcast_in_dim3A_2027, %broadcast_in_dim3A_2034, %broadcast_in_dim3A_2041, %broadcast_in_dim3A_2048, %broadcast_in_dim3A_2055, %broadcast_in_dim3A_1880 in 1 : vector<16x1x128xf32>, vector<16x1x128xf32>, vector<16x1x128xf32>, vector<16x1x128xf32>, vector<16x1x128xf32>, vector<16x3x128xf32> -> vector<16x8x128xf32>
    %dot_general3A_2057 = arith.constant dense<0.000000e+00> : vector<16x8x256xf32>
    %dot_general3A_2058 = tpu.matmul %concatenate3A_2056, %convert_element_type3A_2020, %dot_general3A_2057 {dimension_numbers = #tpu.dot_dimension_numbers<[2], [1], [1], [2], [0, 0, 0, 1, 1, 2], [0], [0]>, transpose_lhs_hint = false} : vector<16x8x128xf32>, vector<16x128x256xf32>, vector<16x8x256xf32> -> vector<16x8x256xf32>
    %add3A_2059 = arith.addf %add3A_2014, %dot_general3A_2058 : vector<16x8x256xf32>
    %slice3A_2060 = vector.extract_strided_slice %select_n3A_1872 {offsets = [0, 512], sizes = [16, 128], strides = [1, 1]} : vector<16x1024xf32> to vector<16x128xf32>
    %broadcast_in_dim3A_2061 = vector.shape_cast %slice3A_2060 : vector<16x128xf32> to vector<16x128x1xf32>
    %eq3A_2062 = vector.broadcast %broadcast_in_dim3A_2061 : vector<16x128x1xf32> to vector<16x128x256xf32>
    %eq3A_2063 = arith.cmpf oeq, %eq3A_2062, %convert_element_type3A_1876 : vector<16x128x256xf32>
    %convert_element_type3A_2064 = arith.extui %eq3A_2063 : vector<16x128x256xi1> to vector<16x128x256xi32>
    %convert_element_type3A_2065 = arith.sitofp %convert_element_type3A_2064 : vector<16x128x256xi32> to vector<16x128x256xf32>
    %get3A_2066 = arith.constant 0 : index
    %get3A_2067 = arith.constant 4 : index
    %get3A_2068 = arith.constant 0 : index
    %get3A_2069 = arith.constant 0 : index
    %get3A_2070 = vector.load %arg4[%get3A_2066, %get3A_2067, %get3A_2068, %get3A_2069] : memref<7x8x16x128xf32, #tpu.memory_space<vmem>>, vector<1x1x16x128xf32>
    %get3A_2071 = vector.shape_cast %get3A_2070 : vector<1x1x16x128xf32> to vector<16x128xf32>
    %broadcast_in_dim3A_2072 = vector.shape_cast %get3A_2071 : vector<16x128xf32> to vector<16x1x128xf32>
    %get3A_2073 = arith.constant 1 : index
    %get3A_2074 = arith.constant 4 : index
    %get3A_2075 = arith.constant 0 : index
    %get3A_2076 = arith.constant 0 : index
    %get3A_2077 = vector.load %arg4[%get3A_2073, %get3A_2074, %get3A_2075, %get3A_2076] : memref<7x8x16x128xf32, #tpu.memory_space<vmem>>, vector<1x1x16x128xf32>
    %get3A_2078 = vector.shape_cast %get3A_2077 : vector<1x1x16x128xf32> to vector<16x128xf32>
    %broadcast_in_dim3A_2079 = vector.shape_cast %get3A_2078 : vector<16x128xf32> to vector<16x1x128xf32>
    %get3A_2080 = arith.constant 2 : index
    %get3A_2081 = arith.constant 4 : index
    %get3A_2082 = arith.constant 0 : index
    %get3A_2083 = arith.constant 0 : index
    %get3A_2084 = vector.load %arg4[%get3A_2080, %get3A_2081, %get3A_2082, %get3A_2083] : memref<7x8x16x128xf32, #tpu.memory_space<vmem>>, vector<1x1x16x128xf32>
    %get3A_2085 = vector.shape_cast %get3A_2084 : vector<1x1x16x128xf32> to vector<16x128xf32>
    %broadcast_in_dim3A_2086 = vector.shape_cast %get3A_2085 : vector<16x128xf32> to vector<16x1x128xf32>
    %get3A_2087 = arith.constant 3 : index
    %get3A_2088 = arith.constant 4 : index
    %get3A_2089 = arith.constant 0 : index
    %get3A_2090 = arith.constant 0 : index
    %get3A_2091 = vector.load %arg4[%get3A_2087, %get3A_2088, %get3A_2089, %get3A_2090] : memref<7x8x16x128xf32, #tpu.memory_space<vmem>>, vector<1x1x16x128xf32>
    %get3A_2092 = vector.shape_cast %get3A_2091 : vector<1x1x16x128xf32> to vector<16x128xf32>
    %broadcast_in_dim3A_2093 = vector.shape_cast %get3A_2092 : vector<16x128xf32> to vector<16x1x128xf32>
    %get3A_2094 = arith.constant 4 : index
    %get3A_2095 = arith.constant 4 : index
    %get3A_2096 = arith.constant 0 : index
    %get3A_2097 = arith.constant 0 : index
    %get3A_2098 = vector.load %arg4[%get3A_2094, %get3A_2095, %get3A_2096, %get3A_2097] : memref<7x8x16x128xf32, #tpu.memory_space<vmem>>, vector<1x1x16x128xf32>
    %get3A_2099 = vector.shape_cast %get3A_2098 : vector<1x1x16x128xf32> to vector<16x128xf32>
    %broadcast_in_dim3A_2100 = vector.shape_cast %get3A_2099 : vector<16x128xf32> to vector<16x1x128xf32>
    %concatenate3A_2101 = tpu.concatenate %broadcast_in_dim3A_2072, %broadcast_in_dim3A_2079, %broadcast_in_dim3A_2086, %broadcast_in_dim3A_2093, %broadcast_in_dim3A_2100, %broadcast_in_dim3A_1880 in 1 : vector<16x1x128xf32>, vector<16x1x128xf32>, vector<16x1x128xf32>, vector<16x1x128xf32>, vector<16x1x128xf32>, vector<16x3x128xf32> -> vector<16x8x128xf32>
    %dot_general3A_2102 = arith.constant dense<0.000000e+00> : vector<16x8x256xf32>
    %dot_general3A_2103 = tpu.matmul %concatenate3A_2101, %convert_element_type3A_2065, %dot_general3A_2102 {dimension_numbers = #tpu.dot_dimension_numbers<[2], [1], [1], [2], [0, 0, 0, 1, 1, 2], [0], [0]>, transpose_lhs_hint = false} : vector<16x8x128xf32>, vector<16x128x256xf32>, vector<16x8x256xf32> -> vector<16x8x256xf32>
    %add3A_2104 = arith.addf %add3A_2059, %dot_general3A_2103 : vector<16x8x256xf32>
    %slice3A_2105 = vector.extract_strided_slice %select_n3A_1872 {offsets = [0, 640], sizes = [16, 128], strides = [1, 1]} : vector<16x1024xf32> to vector<16x128xf32>
    %broadcast_in_dim3A_2106 = vector.shape_cast %slice3A_2105 : vector<16x128xf32> to vector<16x128x1xf32>
    %eq3A_2107 = vector.broadcast %broadcast_in_dim3A_2106 : vector<16x128x1xf32> to vector<16x128x256xf32>
    %eq3A_2108 = arith.cmpf oeq, %eq3A_2107, %convert_element_type3A_1876 : vector<16x128x256xf32>
    %convert_element_type3A_2109 = arith.extui %eq3A_2108 : vector<16x128x256xi1> to vector<16x128x256xi32>
    %convert_element_type3A_2110 = arith.sitofp %convert_element_type3A_2109 : vector<16x128x256xi32> to vector<16x128x256xf32>
    %get3A_2111 = arith.constant 0 : index
    %get3A_2112 = arith.constant 5 : index
    %get3A_2113 = arith.constant 0 : index
    %get3A_2114 = arith.constant 0 : index
    %get3A_2115 = vector.load %arg4[%get3A_2111, %get3A_2112, %get3A_2113, %get3A_2114] : memref<7x8x16x128xf32, #tpu.memory_space<vmem>>, vector<1x1x16x128xf32>
    %get3A_2116 = vector.shape_cast %get3A_2115 : vector<1x1x16x128xf32> to vector<16x128xf32>
    %broadcast_in_dim3A_2117 = vector.shape_cast %get3A_2116 : vector<16x128xf32> to vector<16x1x128xf32>
    %get3A_2118 = arith.constant 1 : index
    %get3A_2119 = arith.constant 5 : index
    %get3A_2120 = arith.constant 0 : index
    %get3A_2121 = arith.constant 0 : index
    %get3A_2122 = vector.load %arg4[%get3A_2118, %get3A_2119, %get3A_2120, %get3A_2121] : memref<7x8x16x128xf32, #tpu.memory_space<vmem>>, vector<1x1x16x128xf32>
    %get3A_2123 = vector.shape_cast %get3A_2122 : vector<1x1x16x128xf32> to vector<16x128xf32>
    %broadcast_in_dim3A_2124 = vector.shape_cast %get3A_2123 : vector<16x128xf32> to vector<16x1x128xf32>
    %get3A_2125 = arith.constant 2 : index
    %get3A_2126 = arith.constant 5 : index
    %get3A_2127 = arith.constant 0 : index
    %get3A_2128 = arith.constant 0 : index
    %get3A_2129 = vector.load %arg4[%get3A_2125, %get3A_2126, %get3A_2127, %get3A_2128] : memref<7x8x16x128xf32, #tpu.memory_space<vmem>>, vector<1x1x16x128xf32>
    %get3A_2130 = vector.shape_cast %get3A_2129 : vector<1x1x16x128xf32> to vector<16x128xf32>
    %broadcast_in_dim3A_2131 = vector.shape_cast %get3A_2130 : vector<16x128xf32> to vector<16x1x128xf32>
    %get3A_2132 = arith.constant 3 : index
    %get3A_2133 = arith.constant 5 : index
    %get3A_2134 = arith.constant 0 : index
    %get3A_2135 = arith.constant 0 : index
    %get3A_2136 = vector.load %arg4[%get3A_2132, %get3A_2133, %get3A_2134, %get3A_2135] : memref<7x8x16x128xf32, #tpu.memory_space<vmem>>, vector<1x1x16x128xf32>
    %get3A_2137 = vector.shape_cast %get3A_2136 : vector<1x1x16x128xf32> to vector<16x128xf32>
    %broadcast_in_dim3A_2138 = vector.shape_cast %get3A_2137 : vector<16x128xf32> to vector<16x1x128xf32>
    %get3A_2139 = arith.constant 4 : index
    %get3A_2140 = arith.constant 5 : index
    %get3A_2141 = arith.constant 0 : index
    %get3A_2142 = arith.constant 0 : index
    %get3A_2143 = vector.load %arg4[%get3A_2139, %get3A_2140, %get3A_2141, %get3A_2142] : memref<7x8x16x128xf32, #tpu.memory_space<vmem>>, vector<1x1x16x128xf32>
    %get3A_2144 = vector.shape_cast %get3A_2143 : vector<1x1x16x128xf32> to vector<16x128xf32>
    %broadcast_in_dim3A_2145 = vector.shape_cast %get3A_2144 : vector<16x128xf32> to vector<16x1x128xf32>
    %concatenate3A_2146 = tpu.concatenate %broadcast_in_dim3A_2117, %broadcast_in_dim3A_2124, %broadcast_in_dim3A_2131, %broadcast_in_dim3A_2138, %broadcast_in_dim3A_2145, %broadcast_in_dim3A_1880 in 1 : vector<16x1x128xf32>, vector<16x1x128xf32>, vector<16x1x128xf32>, vector<16x1x128xf32>, vector<16x1x128xf32>, vector<16x3x128xf32> -> vector<16x8x128xf32>
    %dot_general3A_2147 = arith.constant dense<0.000000e+00> : vector<16x8x256xf32>
    %dot_general3A_2148 = tpu.matmul %concatenate3A_2146, %convert_element_type3A_2110, %dot_general3A_2147 {dimension_numbers = #tpu.dot_dimension_numbers<[2], [1], [1], [2], [0, 0, 0, 1, 1, 2], [0], [0]>, transpose_lhs_hint = false} : vector<16x8x128xf32>, vector<16x128x256xf32>, vector<16x8x256xf32> -> vector<16x8x256xf32>
    %add3A_2149 = arith.addf %add3A_2104, %dot_general3A_2148 : vector<16x8x256xf32>
    %slice3A_2150 = vector.extract_strided_slice %select_n3A_1872 {offsets = [0, 768], sizes = [16, 128], strides = [1, 1]} : vector<16x1024xf32> to vector<16x128xf32>
    %broadcast_in_dim3A_2151 = vector.shape_cast %slice3A_2150 : vector<16x128xf32> to vector<16x128x1xf32>
    %eq3A_2152 = vector.broadcast %broadcast_in_dim3A_2151 : vector<16x128x1xf32> to vector<16x128x256xf32>
    %eq3A_2153 = arith.cmpf oeq, %eq3A_2152, %convert_element_type3A_1876 : vector<16x128x256xf32>
    %convert_element_type3A_2154 = arith.extui %eq3A_2153 : vector<16x128x256xi1> to vector<16x128x256xi32>
    %convert_element_type3A_2155 = arith.sitofp %convert_element_type3A_2154 : vector<16x128x256xi32> to vector<16x128x256xf32>
    %get3A_2156 = arith.constant 0 : index
    %get3A_2157 = arith.constant 6 : index
    %get3A_2158 = arith.constant 0 : index
    %get3A_2159 = arith.constant 0 : index
    %get3A_2160 = vector.load %arg4[%get3A_2156, %get3A_2157, %get3A_2158, %get3A_2159] : memref<7x8x16x128xf32, #tpu.memory_space<vmem>>, vector<1x1x16x128xf32>
    %get3A_2161 = vector.shape_cast %get3A_2160 : vector<1x1x16x128xf32> to vector<16x128xf32>
    %broadcast_in_dim3A_2162 = vector.shape_cast %get3A_2161 : vector<16x128xf32> to vector<16x1x128xf32>
    %get3A_2163 = arith.constant 1 : index
    %get3A_2164 = arith.constant 6 : index
    %get3A_2165 = arith.constant 0 : index
    %get3A_2166 = arith.constant 0 : index
    %get3A_2167 = vector.load %arg4[%get3A_2163, %get3A_2164, %get3A_2165, %get3A_2166] : memref<7x8x16x128xf32, #tpu.memory_space<vmem>>, vector<1x1x16x128xf32>
    %get3A_2168 = vector.shape_cast %get3A_2167 : vector<1x1x16x128xf32> to vector<16x128xf32>
    %broadcast_in_dim3A_2169 = vector.shape_cast %get3A_2168 : vector<16x128xf32> to vector<16x1x128xf32>
    %get3A_2170 = arith.constant 2 : index
    %get3A_2171 = arith.constant 6 : index
    %get3A_2172 = arith.constant 0 : index
    %get3A_2173 = arith.constant 0 : index
    %get3A_2174 = vector.load %arg4[%get3A_2170, %get3A_2171, %get3A_2172, %get3A_2173] : memref<7x8x16x128xf32, #tpu.memory_space<vmem>>, vector<1x1x16x128xf32>
    %get3A_2175 = vector.shape_cast %get3A_2174 : vector<1x1x16x128xf32> to vector<16x128xf32>
    %broadcast_in_dim3A_2176 = vector.shape_cast %get3A_2175 : vector<16x128xf32> to vector<16x1x128xf32>
    %get3A_2177 = arith.constant 3 : index
    %get3A_2178 = arith.constant 6 : index
    %get3A_2179 = arith.constant 0 : index
    %get3A_2180 = arith.constant 0 : index
    %get3A_2181 = vector.load %arg4[%get3A_2177, %get3A_2178, %get3A_2179, %get3A_2180] : memref<7x8x16x128xf32, #tpu.memory_space<vmem>>, vector<1x1x16x128xf32>
    %get3A_2182 = vector.shape_cast %get3A_2181 : vector<1x1x16x128xf32> to vector<16x128xf32>
    %broadcast_in_dim3A_2183 = vector.shape_cast %get3A_2182 : vector<16x128xf32> to vector<16x1x128xf32>
    %get3A_2184 = arith.constant 4 : index
    %get3A_2185 = arith.constant 6 : index
    %get3A_2186 = arith.constant 0 : index
    %get3A_2187 = arith.constant 0 : index
    %get3A_2188 = vector.load %arg4[%get3A_2184, %get3A_2185, %get3A_2186, %get3A_2187] : memref<7x8x16x128xf32, #tpu.memory_space<vmem>>, vector<1x1x16x128xf32>
    %get3A_2189 = vector.shape_cast %get3A_2188 : vector<1x1x16x128xf32> to vector<16x128xf32>
    %broadcast_in_dim3A_2190 = vector.shape_cast %get3A_2189 : vector<16x128xf32> to vector<16x1x128xf32>
    %concatenate3A_2191 = tpu.concatenate %broadcast_in_dim3A_2162, %broadcast_in_dim3A_2169, %broadcast_in_dim3A_2176, %broadcast_in_dim3A_2183, %broadcast_in_dim3A_2190, %broadcast_in_dim3A_1880 in 1 : vector<16x1x128xf32>, vector<16x1x128xf32>, vector<16x1x128xf32>, vector<16x1x128xf32>, vector<16x1x128xf32>, vector<16x3x128xf32> -> vector<16x8x128xf32>
    %dot_general3A_2192 = arith.constant dense<0.000000e+00> : vector<16x8x256xf32>
    %dot_general3A_2193 = tpu.matmul %concatenate3A_2191, %convert_element_type3A_2155, %dot_general3A_2192 {dimension_numbers = #tpu.dot_dimension_numbers<[2], [1], [1], [2], [0, 0, 0, 1, 1, 2], [0], [0]>, transpose_lhs_hint = false} : vector<16x8x128xf32>, vector<16x128x256xf32>, vector<16x8x256xf32> -> vector<16x8x256xf32>
    %add3A_2194 = arith.addf %add3A_2149, %dot_general3A_2193 : vector<16x8x256xf32>
    %slice3A_2195 = vector.extract_strided_slice %select_n3A_1872 {offsets = [0, 896], sizes = [16, 128], strides = [1, 1]} : vector<16x1024xf32> to vector<16x128xf32>
    %broadcast_in_dim3A_2196 = vector.shape_cast %slice3A_2195 : vector<16x128xf32> to vector<16x128x1xf32>
    %eq3A_2197 = vector.broadcast %broadcast_in_dim3A_2196 : vector<16x128x1xf32> to vector<16x128x256xf32>
    %eq3A_2198 = arith.cmpf oeq, %eq3A_2197, %convert_element_type3A_1876 : vector<16x128x256xf32>
    %convert_element_type3A_2199 = arith.extui %eq3A_2198 : vector<16x128x256xi1> to vector<16x128x256xi32>
    %convert_element_type3A_2200 = arith.sitofp %convert_element_type3A_2199 : vector<16x128x256xi32> to vector<16x128x256xf32>
    %get3A_2201 = arith.constant 0 : index
    %get3A_2202 = arith.constant 7 : index
    %get3A_2203 = arith.constant 0 : index
    %get3A_2204 = arith.constant 0 : index
    %get3A_2205 = vector.load %arg4[%get3A_2201, %get3A_2202, %get3A_2203, %get3A_2204] : memref<7x8x16x128xf32, #tpu.memory_space<vmem>>, vector<1x1x16x128xf32>
    %get3A_2206 = vector.shape_cast %get3A_2205 : vector<1x1x16x128xf32> to vector<16x128xf32>
    %broadcast_in_dim3A_2207 = vector.shape_cast %get3A_2206 : vector<16x128xf32> to vector<16x1x128xf32>
    %get3A_2208 = arith.constant 1 : index
    %get3A_2209 = arith.constant 7 : index
    %get3A_2210 = arith.constant 0 : index
    %get3A_2211 = arith.constant 0 : index
    %get3A_2212 = vector.load %arg4[%get3A_2208, %get3A_2209, %get3A_2210, %get3A_2211] : memref<7x8x16x128xf32, #tpu.memory_space<vmem>>, vector<1x1x16x128xf32>
    %get3A_2213 = vector.shape_cast %get3A_2212 : vector<1x1x16x128xf32> to vector<16x128xf32>
    %broadcast_in_dim3A_2214 = vector.shape_cast %get3A_2213 : vector<16x128xf32> to vector<16x1x128xf32>
    %get3A_2215 = arith.constant 2 : index
    %get3A_2216 = arith.constant 7 : index
    %get3A_2217 = arith.constant 0 : index
    %get3A_2218 = arith.constant 0 : index
    %get3A_2219 = vector.load %arg4[%get3A_2215, %get3A_2216, %get3A_2217, %get3A_2218] : memref<7x8x16x128xf32, #tpu.memory_space<vmem>>, vector<1x1x16x128xf32>
    %get3A_2220 = vector.shape_cast %get3A_2219 : vector<1x1x16x128xf32> to vector<16x128xf32>
    %broadcast_in_dim3A_2221 = vector.shape_cast %get3A_2220 : vector<16x128xf32> to vector<16x1x128xf32>
    %get3A_2222 = arith.constant 3 : index
    %get3A_2223 = arith.constant 7 : index
    %get3A_2224 = arith.constant 0 : index
    %get3A_2225 = arith.constant 0 : index
    %get3A_2226 = vector.load %arg4[%get3A_2222, %get3A_2223, %get3A_2224, %get3A_2225] : memref<7x8x16x128xf32, #tpu.memory_space<vmem>>, vector<1x1x16x128xf32>
    %get3A_2227 = vector.shape_cast %get3A_2226 : vector<1x1x16x128xf32> to vector<16x128xf32>
    %broadcast_in_dim3A_2228 = vector.shape_cast %get3A_2227 : vector<16x128xf32> to vector<16x1x128xf32>
    %get3A_2229 = arith.constant 4 : index
    %get3A_2230 = arith.constant 7 : index
    %get3A_2231 = arith.constant 0 : index
    %get3A_2232 = arith.constant 0 : index
    %get3A_2233 = vector.load %arg4[%get3A_2229, %get3A_2230, %get3A_2231, %get3A_2232] : memref<7x8x16x128xf32, #tpu.memory_space<vmem>>, vector<1x1x16x128xf32>
    %get3A_2234 = vector.shape_cast %get3A_2233 : vector<1x1x16x128xf32> to vector<16x128xf32>
    %broadcast_in_dim3A_2235 = vector.shape_cast %get3A_2234 : vector<16x128xf32> to vector<16x1x128xf32>
    %concatenate3A_2236 = tpu.concatenate %broadcast_in_dim3A_2207, %broadcast_in_dim3A_2214, %broadcast_in_dim3A_2221, %broadcast_in_dim3A_2228, %broadcast_in_dim3A_2235, %broadcast_in_dim3A_1880 in 1 : vector<16x1x128xf32>, vector<16x1x128xf32>, vector<16x1x128xf32>, vector<16x1x128xf32>, vector<16x1x128xf32>, vector<16x3x128xf32> -> vector<16x8x128xf32>
    %dot_general3A_2237 = arith.constant dense<0.000000e+00> : vector<16x8x256xf32>
    %dot_general3A_2238 = tpu.matmul %concatenate3A_2236, %convert_element_type3A_2200, %dot_general3A_2237 {dimension_numbers = #tpu.dot_dimension_numbers<[2], [1], [1], [2], [0, 0, 0, 1, 1, 2], [0], [0]>, transpose_lhs_hint = false} : vector<16x8x128xf32>, vector<16x128x256xf32>, vector<16x8x256xf32> -> vector<16x8x256xf32>
    %add3A_2239 = arith.addf %add3A_2194, %dot_general3A_2238 : vector<16x8x256xf32>
    %iota3A_2240 = tpu.iota {dimensions = array<i32: 1>} : vector<16x8x256xi32>
    %jit3A_2241 = arith.constant 0.000000e+00 : f32
    %jit3A_2242 = arith.constant 1.000000e+00 : f32
    %max3A_2243 = vector.broadcast %jit3A_2241 : f32 to vector<16x8x256xf32>
    %max3A_2244 = arith.maximumf %max3A_2243, %add3A_2239 : vector<16x8x256xf32>
    %min3A = vector.broadcast %jit3A_2242 : f32 to vector<16x8x256xf32>
    %min3A_2245 = arith.minimumf %min3A, %max3A_2244 : vector<16x8x256xf32>
    %lt3A_2246 = arith.constant 4 : i32
    %lt3A_2247 = vector.broadcast %lt3A_2246 : i32 to vector<16x8x256xi32>
    %lt3A_2248 = arith.cmpi slt, %iota3A_2240, %lt3A_2247 : vector<16x8x256xi32>
    %select_n3A_2249 = arith.select %lt3A_2248, %min3A_2245, %add3A_2239 : vector<16x8x256xi1>, vector<16x8x256xf32>
    %iota3A_2250 = tpu.iota {dimensions = array<i32: 1>} : vector<16x256xi32>
    %convert_element_type3A_2251 = arith.sitofp %iota3A_2250 : vector<16x256xi32> to vector<16x256xf32>
    %lt3A_2252 = vector.broadcast %broadcast_in_dim3A_1874 : vector<16x1xf32> to vector<16x256xf32>
    %lt3A_2253 = arith.cmpf olt, %convert_element_type3A_2251, %lt3A_2252 : vector<16x256xf32>
    %broadcast_in_dim3A_2254 = vector.shape_cast %lt3A_2253 : vector<16x256xi1> to vector<16x1x256xi1>
    %jit3A_2255 = arith.constant 0.000000e+00 : f32
    %broadcast_in_dim3A_2256 = vector.shape_cast %broadcast_in_dim3A_2254 : vector<16x1x256xi1> to vector<16x1x256xi1>
    %broadcast_in_dim3A_2257 = vector.broadcast %broadcast_in_dim3A_2256 : vector<16x1x256xi1> to vector<16x8x256xi1>
    %broadcast_in_dim3A_2258 = vector.broadcast %jit3A_2255 : f32 to vector<16x8x256xf32>
    %select_n3A_2259 = arith.select %broadcast_in_dim3A_2257, %select_n3A_2249, %broadcast_in_dim3A_2258 : vector<16x8x256xi1>, vector<16x8x256xf32>
    %swap3A_2260 = arith.constant 0 : index
    %swap3A_2261 = arith.constant 0 : index
    %swap3A_2262 = arith.constant 0 : index
    %swap3A_2263 = vector.load %arg3[%swap3A_2260, %swap3A_2261, %swap3A_2262] : memref<16x8x256xf32, #tpu.memory_space<vmem>>, vector<16x8x256xf32>
    tpu.vector_store %arg3[%swap3A_2260, %swap3A_2261, %swap3A_2262], %select_n3A_2259 {strides = array<i32>} : memref<16x8x256xf32, #tpu.memory_space<vmem>>, vector<16x8x256xf32>,
    return
  }
}

</mosaic_0001>

<sc_bundles>
// kernel: kernel.5.cloned.1.call-start
scs
__scs_entry_jumppad:
0x0: {  	(pc) =	sbr.rel $0x88, $3  }
0x1: {  	(tag) =	ssettag $0x0;
	lr =	simm.s32 $0x1  }
0x2: {  	[smem:$0x3F9E] =	sst lr;
	_ =	strace $0xD0000000  }
0x3: {  	_ = 	snop  }
0x4: {  	_ = 	snop  }
0x5: {  	_ = 	snop  }
0x6: {  	_ = 	snop  }
0x7: {  	_ = 	snop  }
__scs_overlays_trampoline_lowered:
0x8: {  	[smem:$0x3FAD] =	sst s0  }
0x9: {  	[smem:$0x3FAE] =	sst s1  }
0xa: {  	[smem:$0x3FAF] =	sst s2  }
0xb: {  	[smem:$0x3FB0] =	sst s3  }
0xc: {  	[smem:$0x3FB1] =	sst s4  }
0xd: {  	[smem:$0x3FB2] =	sst s5  }
0xe: {  	[smem:$0x3FB3] =	sst s6  }
0xf: {  	[smem:$0x3FB4] =	sst s7  }
0x10: {  	[smem:$0x3FB5] =	sst s8  }
0x11: {  	[smem:$0x3FB6] =	sst s9;
	s0 =	simm.s32 @!p0 $0x0  }
0x12: {  	s1 =	sld [smem:$0x3F9C];
	s0 =	simm.s32 @p0 $0x1  }
0x13: {  	[smem:$0x3FB7] =	sst s0;
	s0 =	simm.s32 @!p1 $0x0  }
0x14: {  	s2 =	sld [smem:$0x3F9B];
	s0 =	simm.s32 @p1 $0x1  }
0x15: {  	[smem:$0x3FB8] =	sst s0;
	s0 =	simm.s32 @!p2 $0x0  }
0x16: {  	s3 =	sld [smem:$0x3FDB];
	s0 =	simm.s32 @p2 $0x1  }
0x17: {  	s4 =	simm.s32 $0x1BF5;
	[smem:$0x3FBA] =	sst s0  }
0x18: {  	s0 =	sld [smem:$0x3F9D];
	_ =	swait.ge [sflag:s4], $0x0  }
0x19: {  	s7 =	sld [smem:$0x3F9E]  }
0x1a: {  	s8 =	sadd.s32 $0xFFFFE003, lr  }
0x1b: {  	s9 =	sadd.s32 $0xFFFFFEF7, lr;
	s5 =	simm.s32 $0xFFFFFFFF;
	p2 =	slt.u32 s8, $0xFFFFF086  }
0x1c: {  	p1 =	slt.u32 s9, $0xF7A;
	s5 =	simm.s32 @!p2 $0x0  }
0x1d: {  	s5 =	simm.s32 @p1 $0x1;
	p0 =	seq.s32 s7, s2  }
0x1e: {  	s7 =	smul.u32 @!p0 $0xF7A, s2;
	p2 =	seq.s32 @!p0 s5, $0x0  }
0x1f: {  	s9 =	smul.u32 $0xF7A, s1;
	s8 =	simm.s32 @!p0 $0x1BF5;
	p2 =	por !p2, p0  }
0x20: {  	[sflag:s8] =	ssyncset.s32 @!p0 $0xFFFFF086;
	s6 =	sadd.s32 @!p0 s3, s7;
	s7 =	simm.s32 @!p0 $0x108  }
0x21: {  	s3 =	sadd.s32 s3, s9;
	s6 =	sadd.s32 @!p0 $0x88, s6;
	s7 =	simm.s32 @p2 $0x1082  }
0x22: {  	[simem:s7], [sflag:s8] =	dma.local @!p0 [hbm:s6], $0xF7A  }
0x23: {  	s9 =	sor.u32 $0xD0000000, s2;
	s6 =	simm.s32 $0x108;
	_ =	swait.ge @!p0 [sflag:s8], $0x0  }
0x24: {  	s3 =	sadd.s32 $0x88, s3;
	s6 =	simm.s32 @!p1 $0x1082;
	[sflag:s4] =	ssyncset.s32 $0xFFFFF086  }
0x25: {  	[simem:s6], [sflag:s4] =	dma.local [hbm:s3], $0xF7A  }
0x26: {  	[smem:$0x3F9E] =	sst s1;
	(tag) =	ssettag s2;
	_ =	strace s9  }
0x27: {  	s1 =	sld [smem:$0x3FAE]  }
0x28: {  	s2 =	sld [smem:$0x3FAF]  }
0x29: {  	s4 =	sld [smem:$0x3FB1]  }
0x2a: {  	p0 =	seq.s32 s5, $0x0;
	s5 =	sld [smem:$0x3FB2]  }
0x2b: {  	s6 =	sld [smem:$0x3FB3]  }
0x2c: {  	s7 =	sld [smem:$0x3FB4]  }
0x2d: {  	s3 =	simm.s32 $0x108;
	s8 =	sld [smem:$0x3FB5]  }
0x2e: {  	s3 =	simm.s32 @!p0 $0x1082;
	s9 =	sld [smem:$0x3FB6]  }
0x2f: {  	lr =	sadd.s32 s0, s3;
	s0 =	sld [smem:$0x3FAD]  }
0x30: {  	s3 =	sld [smem:$0x3FB0]  }
0x31: {  	[smem:$0x3FB9] =	sst s10  }
0x32: {  	s10 =	sld [smem:$0x3FB7];
	_ =	sdelay $0x3  }
0x33: {  	p0 =	seq.s32 s10, $0x1;
	s10 =	sld [smem:$0x3FB9];
	_ =	sdelay $0x3  }
0x34: {  	[smem:$0x3FB9] =	sst s10  }
0x35: {  	s10 =	sld [smem:$0x3FB8];
	_ =	sdelay $0x3  }
0x36: {  	p1 =	seq.s32 s10, $0x1;
	s10 =	sld [smem:$0x3FB9];
	_ =	sdelay $0x3  }
0x37: {  	[smem:$0x3FB9] =	sst s10  }
0x38: {  	s10 =	sld [smem:$0x3FBA]  }
0x39: {  	_ = 	snop;
	(pc) =	sbr.ind lr, $3  }
0x3a: {  	_ = 	snop  }
0x3b: {  	_ = 	snop  }
0x3c: {  	p2 =	seq.s32 s10, $0x1;
	s10 =	sld [smem:$0x3FB9]  }
0x3d: {  	_ =	shalt  }
0x3e: {  	_ =	shalt  }
0x3f: {  	_ =	shalt  }
0x40: {  	_ =	shalt  }
0x41: {  	_ =	shalt  }
0x42: {  	_ =	shalt  }
0x43: {  	_ =	shalt  }
0x44: {  	_ =	shalt  }
0x45: {  	_ =	shalt  }
0x46: {  	_ =	shalt  }
0x47: {  	_ =	shalt  }
0x48: {  	_ =	shalt  }
0x49: {  	_ =	shalt  }
0x4a: {  	_ =	shalt  }
0x4b: {  	_ =	shalt  }
0x4c: {  	_ =	shalt  }
0x4d: {  	_ =	shalt  }
0x4e: {  	_ =	shalt  }
0x4f: {  	_ =	shalt  }
0x50: {  	_ =	shalt  }
0x51: {  	_ =	shalt  }
0x52: {  	_ =	shalt  }
0x53: {  	_ =	shalt  }
0x54: {  	_ =	shalt  }
0x55: {  	_ =	shalt  }
0x56: {  	_ =	shalt  }
0x57: {  	_ =	shalt  }
0x58: {  	_ =	shalt  }
0x59: {  	_ =	shalt  }
0x5a: {  	_ =	shalt  }
0x5b: {  	_ =	shalt  }
0x5c: {  	_ =	shalt  }
0x5d: {  	_ =	shalt  }
0x5e: {  	_ =	shalt  }
0x5f: {  	_ =	shalt  }
0x60: {  	_ =	shalt  }
0x61: {  	_ =	shalt  }
0x62: {  	_ =	shalt  }
0x63: {  	_ =	shalt  }
0x64: {  	_ =	shalt  }
0x65: {  	_ =	shalt  }
0x66: {  	_ =	shalt  }
0x67: {  	_ =	shalt  }
0x68: {  	_ =	shalt  }
0x69: {  	_ =	shalt  }
0x6a: {  	_ =	shalt  }
0x6b: {  	_ =	shalt  }
0x6c: {  	_ =	shalt  }
0x6d: {  	_ =	shalt  }
0x6e: {  	_ =	shalt  }
0x6f: {  	_ =	shalt  }
0x70: {  	_ =	shalt  }
0x71: {  	_ =	shalt  }
0x72: {  	_ =	shalt  }
0x73: {  	_ =	shalt  }
0x74: {  	_ =	shalt  }
0x75: {  	_ =	shalt  }
0x76: {  	_ =	shalt  }
0x77: {  	_ =	shalt  }
0x78: {  	_ =	shalt  }
0x79: {  	_ =	shalt  }
0x7a: {  	_ =	shalt  }
0x7b: {  	_ =	shalt  }
0x7c: {  	_ =	shalt  }
0x7d: {  	_ =	shalt  }
0x7e: {  	_ =	shalt  }
0x7f: {  	_ =	shalt  }
0x80: {  	_ =	shalt  }
0x81: {  	_ =	shalt  }
0x82: {  	_ =	shalt  }
0x83: {  	_ =	shalt  }
0x84: {  	_ =	shalt  }
0x85: {  	_ =	shalt  }
0x86: {  	_ =	shalt  }
0x87: {  	_ =	shalt  }
.Lfunc_end0:
.L_simem_size_0:
called_computation_lowered:
.L_overlay_start_0:
0x88: {  	s2 =	sld [smem:$0x3FD9]  }
0x89: {  	s3 =	sld [smem:$0x3FFE];
	_ =	sdelay $0x1  }
0x8a: {  	s1 =	srdreg.scid  }
0x8b: {  	s0 =	sand.u32 $0x1, s1  }
0x8c: {  	s14 =	sshll.u32 s0, $0xA;
	s2 =	sadd.s32 s3, s2  }
0x8d: {  	s2 =	sadd.s32 s2, s14  }
0x8e: {  	[smem:$0x3FC5] =	sst s2  }
0x8f: {  	_ = 	snop  }
0x90: {  	s2 =	sld [smem:$0x3FD0];
	_ =	sdelay $0x2  }
0x91: {  	s15 =	simm.s32 $0xA;
	s4 =	simm.s32 $0x10  }
0x92: {  	[smem:s4], [sflag:s15] =	dma.local [hbm:s2], $0x1  }
0x93: {  	_ =	swait.eq [sflag:s15], $0x1  }
0x94: {  	[sflag:s15] =	ssyncset.done $0x0  }
0x95: {  	[sflag:s15] =	ssyncadd.s32 $0xFFFFFFFF  }
0x96: {  	s16 =	sld [smem:$0x10];
	(tm) =	ssettm $0x1  }
0x97: {  	s17 =	sld [smem:$0x3FFB];
	_ =	sdelay $0x3  }
0x98: {  	_ =	strace s17  }
0x99: {  	s3 =	sld [smem:$0x3FFC];
	_ =	sdelay $0x3  }
0x9a: {  	_ =	strace s3  }
0x9b: {  	s3 =	sld [smem:$0x3FFD];
	_ =	sdelay $0x3  }
0x9c: {  	_ =	strace s3  }
0x9d: {  	_ =	strace $0x8FFFFFFF  }
0x9e: {  	s18 =	sld [smem:$0x3FDB];
	_ =	sdelay $0x1  }
0x9f: {  	s19 =	simm.s32 $_scs_section_size  }
0xa0: {  	s5 =	simm.s32 $_size__tile_overlayer_lowered;
	s6 =	simm.s32 $_tile_overlayer_lowered  }
0xa1: {  	s22 =	simm.s32 $0x1BFF;
	s21 =	sshll.u32 s6, $0x1;
	s3 =	sadd.s32 s19, s18  }
0xa2: {  	s7 =	simm.s32 $0x0;
	s20 =	sshll.u32 s5, $0x1;
	s5 =	sadd.s32 s21, s3  }
0xa3: {  	[timem:s7], [sflag:s22] =	dma.local [hbm:s5], s20  }
0xa4: {  	_ =	swait.ge [sflag:s22], s20  }
0xa5: {  	s4 =	ssub.s32 $0x0, s20;
	[sflag:s22] =	ssyncset.done $0x0  }
0xa6: {  	[sflag:s22] =	ssyncadd.s32 s4;
	_ =	sdelay $0x1  }
0xa7: {  	s23 =	simm.s32 $0x1B8B  }
0xa8: {  	_ =	swait.ge [sflag:s23], $0x1  }
0xa9: {  	[sflag:s23] =	ssyncset.done $0x0  }
0xaa: {  	s25 =	simm.s32 $0x1B8E;
	s24 =	sld [smem:$0x3FFE];
	[sflag:s23] =	ssyncadd.s32 $0xFFFFFFFF  }
0xab: {  	s26 =	simm.s32 $execute0_lowered;
	[smem:$0x3FD2] =	sst s25  }
0xac: {  	s5 =	sshll.u32 s26, $0x1;
	_ =	strace $0x80000046;
	[dreg:$0x1] =	wrdreg $0xFFFFFFFF  }
0xad: {  	s28 =	simm.s32 $_size_execute0_lowered;
	s3 =	sadd.s32 s3, s5;
	[dreg:$0x0] =	wrdreg $0x0  }
0xae: {  	s5 =	sshll.u32 s28, $0x1;
	[dreg:$0x2] =	wrdreg s3  }
0xaf: {  	[dreg:$0x3] =	wrdreg s5  }
0xb0: {  	[dreg:$0x4] =	wrdreg $0xC0  }
0xb1: {  	_ =	task [dreg:s7], $0x5FFFF  }
0xb2: {  	[dreg:$0x1] =	wrdreg $0xFFFFFFFF  }
0xb3: {  	[dreg:$0x0] =	wrdreg $0x60  }
0xb4: {  	[dreg:$0x2] =	wrdreg s24  }
0xb5: {  	[dreg:$0x3] =	wrdreg s16  }
0xb6: {  	[dreg:$0x4] =	wrdreg $0x9  }
0xb7: {  	_ =	task.clear_ibuf [dreg:s7], $0x5FFFF;
	_ =	strace $0x90000046  }
0xb8: {  	s29 =	simm.s32 $0x9;
	_ =	strace $0x8000004F  }
0xb9: {  	_ =	swait.ge [sflag:s29], $0x1  }
0xba: {  	[sflag:s29] =	ssyncadd.s32 $0xFFFFFFFF  }
0xbb: {  	_ =	strace $0x9000004F  }
0xbc: {  	_ =	sfence  }
0xbd: {  	s30 =	sld [smem:$0x0];
	_ =	sdelay $0x2  }
0xbe: {  	s31 =	sshll.u32 s1, $0xD;
	s1 =	sshrl.u32 s1, $0x2  }
0xbf: {  	s3 =	sand.u32 $0x4000, s31;
	s1 =	sadd.s32 s1, s30  }
0xc0: {  	s0 =	sor.u32 s3, s0;
	s1 =	sshll.u32 s1, $0x11  }
0xc1: {  	s0 =	sor.u32 s1, s0  }
0xc2: {  	s0 =	sadd.s32 $0x8F2B, s0  }
0xc3: {  	[sflag:s0] =	ssyncadd.remote.s32 $0x1  }
0xc4: {  	_ =	sfence.sel $0xFFFF  }
0xc5: {  	[dreg:$0x0] =	wrdreg $0xFFFFFFFF;
	(pc) =	sbr.abs _section_cstart, $3  }
0xc6: {  	[dreg:$0x1] =	wrdreg $0xFFFFFFFF  }
0xc7: {  	_ =	task.clear_ibuf [dreg:s7], $0x2FFFF;
	_ =	strace $0x9FFFFFFF  }
0xc8: {  	(tm) =	ssettm $0x7FFFFFFF  }
0xc9: {  	_ =	shalt  }
tec
execute0_lowered:
.L_overlay_start_1:
0x0: {  	(tag) =	ssettag $0x1  }
0x1: {  	s3 =	rddreg [dreg:$0x0]  }
0x2: {  	s1 =	rddreg [dreg:$0x1]  }
0x3: {  	s0 =	rddreg [dreg:$0x2];
	s2 =	simm.s32 $0x0;
	s4 =	srdreg.scid  }
0x4: {  	s8 =	simm.s32 $0x80;
	s7 =	simm.s32 $0x1;
	s9 =	simm.s32 $0x4  }
0x5: {  	s10 =	simm.s32 $0x0;
	[smem:$0x7FF] =	sst s2;
	s5 =	sadd.s32 $0xC00, s3  }
0x6: {  	s4 =	sand.u32 $0x1, s4;
	s30 =	sadd.s32 $0x22C00, s3;
	s3 =	stileid.u32  }
0x7: {  	_ =	strace $0x80000047;
	[dreg:$0x3] =	wrdreg s5;
	s4 =	ssub.s32 $0x2, s4  }
0x8: {  	[dreg:$0x5] =	wrdreg s30;
	s31 =	sshll.u32 s3, $0x7;
	s6 =	sshrl.u32 s4, $0x1  }
0x9: {  	[dreg:$0x4] =	wrdreg s8;
	s8 =	simm.s32 $0x5;
	s6 =	ssub.s32 s4, s6  }
0xa: {  	s5 =	sadd.s32 s1, s31;
	s4 =	sshll.u32 s3, $0x3;
	s6 =	smax.u32 s6, $0x1  }
.LBB2_1:
0xb: {  	_ =	strace $0x80000048;
	s11 =	simm.s32 $0x1;
	p0 =	por $0x0, $0x0  }
0xc: {  	[tilespmem:s2], [sflag:$0x1] =	stream.linear.gather [hbm4b:s5+s2], $0x80, $0x200038;
	[tilespmem:$0x8100] =	vst v63  }
0xd: {  	s11 =	simm.s32 @p0 $0x0  }
0xe: {  	p4 =	por $0x1, $0x1;
	s20 =	sand.u32 $0x1, s2;
	p1 =	sne.s32 s11, $0x0  }
0xf: {  	p2 =	por $0x1, $0x1;
	s18 =	simm.s32 $0x6;
	p0 =	por !p4, !p1  }
0x10: {  	s16 =	simm.s32 $0x0;
	p5 =	por $0x0, $0x0;
	p0 =	por !p0, !p0  }
0x11: {  	s23 =	sadd.s32 $0x0, s4;
	s30 =	sadd.s32 $0x1, s20;
	s12 =	sadd.s32 @p0 s4, s11  }
0x12: {  	_ =	strace $0x90000048;
	s13 =	sand.u32 @p0 $0x1, s7;
	s12 =	sshll.u32 @p0 s12, $0x4  }
0x13: {  	_ =	strace @p0 $0x80000049;
	s15 =	simm.s32 @p0 $0x0;
	s12 =	sand.u32 @p0 $0x1FFFFFF0, s12  }
0x14: {  	s14 =	sshll.u32 @p0 s13, $0x7;
	s13 =	sadd.s32 @p0 $0x1, s13;
	s12 =	sadd.s32 @p0 s1, s12  }
0x15: {  	[tilespmem:s14], [sflag:s13] =	stream.linear.gather @p0 [hbm4b:s12+s15], $0x80, $0x200038;
	[tilespmem:$0x8100] =	vst v63  }
0x16: {  	p3 =	por p2, p2;
	s21 =	sshll.u32 s20, $0xE;
	_ =	strace @p0 $0x90000049  }
0x17: {  	s16 =	sand.u32 $0x80, s16;
	p2 =	por p5, p5;
	_ =	strace $0x8000004A  }
0x18: {  	s17 =	sadd.s32 $0x1, s11;
	s22 =	sor.u32 $0x100, s21;
	_ =	swait.ge [sflag:s30], $0x80  }
0x19: {  	s21 =	simm.s32 $0x1;
	p6 =	por p1, p1;
	[sflag:s30] =	ssyncset.done $0x0  }
0x1a: {  	p1 =	por p3, p3;
	p4 =	por $0x1, $0x1;
	[sflag:s30] =	ssyncadd.s32 $0xFFFFFF80  }
0x1b: {  	s12 =	simm.s32 $0x7;
	s15 =	sand.u32 @!p3 $0x1, s2;
	_ =	strace $0x9000004A  }
0x1c: {  	s13 =	simm.s32 $0x1;
	p3 =	seq.s32 s17, $0x8;
	_ =	strace $0x8000004B  }
0x1d: {  	s13 =	simm.s32 @!p0 $0x0;
	s17 =	simm.s32 @p3 $0x0;
	s19 =	rddreg [dreg:$0x4]  }
0x1e: {  	p0 =	por $0x0, $0x0;
	s14 =	sadd.s32 $0x1, s13;
	s31 =	rddreg [dreg:$0x3]  }
0x1f: {  	[tilespmem:s22], [sflag:$0x5] =	stream.indirect.gather [hbm4b:s31+s19], $0x80, s16, s19, $0x2000b8;
	[tilespmem:$0x8100] =	vst v63  }
0x20: {  	p3 =	sne.s32 s11, s17;
	s21 =	simm.s32 @!p0 $0x0;
	_ =	swait.ge [sflag:s8], $0x4000  }
0x21: {  	p5 =	por !p4, !p3;
	p4 =	por $0x0, $0x0;
	[sflag:s8] =	ssyncset.done $0x0  }
0x22: {  	s13 =	simm.s32 $0x0;
	p6 =	por p4, p6;
	[sflag:s8] =	ssyncadd.s32 $0xFFFFC000  }
0x23: {  	s16 =	simm.s32 $0x0;
	s19 =	simm.s32 $0x0;
	_ =	strace $0x9000004B  }
.LBB2_2:
0x24: {  	_ =	strace @p6 $0x8000004C;
	s13 =	sadd.s32 s21, s13;
	s21 =	smov.u32 s12  }
0x25: {  	s12 =	smov.u32 s18;
	s18 =	sadd.s32 $0xFFFFFFFF, s18;
	p0 =	por p3, p3  }
0x26: {  	s28 =	sshll.u32 @p6 s23, $0xB;
	s20 =	sadd.s32 @p6 $0x3, s20;
	s24 =	simm.s32 @!p0 $0x0  }
0x27: {  	s25 =	rddreg [dreg:$0x5];
	s28 =	sand.u32 @p6 $0x1FFFF800, s28;
	s24 =	simm.s32 @p0 $0x1  }
0x28: {  	s25 =	sadd.s32 @p6 s25, s28;
	s28 =	simm.s32 @p6 $0x0;
	p0 =	sne.s32 s18, $0x0  }
0x29: {  	[hbm4b:s25+s28] =	stream.linear.scatter @p6 [tilespmem:s22], [sflag:s20], $0x4000, $0x200038;
	[tilespmem:$0x8100] =	vst v63  }
0x2a: {  	s20 =	sadd.s32 @!p1 $0x3, s15;
	s15 =	simm.s32 @!p0 $0x0  }
0x2b: {  	s26 =	simm.s32 $0x1;
	[smem:$0x7FC] =	sst s24;
	s15 =	simm.s32 @p0 $0x1  }
0x2c: {  	s26 =	simm.s32 @!p6 $0x0;
	_ =	strace @p6 $0x9000004C;
	[smem:$0x7FD] =	sst s15  }
0x2d: {  	p5 =	por !p5, !p5;
	s19 =	sadd.s32 s26, s19;
	_ =	strace @!p1 $0x8000004D  }
0x2e: {  	s24 =	sand.u32 @!p2 $0x1, s13;
	s22 =	sand.u32 @p5 $0x1, s14;
	_ =	swait.ge @!p1 [sflag:s20], $0x4000  }
0x2f: {  	s15 =	smov.u32 s24;
	s24 =	sadd.s32 @p5 s4, s17;
	[sflag:s20] =	ssyncset.done @!p1 $0x0  }
0x30: {  	s25 =	sshll.u32 @p5 s22, $0x7;
	s24 =	sshll.u32 @p5 s24, $0x4;
	[sflag:s20] =	ssyncadd.s32 @!p1 $0xFFFFC000  }
0x31: {  	s20 =	sadd.s32 @p5 $0x1, s22;
	s22 =	sand.u32 @p5 $0x1FFFFFF0, s24;
	_ =	strace @!p1 $0x9000004D  }
0x32: {  	s24 =	simm.s32 @p5 $0x0;
	s22 =	sadd.s32 @p5 s1, s22;
	_ =	strace @p5 $0x80000049  }
0x33: {  	[tilespmem:s25], [sflag:s20] =	stream.linear.gather @p5 [hbm4b:s22+s24], $0x80, $0x200038;
	[tilespmem:$0x8100] =	vst v63  }
0x34: {  	s16 =	sadd.s32 s26, s16;
	s26 =	sand.u32 $0x1, s19;
	_ =	strace @p5 $0x90000049  }
0x35: {  	s24 =	sadd.s32 $0x1, s26;
	_ =	strace $0x8000004A  }
0x36: {  	_ =	swait.ge [sflag:s24], $0x80  }
0x37: {  	[sflag:s24] =	ssyncset.done $0x0  }
0x38: {  	s20 =	simm.s32 $0x1;
	[sflag:s24] =	ssyncadd.s32 $0xFFFFFF80  }
0x39: {  	s20 =	simm.s32 @!p5 $0x0;
	_ =	strace $0x9000004A  }
0x3a: {  	s14 =	sadd.s32 s20, s14;
	s20 =	sand.u32 $0x1, s16;
	_ =	strace $0x8000004B  }
0x3b: {  	s29 =	sshll.u32 s19, $0x7;
	s25 =	sshll.u32 s20, $0xE;
	s26 =	rddreg [dreg:$0x4]  }
0x3c: {  	s29 =	sand.u32 $0x80, s29;
	s22 =	sor.u32 $0x100, s25;
	s30 =	rddreg [dreg:$0x3]  }
0x3d: {  	[tilespmem:s22], [sflag:$0x5] =	stream.indirect.gather [hbm4b:s30+s26], $0x80, s29, s26, $0x2000b8;
	[tilespmem:$0x8100] =	vst v63  }
0x3e: {  	_ =	swait.ge [sflag:s8], $0x4000  }
0x3f: {  	s31 =	sadd.s32 $0x1, s17;
	[sflag:s8] =	ssyncset.done $0x0  }
0x40: {  	s23 =	sadd.s32 s4, s11;
	s11 =	smov.u32 s17;
	[sflag:s8] =	ssyncadd.s32 $0xFFFFC000  }
0x41: {  	p3 =	seq.s32 s31, $0x8;
	s17 =	smov.u32 s31;
	_ =	strace $0x9000004B  }
0x42: {  	s17 =	simm.s32 @p3 $0x0;
	s31 =	sld [smem:$0x7FD]  }
0x43: {  	p6 =	sne.s32 s12, $0x1;
	p0 =	sne.s32 s21, $0x8;
	p3 =	sne.s32 s11, s17  }
0x44: {  	p5 =	por !p6, !p3;
	p6 =	seq.s32 s21, $0x1;
	s21 =	simm.s32 $0x1  }
0x45: {  	s21 =	simm.s32 @!p0 $0x0;
	p0 =	seq.s32 s31, $0x1  }
.Ltmp0:
0x46: {  	s30 =	sld [smem:$0x7FC];
	(pc) =	sbr.rel @p0 .LBB2_2-.Ltmp0, $4  }
0x47: {  	_ = 	snop  }
0x48: {  	p4 =	seq.s32 s12, $0x8  }
0x49: {  	p1 =	por p2, p2;
	p2 =	por p4, p4;
	p4 =	seq.s32 s30, $0x1  }
0x4a: {  	p6 =	por p6, p4  }
0x4b: {  	_ =	strace @p6 $0x8000004C;
	s23 =	sshll.u32 @p6 s23, $0xB  }
0x4c: {  	s18 =	rddreg [dreg:$0x5];
	s23 =	sand.u32 @p6 $0x1FFFF800, s23  }
0x4d: {  	s20 =	sadd.s32 @p6 $0x3, s20;
	s18 =	sadd.s32 @p6 s18, s23;
	s23 =	simm.s32 @p6 $0x0  }
0x4e: {  	[hbm4b:s18+s23] =	stream.linear.scatter @p6 [tilespmem:s22], [sflag:s20], $0x4000, $0x200038;
	[tilespmem:$0x8100] =	vst v63  }
0x4f: {  	p0 =	por !p5, !p5;
	_ =	strace @p6 $0x9000004C  }
0x50: {  	s15 =	sadd.s32 @!p1 $0x3, s15;
	s17 =	sadd.s32 @p0 s4, s17;
	_ =	strace @!p1 $0x8000004D  }
0x51: {  	s14 =	sand.u32 @p0 $0x1, s14;
	s17 =	sshll.u32 @p0 s17, $0x4;
	_ =	swait.ge @!p1 [sflag:s15], $0x4000  }
0x52: {  	s18 =	simm.s32 $0x1;
	s20 =	sshll.u32 @p0 s14, $0x7;
	[sflag:s15] =	ssyncset.done @!p1 $0x0  }
0x53: {  	s14 =	sadd.s32 @p0 $0x1, s14;
	s18 =	simm.s32 @!p6 $0x0;
	[sflag:s15] =	ssyncadd.s32 @!p1 $0xFFFFC000  }
0x54: {  	s19 =	sadd.s32 s18, s19;
	s15 =	sand.u32 @p0 $0x1FFFFFF0, s17;
	_ =	strace @!p1 $0x9000004D  }
0x55: {  	s17 =	simm.s32 @p0 $0x0;
	s15 =	sadd.s32 @p0 s1, s15;
	_ =	strace @p0 $0x80000049  }
0x56: {  	[tilespmem:s20], [sflag:s14] =	stream.linear.gather @p0 [hbm4b:s15+s17], $0x80, $0x200038;
	[tilespmem:$0x8100] =	vst v63  }
0x57: {  	s25 =	sand.u32 $0x1, s19;
	_ =	strace @p0 $0x90000049  }
0x58: {  	s14 =	sadd.s32 $0x1, s25;
	_ =	strace $0x8000004A  }
0x59: {  	_ =	swait.ge [sflag:s14], $0x80  }
0x5a: {  	[sflag:s14] =	ssyncset.done $0x0  }
0x5b: {  	[sflag:s14] =	ssyncadd.s32 $0xFFFFFF80  }
0x5c: {  	s26 =	sadd.s32 s18, s16;
	_ =	strace $0x9000004A  }
0x5d: {  	s14 =	sand.u32 $0x1, s26;
	_ =	strace $0x8000004B  }
0x5e: {  	s30 =	sshll.u32 s19, $0x7;
	s31 =	sshll.u32 s14, $0xE;
	s28 =	rddreg [dreg:$0x4]  }
0x5f: {  	s17 =	sand.u32 $0x80, s30;
	s18 =	sor.u32 $0x100, s31;
	s29 =	rddreg [dreg:$0x3]  }
0x60: {  	[tilespmem:s18], [sflag:$0x5] =	stream.indirect.gather [hbm4b:s29+s28], $0x80, s17, s28, $0x2000b8;
	[tilespmem:$0x8100] =	vst v63  }
0x61: {  	_ =	swait.ge [sflag:s8], $0x4000  }
0x62: {  	[sflag:s8] =	ssyncset.done $0x0  }
0x63: {  	p5 =	por p3, p3;
	p6 =	seq.s32 s12, $0x1;
	[sflag:s8] =	ssyncadd.s32 $0xFFFFC000  }
0x64: {  	s11 =	sadd.s32 s4, s11;
	p0 =	por p6, p5;
	_ =	strace $0x9000004B  }
0x65: {  	s11 =	sshll.u32 @p0 s11, $0xB;
	_ =	strace @p0 $0x8000004C  }
0x66: {  	s13 =	sadd.s32 s21, s13;
	s11 =	sand.u32 @p0 $0x1FFFF800, s11;
	s12 =	rddreg [dreg:$0x5]  }
0x67: {  	s14 =	sadd.s32 @p0 $0x3, s14;
	s11 =	sadd.s32 @p0 s12, s11;
	s12 =	simm.s32 @p0 $0x0  }
0x68: {  	[hbm4b:s11+s12] =	stream.linear.scatter @p0 [tilespmem:s18], [sflag:s14], $0x4000, $0x200038;
	[tilespmem:$0x8100] =	vst v63  }
0x69: {  	p1 =	por p2, p2;
	s11 =	sand.u32 @!p2 $0x1, s13;
	_ =	strace @p0 $0x9000004C  }
0x6a: {  	s11 =	sadd.s32 @!p1 $0x3, s11;
	_ =	strace @!p1 $0x8000004D  }
0x6b: {  	_ =	swait.ge @!p1 [sflag:s11], $0x4000  }
0x6c: {  	[sflag:s11] =	ssyncset.done @!p1 $0x0  }
0x6d: {  	s10 =	sadd.s32 $0x1, s10;
	[sflag:s11] =	ssyncadd.s32 @!p1 $0xFFFFC000  }
0x6e: {  	p0 =	sne.s32 s10, s6;
	_ =	strace @!p1 $0x9000004D  }
.Ltmp1:
0x6f: {  	_ =	strace $0x8000004E;
	(pc) =	sbr.rel @p0 .LBB2_1-.Ltmp1, $4  }
0x70: {  	_ =	swait.ge [sflag:s9], $0x4000  }
0x71: {  	[sflag:s9] =	ssyncset.done $0x0  }
0x72: {  	[sflag:s9] =	ssyncadd.s32 $0xFFFFC000  }
0x73: {  	_ =	strace $0x9000004E  }
0x74: {  	_ =	sfence.sel $0x180000  }
0x75: {  	[bflag:$0x0] =	sbarrier.arrive $0xFFFF  }
0x76: {  	p0 =	sne.s32 s3, $0x0;
	_ =	strace $0x90000047  }
0x77: {  	s0 =	sadd.s32 @!p0 $0x100000, s0;
	[bflag:$0x2] =	sbarrier.arrive $0xFFFF  }
0x78: {  	[sflag:s0] =	ssyncadd.tile.s32 @!p0 $0x1;
	_ =	shalt  }
.Lfunc_end2:
_tile_overlayer_lowered:
.L_overlay_start_2:
0x79: {  	(tag) =	ssettag $0x2  }
0x7a: {  	s0 =	rddreg [dreg:$0x0];
	s2 =	stileid.u32  }
0x7b: {  	s1 =	rddreg [dreg:$0x1];
	p0 =	sne.s32 s2, $0x0  }
0x7c: {  	s3 =	rddreg [dreg:$0x2];
	[bflag:$0x3] =	sbarrier.arrive $0xFFFF;
	s2 =	simm.s32 @!p0 $0x1C01  }
0x7d: {  	[timem:s3], [sflag:s2] =	dma.local @!p0 [hbm:s0], s1  }
0x7e: {  	s0 =	simm.s32 @!p0 $0x1  }
0x7f: {  	_ =	swait.ge @!p0 [sflag:s0], s1  }
0x80: {  	s1 =	ssub.s32 @!p0 $0x0, s1;
	[sflag:s0] =	ssyncset.done @!p0 $0x0  }
0x81: {  	[sflag:s0] =	ssyncadd.s32 @!p0 s1  }
0x82: {  	[bflag:$0x3] =	sbarrier.arrive $0xFFFF  }
0x83: {  	_ =	shalt  }

</sc_bundles>
